<compile_context>
chip_gen: v7x
topology: tpu7x:2x2x1
jax: 0.10.2.dev20260603
libtpu: 0.0.44.dev20260713+nightly
codegen_flags: <defaults>
</compile_context>

<pallas_src>
import functools

import jax
import jax.numpy as jnp
from jax import lax
from jax.experimental import pallas as pl
from jax.experimental.pallas import tpu as pltpu
from jax.experimental.pallas import tpu_sc as plsc

_L = 16


def _log_sigmoid_vec(x):
    e = jnp.exp(-jnp.abs(x))
    t = e / (e + 2.0)
    w = t * t
    poly = 1.0 + w * (1.0 / 3.0 + w * (1.0 / 5.0 + w * (1.0 / 7.0 + w * (1.0 / 9.0))))
    log1p_e = 2.0 * t * poly
    return jnp.minimum(x, 0.0) - log1p_e


def _make_sc_kernel(B, D, K, NC, NS):
    NW = NC * NS
    R = K + 1
    D2 = 2 * D
    IPW = B // NW
    CHUNK = 16
    NCHUNK = IPW // CHUNK
    RPC = CHUNK * R
    GSPLIT = 112
    NG = RPC // GSPLIT
    GROUPS = RPC // _L
    DV = D // _L

    mesh = plsc.VectorSubcoreMesh(core_axis_name="c", subcore_axis_name="s")

    @functools.partial(
        pl.kernel,
        mesh=mesh,
        compiler_params=pltpu.CompilerParams(needs_layout_passes=False),
        out_type=jax.ShapeDtypeStruct((NW, _L), jnp.float32),
        scratch_types=[
            pltpu.VMEM((IPW + _L,), jnp.int32),
            pltpu.VMEM((IPW * R,), jnp.int32),
            pltpu.VMEM((CHUNK,), jnp.int32),
            pltpu.VMEM((CHUNK,), jnp.int32),
            pltpu.VMEM((RPC,), jnp.int32),
            pltpu.VMEM((RPC,), jnp.int32),
            pltpu.VMEM((CHUNK, D2), jnp.float32),
            pltpu.VMEM((CHUNK, D2), jnp.float32),
            pltpu.VMEM((RPC, D2), jnp.float32),
            pltpu.VMEM((RPC, D2), jnp.float32),
            pltpu.VMEM((RPC * (_L + 1),), jnp.float32),
            pltpu.VMEM((_L,), jnp.float32),
            pltpu.SemaphoreType.DMA,
            pltpu.SemaphoreType.DMA,
        ],
    )
    def sc_kernel(cw_hbm, idx2_hbm, w1_hbm, w2_hbm, out_hbm,
                  idxu_v, idx2_v, pu0, pu1, pv0, pv1,
                  u0_rows, u1_rows, v0_rows, v1_rows,
                  pbuf, accv, sem0, sem1):
        wid = lax.axis_index("s") * NC + lax.axis_index("c")
        base = wid * IPW
        pltpu.sync_copy(cw_hbm.at[pl.ds(base, IPW)], idxu_v.at[pl.ds(0, IPW)])
        pltpu.sync_copy(idx2_hbm.at[pl.ds(base * R, IPW * R)], idx2_v)

        def start_chunk(c, pu, pv, ub, vb, sem):
            for k in range(CHUNK // _L):
                pu[pl.ds(k * _L, _L)] = lax.shift_right_logical(
                    idxu_v[pl.ds(c * CHUNK + k * _L, _L)], 1)
            for k in range(RPC // _L):
                pv[pl.ds(k * _L, _L)] = lax.shift_right_logical(
                    idx2_v[pl.ds(c * RPC + k * _L, _L)], 1)
            pltpu.async_copy(w1_hbm.at[pu], ub, sem)
            for g in range(NG):
                pltpu.async_copy(
                    w2_hbm.at[pv.at[pl.ds(g * GSPLIT, GSPLIT)]],
                    vb.at[pl.ds(g * GSPLIT, GSPLIT)], sem)

        def wait_chunk(pu, pv, ub, vb, sem):
            pltpu.make_async_copy(w1_hbm.at[pu], ub, sem).wait()
            for g in range(NG):
                pltpu.make_async_copy(
                    w2_hbm.at[pv.at[pl.ds(g * GSPLIT, GSPLIT)]],
                    vb.at[pl.ds(g * GSPLIT, GSPLIT)], sem).wait()

        lane = lax.iota(jnp.int32, _L)

        def compute_chunk(c, ub, vb, acc):
            def item_body(i, _):
                uraw = idxu_v[pl.ds(c * CHUNK + i, _L)][0]
                ubase = (uraw & 1) * D
                base_i = c * RPC + i * R
                pr0 = idx2_v[pl.ds(base_i, _L)]
                pr1 = idx2_v[pl.ds(base_i + R - _L, _L)]
                u = [ub[i, pl.ds(ubase + q * _L, _L)] for q in range(DV)]
                nu = [-uq for uq in u]
                for j in range(R):
                    d = i * R + j
                    raw_j = pr0[j] if j < _L else pr1[j - (R - _L)]
                    vbase = (raw_j & 1) * D
                    cj = u if j == 0 else nu
                    p = cj[0] * vb[d, pl.ds(vbase, _L)]
                    for q in range(1, DV):
                        p = p + cj[q] * vb[d, pl.ds(vbase + q * _L, _L)]
                    pbuf[pl.ds(d * (_L + 1), _L)] = p
                return 0

            lax.fori_loop(0, CHUNK, item_body, 0)

            def grp_body(g, a):
                addr = (g * _L + lane) * (_L + 1)
                s = plsc.load_gather(pbuf, [addr])
                for j in range(1, _L):
                    s = s + plsc.load_gather(pbuf, [addr + j])
                return a + _log_sigmoid_vec(s)

            return lax.fori_loop(0, GROUPS, grp_body, acc)

        start_chunk(0, pu0, pv0, u0_rows, v0_rows, sem0)

        def pair_body(h, acc):
            c = 2 * h
            start_chunk(c + 1, pu1, pv1, u1_rows, v1_rows, sem1)
            wait_chunk(pu0, pv0, u0_rows, v0_rows, sem0)
            acc = compute_chunk(c, u0_rows, v0_rows, acc)

            @pl.when(c + 2 < NCHUNK)
            def _():
                start_chunk(c + 2, pu0, pv0, u0_rows, v0_rows, sem0)

            wait_chunk(pu1, pv1, u1_rows, v1_rows, sem1)
            return compute_chunk(c + 1, u1_rows, v1_rows, acc)

        acc = lax.fori_loop(0, NCHUNK // 2, pair_body,
                            jnp.zeros((_L,), jnp.float32))
        accv[...] = acc
        pltpu.sync_copy(accv, out_hbm.at[wid])

    return sc_kernel


def kernel(context_words, targets, negative_samples, w1, w2):
    B = context_words.shape[0]
    K = negative_samples.shape[1]
    V, D = w1.shape
    info = plsc.get_sparse_core_info()
    NC, NS = info.num_cores, info.num_subcores
    idx2 = jnp.concatenate([targets[:, None], negative_samples], axis=1).reshape(-1)
    w1p = w1.reshape(V // 2, 2 * D)
    w2p = w2.reshape(V // 2, 2 * D)
    partials = _make_sc_kernel(B, D, K, NC, NS)(context_words, idx2, w1p, w2p)
    return -jnp.sum(partials)

# --- scband reference (transcript-rebuilt; emitter-appended) ---
"""Pipeline reference for scband-skip-gram-net-31421980738263 (READ-ONLY COPY).

The authoritative reference and input builder live on the scoring server;
editing this copy changes nothing except your own understanding.
"""

import jax, jax.numpy as jnp
import numpy as np

VOCAB_SIZE = 1000000
OUT_DIM = 64
BATCH = 16384
NEG = 20


def setup_inputs(seed: int = 0) -> dict:
    key = jax.random.key(seed)
    k1, k2, k3, k4, k5 = jax.random.split(key, 5)
    context_words = jax.random.randint(k1, (BATCH,), 0, VOCAB_SIZE, dtype=jnp.int64 if jax.config.jax_enable_x64 else jnp.int32).astype(jnp.int32)
    targets = jax.random.randint(k2, (BATCH,), 0, VOCAB_SIZE).astype(jnp.int32)
    negative_samples = jax.random.randint(k3, (BATCH, NEG), 0, VOCAB_SIZE).astype(jnp.int32)
    initrange = 0.5 / OUT_DIM
    # w1 initialized uniform(-initrange, initrange) as in the torch module.
    w1 = jax.random.uniform(k4, (VOCAB_SIZE, OUT_DIM), dtype=jnp.float32, minval=-initrange, maxval=initrange)
    # torch inits w2 to zeros; we use small random values so the output/grads are non-degenerate.
    w2 = jax.random.uniform(k5, (VOCAB_SIZE, OUT_DIM), dtype=jnp.float32, minval=-initrange, maxval=initrange)
    return {"context_words": context_words, "targets": targets, "negative_samples": negative_samples, "w1": w1, "w2": w2}


def reference(context_words, targets, negative_samples, w1, w2):
    # emb_u = self.w1(context_words)
    emb_u = jnp.take(w1, context_words, axis=0)            # [B, D]
    # emb_v = self.w2(targets)
    emb_v = jnp.take(w2, targets, axis=0)                  # [B, D]
    # emb_neg = self.w2(negative_samples)
    emb_neg = jnp.take(w2, negative_samples, axis=0)       # [B, K, D]
    # pos_score = sum(emb_u * emb_v, dim=1); logsigmoid
    pos_score = jnp.sum(emb_u * emb_v, axis=1)             # [B]
    pos_score = jax.nn.log_sigmoid(pos_score)
    # neg_score = bmm(emb_neg, emb_u.unsqueeze(2)).squeeze(); logsigmoid(-neg_score)
    neg_score = jnp.einsum('bkd,bd->bk', emb_neg, emb_u)   # [B, K]
    neg_score = jax.nn.log_sigmoid(-neg_score)
    return -1.0 * (jnp.sum(pos_score) + jnp.sum(neg_score))

if __name__ == "__main__":
    import jax
    _d = setup_inputs()
    print(jax.jit(kernel)(*tuple(_d.values())))

</pallas_src>

<mosaic_0001>
#map = affine_map<(d0, d1) -> (0)>
#map1 = affine_map<(d0, d1) -> (0, 0)>
module attributes {stable_mosaic.version = 14 : i64} {
  func.func @sc_kernel(%arg0: i32, %arg1: i32, %arg2: memref<16384xi32, #tpu.memory_space<hbm>>, %arg3: memref<344064xi32, #tpu.memory_space<hbm>>, %arg4: memref<500000x128xf32, #tpu.memory_space<hbm>>, %arg5: memref<500000x128xf32, #tpu.memory_space<hbm>>, %arg6: memref<32x16xf32, #tpu.memory_space<hbm>>, %arg7: memref<528xi32, #tpu.memory_space<vmem>>, %arg8: memref<10752xi32, #tpu.memory_space<vmem>>, %arg9: memref<16xi32, #tpu.memory_space<vmem>>, %arg10: memref<16xi32, #tpu.memory_space<vmem>>, %arg11: memref<336xi32, #tpu.memory_space<vmem>>, %arg12: memref<336xi32, #tpu.memory_space<vmem>>, %arg13: memref<16x128xf32, #tpu.memory_space<vmem>>, %arg14: memref<16x128xf32, #tpu.memory_space<vmem>>, %arg15: memref<336x128xf32, #tpu.memory_space<vmem>>, %arg16: memref<336x128xf32, #tpu.memory_space<vmem>>, %arg17: memref<5712xf32, #tpu.memory_space<vmem>>, %arg18: memref<16xf32, #tpu.memory_space<vmem>>, %arg19: memref<!tpu.dma_semaphore, #tpu.memory_space<semaphore_mem>>, %arg20: memref<!tpu.dma_semaphore, #tpu.memory_space<semaphore_mem>>) attributes {dimension_semantics = [#tpu.dimension_semantics<core_parallel>, #tpu.dimension_semantics<subcore_parallel>], iteration_bounds = array<i64: 2, 16>, scalar_prefetch = 0 : i64, scratch_operands = 14 : i64, tpu.core_type = #tpu.core_type<sc_vector_subcore>, window_params = [{transform_indices = #map}, {transform_indices = #map}, {transform_indices = #map1}, {transform_indices = #map1}, {transform_indices = #map1}]} {
    %mul3A = arith.constant 2 : i32
    %mul3A_0 = arith.muli %arg1, %mul3A : i32
    %add3A = arith.addi %mul3A_0, %arg0 : i32
    %mul3A_1 = arith.constant 512 : i32
    %mul3A_2 = arith.muli %add3A, %mul3A_1 : i32
    "tpu.region"() ({
      %run_scoped3A = tpu.sem_alloc : memref<!tpu.dma_semaphore, #tpu.memory_space<semaphore_mem>>
      %dma_start3A_190 = arith.constant 0 : i32
      %dma_start3A_191 = tpu.memref_slice %arg7[%dma_start3A_190] : memref<528xi32, #tpu.memory_space<vmem>> -> memref<512xi32, #tpu.memory_space<vmem>>
      %dma_start3A_192 = tpu.memref_slice %arg2[%mul3A_2] : memref<16384xi32, #tpu.memory_space<hbm>> -> memref<512xi32, #tpu.memory_space<hbm>>
      %dma_start3A_193 = arith.constant 0 : i32
      %dma_start3A_194 = tpu.memref_slice %arg7[%dma_start3A_193] : memref<528xi32, #tpu.memory_space<vmem>> -> memref<512xi32, #tpu.memory_space<vmem>>
      %dma_start3A_195 = tpu.memref_slice %arg2[%mul3A_2] : memref<16384xi32, #tpu.memory_space<hbm>> -> memref<512xi32, #tpu.memory_space<hbm>>
      tpu.enqueue_dma source(%dma_start3A_195 : memref<512xi32, #tpu.memory_space<hbm>>) target(%dma_start3A_194 : memref<512xi32, #tpu.memory_space<vmem>>) target_semaphore(%run_scoped3A : memref<!tpu.dma_semaphore, #tpu.memory_space<semaphore_mem>>)
      %dma_wait3A = arith.constant 0 : i32
      %dma_wait3A_196 = tpu.memref_slice %arg7[%dma_wait3A] : memref<528xi32, #tpu.memory_space<vmem>> -> memref<512xi32, #tpu.memory_space<vmem>>
      %dma_wait3A_197 = tpu.memref_slice %arg2[%mul3A_2] : memref<16384xi32, #tpu.memory_space<hbm>> -> memref<512xi32, #tpu.memory_space<hbm>>
      %dma_wait3A_198 = arith.constant 0 : i32
      %dma_wait3A_199 = tpu.memref_slice %arg7[%dma_wait3A_198] : memref<528xi32, #tpu.memory_space<vmem>> -> memref<512xi32, #tpu.memory_space<vmem>>
      %dma_wait3A_200 = tpu.memref_slice %arg2[%mul3A_2] : memref<16384xi32, #tpu.memory_space<hbm>> -> memref<512xi32, #tpu.memory_space<hbm>>
      tpu.wait_dma2 semaphore(%run_scoped3A : memref<!tpu.dma_semaphore, #tpu.memory_space<semaphore_mem>>) src(%dma_wait3A_200 : memref<512xi32, #tpu.memory_space<hbm>>) dst(%dma_wait3A_199 : memref<512xi32, #tpu.memory_space<vmem>>)
      tpu.yield
    }) : () -> ()
    %mul3A_3 = arith.constant 21 : i32
    %mul3A_4 = arith.muli %mul3A_2, %mul3A_3 : i32
    "tpu.region"() ({
      %run_scoped3A = tpu.sem_alloc : memref<!tpu.dma_semaphore, #tpu.memory_space<semaphore_mem>>
      %dma_start3A_190 = tpu.memref_slice %arg3[%mul3A_4] : memref<344064xi32, #tpu.memory_space<hbm>> -> memref<10752xi32, #tpu.memory_space<hbm>>
      %dma_start3A_191 = tpu.memref_slice %arg3[%mul3A_4] : memref<344064xi32, #tpu.memory_space<hbm>> -> memref<10752xi32, #tpu.memory_space<hbm>>
      tpu.enqueue_dma source(%dma_start3A_191 : memref<10752xi32, #tpu.memory_space<hbm>>) target(%arg8 : memref<10752xi32, #tpu.memory_space<vmem>>) target_semaphore(%run_scoped3A : memref<!tpu.dma_semaphore, #tpu.memory_space<semaphore_mem>>)
      %dma_wait3A = tpu.memref_slice %arg3[%mul3A_4] : memref<344064xi32, #tpu.memory_space<hbm>> -> memref<10752xi32, #tpu.memory_space<hbm>>
      %dma_wait3A_192 = tpu.memref_slice %arg3[%mul3A_4] : memref<344064xi32, #tpu.memory_space<hbm>> -> memref<10752xi32, #tpu.memory_space<hbm>>
      tpu.wait_dma2 semaphore(%run_scoped3A : memref<!tpu.dma_semaphore, #tpu.memory_space<semaphore_mem>>) src(%dma_wait3A_192 : memref<10752xi32, #tpu.memory_space<hbm>>) dst(%arg8 : memref<10752xi32, #tpu.memory_space<vmem>>)
      tpu.yield
    }) : () -> ()
    %iota3A = tpu.iota {dimensions = array<i32: 0>} : vector<16xi32>
    %get3A = arith.constant 0 : index
    %get3A_5 = tpu.vector_load %arg7[%get3A] {strides = array<i32>} : memref<528xi32, #tpu.memory_space<vmem>>, vector<16xi32>,
    %shift_right_logical3A = arith.constant 1 : i32
    %shift_right_logical3A_6 = vector.broadcast %shift_right_logical3A : i32 to vector<16xi32>
    %shift_right_logical3A_7 = arith.shrui %get3A_5, %shift_right_logical3A_6 : vector<16xi32>
    %swap3A = arith.constant 0 : index
    %swap3A_8 = tpu.vector_load %arg9[%swap3A] {strides = array<i32>} : memref<16xi32, #tpu.memory_space<vmem>>, vector<16xi32>,
    tpu.vector_store %arg9[%swap3A], %shift_right_logical3A_7 {strides = array<i32>} : memref<16xi32, #tpu.memory_space<vmem>>, vector<16xi32>,
    %get3A_9 = arith.constant 0 : index
    %get3A_10 = tpu.vector_load %arg8[%get3A_9] {strides = array<i32>} : memref<10752xi32, #tpu.memory_space<vmem>>, vector<16xi32>,
    %shift_right_logical3A_11 = arith.constant 1 : i32
    %shift_right_logical3A_12 = vector.broadcast %shift_right_logical3A_11 : i32 to vector<16xi32>
    %shift_right_logical3A_13 = arith.shrui %get3A_10, %shift_right_logical3A_12 : vector<16xi32>
    %swap3A_14 = arith.constant 0 : index
    %swap3A_15 = tpu.vector_load %arg11[%swap3A_14] {strides = array<i32>} : memref<336xi32, #tpu.memory_space<vmem>>, vector<16xi32>,
    tpu.vector_store %arg11[%swap3A_14], %shift_right_logical3A_13 {strides = array<i32>} : memref<336xi32, #tpu.memory_space<vmem>>, vector<16xi32>,
    %get3A_16 = arith.constant 16 : index
    %get3A_17 = tpu.vector_load %arg8[%get3A_16] {strides = array<i32>} : memref<10752xi32, #tpu.memory_space<vmem>>, vector<16xi32>,
    %shift_right_logical3A_18 = arith.constant 1 : i32
    %shift_right_logical3A_19 = vector.broadcast %shift_right_logical3A_18 : i32 to vector<16xi32>
    %shift_right_logical3A_20 = arith.shrui %get3A_17, %shift_right_logical3A_19 : vector<16xi32>
    %swap3A_21 = arith.constant 16 : index
    %swap3A_22 = tpu.vector_load %arg11[%swap3A_21] {strides = array<i32>} : memref<336xi32, #tpu.memory_space<vmem>>, vector<16xi32>,
    tpu.vector_store %arg11[%swap3A_21], %shift_right_logical3A_20 {strides = array<i32>} : memref<336xi32, #tpu.memory_space<vmem>>, vector<16xi32>,
    %get3A_23 = arith.constant 32 : index
    %get3A_24 = tpu.vector_load %arg8[%get3A_23] {strides = array<i32>} : memref<10752xi32, #tpu.memory_space<vmem>>, vector<16xi32>,
    %shift_right_logical3A_25 = arith.constant 1 : i32
    %shift_right_logical3A_26 = vector.broadcast %shift_right_logical3A_25 : i32 to vector<16xi32>
    %shift_right_logical3A_27 = arith.shrui %get3A_24, %shift_right_logical3A_26 : vector<16xi32>
    %swap3A_28 = arith.constant 32 : index
    %swap3A_29 = tpu.vector_load %arg11[%swap3A_28] {strides = array<i32>} : memref<336xi32, #tpu.memory_space<vmem>>, vector<16xi32>,
    tpu.vector_store %arg11[%swap3A_28], %shift_right_logical3A_27 {strides = array<i32>} : memref<336xi32, #tpu.memory_space<vmem>>, vector<16xi32>,
    %get3A_30 = arith.constant 48 : index
    %get3A_31 = tpu.vector_load %arg8[%get3A_30] {strides = array<i32>} : memref<10752xi32, #tpu.memory_space<vmem>>, vector<16xi32>,
    %shift_right_logical3A_32 = arith.constant 1 : i32
    %shift_right_logical3A_33 = vector.broadcast %shift_right_logical3A_32 : i32 to vector<16xi32>
    %shift_right_logical3A_34 = arith.shrui %get3A_31, %shift_right_logical3A_33 : vector<16xi32>
    %swap3A_35 = arith.constant 48 : index
    %swap3A_36 = tpu.vector_load %arg11[%swap3A_35] {strides = array<i32>} : memref<336xi32, #tpu.memory_space<vmem>>, vector<16xi32>,
    tpu.vector_store %arg11[%swap3A_35], %shift_right_logical3A_34 {strides = array<i32>} : memref<336xi32, #tpu.memory_space<vmem>>, vector<16xi32>,
    %get3A_37 = arith.constant 64 : index
    %get3A_38 = tpu.vector_load %arg8[%get3A_37] {strides = array<i32>} : memref<10752xi32, #tpu.memory_space<vmem>>, vector<16xi32>,
    %shift_right_logical3A_39 = arith.constant 1 : i32
    %shift_right_logical3A_40 = vector.broadcast %shift_right_logical3A_39 : i32 to vector<16xi32>
    %shift_right_logical3A_41 = arith.shrui %get3A_38, %shift_right_logical3A_40 : vector<16xi32>
    %swap3A_42 = arith.constant 64 : index
    %swap3A_43 = tpu.vector_load %arg11[%swap3A_42] {strides = array<i32>} : memref<336xi32, #tpu.memory_space<vmem>>, vector<16xi32>,
    tpu.vector_store %arg11[%swap3A_42], %shift_right_logical3A_41 {strides = array<i32>} : memref<336xi32, #tpu.memory_space<vmem>>, vector<16xi32>,
    %get3A_44 = arith.constant 80 : index
    %get3A_45 = tpu.vector_load %arg8[%get3A_44] {strides = array<i32>} : memref<10752xi32, #tpu.memory_space<vmem>>, vector<16xi32>,
    %shift_right_logical3A_46 = arith.constant 1 : i32
    %shift_right_logical3A_47 = vector.broadcast %shift_right_logical3A_46 : i32 to vector<16xi32>
    %shift_right_logical3A_48 = arith.shrui %get3A_45, %shift_right_logical3A_47 : vector<16xi32>
    %swap3A_49 = arith.constant 80 : index
    %swap3A_50 = tpu.vector_load %arg11[%swap3A_49] {strides = array<i32>} : memref<336xi32, #tpu.memory_space<vmem>>, vector<16xi32>,
    tpu.vector_store %arg11[%swap3A_49], %shift_right_logical3A_48 {strides = array<i32>} : memref<336xi32, #tpu.memory_space<vmem>>, vector<16xi32>,
    %get3A_51 = arith.constant 96 : index
    %get3A_52 = tpu.vector_load %arg8[%get3A_51] {strides = array<i32>} : memref<10752xi32, #tpu.memory_space<vmem>>, vector<16xi32>,
    %shift_right_logical3A_53 = arith.constant 1 : i32
    %shift_right_logical3A_54 = vector.broadcast %shift_right_logical3A_53 : i32 to vector<16xi32>
    %shift_right_logical3A_55 = arith.shrui %get3A_52, %shift_right_logical3A_54 : vector<16xi32>
    %swap3A_56 = arith.constant 96 : index
    %swap3A_57 = tpu.vector_load %arg11[%swap3A_56] {strides = array<i32>} : memref<336xi32, #tpu.memory_space<vmem>>, vector<16xi32>,
    tpu.vector_store %arg11[%swap3A_56], %shift_right_logical3A_55 {strides = array<i32>} : memref<336xi32, #tpu.memory_space<vmem>>, vector<16xi32>,
    %get3A_58 = arith.constant 112 : index
    %get3A_59 = tpu.vector_load %arg8[%get3A_58] {strides = array<i32>} : memref<10752xi32, #tpu.memory_space<vmem>>, vector<16xi32>,
    %shift_right_logical3A_60 = arith.constant 1 : i32
    %shift_right_logical3A_61 = vector.broadcast %shift_right_logical3A_60 : i32 to vector<16xi32>
    %shift_right_logical3A_62 = arith.shrui %get3A_59, %shift_right_logical3A_61 : vector<16xi32>
    %swap3A_63 = arith.constant 112 : index
    %swap3A_64 = tpu.vector_load %arg11[%swap3A_63] {strides = array<i32>} : memref<336xi32, #tpu.memory_space<vmem>>, vector<16xi32>,
    tpu.vector_store %arg11[%swap3A_63], %shift_right_logical3A_62 {strides = array<i32>} : memref<336xi32, #tpu.memory_space<vmem>>, vector<16xi32>,
    %get3A_65 = arith.constant 128 : index
    %get3A_66 = tpu.vector_load %arg8[%get3A_65] {strides = array<i32>} : memref<10752xi32, #tpu.memory_space<vmem>>, vector<16xi32>,
    %shift_right_logical3A_67 = arith.constant 1 : i32
    %shift_right_logical3A_68 = vector.broadcast %shift_right_logical3A_67 : i32 to vector<16xi32>
    %shift_right_logical3A_69 = arith.shrui %get3A_66, %shift_right_logical3A_68 : vector<16xi32>
    %swap3A_70 = arith.constant 128 : index
    %swap3A_71 = tpu.vector_load %arg11[%swap3A_70] {strides = array<i32>} : memref<336xi32, #tpu.memory_space<vmem>>, vector<16xi32>,
    tpu.vector_store %arg11[%swap3A_70], %shift_right_logical3A_69 {strides = array<i32>} : memref<336xi32, #tpu.memory_space<vmem>>, vector<16xi32>,
    %get3A_72 = arith.constant 144 : index
    %get3A_73 = tpu.vector_load %arg8[%get3A_72] {strides = array<i32>} : memref<10752xi32, #tpu.memory_space<vmem>>, vector<16xi32>,
    %shift_right_logical3A_74 = arith.constant 1 : i32
    %shift_right_logical3A_75 = vector.broadcast %shift_right_logical3A_74 : i32 to vector<16xi32>
    %shift_right_logical3A_76 = arith.shrui %get3A_73, %shift_right_logical3A_75 : vector<16xi32>
    %swap3A_77 = arith.constant 144 : index
    %swap3A_78 = tpu.vector_load %arg11[%swap3A_77] {strides = array<i32>} : memref<336xi32, #tpu.memory_space<vmem>>, vector<16xi32>,
    tpu.vector_store %arg11[%swap3A_77], %shift_right_logical3A_76 {strides = array<i32>} : memref<336xi32, #tpu.memory_space<vmem>>, vector<16xi32>,
    %get3A_79 = arith.constant 160 : index
    %get3A_80 = tpu.vector_load %arg8[%get3A_79] {strides = array<i32>} : memref<10752xi32, #tpu.memory_space<vmem>>, vector<16xi32>,
    %shift_right_logical3A_81 = arith.constant 1 : i32
    %shift_right_logical3A_82 = vector.broadcast %shift_right_logical3A_81 : i32 to vector<16xi32>
    %shift_right_logical3A_83 = arith.shrui %get3A_80, %shift_right_logical3A_82 : vector<16xi32>
    %swap3A_84 = arith.constant 160 : index
    %swap3A_85 = tpu.vector_load %arg11[%swap3A_84] {strides = array<i32>} : memref<336xi32, #tpu.memory_space<vmem>>, vector<16xi32>,
    tpu.vector_store %arg11[%swap3A_84], %shift_right_logical3A_83 {strides = array<i32>} : memref<336xi32, #tpu.memory_space<vmem>>, vector<16xi32>,
    %get3A_86 = arith.constant 176 : index
    %get3A_87 = tpu.vector_load %arg8[%get3A_86] {strides = array<i32>} : memref<10752xi32, #tpu.memory_space<vmem>>, vector<16xi32>,
    %shift_right_logical3A_88 = arith.constant 1 : i32
    %shift_right_logical3A_89 = vector.broadcast %shift_right_logical3A_88 : i32 to vector<16xi32>
    %shift_right_logical3A_90 = arith.shrui %get3A_87, %shift_right_logical3A_89 : vector<16xi32>
    %swap3A_91 = arith.constant 176 : index
    %swap3A_92 = tpu.vector_load %arg11[%swap3A_91] {strides = array<i32>} : memref<336xi32, #tpu.memory_space<vmem>>, vector<16xi32>,
    tpu.vector_store %arg11[%swap3A_91], %shift_right_logical3A_90 {strides = array<i32>} : memref<336xi32, #tpu.memory_space<vmem>>, vector<16xi32>,
    %get3A_93 = arith.constant 192 : index
    %get3A_94 = tpu.vector_load %arg8[%get3A_93] {strides = array<i32>} : memref<10752xi32, #tpu.memory_space<vmem>>, vector<16xi32>,
    %shift_right_logical3A_95 = arith.constant 1 : i32
    %shift_right_logical3A_96 = vector.broadcast %shift_right_logical3A_95 : i32 to vector<16xi32>
    %shift_right_logical3A_97 = arith.shrui %get3A_94, %shift_right_logical3A_96 : vector<16xi32>
    %swap3A_98 = arith.constant 192 : index
    %swap3A_99 = tpu.vector_load %arg11[%swap3A_98] {strides = array<i32>} : memref<336xi32, #tpu.memory_space<vmem>>, vector<16xi32>,
    tpu.vector_store %arg11[%swap3A_98], %shift_right_logical3A_97 {strides = array<i32>} : memref<336xi32, #tpu.memory_space<vmem>>, vector<16xi32>,
    %get3A_100 = arith.constant 208 : index
    %get3A_101 = tpu.vector_load %arg8[%get3A_100] {strides = array<i32>} : memref<10752xi32, #tpu.memory_space<vmem>>, vector<16xi32>,
    %shift_right_logical3A_102 = arith.constant 1 : i32
    %shift_right_logical3A_103 = vector.broadcast %shift_right_logical3A_102 : i32 to vector<16xi32>
    %shift_right_logical3A_104 = arith.shrui %get3A_101, %shift_right_logical3A_103 : vector<16xi32>
    %swap3A_105 = arith.constant 208 : index
    %swap3A_106 = tpu.vector_load %arg11[%swap3A_105] {strides = array<i32>} : memref<336xi32, #tpu.memory_space<vmem>>, vector<16xi32>,
    tpu.vector_store %arg11[%swap3A_105], %shift_right_logical3A_104 {strides = array<i32>} : memref<336xi32, #tpu.memory_space<vmem>>, vector<16xi32>,
    %get3A_107 = arith.constant 224 : index
    %get3A_108 = tpu.vector_load %arg8[%get3A_107] {strides = array<i32>} : memref<10752xi32, #tpu.memory_space<vmem>>, vector<16xi32>,
    %shift_right_logical3A_109 = arith.constant 1 : i32
    %shift_right_logical3A_110 = vector.broadcast %shift_right_logical3A_109 : i32 to vector<16xi32>
    %shift_right_logical3A_111 = arith.shrui %get3A_108, %shift_right_logical3A_110 : vector<16xi32>
    %swap3A_112 = arith.constant 224 : index
    %swap3A_113 = tpu.vector_load %arg11[%swap3A_112] {strides = array<i32>} : memref<336xi32, #tpu.memory_space<vmem>>, vector<16xi32>,
    tpu.vector_store %arg11[%swap3A_112], %shift_right_logical3A_111 {strides = array<i32>} : memref<336xi32, #tpu.memory_space<vmem>>, vector<16xi32>,
    %get3A_114 = arith.constant 240 : index
    %get3A_115 = tpu.vector_load %arg8[%get3A_114] {strides = array<i32>} : memref<10752xi32, #tpu.memory_space<vmem>>, vector<16xi32>,
    %shift_right_logical3A_116 = arith.constant 1 : i32
    %shift_right_logical3A_117 = vector.broadcast %shift_right_logical3A_116 : i32 to vector<16xi32>
    %shift_right_logical3A_118 = arith.shrui %get3A_115, %shift_right_logical3A_117 : vector<16xi32>
    %swap3A_119 = arith.constant 240 : index
    %swap3A_120 = tpu.vector_load %arg11[%swap3A_119] {strides = array<i32>} : memref<336xi32, #tpu.memory_space<vmem>>, vector<16xi32>,
    tpu.vector_store %arg11[%swap3A_119], %shift_right_logical3A_118 {strides = array<i32>} : memref<336xi32, #tpu.memory_space<vmem>>, vector<16xi32>,
    %get3A_121 = arith.constant 256 : index
    %get3A_122 = tpu.vector_load %arg8[%get3A_121] {strides = array<i32>} : memref<10752xi32, #tpu.memory_space<vmem>>, vector<16xi32>,
    %shift_right_logical3A_123 = arith.constant 1 : i32
    %shift_right_logical3A_124 = vector.broadcast %shift_right_logical3A_123 : i32 to vector<16xi32>
    %shift_right_logical3A_125 = arith.shrui %get3A_122, %shift_right_logical3A_124 : vector<16xi32>
    %swap3A_126 = arith.constant 256 : index
    %swap3A_127 = tpu.vector_load %arg11[%swap3A_126] {strides = array<i32>} : memref<336xi32, #tpu.memory_space<vmem>>, vector<16xi32>,
    tpu.vector_store %arg11[%swap3A_126], %shift_right_logical3A_125 {strides = array<i32>} : memref<336xi32, #tpu.memory_space<vmem>>, vector<16xi32>,
    %get3A_128 = arith.constant 272 : index
    %get3A_129 = tpu.vector_load %arg8[%get3A_128] {strides = array<i32>} : memref<10752xi32, #tpu.memory_space<vmem>>, vector<16xi32>,
    %shift_right_logical3A_130 = arith.constant 1 : i32
    %shift_right_logical3A_131 = vector.broadcast %shift_right_logical3A_130 : i32 to vector<16xi32>
    %shift_right_logical3A_132 = arith.shrui %get3A_129, %shift_right_logical3A_131 : vector<16xi32>
    %swap3A_133 = arith.constant 272 : index
    %swap3A_134 = tpu.vector_load %arg11[%swap3A_133] {strides = array<i32>} : memref<336xi32, #tpu.memory_space<vmem>>, vector<16xi32>,
    tpu.vector_store %arg11[%swap3A_133], %shift_right_logical3A_132 {strides = array<i32>} : memref<336xi32, #tpu.memory_space<vmem>>, vector<16xi32>,
    %get3A_135 = arith.constant 288 : index
    %get3A_136 = tpu.vector_load %arg8[%get3A_135] {strides = array<i32>} : memref<10752xi32, #tpu.memory_space<vmem>>, vector<16xi32>,
    %shift_right_logical3A_137 = arith.constant 1 : i32
    %shift_right_logical3A_138 = vector.broadcast %shift_right_logical3A_137 : i32 to vector<16xi32>
    %shift_right_logical3A_139 = arith.shrui %get3A_136, %shift_right_logical3A_138 : vector<16xi32>
    %swap3A_140 = arith.constant 288 : index
    %swap3A_141 = tpu.vector_load %arg11[%swap3A_140] {strides = array<i32>} : memref<336xi32, #tpu.memory_space<vmem>>, vector<16xi32>,
    tpu.vector_store %arg11[%swap3A_140], %shift_right_logical3A_139 {strides = array<i32>} : memref<336xi32, #tpu.memory_space<vmem>>, vector<16xi32>,
    %get3A_142 = arith.constant 304 : index
    %get3A_143 = tpu.vector_load %arg8[%get3A_142] {strides = array<i32>} : memref<10752xi32, #tpu.memory_space<vmem>>, vector<16xi32>,
    %shift_right_logical3A_144 = arith.constant 1 : i32
    %shift_right_logical3A_145 = vector.broadcast %shift_right_logical3A_144 : i32 to vector<16xi32>
    %shift_right_logical3A_146 = arith.shrui %get3A_143, %shift_right_logical3A_145 : vector<16xi32>
    %swap3A_147 = arith.constant 304 : index
    %swap3A_148 = tpu.vector_load %arg11[%swap3A_147] {strides = array<i32>} : memref<336xi32, #tpu.memory_space<vmem>>, vector<16xi32>,
    tpu.vector_store %arg11[%swap3A_147], %shift_right_logical3A_146 {strides = array<i32>} : memref<336xi32, #tpu.memory_space<vmem>>, vector<16xi32>,
    %get3A_149 = arith.constant 320 : index
    %get3A_150 = tpu.vector_load %arg8[%get3A_149] {strides = array<i32>} : memref<10752xi32, #tpu.memory_space<vmem>>, vector<16xi32>,
    %shift_right_logical3A_151 = arith.constant 1 : i32
    %shift_right_logical3A_152 = vector.broadcast %shift_right_logical3A_151 : i32 to vector<16xi32>
    %shift_right_logical3A_153 = arith.shrui %get3A_150, %shift_right_logical3A_152 : vector<16xi32>
    %swap3A_154 = arith.constant 320 : index
    %swap3A_155 = tpu.vector_load %arg11[%swap3A_154] {strides = array<i32>} : memref<336xi32, #tpu.memory_space<vmem>>, vector<16xi32>,
    tpu.vector_store %arg11[%swap3A_154], %shift_right_logical3A_153 {strides = array<i32>} : memref<336xi32, #tpu.memory_space<vmem>>, vector<16xi32>,
    %dma_start3A = arith.constant 0 : i32
    %dma_start3A_156 = arith.constant 0 : i32
    %dma_start3A_157 = tpu.memref_slice %arg4[%dma_start3A, %dma_start3A_156] : memref<500000x128xf32, #tpu.memory_space<hbm>> -> memref<500000x128xf32, #tpu.memory_space<hbm>>
    tpu.enqueue_indirect_dma source(%dma_start3A_157 : memref<500000x128xf32, #tpu.memory_space<hbm>>) target(%arg13 : memref<16x128xf32, #tpu.memory_space<vmem>>) offsets(%arg9 : memref<16xi32, #tpu.memory_space<vmem>>) semaphore(%arg19 : memref<!tpu.dma_semaphore, #tpu.memory_space<semaphore_mem>>)
    %dma_start3A_158 = arith.constant 0 : i32
    %dma_start3A_159 = arith.constant 0 : i32
    %dma_start3A_160 = tpu.memref_slice %arg15[%dma_start3A_158, %dma_start3A_159] : memref<336x128xf32, #tpu.memory_space<vmem>> -> memref<112x128xf32, #tpu.memory_space<vmem>>
    %dma_start3A_161 = arith.constant 0 : i32
    %dma_start3A_162 = tpu.memref_slice %arg11[%dma_start3A_161] : memref<336xi32, #tpu.memory_space<vmem>> -> memref<112xi32, #tpu.memory_space<vmem>>
    %dma_start3A_163 = arith.constant 0 : i32
    %dma_start3A_164 = arith.constant 0 : i32
    %dma_start3A_165 = tpu.memref_slice %arg5[%dma_start3A_163, %dma_start3A_164] : memref<500000x128xf32, #tpu.memory_space<hbm>> -> memref<500000x128xf32, #tpu.memory_space<hbm>>
    tpu.enqueue_indirect_dma source(%dma_start3A_165 : memref<500000x128xf32, #tpu.memory_space<hbm>>) target(%dma_start3A_160 : memref<112x128xf32, #tpu.memory_space<vmem>>) offsets(%dma_start3A_162 : memref<112xi32, #tpu.memory_space<vmem>>) semaphore(%arg19 : memref<!tpu.dma_semaphore, #tpu.memory_space<semaphore_mem>>)
    %dma_start3A_166 = arith.constant 112 : i32
    %dma_start3A_167 = arith.constant 0 : i32
    %dma_start3A_168 = tpu.memref_slice %arg15[%dma_start3A_166, %dma_start3A_167] : memref<336x128xf32, #tpu.memory_space<vmem>> -> memref<112x128xf32, #tpu.memory_space<vmem>>
    %dma_start3A_169 = arith.constant 112 : i32
    %dma_start3A_170 = tpu.memref_slice %arg11[%dma_start3A_169] : memref<336xi32, #tpu.memory_space<vmem>> -> memref<112xi32, #tpu.memory_space<vmem>>
    %dma_start3A_171 = arith.constant 0 : i32
    %dma_start3A_172 = arith.constant 0 : i32
    %dma_start3A_173 = tpu.memref_slice %arg5[%dma_start3A_171, %dma_start3A_172] : memref<500000x128xf32, #tpu.memory_space<hbm>> -> memref<500000x128xf32, #tpu.memory_space<hbm>>
    tpu.enqueue_indirect_dma source(%dma_start3A_173 : memref<500000x128xf32, #tpu.memory_space<hbm>>) target(%dma_start3A_168 : memref<112x128xf32, #tpu.memory_space<vmem>>) offsets(%dma_start3A_170 : memref<112xi32, #tpu.memory_space<vmem>>) semaphore(%arg19 : memref<!tpu.dma_semaphore, #tpu.memory_space<semaphore_mem>>)
    %dma_start3A_174 = arith.constant 224 : i32
    %dma_start3A_175 = arith.constant 0 : i32
    %dma_start3A_176 = tpu.memref_slice %arg15[%dma_start3A_174, %dma_start3A_175] : memref<336x128xf32, #tpu.memory_space<vmem>> -> memref<112x128xf32, #tpu.memory_space<vmem>>
    %dma_start3A_177 = arith.constant 224 : i32
    %dma_start3A_178 = tpu.memref_slice %arg11[%dma_start3A_177] : memref<336xi32, #tpu.memory_space<vmem>> -> memref<112xi32, #tpu.memory_space<vmem>>
    %dma_start3A_179 = arith.constant 0 : i32
    %dma_start3A_180 = arith.constant 0 : i32
    %dma_start3A_181 = tpu.memref_slice %arg5[%dma_start3A_179, %dma_start3A_180] : memref<500000x128xf32, #tpu.memory_space<hbm>> -> memref<500000x128xf32, #tpu.memory_space<hbm>>
    tpu.enqueue_indirect_dma source(%dma_start3A_181 : memref<500000x128xf32, #tpu.memory_space<hbm>>) target(%dma_start3A_176 : memref<112x128xf32, #tpu.memory_space<vmem>>) offsets(%dma_start3A_178 : memref<112xi32, #tpu.memory_space<vmem>>) semaphore(%arg19 : memref<!tpu.dma_semaphore, #tpu.memory_space<semaphore_mem>>)
    %broadcast_in_dim3A = arith.constant 0.000000e+00 : f32
    %broadcast_in_dim3A_182 = vector.broadcast %broadcast_in_dim3A : f32 to vector<16xf32>
    %scan3A = arith.constant 0 : i32
    %scan3A_183 = arith.constant 16 : i32
    %scan3A_184 = arith.addi %scan3A, %scan3A_183 : i32
    %scan3A_185 = arith.constant 1 : i32
    %scan3A_186 = scf.for %scan3A_190 = %scan3A to %scan3A_184 step %scan3A_185 iter_args(%scan3A_191 = %broadcast_in_dim3A_182) -> (vector<16xf32>)  : i32 {
      %mul3A_192 = arith.constant 2 : i32
      %mul3A_193 = arith.muli %mul3A_192, %scan3A_190 : i32
      %add3A_194 = arith.constant 1 : i32
      %add3A_195 = arith.addi %mul3A_193, %add3A_194 : i32
      %mul3A_196 = arith.constant 16 : i32
      %mul3A_197 = arith.muli %add3A_195, %mul3A_196 : i32
      %add3A_198 = arith.constant 0 : i32
      %add3A_199 = arith.addi %mul3A_197, %add3A_198 : i32
      %get3A_200 = arith.index_cast %add3A_199 : i32 to index
      %get3A_201 = tpu.vector_load %arg7[%get3A_200] {strides = array<i32>} : memref<528xi32, #tpu.memory_space<vmem>>, vector<16xi32>,
      %shift_right_logical3A_202 = arith.constant 1 : i32
      %shift_right_logical3A_203 = vector.broadcast %shift_right_logical3A_202 : i32 to vector<16xi32>
      %shift_right_logical3A_204 = arith.shrui %get3A_201, %shift_right_logical3A_203 : vector<16xi32>
      %swap3A_205 = arith.constant 0 : index
      %swap3A_206 = tpu.vector_load %arg10[%swap3A_205] {strides = array<i32>} : memref<16xi32, #tpu.memory_space<vmem>>, vector<16xi32>,
      tpu.vector_store %arg10[%swap3A_205], %shift_right_logical3A_204 {strides = array<i32>} : memref<16xi32, #tpu.memory_space<vmem>>, vector<16xi32>,
      %mul3A_207 = arith.constant 336 : i32
      %mul3A_208 = arith.muli %add3A_195, %mul3A_207 : i32
      %add3A_209 = arith.constant 0 : i32
      %add3A_210 = arith.addi %mul3A_208, %add3A_209 : i32
      %get3A_211 = arith.index_cast %add3A_210 : i32 to index
      %get3A_212 = tpu.vector_load %arg8[%get3A_211] {strides = array<i32>} : memref<10752xi32, #tpu.memory_space<vmem>>, vector<16xi32>,
      %shift_right_logical3A_213 = arith.constant 1 : i32
      %shift_right_logical3A_214 = vector.broadcast %shift_right_logical3A_213 : i32 to vector<16xi32>
      %shift_right_logical3A_215 = arith.shrui %get3A_212, %shift_right_logical3A_214 : vector<16xi32>
      %swap3A_216 = arith.constant 0 : index
      %swap3A_217 = tpu.vector_load %arg12[%swap3A_216] {strides = array<i32>} : memref<336xi32, #tpu.memory_space<vmem>>, vector<16xi32>,
      tpu.vector_store %arg12[%swap3A_216], %shift_right_logical3A_215 {strides = array<i32>} : memref<336xi32, #tpu.memory_space<vmem>>, vector<16xi32>,
      %mul3A_218 = arith.constant 336 : i32
      %mul3A_219 = arith.muli %add3A_195, %mul3A_218 : i32
      %add3A_220 = arith.constant 16 : i32
      %add3A_221 = arith.addi %mul3A_219, %add3A_220 : i32
      %get3A_222 = arith.index_cast %add3A_221 : i32 to index
      %get3A_223 = tpu.vector_load %arg8[%get3A_222] {strides = array<i32>} : memref<10752xi32, #tpu.memory_space<vmem>>, vector<16xi32>,
      %shift_right_logical3A_224 = arith.constant 1 : i32
      %shift_right_logical3A_225 = vector.broadcast %shift_right_logical3A_224 : i32 to vector<16xi32>
      %shift_right_logical3A_226 = arith.shrui %get3A_223, %shift_right_logical3A_225 : vector<16xi32>
      %swap3A_227 = arith.constant 16 : index
      %swap3A_228 = tpu.vector_load %arg12[%swap3A_227] {strides = array<i32>} : memref<336xi32, #tpu.memory_space<vmem>>, vector<16xi32>,
      tpu.vector_store %arg12[%swap3A_227], %shift_right_logical3A_226 {strides = array<i32>} : memref<336xi32, #tpu.memory_space<vmem>>, vector<16xi32>,
      %mul3A_229 = arith.constant 336 : i32
      %mul3A_230 = arith.muli %add3A_195, %mul3A_229 : i32
      %add3A_231 = arith.constant 32 : i32
      %add3A_232 = arith.addi %mul3A_230, %add3A_231 : i32
      %get3A_233 = arith.index_cast %add3A_232 : i32 to index
      %get3A_234 = tpu.vector_load %arg8[%get3A_233] {strides = array<i32>} : memref<10752xi32, #tpu.memory_space<vmem>>, vector<16xi32>,
      %shift_right_logical3A_235 = arith.constant 1 : i32
      %shift_right_logical3A_236 = vector.broadcast %shift_right_logical3A_235 : i32 to vector<16xi32>
      %shift_right_logical3A_237 = arith.shrui %get3A_234, %shift_right_logical3A_236 : vector<16xi32>
      %swap3A_238 = arith.constant 32 : index
      %swap3A_239 = tpu.vector_load %arg12[%swap3A_238] {strides = array<i32>} : memref<336xi32, #tpu.memory_space<vmem>>, vector<16xi32>,
      tpu.vector_store %arg12[%swap3A_238], %shift_right_logical3A_237 {strides = array<i32>} : memref<336xi32, #tpu.memory_space<vmem>>, vector<16xi32>,
      %mul3A_240 = arith.constant 336 : i32
      %mul3A_241 = arith.muli %add3A_195, %mul3A_240 : i32
      %add3A_242 = arith.constant 48 : i32
      %add3A_243 = arith.addi %mul3A_241, %add3A_242 : i32
      %get3A_244 = arith.index_cast %add3A_243 : i32 to index
      %get3A_245 = tpu.vector_load %arg8[%get3A_244] {strides = array<i32>} : memref<10752xi32, #tpu.memory_space<vmem>>, vector<16xi32>,
      %shift_right_logical3A_246 = arith.constant 1 : i32
      %shift_right_logical3A_247 = vector.broadcast %shift_right_logical3A_246 : i32 to vector<16xi32>
      %shift_right_logical3A_248 = arith.shrui %get3A_245, %shift_right_logical3A_247 : vector<16xi32>
      %swap3A_249 = arith.constant 48 : index
      %swap3A_250 = tpu.vector_load %arg12[%swap3A_249] {strides = array<i32>} : memref<336xi32, #tpu.memory_space<vmem>>, vector<16xi32>,
      tpu.vector_store %arg12[%swap3A_249], %shift_right_logical3A_248 {strides = array<i32>} : memref<336xi32, #tpu.memory_space<vmem>>, vector<16xi32>,
      %mul3A_251 = arith.constant 336 : i32
      %mul3A_252 = arith.muli %add3A_195, %mul3A_251 : i32
      %add3A_253 = arith.constant 64 : i32
      %add3A_254 = arith.addi %mul3A_252, %add3A_253 : i32
      %get3A_255 = arith.index_cast %add3A_254 : i32 to index
      %get3A_256 = tpu.vector_load %arg8[%get3A_255] {strides = array<i32>} : memref<10752xi32, #tpu.memory_space<vmem>>, vector<16xi32>,
      %shift_right_logical3A_257 = arith.constant 1 : i32
      %shift_right_logical3A_258 = vector.broadcast %shift_right_logical3A_257 : i32 to vector<16xi32>
      %shift_right_logical3A_259 = arith.shrui %get3A_256, %shift_right_logical3A_258 : vector<16xi32>
      %swap3A_260 = arith.constant 64 : index
      %swap3A_261 = tpu.vector_load %arg12[%swap3A_260] {strides = array<i32>} : memref<336xi32, #tpu.memory_space<vmem>>, vector<16xi32>,
      tpu.vector_store %arg12[%swap3A_260], %shift_right_logical3A_259 {strides = array<i32>} : memref<336xi32, #tpu.memory_space<vmem>>, vector<16xi32>,
      %mul3A_262 = arith.constant 336 : i32
      %mul3A_263 = arith.muli %add3A_195, %mul3A_262 : i32
      %add3A_264 = arith.constant 80 : i32
      %add3A_265 = arith.addi %mul3A_263, %add3A_264 : i32
      %get3A_266 = arith.index_cast %add3A_265 : i32 to index
      %get3A_267 = tpu.vector_load %arg8[%get3A_266] {strides = array<i32>} : memref<10752xi32, #tpu.memory_space<vmem>>, vector<16xi32>,
      %shift_right_logical3A_268 = arith.constant 1 : i32
      %shift_right_logical3A_269 = vector.broadcast %shift_right_logical3A_268 : i32 to vector<16xi32>
      %shift_right_logical3A_270 = arith.shrui %get3A_267, %shift_right_logical3A_269 : vector<16xi32>
      %swap3A_271 = arith.constant 80 : index
      %swap3A_272 = tpu.vector_load %arg12[%swap3A_271] {strides = array<i32>} : memref<336xi32, #tpu.memory_space<vmem>>, vector<16xi32>,
      tpu.vector_store %arg12[%swap3A_271], %shift_right_logical3A_270 {strides = array<i32>} : memref<336xi32, #tpu.memory_space<vmem>>, vector<16xi32>,
      %mul3A_273 = arith.constant 336 : i32
      %mul3A_274 = arith.muli %add3A_195, %mul3A_273 : i32
      %add3A_275 = arith.constant 96 : i32
      %add3A_276 = arith.addi %mul3A_274, %add3A_275 : i32
      %get3A_277 = arith.index_cast %add3A_276 : i32 to index
      %get3A_278 = tpu.vector_load %arg8[%get3A_277] {strides = array<i32>} : memref<10752xi32, #tpu.memory_space<vmem>>, vector<16xi32>,
      %shift_right_logical3A_279 = arith.constant 1 : i32
      %shift_right_logical3A_280 = vector.broadcast %shift_right_logical3A_279 : i32 to vector<16xi32>
      %shift_right_logical3A_281 = arith.shrui %get3A_278, %shift_right_logical3A_280 : vector<16xi32>
      %swap3A_282 = arith.constant 96 : index
      %swap3A_283 = tpu.vector_load %arg12[%swap3A_282] {strides = array<i32>} : memref<336xi32, #tpu.memory_space<vmem>>, vector<16xi32>,
      tpu.vector_store %arg12[%swap3A_282], %shift_right_logical3A_281 {strides = array<i32>} : memref<336xi32, #tpu.memory_space<vmem>>, vector<16xi32>,
      %mul3A_284 = arith.constant 336 : i32
      %mul3A_285 = arith.muli %add3A_195, %mul3A_284 : i32
      %add3A_286 = arith.constant 112 : i32
      %add3A_287 = arith.addi %mul3A_285, %add3A_286 : i32
      %get3A_288 = arith.index_cast %add3A_287 : i32 to index
      %get3A_289 = tpu.vector_load %arg8[%get3A_288] {strides = array<i32>} : memref<10752xi32, #tpu.memory_space<vmem>>, vector<16xi32>,
      %shift_right_logical3A_290 = arith.constant 1 : i32
      %shift_right_logical3A_291 = vector.broadcast %shift_right_logical3A_290 : i32 to vector<16xi32>
      %shift_right_logical3A_292 = arith.shrui %get3A_289, %shift_right_logical3A_291 : vector<16xi32>
      %swap3A_293 = arith.constant 112 : index
      %swap3A_294 = tpu.vector_load %arg12[%swap3A_293] {strides = array<i32>} : memref<336xi32, #tpu.memory_space<vmem>>, vector<16xi32>,
      tpu.vector_store %arg12[%swap3A_293], %shift_right_logical3A_292 {strides = array<i32>} : memref<336xi32, #tpu.memory_space<vmem>>, vector<16xi32>,
      %mul3A_295 = arith.constant 336 : i32
      %mul3A_296 = arith.muli %add3A_195, %mul3A_295 : i32
      %add3A_297 = arith.constant 128 : i32
      %add3A_298 = arith.addi %mul3A_296, %add3A_297 : i32
      %get3A_299 = arith.index_cast %add3A_298 : i32 to index
      %get3A_300 = tpu.vector_load %arg8[%get3A_299] {strides = array<i32>} : memref<10752xi32, #tpu.memory_space<vmem>>, vector<16xi32>,
      %shift_right_logical3A_301 = arith.constant 1 : i32
      %shift_right_logical3A_302 = vector.broadcast %shift_right_logical3A_301 : i32 to vector<16xi32>
      %shift_right_logical3A_303 = arith.shrui %get3A_300, %shift_right_logical3A_302 : vector<16xi32>
      %swap3A_304 = arith.constant 128 : index
      %swap3A_305 = tpu.vector_load %arg12[%swap3A_304] {strides = array<i32>} : memref<336xi32, #tpu.memory_space<vmem>>, vector<16xi32>,
      tpu.vector_store %arg12[%swap3A_304], %shift_right_logical3A_303 {strides = array<i32>} : memref<336xi32, #tpu.memory_space<vmem>>, vector<16xi32>,
      %mul3A_306 = arith.constant 336 : i32
      %mul3A_307 = arith.muli %add3A_195, %mul3A_306 : i32
      %add3A_308 = arith.constant 144 : i32
      %add3A_309 = arith.addi %mul3A_307, %add3A_308 : i32
      %get3A_310 = arith.index_cast %add3A_309 : i32 to index
      %get3A_311 = tpu.vector_load %arg8[%get3A_310] {strides = array<i32>} : memref<10752xi32, #tpu.memory_space<vmem>>, vector<16xi32>,
      %shift_right_logical3A_312 = arith.constant 1 : i32
      %shift_right_logical3A_313 = vector.broadcast %shift_right_logical3A_312 : i32 to vector<16xi32>
      %shift_right_logical3A_314 = arith.shrui %get3A_311, %shift_right_logical3A_313 : vector<16xi32>
      %swap3A_315 = arith.constant 144 : index
      %swap3A_316 = tpu.vector_load %arg12[%swap3A_315] {strides = array<i32>} : memref<336xi32, #tpu.memory_space<vmem>>, vector<16xi32>,
      tpu.vector_store %arg12[%swap3A_315], %shift_right_logical3A_314 {strides = array<i32>} : memref<336xi32, #tpu.memory_space<vmem>>, vector<16xi32>,
      %mul3A_317 = arith.constant 336 : i32
      %mul3A_318 = arith.muli %add3A_195, %mul3A_317 : i32
      %add3A_319 = arith.constant 160 : i32
      %add3A_320 = arith.addi %mul3A_318, %add3A_319 : i32
      %get3A_321 = arith.index_cast %add3A_320 : i32 to index
      %get3A_322 = tpu.vector_load %arg8[%get3A_321] {strides = array<i32>} : memref<10752xi32, #tpu.memory_space<vmem>>, vector<16xi32>,
      %shift_right_logical3A_323 = arith.constant 1 : i32
      %shift_right_logical3A_324 = vector.broadcast %shift_right_logical3A_323 : i32 to vector<16xi32>
      %shift_right_logical3A_325 = arith.shrui %get3A_322, %shift_right_logical3A_324 : vector<16xi32>
      %swap3A_326 = arith.constant 160 : index
      %swap3A_327 = tpu.vector_load %arg12[%swap3A_326] {strides = array<i32>} : memref<336xi32, #tpu.memory_space<vmem>>, vector<16xi32>,
      tpu.vector_store %arg12[%swap3A_326], %shift_right_logical3A_325 {strides = array<i32>} : memref<336xi32, #tpu.memory_space<vmem>>, vector<16xi32>,
      %mul3A_328 = arith.constant 336 : i32
      %mul3A_329 = arith.muli %add3A_195, %mul3A_328 : i32
      %add3A_330 = arith.constant 176 : i32
      %add3A_331 = arith.addi %mul3A_329, %add3A_330 : i32
      %get3A_332 = arith.index_cast %add3A_331 : i32 to index
      %get3A_333 = tpu.vector_load %arg8[%get3A_332] {strides = array<i32>} : memref<10752xi32, #tpu.memory_space<vmem>>, vector<16xi32>,
      %shift_right_logical3A_334 = arith.constant 1 : i32
      %shift_right_logical3A_335 = vector.broadcast %shift_right_logical3A_334 : i32 to vector<16xi32>
      %shift_right_logical3A_336 = arith.shrui %get3A_333, %shift_right_logical3A_335 : vector<16xi32>
      %swap3A_337 = arith.constant 176 : index
      %swap3A_338 = tpu.vector_load %arg12[%swap3A_337] {strides = array<i32>} : memref<336xi32, #tpu.memory_space<vmem>>, vector<16xi32>,
      tpu.vector_store %arg12[%swap3A_337], %shift_right_logical3A_336 {strides = array<i32>} : memref<336xi32, #tpu.memory_space<vmem>>, vector<16xi32>,
      %mul3A_339 = arith.constant 336 : i32
      %mul3A_340 = arith.muli %add3A_195, %mul3A_339 : i32
      %add3A_341 = arith.constant 192 : i32
      %add3A_342 = arith.addi %mul3A_340, %add3A_341 : i32
      %get3A_343 = arith.index_cast %add3A_342 : i32 to index
      %get3A_344 = tpu.vector_load %arg8[%get3A_343] {strides = array<i32>} : memref<10752xi32, #tpu.memory_space<vmem>>, vector<16xi32>,
      %shift_right_logical3A_345 = arith.constant 1 : i32
      %shift_right_logical3A_346 = vector.broadcast %shift_right_logical3A_345 : i32 to vector<16xi32>
      %shift_right_logical3A_347 = arith.shrui %get3A_344, %shift_right_logical3A_346 : vector<16xi32>
      %swap3A_348 = arith.constant 192 : index
      %swap3A_349 = tpu.vector_load %arg12[%swap3A_348] {strides = array<i32>} : memref<336xi32, #tpu.memory_space<vmem>>, vector<16xi32>,
      tpu.vector_store %arg12[%swap3A_348], %shift_right_logical3A_347 {strides = array<i32>} : memref<336xi32, #tpu.memory_space<vmem>>, vector<16xi32>,
      %mul3A_350 = arith.constant 336 : i32
      %mul3A_351 = arith.muli %add3A_195, %mul3A_350 : i32
      %add3A_352 = arith.constant 208 : i32
      %add3A_353 = arith.addi %mul3A_351, %add3A_352 : i32
      %get3A_354 = arith.index_cast %add3A_353 : i32 to index
      %get3A_355 = tpu.vector_load %arg8[%get3A_354] {strides = array<i32>} : memref<10752xi32, #tpu.memory_space<vmem>>, vector<16xi32>,
      %shift_right_logical3A_356 = arith.constant 1 : i32
      %shift_right_logical3A_357 = vector.broadcast %shift_right_logical3A_356 : i32 to vector<16xi32>
      %shift_right_logical3A_358 = arith.shrui %get3A_355, %shift_right_logical3A_357 : vector<16xi32>
      %swap3A_359 = arith.constant 208 : index
      %swap3A_360 = tpu.vector_load %arg12[%swap3A_359] {strides = array<i32>} : memref<336xi32, #tpu.memory_space<vmem>>, vector<16xi32>,
      tpu.vector_store %arg12[%swap3A_359], %shift_right_logical3A_358 {strides = array<i32>} : memref<336xi32, #tpu.memory_space<vmem>>, vector<16xi32>,
      %mul3A_361 = arith.constant 336 : i32
      %mul3A_362 = arith.muli %add3A_195, %mul3A_361 : i32
      %add3A_363 = arith.constant 224 : i32
      %add3A_364 = arith.addi %mul3A_362, %add3A_363 : i32
      %get3A_365 = arith.index_cast %add3A_364 : i32 to index
      %get3A_366 = tpu.vector_load %arg8[%get3A_365] {strides = array<i32>} : memref<10752xi32, #tpu.memory_space<vmem>>, vector<16xi32>,
      %shift_right_logical3A_367 = arith.constant 1 : i32
      %shift_right_logical3A_368 = vector.broadcast %shift_right_logical3A_367 : i32 to vector<16xi32>
      %shift_right_logical3A_369 = arith.shrui %get3A_366, %shift_right_logical3A_368 : vector<16xi32>
      %swap3A_370 = arith.constant 224 : index
      %swap3A_371 = tpu.vector_load %arg12[%swap3A_370] {strides = array<i32>} : memref<336xi32, #tpu.memory_space<vmem>>, vector<16xi32>,
      tpu.vector_store %arg12[%swap3A_370], %shift_right_logical3A_369 {strides = array<i32>} : memref<336xi32, #tpu.memory_space<vmem>>, vector<16xi32>,
      %mul3A_372 = arith.constant 336 : i32
      %mul3A_373 = arith.muli %add3A_195, %mul3A_372 : i32
      %add3A_374 = arith.constant 240 : i32
      %add3A_375 = arith.addi %mul3A_373, %add3A_374 : i32
      %get3A_376 = arith.index_cast %add3A_375 : i32 to index
      %get3A_377 = tpu.vector_load %arg8[%get3A_376] {strides = array<i32>} : memref<10752xi32, #tpu.memory_space<vmem>>, vector<16xi32>,
      %shift_right_logical3A_378 = arith.constant 1 : i32
      %shift_right_logical3A_379 = vector.broadcast %shift_right_logical3A_378 : i32 to vector<16xi32>
      %shift_right_logical3A_380 = arith.shrui %get3A_377, %shift_right_logical3A_379 : vector<16xi32>
      %swap3A_381 = arith.constant 240 : index
      %swap3A_382 = tpu.vector_load %arg12[%swap3A_381] {strides = array<i32>} : memref<336xi32, #tpu.memory_space<vmem>>, vector<16xi32>,
      tpu.vector_store %arg12[%swap3A_381], %shift_right_logical3A_380 {strides = array<i32>} : memref<336xi32, #tpu.memory_space<vmem>>, vector<16xi32>,
      %mul3A_383 = arith.constant 336 : i32
      %mul3A_384 = arith.muli %add3A_195, %mul3A_383 : i32
      %add3A_385 = arith.constant 256 : i32
      %add3A_386 = arith.addi %mul3A_384, %add3A_385 : i32
      %get3A_387 = arith.index_cast %add3A_386 : i32 to index
      %get3A_388 = tpu.vector_load %arg8[%get3A_387] {strides = array<i32>} : memref<10752xi32, #tpu.memory_space<vmem>>, vector<16xi32>,
      %shift_right_logical3A_389 = arith.constant 1 : i32
      %shift_right_logical3A_390 = vector.broadcast %shift_right_logical3A_389 : i32 to vector<16xi32>
      %shift_right_logical3A_391 = arith.shrui %get3A_388, %shift_right_logical3A_390 : vector<16xi32>
      %swap3A_392 = arith.constant 256 : index
      %swap3A_393 = tpu.vector_load %arg12[%swap3A_392] {strides = array<i32>} : memref<336xi32, #tpu.memory_space<vmem>>, vector<16xi32>,
      tpu.vector_store %arg12[%swap3A_392], %shift_right_logical3A_391 {strides = array<i32>} : memref<336xi32, #tpu.memory_space<vmem>>, vector<16xi32>,
      %mul3A_394 = arith.constant 336 : i32
      %mul3A_395 = arith.muli %add3A_195, %mul3A_394 : i32
      %add3A_396 = arith.constant 272 : i32
      %add3A_397 = arith.addi %mul3A_395, %add3A_396 : i32
      %get3A_398 = arith.index_cast %add3A_397 : i32 to index
      %get3A_399 = tpu.vector_load %arg8[%get3A_398] {strides = array<i32>} : memref<10752xi32, #tpu.memory_space<vmem>>, vector<16xi32>,
      %shift_right_logical3A_400 = arith.constant 1 : i32
      %shift_right_logical3A_401 = vector.broadcast %shift_right_logical3A_400 : i32 to vector<16xi32>
      %shift_right_logical3A_402 = arith.shrui %get3A_399, %shift_right_logical3A_401 : vector<16xi32>
      %swap3A_403 = arith.constant 272 : index
      %swap3A_404 = tpu.vector_load %arg12[%swap3A_403] {strides = array<i32>} : memref<336xi32, #tpu.memory_space<vmem>>, vector<16xi32>,
      tpu.vector_store %arg12[%swap3A_403], %shift_right_logical3A_402 {strides = array<i32>} : memref<336xi32, #tpu.memory_space<vmem>>, vector<16xi32>,
      %mul3A_405 = arith.constant 336 : i32
      %mul3A_406 = arith.muli %add3A_195, %mul3A_405 : i32
      %add3A_407 = arith.constant 288 : i32
      %add3A_408 = arith.addi %mul3A_406, %add3A_407 : i32
      %get3A_409 = arith.index_cast %add3A_408 : i32 to index
      %get3A_410 = tpu.vector_load %arg8[%get3A_409] {strides = array<i32>} : memref<10752xi32, #tpu.memory_space<vmem>>, vector<16xi32>,
      %shift_right_logical3A_411 = arith.constant 1 : i32
      %shift_right_logical3A_412 = vector.broadcast %shift_right_logical3A_411 : i32 to vector<16xi32>
      %shift_right_logical3A_413 = arith.shrui %get3A_410, %shift_right_logical3A_412 : vector<16xi32>
      %swap3A_414 = arith.constant 288 : index
      %swap3A_415 = tpu.vector_load %arg12[%swap3A_414] {strides = array<i32>} : memref<336xi32, #tpu.memory_space<vmem>>, vector<16xi32>,
      tpu.vector_store %arg12[%swap3A_414], %shift_right_logical3A_413 {strides = array<i32>} : memref<336xi32, #tpu.memory_space<vmem>>, vector<16xi32>,
      %mul3A_416 = arith.constant 336 : i32
      %mul3A_417 = arith.muli %add3A_195, %mul3A_416 : i32
      %add3A_418 = arith.constant 304 : i32
      %add3A_419 = arith.addi %mul3A_417, %add3A_418 : i32
      %get3A_420 = arith.index_cast %add3A_419 : i32 to index
      %get3A_421 = tpu.vector_load %arg8[%get3A_420] {strides = array<i32>} : memref<10752xi32, #tpu.memory_space<vmem>>, vector<16xi32>,
      %shift_right_logical3A_422 = arith.constant 1 : i32
      %shift_right_logical3A_423 = vector.broadcast %shift_right_logical3A_422 : i32 to vector<16xi32>
      %shift_right_logical3A_424 = arith.shrui %get3A_421, %shift_right_logical3A_423 : vector<16xi32>
      %swap3A_425 = arith.constant 304 : index
      %swap3A_426 = tpu.vector_load %arg12[%swap3A_425] {strides = array<i32>} : memref<336xi32, #tpu.memory_space<vmem>>, vector<16xi32>,
      tpu.vector_store %arg12[%swap3A_425], %shift_right_logical3A_424 {strides = array<i32>} : memref<336xi32, #tpu.memory_space<vmem>>, vector<16xi32>,
      %mul3A_427 = arith.constant 336 : i32
      %mul3A_428 = arith.muli %add3A_195, %mul3A_427 : i32
      %add3A_429 = arith.constant 320 : i32
      %add3A_430 = arith.addi %mul3A_428, %add3A_429 : i32
      %get3A_431 = arith.index_cast %add3A_430 : i32 to index
      %get3A_432 = tpu.vector_load %arg8[%get3A_431] {strides = array<i32>} : memref<10752xi32, #tpu.memory_space<vmem>>, vector<16xi32>,
      %shift_right_logical3A_433 = arith.constant 1 : i32
      %shift_right_logical3A_434 = vector.broadcast %shift_right_logical3A_433 : i32 to vector<16xi32>
      %shift_right_logical3A_435 = arith.shrui %get3A_432, %shift_right_logical3A_434 : vector<16xi32>
      %swap3A_436 = arith.constant 320 : index
      %swap3A_437 = tpu.vector_load %arg12[%swap3A_436] {strides = array<i32>} : memref<336xi32, #tpu.memory_space<vmem>>, vector<16xi32>,
      tpu.vector_store %arg12[%swap3A_436], %shift_right_logical3A_435 {strides = array<i32>} : memref<336xi32, #tpu.memory_space<vmem>>, vector<16xi32>,
      %dma_start3A_438 = arith.constant 0 : i32
      %dma_start3A_439 = arith.constant 0 : i32
      %dma_start3A_440 = tpu.memref_slice %arg4[%dma_start3A_438, %dma_start3A_439] : memref<500000x128xf32, #tpu.memory_space<hbm>> -> memref<500000x128xf32, #tpu.memory_space<hbm>>
      tpu.enqueue_indirect_dma source(%dma_start3A_440 : memref<500000x128xf32, #tpu.memory_space<hbm>>) target(%arg14 : memref<16x128xf32, #tpu.memory_space<vmem>>) offsets(%arg10 : memref<16xi32, #tpu.memory_space<vmem>>) semaphore(%arg20 : memref<!tpu.dma_semaphore, #tpu.memory_space<semaphore_mem>>)
      %dma_start3A_441 = arith.constant 0 : i32
      %dma_start3A_442 = arith.constant 0 : i32
      %dma_start3A_443 = tpu.memref_slice %arg16[%dma_start3A_441, %dma_start3A_442] : memref<336x128xf32, #tpu.memory_space<vmem>> -> memref<112x128xf32, #tpu.memory_space<vmem>>
      %dma_start3A_444 = arith.constant 0 : i32
      %dma_start3A_445 = tpu.memref_slice %arg12[%dma_start3A_444] : memref<336xi32, #tpu.memory_space<vmem>> -> memref<112xi32, #tpu.memory_space<vmem>>
      %dma_start3A_446 = arith.constant 0 : i32
      %dma_start3A_447 = arith.constant 0 : i32
      %dma_start3A_448 = tpu.memref_slice %arg5[%dma_start3A_446, %dma_start3A_447] : memref<500000x128xf32, #tpu.memory_space<hbm>> -> memref<500000x128xf32, #tpu.memory_space<hbm>>
      tpu.enqueue_indirect_dma source(%dma_start3A_448 : memref<500000x128xf32, #tpu.memory_space<hbm>>) target(%dma_start3A_443 : memref<112x128xf32, #tpu.memory_space<vmem>>) offsets(%dma_start3A_445 : memref<112xi32, #tpu.memory_space<vmem>>) semaphore(%arg20 : memref<!tpu.dma_semaphore, #tpu.memory_space<semaphore_mem>>)
      %dma_start3A_449 = arith.constant 112 : i32
      %dma_start3A_450 = arith.constant 0 : i32
      %dma_start3A_451 = tpu.memref_slice %arg16[%dma_start3A_449, %dma_start3A_450] : memref<336x128xf32, #tpu.memory_space<vmem>> -> memref<112x128xf32, #tpu.memory_space<vmem>>
      %dma_start3A_452 = arith.constant 112 : i32
      %dma_start3A_453 = tpu.memref_slice %arg12[%dma_start3A_452] : memref<336xi32, #tpu.memory_space<vmem>> -> memref<112xi32, #tpu.memory_space<vmem>>
      %dma_start3A_454 = arith.constant 0 : i32
      %dma_start3A_455 = arith.constant 0 : i32
      %dma_start3A_456 = tpu.memref_slice %arg5[%dma_start3A_454, %dma_start3A_455] : memref<500000x128xf32, #tpu.memory_space<hbm>> -> memref<500000x128xf32, #tpu.memory_space<hbm>>
      tpu.enqueue_indirect_dma source(%dma_start3A_456 : memref<500000x128xf32, #tpu.memory_space<hbm>>) target(%dma_start3A_451 : memref<112x128xf32, #tpu.memory_space<vmem>>) offsets(%dma_start3A_453 : memref<112xi32, #tpu.memory_space<vmem>>) semaphore(%arg20 : memref<!tpu.dma_semaphore, #tpu.memory_space<semaphore_mem>>)
      %dma_start3A_457 = arith.constant 224 : i32
      %dma_start3A_458 = arith.constant 0 : i32
      %dma_start3A_459 = tpu.memref_slice %arg16[%dma_start3A_457, %dma_start3A_458] : memref<336x128xf32, #tpu.memory_space<vmem>> -> memref<112x128xf32, #tpu.memory_space<vmem>>
      %dma_start3A_460 = arith.constant 224 : i32
      %dma_start3A_461 = tpu.memref_slice %arg12[%dma_start3A_460] : memref<336xi32, #tpu.memory_space<vmem>> -> memref<112xi32, #tpu.memory_space<vmem>>
      %dma_start3A_462 = arith.constant 0 : i32
      %dma_start3A_463 = arith.constant 0 : i32
      %dma_start3A_464 = tpu.memref_slice %arg5[%dma_start3A_462, %dma_start3A_463] : memref<500000x128xf32, #tpu.memory_space<hbm>> -> memref<500000x128xf32, #tpu.memory_space<hbm>>
      tpu.enqueue_indirect_dma source(%dma_start3A_464 : memref<500000x128xf32, #tpu.memory_space<hbm>>) target(%dma_start3A_459 : memref<112x128xf32, #tpu.memory_space<vmem>>) offsets(%dma_start3A_461 : memref<112xi32, #tpu.memory_space<vmem>>) semaphore(%arg20 : memref<!tpu.dma_semaphore, #tpu.memory_space<semaphore_mem>>)
      %dma_wait3A = arith.constant 0 : i32
      %dma_wait3A_465 = arith.constant 0 : i32
      %dma_wait3A_466 = tpu.memref_slice %arg4[%dma_wait3A, %dma_wait3A_465] : memref<500000x128xf32, #tpu.memory_space<hbm>> -> memref<500000x128xf32, #tpu.memory_space<hbm>>
      tpu.wait_indirect_dma semaphore(%arg19 : memref<!tpu.dma_semaphore, #tpu.memory_space<semaphore_mem>>) src(%dma_wait3A_466 : memref<500000x128xf32, #tpu.memory_space<hbm>>) dst(%arg13 : memref<16x128xf32, #tpu.memory_space<vmem>>)
      %dma_wait3A_467 = arith.constant 0 : i32
      %dma_wait3A_468 = arith.constant 0 : i32
      %dma_wait3A_469 = tpu.memref_slice %arg15[%dma_wait3A_467, %dma_wait3A_468] : memref<336x128xf32, #tpu.memory_space<vmem>> -> memref<112x128xf32, #tpu.memory_space<vmem>>
      %dma_wait3A_470 = arith.constant 0 : i32
      %dma_wait3A_471 = tpu.memref_slice %arg11[%dma_wait3A_470] : memref<336xi32, #tpu.memory_space<vmem>> -> memref<112xi32, #tpu.memory_space<vmem>>
      %dma_wait3A_472 = arith.constant 0 : i32
      %dma_wait3A_473 = arith.constant 0 : i32
      %dma_wait3A_474 = tpu.memref_slice %arg5[%dma_wait3A_472, %dma_wait3A_473] : memref<500000x128xf32, #tpu.memory_space<hbm>> -> memref<500000x128xf32, #tpu.memory_space<hbm>>
      tpu.wait_indirect_dma semaphore(%arg19 : memref<!tpu.dma_semaphore, #tpu.memory_space<semaphore_mem>>) src(%dma_wait3A_474 : memref<500000x128xf32, #tpu.memory_space<hbm>>) dst(%dma_wait3A_469 : memref<112x128xf32, #tpu.memory_space<vmem>>)
      %dma_wait3A_475 = arith.constant 112 : i32
      %dma_wait3A_476 = arith.constant 0 : i32
      %dma_wait3A_477 = tpu.memref_slice %arg15[%dma_wait3A_475, %dma_wait3A_476] : memref<336x128xf32, #tpu.memory_space<vmem>> -> memref<112x128xf32, #tpu.memory_space<vmem>>
      %dma_wait3A_478 = arith.constant 112 : i32
      %dma_wait3A_479 = tpu.memref_slice %arg11[%dma_wait3A_478] : memref<336xi32, #tpu.memory_space<vmem>> -> memref<112xi32, #tpu.memory_space<vmem>>
      %dma_wait3A_480 = arith.constant 0 : i32
      %dma_wait3A_481 = arith.constant 0 : i32
      %dma_wait3A_482 = tpu.memref_slice %arg5[%dma_wait3A_480, %dma_wait3A_481] : memref<500000x128xf32, #tpu.memory_space<hbm>> -> memref<500000x128xf32, #tpu.memory_space<hbm>>
      tpu.wait_indirect_dma semaphore(%arg19 : memref<!tpu.dma_semaphore, #tpu.memory_space<semaphore_mem>>) src(%dma_wait3A_482 : memref<500000x128xf32, #tpu.memory_space<hbm>>) dst(%dma_wait3A_477 : memref<112x128xf32, #tpu.memory_space<vmem>>)
      %dma_wait3A_483 = arith.constant 224 : i32
      %dma_wait3A_484 = arith.constant 0 : i32
      %dma_wait3A_485 = tpu.memref_slice %arg15[%dma_wait3A_483, %dma_wait3A_484] : memref<336x128xf32, #tpu.memory_space<vmem>> -> memref<112x128xf32, #tpu.memory_space<vmem>>
      %dma_wait3A_486 = arith.constant 224 : i32
      %dma_wait3A_487 = tpu.memref_slice %arg11[%dma_wait3A_486] : memref<336xi32, #tpu.memory_space<vmem>> -> memref<112xi32, #tpu.memory_space<vmem>>
      %dma_wait3A_488 = arith.constant 0 : i32
      %dma_wait3A_489 = arith.constant 0 : i32
      %dma_wait3A_490 = tpu.memref_slice %arg5[%dma_wait3A_488, %dma_wait3A_489] : memref<500000x128xf32, #tpu.memory_space<hbm>> -> memref<500000x128xf32, #tpu.memory_space<hbm>>
      tpu.wait_indirect_dma semaphore(%arg19 : memref<!tpu.dma_semaphore, #tpu.memory_space<semaphore_mem>>) src(%dma_wait3A_490 : memref<500000x128xf32, #tpu.memory_space<hbm>>) dst(%dma_wait3A_485 : memref<112x128xf32, #tpu.memory_space<vmem>>)
      %scan3A_491 = arith.constant 0 : i32
      %scan3A_492 = arith.constant 0 : i32
      %scan3A_493 = arith.constant 16 : i32
      %scan3A_494 = arith.addi %scan3A_492, %scan3A_493 : i32
      %scan3A_495 = arith.constant 1 : i32
      %scan3A_496 = scf.for %scan3A_550 = %scan3A_492 to %scan3A_494 step %scan3A_495 iter_args(%scan3A_551 = %scan3A_491) -> (i32)  : i32 {
        %mul3A_552 = arith.constant 16 : i32
        %mul3A_553 = arith.muli %mul3A_193, %mul3A_552 : i32
        %add3A_554 = arith.addi %mul3A_553, %scan3A_550 : i32
        %get3A_555 = arith.index_cast %add3A_554 : i32 to index
        %get3A_556 = tpu.vector_load %arg7[%get3A_555] {strides = array<i32>} : memref<528xi32, #tpu.memory_space<vmem>>, vector<16xi32>,
        %slice3A = vector.extract_strided_slice %get3A_556 {offsets = [0], sizes = [1], strides = [1]} : vector<16xi32> to vector<1xi32>
        %squeeze3A = vector.extract %slice3A[0] : i32 from vector<1xi32>
        %and3A = arith.constant 1 : i32
        %and3A_557 = arith.andi %squeeze3A, %and3A : i32
        %mul3A_558 = arith.constant 64 : i32
        %mul3A_559 = arith.muli %and3A_557, %mul3A_558 : i32
        %mul3A_560 = arith.constant 336 : i32
        %mul3A_561 = arith.muli %mul3A_193, %mul3A_560 : i32
        %mul3A_562 = arith.constant 21 : i32
        %mul3A_563 = arith.muli %scan3A_550, %mul3A_562 : i32
        %add3A_564 = arith.addi %mul3A_561, %mul3A_563 : i32
        %get3A_565 = arith.index_cast %add3A_564 : i32 to index
        %get3A_566 = tpu.vector_load %arg8[%get3A_565] {strides = array<i32>} : memref<10752xi32, #tpu.memory_space<vmem>>, vector<16xi32>,
        %add3A_567 = arith.constant 21 : i32
        %add3A_568 = arith.addi %add3A_564, %add3A_567 : i32
        %sub3A = arith.constant 16 : i32
        %sub3A_569 = arith.subi %add3A_568, %sub3A : i32
        %get3A_570 = arith.index_cast %sub3A_569 : i32 to index
        %get3A_571 = tpu.vector_load %arg8[%get3A_570] {strides = array<i32>} : memref<10752xi32, #tpu.memory_space<vmem>>, vector<16xi32>,
        %add3A_572 = arith.constant 0 : i32
        %add3A_573 = arith.addi %mul3A_559, %add3A_572 : i32
        %get3A_574 = arith.index_cast %scan3A_550 : i32 to index
        %get3A_575 = arith.index_cast %add3A_573 : i32 to index
        %get3A_576 = tpu.vector_load %arg13[%get3A_574, %get3A_575] {strides = array<i32>} : memref<16x128xf32, #tpu.memory_space<vmem>>, vector<16xf32>,
        %add3A_577 = arith.constant 16 : i32
        %add3A_578 = arith.addi %mul3A_559, %add3A_577 : i32
        %get3A_579 = arith.index_cast %scan3A_550 : i32 to index
        %get3A_580 = arith.index_cast %add3A_578 : i32 to index
        %get3A_581 = tpu.vector_load %arg13[%get3A_579, %get3A_580] {strides = array<i32>} : memref<16x128xf32, #tpu.memory_space<vmem>>, vector<16xf32>,
        %add3A_582 = arith.constant 32 : i32
        %add3A_583 = arith.addi %mul3A_559, %add3A_582 : i32
        %get3A_584 = arith.index_cast %scan3A_550 : i32 to index
        %get3A_585 = arith.index_cast %add3A_583 : i32 to index
        %get3A_586 = tpu.vector_load %arg13[%get3A_584, %get3A_585] {strides = array<i32>} : memref<16x128xf32, #tpu.memory_space<vmem>>, vector<16xf32>,
        %add3A_587 = arith.constant 48 : i32
        %add3A_588 = arith.addi %mul3A_559, %add3A_587 : i32
        %get3A_589 = arith.index_cast %scan3A_550 : i32 to index
        %get3A_590 = arith.index_cast %add3A_588 : i32 to index
        %get3A_591 = tpu.vector_load %arg13[%get3A_589, %get3A_590] {strides = array<i32>} : memref<16x128xf32, #tpu.memory_space<vmem>>, vector<16xf32>,
        %neg3A = arith.constant 0.000000e+00 : f32
        %neg3A_592 = vector.broadcast %neg3A : f32 to vector<16xf32>
        %neg3A_593 = arith.subf %neg3A_592, %get3A_576 : vector<16xf32>
        %neg3A_594 = arith.constant 0.000000e+00 : f32
        %neg3A_595 = vector.broadcast %neg3A_594 : f32 to vector<16xf32>
        %neg3A_596 = arith.subf %neg3A_595, %get3A_581 : vector<16xf32>
        %neg3A_597 = arith.constant 0.000000e+00 : f32
        %neg3A_598 = vector.broadcast %neg3A_597 : f32 to vector<16xf32>
        %neg3A_599 = arith.subf %neg3A_598, %get3A_586 : vector<16xf32>
        %neg3A_600 = arith.constant 0.000000e+00 : f32
        %neg3A_601 = vector.broadcast %neg3A_600 : f32 to vector<16xf32>
        %neg3A_602 = arith.subf %neg3A_601, %get3A_591 : vector<16xf32>
        %mul3A_603 = arith.constant 21 : i32
        %mul3A_604 = arith.muli %scan3A_550, %mul3A_603 : i32
        %add3A_605 = arith.constant 0 : i32
        %add3A_606 = arith.addi %mul3A_604, %add3A_605 : i32
        %slice3A_607 = vector.extract_strided_slice %get3A_566 {offsets = [0], sizes = [1], strides = [1]} : vector<16xi32> to vector<1xi32>
        %squeeze3A_608 = vector.extract %slice3A_607[0] : i32 from vector<1xi32>
        %and3A_609 = arith.constant 1 : i32
        %and3A_610 = arith.andi %squeeze3A_608, %and3A_609 : i32
        %mul3A_611 = arith.constant 64 : i32
        %mul3A_612 = arith.muli %and3A_610, %mul3A_611 : i32
        %get3A_613 = arith.index_cast %add3A_606 : i32 to index
        %get3A_614 = arith.index_cast %mul3A_612 : i32 to index
        %get3A_615 = tpu.vector_load %arg15[%get3A_613, %get3A_614] {strides = array<i32>} : memref<336x128xf32, #tpu.memory_space<vmem>>, vector<16xf32>,
        %mul3A_616 = arith.mulf %get3A_576, %get3A_615 : vector<16xf32>
        %add3A_617 = arith.constant 16 : i32
        %add3A_618 = arith.addi %mul3A_612, %add3A_617 : i32
        %get3A_619 = arith.index_cast %add3A_606 : i32 to index
        %get3A_620 = arith.index_cast %add3A_618 : i32 to index
        %get3A_621 = tpu.vector_load %arg15[%get3A_619, %get3A_620] {strides = array<i32>} : memref<336x128xf32, #tpu.memory_space<vmem>>, vector<16xf32>,
        %mul3A_622 = arith.mulf %get3A_581, %get3A_621 : vector<16xf32>
        %add3A_623 = arith.addf %mul3A_616, %mul3A_622 : vector<16xf32>
        %add3A_624 = arith.constant 32 : i32
        %add3A_625 = arith.addi %mul3A_612, %add3A_624 : i32
        %get3A_626 = arith.index_cast %add3A_606 : i32 to index
        %get3A_627 = arith.index_cast %add3A_625 : i32 to index
        %get3A_628 = tpu.vector_load %arg15[%get3A_626, %get3A_627] {strides = array<i32>} : memref<336x128xf32, #tpu.memory_space<vmem>>, vector<16xf32>,
        %mul3A_629 = arith.mulf %get3A_586, %get3A_628 : vector<16xf32>
        %add3A_630 = arith.addf %add3A_623, %mul3A_629 : vector<16xf32>
        %add3A_631 = arith.constant 48 : i32
        %add3A_632 = arith.addi %mul3A_612, %add3A_631 : i32
        %get3A_633 = arith.index_cast %add3A_606 : i32 to index
        %get3A_634 = arith.index_cast %add3A_632 : i32 to index
        %get3A_635 = tpu.vector_load %arg15[%get3A_633, %get3A_634] {strides = array<i32>} : memref<336x128xf32, #tpu.memory_space<vmem>>, vector<16xf32>,
        %mul3A_636 = arith.mulf %get3A_591, %get3A_635 : vector<16xf32>
        %add3A_637 = arith.addf %add3A_630, %mul3A_636 : vector<16xf32>
        %mul3A_638 = arith.constant 17 : i32
        %mul3A_639 = arith.muli %add3A_606, %mul3A_638 : i32
        %swap3A_640 = arith.index_cast %mul3A_639 : i32 to index
        %swap3A_641 = tpu.vector_load %arg17[%swap3A_640] {strides = array<i32>} : memref<5712xf32, #tpu.memory_space<vmem>>, vector<16xf32>,
        tpu.vector_store %arg17[%swap3A_640], %add3A_637 {strides = array<i32>} : memref<5712xf32, #tpu.memory_space<vmem>>, vector<16xf32>,
        %mul3A_642 = arith.constant 21 : i32
        %mul3A_643 = arith.muli %scan3A_550, %mul3A_642 : i32
        %add3A_644 = arith.constant 1 : i32
        %add3A_645 = arith.addi %mul3A_643, %add3A_644 : i32
        %slice3A_646 = vector.extract_strided_slice %get3A_566 {offsets = [1], sizes = [1], strides = [1]} : vector<16xi32> to vector<1xi32>
        %squeeze3A_647 = vector.extract %slice3A_646[0] : i32 from vector<1xi32>
        %and3A_648 = arith.constant 1 : i32
        %and3A_649 = arith.andi %squeeze3A_647, %and3A_648 : i32
        %mul3A_650 = arith.constant 64 : i32
        %mul3A_651 = arith.muli %and3A_649, %mul3A_650 : i32
        %get3A_652 = arith.index_cast %add3A_645 : i32 to index
        %get3A_653 = arith.index_cast %mul3A_651 : i32 to index
        %get3A_654 = tpu.vector_load %arg15[%get3A_652, %get3A_653] {strides = array<i32>} : memref<336x128xf32, #tpu.memory_space<vmem>>, vector<16xf32>,
        %mul3A_655 = arith.mulf %neg3A_593, %get3A_654 : vector<16xf32>
        %add3A_656 = arith.constant 16 : i32
        %add3A_657 = arith.addi %mul3A_651, %add3A_656 : i32
        %get3A_658 = arith.index_cast %add3A_645 : i32 to index
        %get3A_659 = arith.index_cast %add3A_657 : i32 to index
        %get3A_660 = tpu.vector_load %arg15[%get3A_658, %get3A_659] {strides = array<i32>} : memref<336x128xf32, #tpu.memory_space<vmem>>, vector<16xf32>,
        %mul3A_661 = arith.mulf %neg3A_596, %get3A_660 : vector<16xf32>
        %add3A_662 = arith.addf %mul3A_655, %mul3A_661 : vector<16xf32>
        %add3A_663 = arith.constant 32 : i32
        %add3A_664 = arith.addi %mul3A_651, %add3A_663 : i32
        %get3A_665 = arith.index_cast %add3A_645 : i32 to index
        %get3A_666 = arith.index_cast %add3A_664 : i32 to index
        %get3A_667 = tpu.vector_load %arg15[%get3A_665, %get3A_666] {strides = array<i32>} : memref<336x128xf32, #tpu.memory_space<vmem>>, vector<16xf32>,
        %mul3A_668 = arith.mulf %neg3A_599, %get3A_667 : vector<16xf32>
        %add3A_669 = arith.addf %add3A_662, %mul3A_668 : vector<16xf32>
        %add3A_670 = arith.constant 48 : i32
        %add3A_671 = arith.addi %mul3A_651, %add3A_670 : i32
        %get3A_672 = arith.index_cast %add3A_645 : i32 to index
        %get3A_673 = arith.index_cast %add3A_671 : i32 to index
        %get3A_674 = tpu.vector_load %arg15[%get3A_672, %get3A_673] {strides = array<i32>} : memref<336x128xf32, #tpu.memory_space<vmem>>, vector<16xf32>,
        %mul3A_675 = arith.mulf %neg3A_602, %get3A_674 : vector<16xf32>
        %add3A_676 = arith.addf %add3A_669, %mul3A_675 : vector<16xf32>
        %mul3A_677 = arith.constant 17 : i32
        %mul3A_678 = arith.muli %add3A_645, %mul3A_677 : i32
        %swap3A_679 = arith.index_cast %mul3A_678 : i32 to index
        %swap3A_680 = tpu.vector_load %arg17[%swap3A_679] {strides = array<i32>} : memref<5712xf32, #tpu.memory_space<vmem>>, vector<16xf32>,
        tpu.vector_store %arg17[%swap3A_679], %add3A_676 {strides = array<i32>} : memref<5712xf32, #tpu.memory_space<vmem>>, vector<16xf32>,
        %mul3A_681 = arith.constant 21 : i32
        %mul3A_682 = arith.muli %scan3A_550, %mul3A_681 : i32
        %add3A_683 = arith.constant 2 : i32
        %add3A_684 = arith.addi %mul3A_682, %add3A_683 : i32
        %slice3A_685 = vector.extract_strided_slice %get3A_566 {offsets = [2], sizes = [1], strides = [1]} : vector<16xi32> to vector<1xi32>
        %squeeze3A_686 = vector.extract %slice3A_685[0] : i32 from vector<1xi32>
        %and3A_687 = arith.constant 1 : i32
        %and3A_688 = arith.andi %squeeze3A_686, %and3A_687 : i32
        %mul3A_689 = arith.constant 64 : i32
        %mul3A_690 = arith.muli %and3A_688, %mul3A_689 : i32
        %get3A_691 = arith.index_cast %add3A_684 : i32 to index
        %get3A_692 = arith.index_cast %mul3A_690 : i32 to index
        %get3A_693 = tpu.vector_load %arg15[%get3A_691, %get3A_692] {strides = array<i32>} : memref<336x128xf32, #tpu.memory_space<vmem>>, vector<16xf32>,
        %mul3A_694 = arith.mulf %neg3A_593, %get3A_693 : vector<16xf32>
        %add3A_695 = arith.constant 16 : i32
        %add3A_696 = arith.addi %mul3A_690, %add3A_695 : i32
        %get3A_697 = arith.index_cast %add3A_684 : i32 to index
        %get3A_698 = arith.index_cast %add3A_696 : i32 to index
        %get3A_699 = tpu.vector_load %arg15[%get3A_697, %get3A_698] {strides = array<i32>} : memref<336x128xf32, #tpu.memory_space<vmem>>, vector<16xf32>,
        %mul3A_700 = arith.mulf %neg3A_596, %get3A_699 : vector<16xf32>
        %add3A_701 = arith.addf %mul3A_694, %mul3A_700 : vector<16xf32>
        %add3A_702 = arith.constant 32 : i32
        %add3A_703 = arith.addi %mul3A_690, %add3A_702 : i32
        %get3A_704 = arith.index_cast %add3A_684 : i32 to index
        %get3A_705 = arith.index_cast %add3A_703 : i32 to index
        %get3A_706 = tpu.vector_load %arg15[%get3A_704, %get3A_705] {strides = array<i32>} : memref<336x128xf32, #tpu.memory_space<vmem>>, vector<16xf32>,
        %mul3A_707 = arith.mulf %neg3A_599, %get3A_706 : vector<16xf32>
        %add3A_708 = arith.addf %add3A_701, %mul3A_707 : vector<16xf32>
        %add3A_709 = arith.constant 48 : i32
        %add3A_710 = arith.addi %mul3A_690, %add3A_709 : i32
        %get3A_711 = arith.index_cast %add3A_684 : i32 to index
        %get3A_712 = arith.index_cast %add3A_710 : i32 to index
        %get3A_713 = tpu.vector_load %arg15[%get3A_711, %get3A_712] {strides = array<i32>} : memref<336x128xf32, #tpu.memory_space<vmem>>, vector<16xf32>,
        %mul3A_714 = arith.mulf %neg3A_602, %get3A_713 : vector<16xf32>
        %add3A_715 = arith.addf %add3A_708, %mul3A_714 : vector<16xf32>
        %mul3A_716 = arith.constant 17 : i32
        %mul3A_717 = arith.muli %add3A_684, %mul3A_716 : i32
        %swap3A_718 = arith.index_cast %mul3A_717 : i32 to index
        %swap3A_719 = tpu.vector_load %arg17[%swap3A_718] {strides = array<i32>} : memref<5712xf32, #tpu.memory_space<vmem>>, vector<16xf32>,
        tpu.vector_store %arg17[%swap3A_718], %add3A_715 {strides = array<i32>} : memref<5712xf32, #tpu.memory_space<vmem>>, vector<16xf32>,
        %mul3A_720 = arith.constant 21 : i32
        %mul3A_721 = arith.muli %scan3A_550, %mul3A_720 : i32
        %add3A_722 = arith.constant 3 : i32
        %add3A_723 = arith.addi %mul3A_721, %add3A_722 : i32
        %slice3A_724 = vector.extract_strided_slice %get3A_566 {offsets = [3], sizes = [1], strides = [1]} : vector<16xi32> to vector<1xi32>
        %squeeze3A_725 = vector.extract %slice3A_724[0] : i32 from vector<1xi32>
        %and3A_726 = arith.constant 1 : i32
        %and3A_727 = arith.andi %squeeze3A_725, %and3A_726 : i32
        %mul3A_728 = arith.constant 64 : i32
        %mul3A_729 = arith.muli %and3A_727, %mul3A_728 : i32
        %get3A_730 = arith.index_cast %add3A_723 : i32 to index
        %get3A_731 = arith.index_cast %mul3A_729 : i32 to index
        %get3A_732 = tpu.vector_load %arg15[%get3A_730, %get3A_731] {strides = array<i32>} : memref<336x128xf32, #tpu.memory_space<vmem>>, vector<16xf32>,
        %mul3A_733 = arith.mulf %neg3A_593, %get3A_732 : vector<16xf32>
        %add3A_734 = arith.constant 16 : i32
        %add3A_735 = arith.addi %mul3A_729, %add3A_734 : i32
        %get3A_736 = arith.index_cast %add3A_723 : i32 to index
        %get3A_737 = arith.index_cast %add3A_735 : i32 to index
        %get3A_738 = tpu.vector_load %arg15[%get3A_736, %get3A_737] {strides = array<i32>} : memref<336x128xf32, #tpu.memory_space<vmem>>, vector<16xf32>,
        %mul3A_739 = arith.mulf %neg3A_596, %get3A_738 : vector<16xf32>
        %add3A_740 = arith.addf %mul3A_733, %mul3A_739 : vector<16xf32>
        %add3A_741 = arith.constant 32 : i32
        %add3A_742 = arith.addi %mul3A_729, %add3A_741 : i32
        %get3A_743 = arith.index_cast %add3A_723 : i32 to index
        %get3A_744 = arith.index_cast %add3A_742 : i32 to index
        %get3A_745 = tpu.vector_load %arg15[%get3A_743, %get3A_744] {strides = array<i32>} : memref<336x128xf32, #tpu.memory_space<vmem>>, vector<16xf32>,
        %mul3A_746 = arith.mulf %neg3A_599, %get3A_745 : vector<16xf32>
        %add3A_747 = arith.addf %add3A_740, %mul3A_746 : vector<16xf32>
        %add3A_748 = arith.constant 48 : i32
        %add3A_749 = arith.addi %mul3A_729, %add3A_748 : i32
        %get3A_750 = arith.index_cast %add3A_723 : i32 to index
        %get3A_751 = arith.index_cast %add3A_749 : i32 to index
        %get3A_752 = tpu.vector_load %arg15[%get3A_750, %get3A_751] {strides = array<i32>} : memref<336x128xf32, #tpu.memory_space<vmem>>, vector<16xf32>,
        %mul3A_753 = arith.mulf %neg3A_602, %get3A_752 : vector<16xf32>
        %add3A_754 = arith.addf %add3A_747, %mul3A_753 : vector<16xf32>
        %mul3A_755 = arith.constant 17 : i32
        %mul3A_756 = arith.muli %add3A_723, %mul3A_755 : i32
        %swap3A_757 = arith.index_cast %mul3A_756 : i32 to index
        %swap3A_758 = tpu.vector_load %arg17[%swap3A_757] {strides = array<i32>} : memref<5712xf32, #tpu.memory_space<vmem>>, vector<16xf32>,
        tpu.vector_store %arg17[%swap3A_757], %add3A_754 {strides = array<i32>} : memref<5712xf32, #tpu.memory_space<vmem>>, vector<16xf32>,
        %mul3A_759 = arith.constant 21 : i32
        %mul3A_760 = arith.muli %scan3A_550, %mul3A_759 : i32
        %add3A_761 = arith.constant 4 : i32
        %add3A_762 = arith.addi %mul3A_760, %add3A_761 : i32
        %slice3A_763 = vector.extract_strided_slice %get3A_566 {offsets = [4], sizes = [1], strides = [1]} : vector<16xi32> to vector<1xi32>
        %squeeze3A_764 = vector.extract %slice3A_763[0] : i32 from vector<1xi32>
        %and3A_765 = arith.constant 1 : i32
        %and3A_766 = arith.andi %squeeze3A_764, %and3A_765 : i32
        %mul3A_767 = arith.constant 64 : i32
        %mul3A_768 = arith.muli %and3A_766, %mul3A_767 : i32
        %get3A_769 = arith.index_cast %add3A_762 : i32 to index
        %get3A_770 = arith.index_cast %mul3A_768 : i32 to index
        %get3A_771 = tpu.vector_load %arg15[%get3A_769, %get3A_770] {strides = array<i32>} : memref<336x128xf32, #tpu.memory_space<vmem>>, vector<16xf32>,
        %mul3A_772 = arith.mulf %neg3A_593, %get3A_771 : vector<16xf32>
        %add3A_773 = arith.constant 16 : i32
        %add3A_774 = arith.addi %mul3A_768, %add3A_773 : i32
        %get3A_775 = arith.index_cast %add3A_762 : i32 to index
        %get3A_776 = arith.index_cast %add3A_774 : i32 to index
        %get3A_777 = tpu.vector_load %arg15[%get3A_775, %get3A_776] {strides = array<i32>} : memref<336x128xf32, #tpu.memory_space<vmem>>, vector<16xf32>,
        %mul3A_778 = arith.mulf %neg3A_596, %get3A_777 : vector<16xf32>
        %add3A_779 = arith.addf %mul3A_772, %mul3A_778 : vector<16xf32>
        %add3A_780 = arith.constant 32 : i32
        %add3A_781 = arith.addi %mul3A_768, %add3A_780 : i32
        %get3A_782 = arith.index_cast %add3A_762 : i32 to index
        %get3A_783 = arith.index_cast %add3A_781 : i32 to index
        %get3A_784 = tpu.vector_load %arg15[%get3A_782, %get3A_783] {strides = array<i32>} : memref<336x128xf32, #tpu.memory_space<vmem>>, vector<16xf32>,
        %mul3A_785 = arith.mulf %neg3A_599, %get3A_784 : vector<16xf32>
        %add3A_786 = arith.addf %add3A_779, %mul3A_785 : vector<16xf32>
        %add3A_787 = arith.constant 48 : i32
        %add3A_788 = arith.addi %mul3A_768, %add3A_787 : i32
        %get3A_789 = arith.index_cast %add3A_762 : i32 to index
        %get3A_790 = arith.index_cast %add3A_788 : i32 to index
        %get3A_791 = tpu.vector_load %arg15[%get3A_789, %get3A_790] {strides = array<i32>} : memref<336x128xf32, #tpu.memory_space<vmem>>, vector<16xf32>,
        %mul3A_792 = arith.mulf %neg3A_602, %get3A_791 : vector<16xf32>
        %add3A_793 = arith.addf %add3A_786, %mul3A_792 : vector<16xf32>
        %mul3A_794 = arith.constant 17 : i32
        %mul3A_795 = arith.muli %add3A_762, %mul3A_794 : i32
        %swap3A_796 = arith.index_cast %mul3A_795 : i32 to index
        %swap3A_797 = tpu.vector_load %arg17[%swap3A_796] {strides = array<i32>} : memref<5712xf32, #tpu.memory_space<vmem>>, vector<16xf32>,
        tpu.vector_store %arg17[%swap3A_796], %add3A_793 {strides = array<i32>} : memref<5712xf32, #tpu.memory_space<vmem>>, vector<16xf32>,
        %mul3A_798 = arith.constant 21 : i32
        %mul3A_799 = arith.muli %scan3A_550, %mul3A_798 : i32
        %add3A_800 = arith.constant 5 : i32
        %add3A_801 = arith.addi %mul3A_799, %add3A_800 : i32
        %slice3A_802 = vector.extract_strided_slice %get3A_566 {offsets = [5], sizes = [1], strides = [1]} : vector<16xi32> to vector<1xi32>
        %squeeze3A_803 = vector.extract %slice3A_802[0] : i32 from vector<1xi32>
        %and3A_804 = arith.constant 1 : i32
        %and3A_805 = arith.andi %squeeze3A_803, %and3A_804 : i32
        %mul3A_806 = arith.constant 64 : i32
        %mul3A_807 = arith.muli %and3A_805, %mul3A_806 : i32
        %get3A_808 = arith.index_cast %add3A_801 : i32 to index
        %get3A_809 = arith.index_cast %mul3A_807 : i32 to index
        %get3A_810 = tpu.vector_load %arg15[%get3A_808, %get3A_809] {strides = array<i32>} : memref<336x128xf32, #tpu.memory_space<vmem>>, vector<16xf32>,
        %mul3A_811 = arith.mulf %neg3A_593, %get3A_810 : vector<16xf32>
        %add3A_812 = arith.constant 16 : i32
        %add3A_813 = arith.addi %mul3A_807, %add3A_812 : i32
        %get3A_814 = arith.index_cast %add3A_801 : i32 to index
        %get3A_815 = arith.index_cast %add3A_813 : i32 to index
        %get3A_816 = tpu.vector_load %arg15[%get3A_814, %get3A_815] {strides = array<i32>} : memref<336x128xf32, #tpu.memory_space<vmem>>, vector<16xf32>,
        %mul3A_817 = arith.mulf %neg3A_596, %get3A_816 : vector<16xf32>
        %add3A_818 = arith.addf %mul3A_811, %mul3A_817 : vector<16xf32>
        %add3A_819 = arith.constant 32 : i32
        %add3A_820 = arith.addi %mul3A_807, %add3A_819 : i32
        %get3A_821 = arith.index_cast %add3A_801 : i32 to index
        %get3A_822 = arith.index_cast %add3A_820 : i32 to index
        %get3A_823 = tpu.vector_load %arg15[%get3A_821, %get3A_822] {strides = array<i32>} : memref<336x128xf32, #tpu.memory_space<vmem>>, vector<16xf32>,
        %mul3A_824 = arith.mulf %neg3A_599, %get3A_823 : vector<16xf32>
        %add3A_825 = arith.addf %add3A_818, %mul3A_824 : vector<16xf32>
        %add3A_826 = arith.constant 48 : i32
        %add3A_827 = arith.addi %mul3A_807, %add3A_826 : i32
        %get3A_828 = arith.index_cast %add3A_801 : i32 to index
        %get3A_829 = arith.index_cast %add3A_827 : i32 to index
        %get3A_830 = tpu.vector_load %arg15[%get3A_828, %get3A_829] {strides = array<i32>} : memref<336x128xf32, #tpu.memory_space<vmem>>, vector<16xf32>,
        %mul3A_831 = arith.mulf %neg3A_602, %get3A_830 : vector<16xf32>
        %add3A_832 = arith.addf %add3A_825, %mul3A_831 : vector<16xf32>
        %mul3A_833 = arith.constant 17 : i32
        %mul3A_834 = arith.muli %add3A_801, %mul3A_833 : i32
        %swap3A_835 = arith.index_cast %mul3A_834 : i32 to index
        %swap3A_836 = tpu.vector_load %arg17[%swap3A_835] {strides = array<i32>} : memref<5712xf32, #tpu.memory_space<vmem>>, vector<16xf32>,
        tpu.vector_store %arg17[%swap3A_835], %add3A_832 {strides = array<i32>} : memref<5712xf32, #tpu.memory_space<vmem>>, vector<16xf32>,
        %mul3A_837 = arith.constant 21 : i32
        %mul3A_838 = arith.muli %scan3A_550, %mul3A_837 : i32
        %add3A_839 = arith.constant 6 : i32
        %add3A_840 = arith.addi %mul3A_838, %add3A_839 : i32
        %slice3A_841 = vector.extract_strided_slice %get3A_566 {offsets = [6], sizes = [1], strides = [1]} : vector<16xi32> to vector<1xi32>
        %squeeze3A_842 = vector.extract %slice3A_841[0] : i32 from vector<1xi32>
        %and3A_843 = arith.constant 1 : i32
        %and3A_844 = arith.andi %squeeze3A_842, %and3A_843 : i32
        %mul3A_845 = arith.constant 64 : i32
        %mul3A_846 = arith.muli %and3A_844, %mul3A_845 : i32
        %get3A_847 = arith.index_cast %add3A_840 : i32 to index
        %get3A_848 = arith.index_cast %mul3A_846 : i32 to index
        %get3A_849 = tpu.vector_load %arg15[%get3A_847, %get3A_848] {strides = array<i32>} : memref<336x128xf32, #tpu.memory_space<vmem>>, vector<16xf32>,
        %mul3A_850 = arith.mulf %neg3A_593, %get3A_849 : vector<16xf32>
        %add3A_851 = arith.constant 16 : i32
        %add3A_852 = arith.addi %mul3A_846, %add3A_851 : i32
        %get3A_853 = arith.index_cast %add3A_840 : i32 to index
        %get3A_854 = arith.index_cast %add3A_852 : i32 to index
        %get3A_855 = tpu.vector_load %arg15[%get3A_853, %get3A_854] {strides = array<i32>} : memref<336x128xf32, #tpu.memory_space<vmem>>, vector<16xf32>,
        %mul3A_856 = arith.mulf %neg3A_596, %get3A_855 : vector<16xf32>
        %add3A_857 = arith.addf %mul3A_850, %mul3A_856 : vector<16xf32>
        %add3A_858 = arith.constant 32 : i32
        %add3A_859 = arith.addi %mul3A_846, %add3A_858 : i32
        %get3A_860 = arith.index_cast %add3A_840 : i32 to index
        %get3A_861 = arith.index_cast %add3A_859 : i32 to index
        %get3A_862 = tpu.vector_load %arg15[%get3A_860, %get3A_861] {strides = array<i32>} : memref<336x128xf32, #tpu.memory_space<vmem>>, vector<16xf32>,
        %mul3A_863 = arith.mulf %neg3A_599, %get3A_862 : vector<16xf32>
        %add3A_864 = arith.addf %add3A_857, %mul3A_863 : vector<16xf32>
        %add3A_865 = arith.constant 48 : i32
        %add3A_866 = arith.addi %mul3A_846, %add3A_865 : i32
        %get3A_867 = arith.index_cast %add3A_840 : i32 to index
        %get3A_868 = arith.index_cast %add3A_866 : i32 to index
        %get3A_869 = tpu.vector_load %arg15[%get3A_867, %get3A_868] {strides = array<i32>} : memref<336x128xf32, #tpu.memory_space<vmem>>, vector<16xf32>,
        %mul3A_870 = arith.mulf %neg3A_602, %get3A_869 : vector<16xf32>
        %add3A_871 = arith.addf %add3A_864, %mul3A_870 : vector<16xf32>
        %mul3A_872 = arith.constant 17 : i32
        %mul3A_873 = arith.muli %add3A_840, %mul3A_872 : i32
        %swap3A_874 = arith.index_cast %mul3A_873 : i32 to index
        %swap3A_875 = tpu.vector_load %arg17[%swap3A_874] {strides = array<i32>} : memref<5712xf32, #tpu.memory_space<vmem>>, vector<16xf32>,
        tpu.vector_store %arg17[%swap3A_874], %add3A_871 {strides = array<i32>} : memref<5712xf32, #tpu.memory_space<vmem>>, vector<16xf32>,
        %mul3A_876 = arith.constant 21 : i32
        %mul3A_877 = arith.muli %scan3A_550, %mul3A_876 : i32
        %add3A_878 = arith.constant 7 : i32
        %add3A_879 = arith.addi %mul3A_877, %add3A_878 : i32
        %slice3A_880 = vector.extract_strided_slice %get3A_566 {offsets = [7], sizes = [1], strides = [1]} : vector<16xi32> to vector<1xi32>
        %squeeze3A_881 = vector.extract %slice3A_880[0] : i32 from vector<1xi32>
        %and3A_882 = arith.constant 1 : i32
        %and3A_883 = arith.andi %squeeze3A_881, %and3A_882 : i32
        %mul3A_884 = arith.constant 64 : i32
        %mul3A_885 = arith.muli %and3A_883, %mul3A_884 : i32
        %get3A_886 = arith.index_cast %add3A_879 : i32 to index
        %get3A_887 = arith.index_cast %mul3A_885 : i32 to index
        %get3A_888 = tpu.vector_load %arg15[%get3A_886, %get3A_887] {strides = array<i32>} : memref<336x128xf32, #tpu.memory_space<vmem>>, vector<16xf32>,
        %mul3A_889 = arith.mulf %neg3A_593, %get3A_888 : vector<16xf32>
        %add3A_890 = arith.constant 16 : i32
        %add3A_891 = arith.addi %mul3A_885, %add3A_890 : i32
        %get3A_892 = arith.index_cast %add3A_879 : i32 to index
        %get3A_893 = arith.index_cast %add3A_891 : i32 to index
        %get3A_894 = tpu.vector_load %arg15[%get3A_892, %get3A_893] {strides = array<i32>} : memref<336x128xf32, #tpu.memory_space<vmem>>, vector<16xf32>,
        %mul3A_895 = arith.mulf %neg3A_596, %get3A_894 : vector<16xf32>
        %add3A_896 = arith.addf %mul3A_889, %mul3A_895 : vector<16xf32>
        %add3A_897 = arith.constant 32 : i32
        %add3A_898 = arith.addi %mul3A_885, %add3A_897 : i32
        %get3A_899 = arith.index_cast %add3A_879 : i32 to index
        %get3A_900 = arith.index_cast %add3A_898 : i32 to index
        %get3A_901 = tpu.vector_load %arg15[%get3A_899, %get3A_900] {strides = array<i32>} : memref<336x128xf32, #tpu.memory_space<vmem>>, vector<16xf32>,
        %mul3A_902 = arith.mulf %neg3A_599, %get3A_901 : vector<16xf32>
        %add3A_903 = arith.addf %add3A_896, %mul3A_902 : vector<16xf32>
        %add3A_904 = arith.constant 48 : i32
        %add3A_905 = arith.addi %mul3A_885, %add3A_904 : i32
        %get3A_906 = arith.index_cast %add3A_879 : i32 to index
        %get3A_907 = arith.index_cast %add3A_905 : i32 to index
        %get3A_908 = tpu.vector_load %arg15[%get3A_906, %get3A_907] {strides = array<i32>} : memref<336x128xf32, #tpu.memory_space<vmem>>, vector<16xf32>,
        %mul3A_909 = arith.mulf %neg3A_602, %get3A_908 : vector<16xf32>
        %add3A_910 = arith.addf %add3A_903, %mul3A_909 : vector<16xf32>
        %mul3A_911 = arith.constant 17 : i32
        %mul3A_912 = arith.muli %add3A_879, %mul3A_911 : i32
        %swap3A_913 = arith.index_cast %mul3A_912 : i32 to index
        %swap3A_914 = tpu.vector_load %arg17[%swap3A_913] {strides = array<i32>} : memref<5712xf32, #tpu.memory_space<vmem>>, vector<16xf32>,
        tpu.vector_store %arg17[%swap3A_913], %add3A_910 {strides = array<i32>} : memref<5712xf32, #tpu.memory_space<vmem>>, vector<16xf32>,
        %mul3A_915 = arith.constant 21 : i32
        %mul3A_916 = arith.muli %scan3A_550, %mul3A_915 : i32
        %add3A_917 = arith.constant 8 : i32
        %add3A_918 = arith.addi %mul3A_916, %add3A_917 : i32
        %slice3A_919 = vector.extract_strided_slice %get3A_566 {offsets = [8], sizes = [1], strides = [1]} : vector<16xi32> to vector<1xi32>
        %squeeze3A_920 = vector.extract %slice3A_919[0] : i32 from vector<1xi32>
        %and3A_921 = arith.constant 1 : i32
        %and3A_922 = arith.andi %squeeze3A_920, %and3A_921 : i32
        %mul3A_923 = arith.constant 64 : i32
        %mul3A_924 = arith.muli %and3A_922, %mul3A_923 : i32
        %get3A_925 = arith.index_cast %add3A_918 : i32 to index
        %get3A_926 = arith.index_cast %mul3A_924 : i32 to index
        %get3A_927 = tpu.vector_load %arg15[%get3A_925, %get3A_926] {strides = array<i32>} : memref<336x128xf32, #tpu.memory_space<vmem>>, vector<16xf32>,
        %mul3A_928 = arith.mulf %neg3A_593, %get3A_927 : vector<16xf32>
        %add3A_929 = arith.constant 16 : i32
        %add3A_930 = arith.addi %mul3A_924, %add3A_929 : i32
        %get3A_931 = arith.index_cast %add3A_918 : i32 to index
        %get3A_932 = arith.index_cast %add3A_930 : i32 to index
        %get3A_933 = tpu.vector_load %arg15[%get3A_931, %get3A_932] {strides = array<i32>} : memref<336x128xf32, #tpu.memory_space<vmem>>, vector<16xf32>,
        %mul3A_934 = arith.mulf %neg3A_596, %get3A_933 : vector<16xf32>
        %add3A_935 = arith.addf %mul3A_928, %mul3A_934 : vector<16xf32>
        %add3A_936 = arith.constant 32 : i32
        %add3A_937 = arith.addi %mul3A_924, %add3A_936 : i32
        %get3A_938 = arith.index_cast %add3A_918 : i32 to index
        %get3A_939 = arith.index_cast %add3A_937 : i32 to index
        %get3A_940 = tpu.vector_load %arg15[%get3A_938, %get3A_939] {strides = array<i32>} : memref<336x128xf32, #tpu.memory_space<vmem>>, vector<16xf32>,
        %mul3A_941 = arith.mulf %neg3A_599, %get3A_940 : vector<16xf32>
        %add3A_942 = arith.addf %add3A_935, %mul3A_941 : vector<16xf32>
        %add3A_943 = arith.constant 48 : i32
        %add3A_944 = arith.addi %mul3A_924, %add3A_943 : i32
        %get3A_945 = arith.index_cast %add3A_918 : i32 to index
        %get3A_946 = arith.index_cast %add3A_944 : i32 to index
        %get3A_947 = tpu.vector_load %arg15[%get3A_945, %get3A_946] {strides = array<i32>} : memref<336x128xf32, #tpu.memory_space<vmem>>, vector<16xf32>,
        %mul3A_948 = arith.mulf %neg3A_602, %get3A_947 : vector<16xf32>
        %add3A_949 = arith.addf %add3A_942, %mul3A_948 : vector<16xf32>
        %mul3A_950 = arith.constant 17 : i32
        %mul3A_951 = arith.muli %add3A_918, %mul3A_950 : i32
        %swap3A_952 = arith.index_cast %mul3A_951 : i32 to index
        %swap3A_953 = tpu.vector_load %arg17[%swap3A_952] {strides = array<i32>} : memref<5712xf32, #tpu.memory_space<vmem>>, vector<16xf32>,
        tpu.vector_store %arg17[%swap3A_952], %add3A_949 {strides = array<i32>} : memref<5712xf32, #tpu.memory_space<vmem>>, vector<16xf32>,
        %mul3A_954 = arith.constant 21 : i32
        %mul3A_955 = arith.muli %scan3A_550, %mul3A_954 : i32
        %add3A_956 = arith.constant 9 : i32
        %add3A_957 = arith.addi %mul3A_955, %add3A_956 : i32
        %slice3A_958 = vector.extract_strided_slice %get3A_566 {offsets = [9], sizes = [1], strides = [1]} : vector<16xi32> to vector<1xi32>
        %squeeze3A_959 = vector.extract %slice3A_958[0] : i32 from vector<1xi32>
        %and3A_960 = arith.constant 1 : i32
        %and3A_961 = arith.andi %squeeze3A_959, %and3A_960 : i32
        %mul3A_962 = arith.constant 64 : i32
        %mul3A_963 = arith.muli %and3A_961, %mul3A_962 : i32
        %get3A_964 = arith.index_cast %add3A_957 : i32 to index
        %get3A_965 = arith.index_cast %mul3A_963 : i32 to index
        %get3A_966 = tpu.vector_load %arg15[%get3A_964, %get3A_965] {strides = array<i32>} : memref<336x128xf32, #tpu.memory_space<vmem>>, vector<16xf32>,
        %mul3A_967 = arith.mulf %neg3A_593, %get3A_966 : vector<16xf32>
        %add3A_968 = arith.constant 16 : i32
        %add3A_969 = arith.addi %mul3A_963, %add3A_968 : i32
        %get3A_970 = arith.index_cast %add3A_957 : i32 to index
        %get3A_971 = arith.index_cast %add3A_969 : i32 to index
        %get3A_972 = tpu.vector_load %arg15[%get3A_970, %get3A_971] {strides = array<i32>} : memref<336x128xf32, #tpu.memory_space<vmem>>, vector<16xf32>,
        %mul3A_973 = arith.mulf %neg3A_596, %get3A_972 : vector<16xf32>
        %add3A_974 = arith.addf %mul3A_967, %mul3A_973 : vector<16xf32>
        %add3A_975 = arith.constant 32 : i32
        %add3A_976 = arith.addi %mul3A_963, %add3A_975 : i32
        %get3A_977 = arith.index_cast %add3A_957 : i32 to index
        %get3A_978 = arith.index_cast %add3A_976 : i32 to index
        %get3A_979 = tpu.vector_load %arg15[%get3A_977, %get3A_978] {strides = array<i32>} : memref<336x128xf32, #tpu.memory_space<vmem>>, vector<16xf32>,
        %mul3A_980 = arith.mulf %neg3A_599, %get3A_979 : vector<16xf32>
        %add3A_981 = arith.addf %add3A_974, %mul3A_980 : vector<16xf32>
        %add3A_982 = arith.constant 48 : i32
        %add3A_983 = arith.addi %mul3A_963, %add3A_982 : i32
        %get3A_984 = arith.index_cast %add3A_957 : i32 to index
        %get3A_985 = arith.index_cast %add3A_983 : i32 to index
        %get3A_986 = tpu.vector_load %arg15[%get3A_984, %get3A_985] {strides = array<i32>} : memref<336x128xf32, #tpu.memory_space<vmem>>, vector<16xf32>,
        %mul3A_987 = arith.mulf %neg3A_602, %get3A_986 : vector<16xf32>
        %add3A_988 = arith.addf %add3A_981, %mul3A_987 : vector<16xf32>
        %mul3A_989 = arith.constant 17 : i32
        %mul3A_990 = arith.muli %add3A_957, %mul3A_989 : i32
        %swap3A_991 = arith.index_cast %mul3A_990 : i32 to index
        %swap3A_992 = tpu.vector_load %arg17[%swap3A_991] {strides = array<i32>} : memref<5712xf32, #tpu.memory_space<vmem>>, vector<16xf32>,
        tpu.vector_store %arg17[%swap3A_991], %add3A_988 {strides = array<i32>} : memref<5712xf32, #tpu.memory_space<vmem>>, vector<16xf32>,
        %mul3A_993 = arith.constant 21 : i32
        %mul3A_994 = arith.muli %scan3A_550, %mul3A_993 : i32
        %add3A_995 = arith.constant 10 : i32
        %add3A_996 = arith.addi %mul3A_994, %add3A_995 : i32
        %slice3A_997 = vector.extract_strided_slice %get3A_566 {offsets = [10], sizes = [1], strides = [1]} : vector<16xi32> to vector<1xi32>
        %squeeze3A_998 = vector.extract %slice3A_997[0] : i32 from vector<1xi32>
        %and3A_999 = arith.constant 1 : i32
        %and3A_1000 = arith.andi %squeeze3A_998, %and3A_999 : i32
        %mul3A_1001 = arith.constant 64 : i32
        %mul3A_1002 = arith.muli %and3A_1000, %mul3A_1001 : i32
        %get3A_1003 = arith.index_cast %add3A_996 : i32 to index
        %get3A_1004 = arith.index_cast %mul3A_1002 : i32 to index
        %get3A_1005 = tpu.vector_load %arg15[%get3A_1003, %get3A_1004] {strides = array<i32>} : memref<336x128xf32, #tpu.memory_space<vmem>>, vector<16xf32>,
        %mul3A_1006 = arith.mulf %neg3A_593, %get3A_1005 : vector<16xf32>
        %add3A_1007 = arith.constant 16 : i32
        %add3A_1008 = arith.addi %mul3A_1002, %add3A_1007 : i32
        %get3A_1009 = arith.index_cast %add3A_996 : i32 to index
        %get3A_1010 = arith.index_cast %add3A_1008 : i32 to index
        %get3A_1011 = tpu.vector_load %arg15[%get3A_1009, %get3A_1010] {strides = array<i32>} : memref<336x128xf32, #tpu.memory_space<vmem>>, vector<16xf32>,
        %mul3A_1012 = arith.mulf %neg3A_596, %get3A_1011 : vector<16xf32>
        %add3A_1013 = arith.addf %mul3A_1006, %mul3A_1012 : vector<16xf32>
        %add3A_1014 = arith.constant 32 : i32
        %add3A_1015 = arith.addi %mul3A_1002, %add3A_1014 : i32
        %get3A_1016 = arith.index_cast %add3A_996 : i32 to index
        %get3A_1017 = arith.index_cast %add3A_1015 : i32 to index
        %get3A_1018 = tpu.vector_load %arg15[%get3A_1016, %get3A_1017] {strides = array<i32>} : memref<336x128xf32, #tpu.memory_space<vmem>>, vector<16xf32>,
        %mul3A_1019 = arith.mulf %neg3A_599, %get3A_1018 : vector<16xf32>
        %add3A_1020 = arith.addf %add3A_1013, %mul3A_1019 : vector<16xf32>
        %add3A_1021 = arith.constant 48 : i32
        %add3A_1022 = arith.addi %mul3A_1002, %add3A_1021 : i32
        %get3A_1023 = arith.index_cast %add3A_996 : i32 to index
        %get3A_1024 = arith.index_cast %add3A_1022 : i32 to index
        %get3A_1025 = tpu.vector_load %arg15[%get3A_1023, %get3A_1024] {strides = array<i32>} : memref<336x128xf32, #tpu.memory_space<vmem>>, vector<16xf32>,
        %mul3A_1026 = arith.mulf %neg3A_602, %get3A_1025 : vector<16xf32>
        %add3A_1027 = arith.addf %add3A_1020, %mul3A_1026 : vector<16xf32>
        %mul3A_1028 = arith.constant 17 : i32
        %mul3A_1029 = arith.muli %add3A_996, %mul3A_1028 : i32
        %swap3A_1030 = arith.index_cast %mul3A_1029 : i32 to index
        %swap3A_1031 = tpu.vector_load %arg17[%swap3A_1030] {strides = array<i32>} : memref<5712xf32, #tpu.memory_space<vmem>>, vector<16xf32>,
        tpu.vector_store %arg17[%swap3A_1030], %add3A_1027 {strides = array<i32>} : memref<5712xf32, #tpu.memory_space<vmem>>, vector<16xf32>,
        %mul3A_1032 = arith.constant 21 : i32
        %mul3A_1033 = arith.muli %scan3A_550, %mul3A_1032 : i32
        %add3A_1034 = arith.constant 11 : i32
        %add3A_1035 = arith.addi %mul3A_1033, %add3A_1034 : i32
        %slice3A_1036 = vector.extract_strided_slice %get3A_566 {offsets = [11], sizes = [1], strides = [1]} : vector<16xi32> to vector<1xi32>
        %squeeze3A_1037 = vector.extract %slice3A_1036[0] : i32 from vector<1xi32>
        %and3A_1038 = arith.constant 1 : i32
        %and3A_1039 = arith.andi %squeeze3A_1037, %and3A_1038 : i32
        %mul3A_1040 = arith.constant 64 : i32
        %mul3A_1041 = arith.muli %and3A_1039, %mul3A_1040 : i32
        %get3A_1042 = arith.index_cast %add3A_1035 : i32 to index
        %get3A_1043 = arith.index_cast %mul3A_1041 : i32 to index
        %get3A_1044 = tpu.vector_load %arg15[%get3A_1042, %get3A_1043] {strides = array<i32>} : memref<336x128xf32, #tpu.memory_space<vmem>>, vector<16xf32>,
        %mul3A_1045 = arith.mulf %neg3A_593, %get3A_1044 : vector<16xf32>
        %add3A_1046 = arith.constant 16 : i32
        %add3A_1047 = arith.addi %mul3A_1041, %add3A_1046 : i32
        %get3A_1048 = arith.index_cast %add3A_1035 : i32 to index
        %get3A_1049 = arith.index_cast %add3A_1047 : i32 to index
        %get3A_1050 = tpu.vector_load %arg15[%get3A_1048, %get3A_1049] {strides = array<i32>} : memref<336x128xf32, #tpu.memory_space<vmem>>, vector<16xf32>,
        %mul3A_1051 = arith.mulf %neg3A_596, %get3A_1050 : vector<16xf32>
        %add3A_1052 = arith.addf %mul3A_1045, %mul3A_1051 : vector<16xf32>
        %add3A_1053 = arith.constant 32 : i32
        %add3A_1054 = arith.addi %mul3A_1041, %add3A_1053 : i32
        %get3A_1055 = arith.index_cast %add3A_1035 : i32 to index
        %get3A_1056 = arith.index_cast %add3A_1054 : i32 to index
        %get3A_1057 = tpu.vector_load %arg15[%get3A_1055, %get3A_1056] {strides = array<i32>} : memref<336x128xf32, #tpu.memory_space<vmem>>, vector<16xf32>,
        %mul3A_1058 = arith.mulf %neg3A_599, %get3A_1057 : vector<16xf32>
        %add3A_1059 = arith.addf %add3A_1052, %mul3A_1058 : vector<16xf32>
        %add3A_1060 = arith.constant 48 : i32
        %add3A_1061 = arith.addi %mul3A_1041, %add3A_1060 : i32
        %get3A_1062 = arith.index_cast %add3A_1035 : i32 to index
        %get3A_1063 = arith.index_cast %add3A_1061 : i32 to index
        %get3A_1064 = tpu.vector_load %arg15[%get3A_1062, %get3A_1063] {strides = array<i32>} : memref<336x128xf32, #tpu.memory_space<vmem>>, vector<16xf32>,
        %mul3A_1065 = arith.mulf %neg3A_602, %get3A_1064 : vector<16xf32>
        %add3A_1066 = arith.addf %add3A_1059, %mul3A_1065 : vector<16xf32>
        %mul3A_1067 = arith.constant 17 : i32
        %mul3A_1068 = arith.muli %add3A_1035, %mul3A_1067 : i32
        %swap3A_1069 = arith.index_cast %mul3A_1068 : i32 to index
        %swap3A_1070 = tpu.vector_load %arg17[%swap3A_1069] {strides = array<i32>} : memref<5712xf32, #tpu.memory_space<vmem>>, vector<16xf32>,
        tpu.vector_store %arg17[%swap3A_1069], %add3A_1066 {strides = array<i32>} : memref<5712xf32, #tpu.memory_space<vmem>>, vector<16xf32>,
        %mul3A_1071 = arith.constant 21 : i32
        %mul3A_1072 = arith.muli %scan3A_550, %mul3A_1071 : i32
        %add3A_1073 = arith.constant 12 : i32
        %add3A_1074 = arith.addi %mul3A_1072, %add3A_1073 : i32
        %slice3A_1075 = vector.extract_strided_slice %get3A_566 {offsets = [12], sizes = [1], strides = [1]} : vector<16xi32> to vector<1xi32>
        %squeeze3A_1076 = vector.extract %slice3A_1075[0] : i32 from vector<1xi32>
        %and3A_1077 = arith.constant 1 : i32
        %and3A_1078 = arith.andi %squeeze3A_1076, %and3A_1077 : i32
        %mul3A_1079 = arith.constant 64 : i32
        %mul3A_1080 = arith.muli %and3A_1078, %mul3A_1079 : i32
        %get3A_1081 = arith.index_cast %add3A_1074 : i32 to index
        %get3A_1082 = arith.index_cast %mul3A_1080 : i32 to index
        %get3A_1083 = tpu.vector_load %arg15[%get3A_1081, %get3A_1082] {strides = array<i32>} : memref<336x128xf32, #tpu.memory_space<vmem>>, vector<16xf32>,
        %mul3A_1084 = arith.mulf %neg3A_593, %get3A_1083 : vector<16xf32>
        %add3A_1085 = arith.constant 16 : i32
        %add3A_1086 = arith.addi %mul3A_1080, %add3A_1085 : i32
        %get3A_1087 = arith.index_cast %add3A_1074 : i32 to index
        %get3A_1088 = arith.index_cast %add3A_1086 : i32 to index
        %get3A_1089 = tpu.vector_load %arg15[%get3A_1087, %get3A_1088] {strides = array<i32>} : memref<336x128xf32, #tpu.memory_space<vmem>>, vector<16xf32>,
        %mul3A_1090 = arith.mulf %neg3A_596, %get3A_1089 : vector<16xf32>
        %add3A_1091 = arith.addf %mul3A_1084, %mul3A_1090 : vector<16xf32>
        %add3A_1092 = arith.constant 32 : i32
        %add3A_1093 = arith.addi %mul3A_1080, %add3A_1092 : i32
        %get3A_1094 = arith.index_cast %add3A_1074 : i32 to index
        %get3A_1095 = arith.index_cast %add3A_1093 : i32 to index
        %get3A_1096 = tpu.vector_load %arg15[%get3A_1094, %get3A_1095] {strides = array<i32>} : memref<336x128xf32, #tpu.memory_space<vmem>>, vector<16xf32>,
        %mul3A_1097 = arith.mulf %neg3A_599, %get3A_1096 : vector<16xf32>
        %add3A_1098 = arith.addf %add3A_1091, %mul3A_1097 : vector<16xf32>
        %add3A_1099 = arith.constant 48 : i32
        %add3A_1100 = arith.addi %mul3A_1080, %add3A_1099 : i32
        %get3A_1101 = arith.index_cast %add3A_1074 : i32 to index
        %get3A_1102 = arith.index_cast %add3A_1100 : i32 to index
        %get3A_1103 = tpu.vector_load %arg15[%get3A_1101, %get3A_1102] {strides = array<i32>} : memref<336x128xf32, #tpu.memory_space<vmem>>, vector<16xf32>,
        %mul3A_1104 = arith.mulf %neg3A_602, %get3A_1103 : vector<16xf32>
        %add3A_1105 = arith.addf %add3A_1098, %mul3A_1104 : vector<16xf32>
        %mul3A_1106 = arith.constant 17 : i32
        %mul3A_1107 = arith.muli %add3A_1074, %mul3A_1106 : i32
        %swap3A_1108 = arith.index_cast %mul3A_1107 : i32 to index
        %swap3A_1109 = tpu.vector_load %arg17[%swap3A_1108] {strides = array<i32>} : memref<5712xf32, #tpu.memory_space<vmem>>, vector<16xf32>,
        tpu.vector_store %arg17[%swap3A_1108], %add3A_1105 {strides = array<i32>} : memref<5712xf32, #tpu.memory_space<vmem>>, vector<16xf32>,
        %mul3A_1110 = arith.constant 21 : i32
        %mul3A_1111 = arith.muli %scan3A_550, %mul3A_1110 : i32
        %add3A_1112 = arith.constant 13 : i32
        %add3A_1113 = arith.addi %mul3A_1111, %add3A_1112 : i32
        %slice3A_1114 = vector.extract_strided_slice %get3A_566 {offsets = [13], sizes = [1], strides = [1]} : vector<16xi32> to vector<1xi32>
        %squeeze3A_1115 = vector.extract %slice3A_1114[0] : i32 from vector<1xi32>
        %and3A_1116 = arith.constant 1 : i32
        %and3A_1117 = arith.andi %squeeze3A_1115, %and3A_1116 : i32
        %mul3A_1118 = arith.constant 64 : i32
        %mul3A_1119 = arith.muli %and3A_1117, %mul3A_1118 : i32
        %get3A_1120 = arith.index_cast %add3A_1113 : i32 to index
        %get3A_1121 = arith.index_cast %mul3A_1119 : i32 to index
        %get3A_1122 = tpu.vector_load %arg15[%get3A_1120, %get3A_1121] {strides = array<i32>} : memref<336x128xf32, #tpu.memory_space<vmem>>, vector<16xf32>,
        %mul3A_1123 = arith.mulf %neg3A_593, %get3A_1122 : vector<16xf32>
        %add3A_1124 = arith.constant 16 : i32
        %add3A_1125 = arith.addi %mul3A_1119, %add3A_1124 : i32
        %get3A_1126 = arith.index_cast %add3A_1113 : i32 to index
        %get3A_1127 = arith.index_cast %add3A_1125 : i32 to index
        %get3A_1128 = tpu.vector_load %arg15[%get3A_1126, %get3A_1127] {strides = array<i32>} : memref<336x128xf32, #tpu.memory_space<vmem>>, vector<16xf32>,
        %mul3A_1129 = arith.mulf %neg3A_596, %get3A_1128 : vector<16xf32>
        %add3A_1130 = arith.addf %mul3A_1123, %mul3A_1129 : vector<16xf32>
        %add3A_1131 = arith.constant 32 : i32
        %add3A_1132 = arith.addi %mul3A_1119, %add3A_1131 : i32
        %get3A_1133 = arith.index_cast %add3A_1113 : i32 to index
        %get3A_1134 = arith.index_cast %add3A_1132 : i32 to index
        %get3A_1135 = tpu.vector_load %arg15[%get3A_1133, %get3A_1134] {strides = array<i32>} : memref<336x128xf32, #tpu.memory_space<vmem>>, vector<16xf32>,
        %mul3A_1136 = arith.mulf %neg3A_599, %get3A_1135 : vector<16xf32>
        %add3A_1137 = arith.addf %add3A_1130, %mul3A_1136 : vector<16xf32>
        %add3A_1138 = arith.constant 48 : i32
        %add3A_1139 = arith.addi %mul3A_1119, %add3A_1138 : i32
        %get3A_1140 = arith.index_cast %add3A_1113 : i32 to index
        %get3A_1141 = arith.index_cast %add3A_1139 : i32 to index
        %get3A_1142 = tpu.vector_load %arg15[%get3A_1140, %get3A_1141] {strides = array<i32>} : memref<336x128xf32, #tpu.memory_space<vmem>>, vector<16xf32>,
        %mul3A_1143 = arith.mulf %neg3A_602, %get3A_1142 : vector<16xf32>
        %add3A_1144 = arith.addf %add3A_1137, %mul3A_1143 : vector<16xf32>
        %mul3A_1145 = arith.constant 17 : i32
        %mul3A_1146 = arith.muli %add3A_1113, %mul3A_1145 : i32
        %swap3A_1147 = arith.index_cast %mul3A_1146 : i32 to index
        %swap3A_1148 = tpu.vector_load %arg17[%swap3A_1147] {strides = array<i32>} : memref<5712xf32, #tpu.memory_space<vmem>>, vector<16xf32>,
        tpu.vector_store %arg17[%swap3A_1147], %add3A_1144 {strides = array<i32>} : memref<5712xf32, #tpu.memory_space<vmem>>, vector<16xf32>,
        %mul3A_1149 = arith.constant 21 : i32
        %mul3A_1150 = arith.muli %scan3A_550, %mul3A_1149 : i32
        %add3A_1151 = arith.constant 14 : i32
        %add3A_1152 = arith.addi %mul3A_1150, %add3A_1151 : i32
        %slice3A_1153 = vector.extract_strided_slice %get3A_566 {offsets = [14], sizes = [1], strides = [1]} : vector<16xi32> to vector<1xi32>
        %squeeze3A_1154 = vector.extract %slice3A_1153[0] : i32 from vector<1xi32>
        %and3A_1155 = arith.constant 1 : i32
        %and3A_1156 = arith.andi %squeeze3A_1154, %and3A_1155 : i32
        %mul3A_1157 = arith.constant 64 : i32
        %mul3A_1158 = arith.muli %and3A_1156, %mul3A_1157 : i32
        %get3A_1159 = arith.index_cast %add3A_1152 : i32 to index
        %get3A_1160 = arith.index_cast %mul3A_1158 : i32 to index
        %get3A_1161 = tpu.vector_load %arg15[%get3A_1159, %get3A_1160] {strides = array<i32>} : memref<336x128xf32, #tpu.memory_space<vmem>>, vector<16xf32>,
        %mul3A_1162 = arith.mulf %neg3A_593, %get3A_1161 : vector<16xf32>
        %add3A_1163 = arith.constant 16 : i32
        %add3A_1164 = arith.addi %mul3A_1158, %add3A_1163 : i32
        %get3A_1165 = arith.index_cast %add3A_1152 : i32 to index
        %get3A_1166 = arith.index_cast %add3A_1164 : i32 to index
        %get3A_1167 = tpu.vector_load %arg15[%get3A_1165, %get3A_1166] {strides = array<i32>} : memref<336x128xf32, #tpu.memory_space<vmem>>, vector<16xf32>,
        %mul3A_1168 = arith.mulf %neg3A_596, %get3A_1167 : vector<16xf32>
        %add3A_1169 = arith.addf %mul3A_1162, %mul3A_1168 : vector<16xf32>
        %add3A_1170 = arith.constant 32 : i32
        %add3A_1171 = arith.addi %mul3A_1158, %add3A_1170 : i32
        %get3A_1172 = arith.index_cast %add3A_1152 : i32 to index
        %get3A_1173 = arith.index_cast %add3A_1171 : i32 to index
        %get3A_1174 = tpu.vector_load %arg15[%get3A_1172, %get3A_1173] {strides = array<i32>} : memref<336x128xf32, #tpu.memory_space<vmem>>, vector<16xf32>,
        %mul3A_1175 = arith.mulf %neg3A_599, %get3A_1174 : vector<16xf32>
        %add3A_1176 = arith.addf %add3A_1169, %mul3A_1175 : vector<16xf32>
        %add3A_1177 = arith.constant 48 : i32
        %add3A_1178 = arith.addi %mul3A_1158, %add3A_1177 : i32
        %get3A_1179 = arith.index_cast %add3A_1152 : i32 to index
        %get3A_1180 = arith.index_cast %add3A_1178 : i32 to index
        %get3A_1181 = tpu.vector_load %arg15[%get3A_1179, %get3A_1180] {strides = array<i32>} : memref<336x128xf32, #tpu.memory_space<vmem>>, vector<16xf32>,
        %mul3A_1182 = arith.mulf %neg3A_602, %get3A_1181 : vector<16xf32>
        %add3A_1183 = arith.addf %add3A_1176, %mul3A_1182 : vector<16xf32>
        %mul3A_1184 = arith.constant 17 : i32
        %mul3A_1185 = arith.muli %add3A_1152, %mul3A_1184 : i32
        %swap3A_1186 = arith.index_cast %mul3A_1185 : i32 to index
        %swap3A_1187 = tpu.vector_load %arg17[%swap3A_1186] {strides = array<i32>} : memref<5712xf32, #tpu.memory_space<vmem>>, vector<16xf32>,
        tpu.vector_store %arg17[%swap3A_1186], %add3A_1183 {strides = array<i32>} : memref<5712xf32, #tpu.memory_space<vmem>>, vector<16xf32>,
        %mul3A_1188 = arith.constant 21 : i32
        %mul3A_1189 = arith.muli %scan3A_550, %mul3A_1188 : i32
        %add3A_1190 = arith.constant 15 : i32
        %add3A_1191 = arith.addi %mul3A_1189, %add3A_1190 : i32
        %slice3A_1192 = vector.extract_strided_slice %get3A_566 {offsets = [15], sizes = [1], strides = [1]} : vector<16xi32> to vector<1xi32>
        %squeeze3A_1193 = vector.extract %slice3A_1192[0] : i32 from vector<1xi32>
        %and3A_1194 = arith.constant 1 : i32
        %and3A_1195 = arith.andi %squeeze3A_1193, %and3A_1194 : i32
        %mul3A_1196 = arith.constant 64 : i32
        %mul3A_1197 = arith.muli %and3A_1195, %mul3A_1196 : i32
        %get3A_1198 = arith.index_cast %add3A_1191 : i32 to index
        %get3A_1199 = arith.index_cast %mul3A_1197 : i32 to index
        %get3A_1200 = tpu.vector_load %arg15[%get3A_1198, %get3A_1199] {strides = array<i32>} : memref<336x128xf32, #tpu.memory_space<vmem>>, vector<16xf32>,
        %mul3A_1201 = arith.mulf %neg3A_593, %get3A_1200 : vector<16xf32>
        %add3A_1202 = arith.constant 16 : i32
        %add3A_1203 = arith.addi %mul3A_1197, %add3A_1202 : i32
        %get3A_1204 = arith.index_cast %add3A_1191 : i32 to index
        %get3A_1205 = arith.index_cast %add3A_1203 : i32 to index
        %get3A_1206 = tpu.vector_load %arg15[%get3A_1204, %get3A_1205] {strides = array<i32>} : memref<336x128xf32, #tpu.memory_space<vmem>>, vector<16xf32>,
        %mul3A_1207 = arith.mulf %neg3A_596, %get3A_1206 : vector<16xf32>
        %add3A_1208 = arith.addf %mul3A_1201, %mul3A_1207 : vector<16xf32>
        %add3A_1209 = arith.constant 32 : i32
        %add3A_1210 = arith.addi %mul3A_1197, %add3A_1209 : i32
        %get3A_1211 = arith.index_cast %add3A_1191 : i32 to index
        %get3A_1212 = arith.index_cast %add3A_1210 : i32 to index
        %get3A_1213 = tpu.vector_load %arg15[%get3A_1211, %get3A_1212] {strides = array<i32>} : memref<336x128xf32, #tpu.memory_space<vmem>>, vector<16xf32>,
        %mul3A_1214 = arith.mulf %neg3A_599, %get3A_1213 : vector<16xf32>
        %add3A_1215 = arith.addf %add3A_1208, %mul3A_1214 : vector<16xf32>
        %add3A_1216 = arith.constant 48 : i32
        %add3A_1217 = arith.addi %mul3A_1197, %add3A_1216 : i32
        %get3A_1218 = arith.index_cast %add3A_1191 : i32 to index
        %get3A_1219 = arith.index_cast %add3A_1217 : i32 to index
        %get3A_1220 = tpu.vector_load %arg15[%get3A_1218, %get3A_1219] {strides = array<i32>} : memref<336x128xf32, #tpu.memory_space<vmem>>, vector<16xf32>,
        %mul3A_1221 = arith.mulf %neg3A_602, %get3A_1220 : vector<16xf32>
        %add3A_1222 = arith.addf %add3A_1215, %mul3A_1221 : vector<16xf32>
        %mul3A_1223 = arith.constant 17 : i32
        %mul3A_1224 = arith.muli %add3A_1191, %mul3A_1223 : i32
        %swap3A_1225 = arith.index_cast %mul3A_1224 : i32 to index
        %swap3A_1226 = tpu.vector_load %arg17[%swap3A_1225] {strides = array<i32>} : memref<5712xf32, #tpu.memory_space<vmem>>, vector<16xf32>,
        tpu.vector_store %arg17[%swap3A_1225], %add3A_1222 {strides = array<i32>} : memref<5712xf32, #tpu.memory_space<vmem>>, vector<16xf32>,
        %mul3A_1227 = arith.constant 21 : i32
        %mul3A_1228 = arith.muli %scan3A_550, %mul3A_1227 : i32
        %add3A_1229 = arith.constant 16 : i32
        %add3A_1230 = arith.addi %mul3A_1228, %add3A_1229 : i32
        %slice3A_1231 = vector.extract_strided_slice %get3A_571 {offsets = [11], sizes = [1], strides = [1]} : vector<16xi32> to vector<1xi32>
        %squeeze3A_1232 = vector.extract %slice3A_1231[0] : i32 from vector<1xi32>
        %and3A_1233 = arith.constant 1 : i32
        %and3A_1234 = arith.andi %squeeze3A_1232, %and3A_1233 : i32
        %mul3A_1235 = arith.constant 64 : i32
        %mul3A_1236 = arith.muli %and3A_1234, %mul3A_1235 : i32
        %get3A_1237 = arith.index_cast %add3A_1230 : i32 to index
        %get3A_1238 = arith.index_cast %mul3A_1236 : i32 to index
        %get3A_1239 = tpu.vector_load %arg15[%get3A_1237, %get3A_1238] {strides = array<i32>} : memref<336x128xf32, #tpu.memory_space<vmem>>, vector<16xf32>,
        %mul3A_1240 = arith.mulf %neg3A_593, %get3A_1239 : vector<16xf32>
        %add3A_1241 = arith.constant 16 : i32
        %add3A_1242 = arith.addi %mul3A_1236, %add3A_1241 : i32
        %get3A_1243 = arith.index_cast %add3A_1230 : i32 to index
        %get3A_1244 = arith.index_cast %add3A_1242 : i32 to index
        %get3A_1245 = tpu.vector_load %arg15[%get3A_1243, %get3A_1244] {strides = array<i32>} : memref<336x128xf32, #tpu.memory_space<vmem>>, vector<16xf32>,
        %mul3A_1246 = arith.mulf %neg3A_596, %get3A_1245 : vector<16xf32>
        %add3A_1247 = arith.addf %mul3A_1240, %mul3A_1246 : vector<16xf32>
        %add3A_1248 = arith.constant 32 : i32
        %add3A_1249 = arith.addi %mul3A_1236, %add3A_1248 : i32
        %get3A_1250 = arith.index_cast %add3A_1230 : i32 to index
        %get3A_1251 = arith.index_cast %add3A_1249 : i32 to index
        %get3A_1252 = tpu.vector_load %arg15[%get3A_1250, %get3A_1251] {strides = array<i32>} : memref<336x128xf32, #tpu.memory_space<vmem>>, vector<16xf32>,
        %mul3A_1253 = arith.mulf %neg3A_599, %get3A_1252 : vector<16xf32>
        %add3A_1254 = arith.addf %add3A_1247, %mul3A_1253 : vector<16xf32>
        %add3A_1255 = arith.constant 48 : i32
        %add3A_1256 = arith.addi %mul3A_1236, %add3A_1255 : i32
        %get3A_1257 = arith.index_cast %add3A_1230 : i32 to index
        %get3A_1258 = arith.index_cast %add3A_1256 : i32 to index
        %get3A_1259 = tpu.vector_load %arg15[%get3A_1257, %get3A_1258] {strides = array<i32>} : memref<336x128xf32, #tpu.memory_space<vmem>>, vector<16xf32>,
        %mul3A_1260 = arith.mulf %neg3A_602, %get3A_1259 : vector<16xf32>
        %add3A_1261 = arith.addf %add3A_1254, %mul3A_1260 : vector<16xf32>
        %mul3A_1262 = arith.constant 17 : i32
        %mul3A_1263 = arith.muli %add3A_1230, %mul3A_1262 : i32
        %swap3A_1264 = arith.index_cast %mul3A_1263 : i32 to index
        %swap3A_1265 = tpu.vector_load %arg17[%swap3A_1264] {strides = array<i32>} : memref<5712xf32, #tpu.memory_space<vmem>>, vector<16xf32>,
        tpu.vector_store %arg17[%swap3A_1264], %add3A_1261 {strides = array<i32>} : memref<5712xf32, #tpu.memory_space<vmem>>, vector<16xf32>,
        %mul3A_1266 = arith.constant 21 : i32
        %mul3A_1267 = arith.muli %scan3A_550, %mul3A_1266 : i32
        %add3A_1268 = arith.constant 17 : i32
        %add3A_1269 = arith.addi %mul3A_1267, %add3A_1268 : i32
        %slice3A_1270 = vector.extract_strided_slice %get3A_571 {offsets = [12], sizes = [1], strides = [1]} : vector<16xi32> to vector<1xi32>
        %squeeze3A_1271 = vector.extract %slice3A_1270[0] : i32 from vector<1xi32>
        %and3A_1272 = arith.constant 1 : i32
        %and3A_1273 = arith.andi %squeeze3A_1271, %and3A_1272 : i32
        %mul3A_1274 = arith.constant 64 : i32
        %mul3A_1275 = arith.muli %and3A_1273, %mul3A_1274 : i32
        %get3A_1276 = arith.index_cast %add3A_1269 : i32 to index
        %get3A_1277 = arith.index_cast %mul3A_1275 : i32 to index
        %get3A_1278 = tpu.vector_load %arg15[%get3A_1276, %get3A_1277] {strides = array<i32>} : memref<336x128xf32, #tpu.memory_space<vmem>>, vector<16xf32>,
        %mul3A_1279 = arith.mulf %neg3A_593, %get3A_1278 : vector<16xf32>
        %add3A_1280 = arith.constant 16 : i32
        %add3A_1281 = arith.addi %mul3A_1275, %add3A_1280 : i32
        %get3A_1282 = arith.index_cast %add3A_1269 : i32 to index
        %get3A_1283 = arith.index_cast %add3A_1281 : i32 to index
        %get3A_1284 = tpu.vector_load %arg15[%get3A_1282, %get3A_1283] {strides = array<i32>} : memref<336x128xf32, #tpu.memory_space<vmem>>, vector<16xf32>,
        %mul3A_1285 = arith.mulf %neg3A_596, %get3A_1284 : vector<16xf32>
        %add3A_1286 = arith.addf %mul3A_1279, %mul3A_1285 : vector<16xf32>
        %add3A_1287 = arith.constant 32 : i32
        %add3A_1288 = arith.addi %mul3A_1275, %add3A_1287 : i32
        %get3A_1289 = arith.index_cast %add3A_1269 : i32 to index
        %get3A_1290 = arith.index_cast %add3A_1288 : i32 to index
        %get3A_1291 = tpu.vector_load %arg15[%get3A_1289, %get3A_1290] {strides = array<i32>} : memref<336x128xf32, #tpu.memory_space<vmem>>, vector<16xf32>,
        %mul3A_1292 = arith.mulf %neg3A_599, %get3A_1291 : vector<16xf32>
        %add3A_1293 = arith.addf %add3A_1286, %mul3A_1292 : vector<16xf32>
        %add3A_1294 = arith.constant 48 : i32
        %add3A_1295 = arith.addi %mul3A_1275, %add3A_1294 : i32
        %get3A_1296 = arith.index_cast %add3A_1269 : i32 to index
        %get3A_1297 = arith.index_cast %add3A_1295 : i32 to index
        %get3A_1298 = tpu.vector_load %arg15[%get3A_1296, %get3A_1297] {strides = array<i32>} : memref<336x128xf32, #tpu.memory_space<vmem>>, vector<16xf32>,
        %mul3A_1299 = arith.mulf %neg3A_602, %get3A_1298 : vector<16xf32>
        %add3A_1300 = arith.addf %add3A_1293, %mul3A_1299 : vector<16xf32>
        %mul3A_1301 = arith.constant 17 : i32
        %mul3A_1302 = arith.muli %add3A_1269, %mul3A_1301 : i32
        %swap3A_1303 = arith.index_cast %mul3A_1302 : i32 to index
        %swap3A_1304 = tpu.vector_load %arg17[%swap3A_1303] {strides = array<i32>} : memref<5712xf32, #tpu.memory_space<vmem>>, vector<16xf32>,
        tpu.vector_store %arg17[%swap3A_1303], %add3A_1300 {strides = array<i32>} : memref<5712xf32, #tpu.memory_space<vmem>>, vector<16xf32>,
        %mul3A_1305 = arith.constant 21 : i32
        %mul3A_1306 = arith.muli %scan3A_550, %mul3A_1305 : i32
        %add3A_1307 = arith.constant 18 : i32
        %add3A_1308 = arith.addi %mul3A_1306, %add3A_1307 : i32
        %slice3A_1309 = vector.extract_strided_slice %get3A_571 {offsets = [13], sizes = [1], strides = [1]} : vector<16xi32> to vector<1xi32>
        %squeeze3A_1310 = vector.extract %slice3A_1309[0] : i32 from vector<1xi32>
        %and3A_1311 = arith.constant 1 : i32
        %and3A_1312 = arith.andi %squeeze3A_1310, %and3A_1311 : i32
        %mul3A_1313 = arith.constant 64 : i32
        %mul3A_1314 = arith.muli %and3A_1312, %mul3A_1313 : i32
        %get3A_1315 = arith.index_cast %add3A_1308 : i32 to index
        %get3A_1316 = arith.index_cast %mul3A_1314 : i32 to index
        %get3A_1317 = tpu.vector_load %arg15[%get3A_1315, %get3A_1316] {strides = array<i32>} : memref<336x128xf32, #tpu.memory_space<vmem>>, vector<16xf32>,
        %mul3A_1318 = arith.mulf %neg3A_593, %get3A_1317 : vector<16xf32>
        %add3A_1319 = arith.constant 16 : i32
        %add3A_1320 = arith.addi %mul3A_1314, %add3A_1319 : i32
        %get3A_1321 = arith.index_cast %add3A_1308 : i32 to index
        %get3A_1322 = arith.index_cast %add3A_1320 : i32 to index
        %get3A_1323 = tpu.vector_load %arg15[%get3A_1321, %get3A_1322] {strides = array<i32>} : memref<336x128xf32, #tpu.memory_space<vmem>>, vector<16xf32>,
        %mul3A_1324 = arith.mulf %neg3A_596, %get3A_1323 : vector<16xf32>
        %add3A_1325 = arith.addf %mul3A_1318, %mul3A_1324 : vector<16xf32>
        %add3A_1326 = arith.constant 32 : i32
        %add3A_1327 = arith.addi %mul3A_1314, %add3A_1326 : i32
        %get3A_1328 = arith.index_cast %add3A_1308 : i32 to index
        %get3A_1329 = arith.index_cast %add3A_1327 : i32 to index
        %get3A_1330 = tpu.vector_load %arg15[%get3A_1328, %get3A_1329] {strides = array<i32>} : memref<336x128xf32, #tpu.memory_space<vmem>>, vector<16xf32>,
        %mul3A_1331 = arith.mulf %neg3A_599, %get3A_1330 : vector<16xf32>
        %add3A_1332 = arith.addf %add3A_1325, %mul3A_1331 : vector<16xf32>
        %add3A_1333 = arith.constant 48 : i32
        %add3A_1334 = arith.addi %mul3A_1314, %add3A_1333 : i32
        %get3A_1335 = arith.index_cast %add3A_1308 : i32 to index
        %get3A_1336 = arith.index_cast %add3A_1334 : i32 to index
        %get3A_1337 = tpu.vector_load %arg15[%get3A_1335, %get3A_1336] {strides = array<i32>} : memref<336x128xf32, #tpu.memory_space<vmem>>, vector<16xf32>,
        %mul3A_1338 = arith.mulf %neg3A_602, %get3A_1337 : vector<16xf32>
        %add3A_1339 = arith.addf %add3A_1332, %mul3A_1338 : vector<16xf32>
        %mul3A_1340 = arith.constant 17 : i32
        %mul3A_1341 = arith.muli %add3A_1308, %mul3A_1340 : i32
        %swap3A_1342 = arith.index_cast %mul3A_1341 : i32 to index
        %swap3A_1343 = tpu.vector_load %arg17[%swap3A_1342] {strides = array<i32>} : memref<5712xf32, #tpu.memory_space<vmem>>, vector<16xf32>,
        tpu.vector_store %arg17[%swap3A_1342], %add3A_1339 {strides = array<i32>} : memref<5712xf32, #tpu.memory_space<vmem>>, vector<16xf32>,
        %mul3A_1344 = arith.constant 21 : i32
        %mul3A_1345 = arith.muli %scan3A_550, %mul3A_1344 : i32
        %add3A_1346 = arith.constant 19 : i32
        %add3A_1347 = arith.addi %mul3A_1345, %add3A_1346 : i32
        %slice3A_1348 = vector.extract_strided_slice %get3A_571 {offsets = [14], sizes = [1], strides = [1]} : vector<16xi32> to vector<1xi32>
        %squeeze3A_1349 = vector.extract %slice3A_1348[0] : i32 from vector<1xi32>
        %and3A_1350 = arith.constant 1 : i32
        %and3A_1351 = arith.andi %squeeze3A_1349, %and3A_1350 : i32
        %mul3A_1352 = arith.constant 64 : i32
        %mul3A_1353 = arith.muli %and3A_1351, %mul3A_1352 : i32
        %get3A_1354 = arith.index_cast %add3A_1347 : i32 to index
        %get3A_1355 = arith.index_cast %mul3A_1353 : i32 to index
        %get3A_1356 = tpu.vector_load %arg15[%get3A_1354, %get3A_1355] {strides = array<i32>} : memref<336x128xf32, #tpu.memory_space<vmem>>, vector<16xf32>,
        %mul3A_1357 = arith.mulf %neg3A_593, %get3A_1356 : vector<16xf32>
        %add3A_1358 = arith.constant 16 : i32
        %add3A_1359 = arith.addi %mul3A_1353, %add3A_1358 : i32
        %get3A_1360 = arith.index_cast %add3A_1347 : i32 to index
        %get3A_1361 = arith.index_cast %add3A_1359 : i32 to index
        %get3A_1362 = tpu.vector_load %arg15[%get3A_1360, %get3A_1361] {strides = array<i32>} : memref<336x128xf32, #tpu.memory_space<vmem>>, vector<16xf32>,
        %mul3A_1363 = arith.mulf %neg3A_596, %get3A_1362 : vector<16xf32>
        %add3A_1364 = arith.addf %mul3A_1357, %mul3A_1363 : vector<16xf32>
        %add3A_1365 = arith.constant 32 : i32
        %add3A_1366 = arith.addi %mul3A_1353, %add3A_1365 : i32
        %get3A_1367 = arith.index_cast %add3A_1347 : i32 to index
        %get3A_1368 = arith.index_cast %add3A_1366 : i32 to index
        %get3A_1369 = tpu.vector_load %arg15[%get3A_1367, %get3A_1368] {strides = array<i32>} : memref<336x128xf32, #tpu.memory_space<vmem>>, vector<16xf32>,
        %mul3A_1370 = arith.mulf %neg3A_599, %get3A_1369 : vector<16xf32>
        %add3A_1371 = arith.addf %add3A_1364, %mul3A_1370 : vector<16xf32>
        %add3A_1372 = arith.constant 48 : i32
        %add3A_1373 = arith.addi %mul3A_1353, %add3A_1372 : i32
        %get3A_1374 = arith.index_cast %add3A_1347 : i32 to index
        %get3A_1375 = arith.index_cast %add3A_1373 : i32 to index
        %get3A_1376 = tpu.vector_load %arg15[%get3A_1374, %get3A_1375] {strides = array<i32>} : memref<336x128xf32, #tpu.memory_space<vmem>>, vector<16xf32>,
        %mul3A_1377 = arith.mulf %neg3A_602, %get3A_1376 : vector<16xf32>
        %add3A_1378 = arith.addf %add3A_1371, %mul3A_1377 : vector<16xf32>
        %mul3A_1379 = arith.constant 17 : i32
        %mul3A_1380 = arith.muli %add3A_1347, %mul3A_1379 : i32
        %swap3A_1381 = arith.index_cast %mul3A_1380 : i32 to index
        %swap3A_1382 = tpu.vector_load %arg17[%swap3A_1381] {strides = array<i32>} : memref<5712xf32, #tpu.memory_space<vmem>>, vector<16xf32>,
        tpu.vector_store %arg17[%swap3A_1381], %add3A_1378 {strides = array<i32>} : memref<5712xf32, #tpu.memory_space<vmem>>, vector<16xf32>,
        %mul3A_1383 = arith.constant 21 : i32
        %mul3A_1384 = arith.muli %scan3A_550, %mul3A_1383 : i32
        %add3A_1385 = arith.constant 20 : i32
        %add3A_1386 = arith.addi %mul3A_1384, %add3A_1385 : i32
        %slice3A_1387 = vector.extract_strided_slice %get3A_571 {offsets = [15], sizes = [1], strides = [1]} : vector<16xi32> to vector<1xi32>
        %squeeze3A_1388 = vector.extract %slice3A_1387[0] : i32 from vector<1xi32>
        %and3A_1389 = arith.constant 1 : i32
        %and3A_1390 = arith.andi %squeeze3A_1388, %and3A_1389 : i32
        %mul3A_1391 = arith.constant 64 : i32
        %mul3A_1392 = arith.muli %and3A_1390, %mul3A_1391 : i32
        %get3A_1393 = arith.index_cast %add3A_1386 : i32 to index
        %get3A_1394 = arith.index_cast %mul3A_1392 : i32 to index
        %get3A_1395 = tpu.vector_load %arg15[%get3A_1393, %get3A_1394] {strides = array<i32>} : memref<336x128xf32, #tpu.memory_space<vmem>>, vector<16xf32>,
        %mul3A_1396 = arith.mulf %neg3A_593, %get3A_1395 : vector<16xf32>
        %add3A_1397 = arith.constant 16 : i32
        %add3A_1398 = arith.addi %mul3A_1392, %add3A_1397 : i32
        %get3A_1399 = arith.index_cast %add3A_1386 : i32 to index
        %get3A_1400 = arith.index_cast %add3A_1398 : i32 to index
        %get3A_1401 = tpu.vector_load %arg15[%get3A_1399, %get3A_1400] {strides = array<i32>} : memref<336x128xf32, #tpu.memory_space<vmem>>, vector<16xf32>,
        %mul3A_1402 = arith.mulf %neg3A_596, %get3A_1401 : vector<16xf32>
        %add3A_1403 = arith.addf %mul3A_1396, %mul3A_1402 : vector<16xf32>
        %add3A_1404 = arith.constant 32 : i32
        %add3A_1405 = arith.addi %mul3A_1392, %add3A_1404 : i32
        %get3A_1406 = arith.index_cast %add3A_1386 : i32 to index
        %get3A_1407 = arith.index_cast %add3A_1405 : i32 to index
        %get3A_1408 = tpu.vector_load %arg15[%get3A_1406, %get3A_1407] {strides = array<i32>} : memref<336x128xf32, #tpu.memory_space<vmem>>, vector<16xf32>,
        %mul3A_1409 = arith.mulf %neg3A_599, %get3A_1408 : vector<16xf32>
        %add3A_1410 = arith.addf %add3A_1403, %mul3A_1409 : vector<16xf32>
        %add3A_1411 = arith.constant 48 : i32
        %add3A_1412 = arith.addi %mul3A_1392, %add3A_1411 : i32
        %get3A_1413 = arith.index_cast %add3A_1386 : i32 to index
        %get3A_1414 = arith.index_cast %add3A_1412 : i32 to index
        %get3A_1415 = tpu.vector_load %arg15[%get3A_1413, %get3A_1414] {strides = array<i32>} : memref<336x128xf32, #tpu.memory_space<vmem>>, vector<16xf32>,
        %mul3A_1416 = arith.mulf %neg3A_602, %get3A_1415 : vector<16xf32>
        %add3A_1417 = arith.addf %add3A_1410, %mul3A_1416 : vector<16xf32>
        %mul3A_1418 = arith.constant 17 : i32
        %mul3A_1419 = arith.muli %add3A_1386, %mul3A_1418 : i32
        %swap3A_1420 = arith.index_cast %mul3A_1419 : i32 to index
        %swap3A_1421 = tpu.vector_load %arg17[%swap3A_1420] {strides = array<i32>} : memref<5712xf32, #tpu.memory_space<vmem>>, vector<16xf32>,
        tpu.vector_store %arg17[%swap3A_1420], %add3A_1417 {strides = array<i32>} : memref<5712xf32, #tpu.memory_space<vmem>>, vector<16xf32>,
        %scan3A_1422 = arith.constant 0 : i32
        scf.yield %scan3A_1422 : i32
      }
      %scan3A_497 = arith.constant 16 : i32
      %scan3A_498 = arith.constant 0 : i32
      %scan3A_499 = arith.constant 21 : i32
      %scan3A_500 = arith.addi %scan3A_498, %scan3A_499 : i32
      %scan3A_501 = arith.constant 1 : i32
      %scan3A_502 = scf.for %scan3A_550 = %scan3A_498 to %scan3A_500 step %scan3A_501 iter_args(%scan3A_551 = %scan3A_191) -> (vector<16xf32>)  : i32 {
        %mul3A_552 = arith.constant 16 : i32
        %mul3A_553 = arith.muli %scan3A_550, %mul3A_552 : i32
        %add3A_554 = vector.broadcast %mul3A_553 : i32 to vector<16xi32>
        %add3A_555 = arith.addi %add3A_554, %iota3A : vector<16xi32>
        %mul3A_556 = arith.constant 17 : i32
        %mul3A_557 = vector.broadcast %mul3A_556 : i32 to vector<16xi32>
        %mul3A_558 = arith.muli %add3A_555, %mul3A_557 : vector<16xi32>
        %gather3A = tpu.vector_load_idx %arg17[%mul3A_558] : memref<5712xf32, #tpu.memory_space<vmem>>[vector<16xi32>], vector<16xf32>,
        %add3A_559 = arith.constant 1 : i32
        %add3A_560 = vector.broadcast %add3A_559 : i32 to vector<16xi32>
        %add3A_561 = arith.addi %mul3A_558, %add3A_560 : vector<16xi32>
        %gather3A_562 = tpu.vector_load_idx %arg17[%add3A_561] : memref<5712xf32, #tpu.memory_space<vmem>>[vector<16xi32>], vector<16xf32>,
        %add3A_563 = arith.addf %gather3A, %gather3A_562 : vector<16xf32>
        %add3A_564 = arith.constant 2 : i32
        %add3A_565 = vector.broadcast %add3A_564 : i32 to vector<16xi32>
        %add3A_566 = arith.addi %mul3A_558, %add3A_565 : vector<16xi32>
        %gather3A_567 = tpu.vector_load_idx %arg17[%add3A_566] : memref<5712xf32, #tpu.memory_space<vmem>>[vector<16xi32>], vector<16xf32>,
        %add3A_568 = arith.addf %add3A_563, %gather3A_567 : vector<16xf32>
        %add3A_569 = arith.constant 3 : i32
        %add3A_570 = vector.broadcast %add3A_569 : i32 to vector<16xi32>
        %add3A_571 = arith.addi %mul3A_558, %add3A_570 : vector<16xi32>
        %gather3A_572 = tpu.vector_load_idx %arg17[%add3A_571] : memref<5712xf32, #tpu.memory_space<vmem>>[vector<16xi32>], vector<16xf32>,
        %add3A_573 = arith.addf %add3A_568, %gather3A_572 : vector<16xf32>
        %add3A_574 = arith.constant 4 : i32
        %add3A_575 = vector.broadcast %add3A_574 : i32 to vector<16xi32>
        %add3A_576 = arith.addi %mul3A_558, %add3A_575 : vector<16xi32>
        %gather3A_577 = tpu.vector_load_idx %arg17[%add3A_576] : memref<5712xf32, #tpu.memory_space<vmem>>[vector<16xi32>], vector<16xf32>,
        %add3A_578 = arith.addf %add3A_573, %gather3A_577 : vector<16xf32>
        %add3A_579 = arith.constant 5 : i32
        %add3A_580 = vector.broadcast %add3A_579 : i32 to vector<16xi32>
        %add3A_581 = arith.addi %mul3A_558, %add3A_580 : vector<16xi32>
        %gather3A_582 = tpu.vector_load_idx %arg17[%add3A_581] : memref<5712xf32, #tpu.memory_space<vmem>>[vector<16xi32>], vector<16xf32>,
        %add3A_583 = arith.addf %add3A_578, %gather3A_582 : vector<16xf32>
        %add3A_584 = arith.constant 6 : i32
        %add3A_585 = vector.broadcast %add3A_584 : i32 to vector<16xi32>
        %add3A_586 = arith.addi %mul3A_558, %add3A_585 : vector<16xi32>
        %gather3A_587 = tpu.vector_load_idx %arg17[%add3A_586] : memref<5712xf32, #tpu.memory_space<vmem>>[vector<16xi32>], vector<16xf32>,
        %add3A_588 = arith.addf %add3A_583, %gather3A_587 : vector<16xf32>
        %add3A_589 = arith.constant 7 : i32
        %add3A_590 = vector.broadcast %add3A_589 : i32 to vector<16xi32>
        %add3A_591 = arith.addi %mul3A_558, %add3A_590 : vector<16xi32>
        %gather3A_592 = tpu.vector_load_idx %arg17[%add3A_591] : memref<5712xf32, #tpu.memory_space<vmem>>[vector<16xi32>], vector<16xf32>,
        %add3A_593 = arith.addf %add3A_588, %gather3A_592 : vector<16xf32>
        %add3A_594 = arith.constant 8 : i32
        %add3A_595 = vector.broadcast %add3A_594 : i32 to vector<16xi32>
        %add3A_596 = arith.addi %mul3A_558, %add3A_595 : vector<16xi32>
        %gather3A_597 = tpu.vector_load_idx %arg17[%add3A_596] : memref<5712xf32, #tpu.memory_space<vmem>>[vector<16xi32>], vector<16xf32>,
        %add3A_598 = arith.addf %add3A_593, %gather3A_597 : vector<16xf32>
        %add3A_599 = arith.constant 9 : i32
        %add3A_600 = vector.broadcast %add3A_599 : i32 to vector<16xi32>
        %add3A_601 = arith.addi %mul3A_558, %add3A_600 : vector<16xi32>
        %gather3A_602 = tpu.vector_load_idx %arg17[%add3A_601] : memref<5712xf32, #tpu.memory_space<vmem>>[vector<16xi32>], vector<16xf32>,
        %add3A_603 = arith.addf %add3A_598, %gather3A_602 : vector<16xf32>
        %add3A_604 = arith.constant 10 : i32
        %add3A_605 = vector.broadcast %add3A_604 : i32 to vector<16xi32>
        %add3A_606 = arith.addi %mul3A_558, %add3A_605 : vector<16xi32>
        %gather3A_607 = tpu.vector_load_idx %arg17[%add3A_606] : memref<5712xf32, #tpu.memory_space<vmem>>[vector<16xi32>], vector<16xf32>,
        %add3A_608 = arith.addf %add3A_603, %gather3A_607 : vector<16xf32>
        %add3A_609 = arith.constant 11 : i32
        %add3A_610 = vector.broadcast %add3A_609 : i32 to vector<16xi32>
        %add3A_611 = arith.addi %mul3A_558, %add3A_610 : vector<16xi32>
        %gather3A_612 = tpu.vector_load_idx %arg17[%add3A_611] : memref<5712xf32, #tpu.memory_space<vmem>>[vector<16xi32>], vector<16xf32>,
        %add3A_613 = arith.addf %add3A_608, %gather3A_612 : vector<16xf32>
        %add3A_614 = arith.constant 12 : i32
        %add3A_615 = vector.broadcast %add3A_614 : i32 to vector<16xi32>
        %add3A_616 = arith.addi %mul3A_558, %add3A_615 : vector<16xi32>
        %gather3A_617 = tpu.vector_load_idx %arg17[%add3A_616] : memref<5712xf32, #tpu.memory_space<vmem>>[vector<16xi32>], vector<16xf32>,
        %add3A_618 = arith.addf %add3A_613, %gather3A_617 : vector<16xf32>
        %add3A_619 = arith.constant 13 : i32
        %add3A_620 = vector.broadcast %add3A_619 : i32 to vector<16xi32>
        %add3A_621 = arith.addi %mul3A_558, %add3A_620 : vector<16xi32>
        %gather3A_622 = tpu.vector_load_idx %arg17[%add3A_621] : memref<5712xf32, #tpu.memory_space<vmem>>[vector<16xi32>], vector<16xf32>,
        %add3A_623 = arith.addf %add3A_618, %gather3A_622 : vector<16xf32>
        %add3A_624 = arith.constant 14 : i32
        %add3A_625 = vector.broadcast %add3A_624 : i32 to vector<16xi32>
        %add3A_626 = arith.addi %mul3A_558, %add3A_625 : vector<16xi32>
        %gather3A_627 = tpu.vector_load_idx %arg17[%add3A_626] : memref<5712xf32, #tpu.memory_space<vmem>>[vector<16xi32>], vector<16xf32>,
        %add3A_628 = arith.addf %add3A_623, %gather3A_627 : vector<16xf32>
        %add3A_629 = arith.constant 15 : i32
        %add3A_630 = vector.broadcast %add3A_629 : i32 to vector<16xi32>
        %add3A_631 = arith.addi %mul3A_558, %add3A_630 : vector<16xi32>
        %gather3A_632 = tpu.vector_load_idx %arg17[%add3A_631] : memref<5712xf32, #tpu.memory_space<vmem>>[vector<16xi32>], vector<16xf32>,
        %add3A_633 = arith.addf %add3A_628, %gather3A_632 : vector<16xf32>
        %abs3A = math.absf %add3A_633 : vector<16xf32>
        %neg3A = arith.constant 0.000000e+00 : f32
        %neg3A_634 = vector.broadcast %neg3A : f32 to vector<16xf32>
        %neg3A_635 = arith.subf %neg3A_634, %abs3A : vector<16xf32>
        %exp3A = math.exp %neg3A_635 : vector<16xf32>
        %add3A_636 = arith.constant 2.000000e+00 : f32
        %add3A_637 = vector.broadcast %add3A_636 : f32 to vector<16xf32>
        %add3A_638 = arith.addf %exp3A, %add3A_637 : vector<16xf32>
        %div3A = arith.divf %exp3A, %add3A_638 : vector<16xf32>
        %mul3A_639 = arith.mulf %div3A, %div3A : vector<16xf32>
        %mul3A_640 = arith.constant 0.111111112 : f32
        %mul3A_641 = vector.broadcast %mul3A_640 : f32 to vector<16xf32>
        %mul3A_642 = arith.mulf %mul3A_639, %mul3A_641 : vector<16xf32>
        %add3A_643 = arith.constant 0.142857149 : f32
        %add3A_644 = vector.broadcast %add3A_643 : f32 to vector<16xf32>
        %add3A_645 = arith.addf %add3A_644, %mul3A_642 : vector<16xf32>
        %mul3A_646 = arith.mulf %mul3A_639, %add3A_645 : vector<16xf32>
        %add3A_647 = arith.constant 2.000000e-01 : f32
        %add3A_648 = vector.broadcast %add3A_647 : f32 to vector<16xf32>
        %add3A_649 = arith.addf %add3A_648, %mul3A_646 : vector<16xf32>
        %mul3A_650 = arith.mulf %mul3A_639, %add3A_649 : vector<16xf32>
        %add3A_651 = arith.constant 0.333333343 : f32
        %add3A_652 = vector.broadcast %add3A_651 : f32 to vector<16xf32>
        %add3A_653 = arith.addf %add3A_652, %mul3A_650 : vector<16xf32>
        %mul3A_654 = arith.mulf %mul3A_639, %add3A_653 : vector<16xf32>
        %add3A_655 = arith.constant 1.000000e+00 : f32
        %add3A_656 = vector.broadcast %add3A_655 : f32 to vector<16xf32>
        %add3A_657 = arith.addf %add3A_656, %mul3A_654 : vector<16xf32>
        %mul3A_658 = arith.constant 2.000000e+00 : f32
        %mul3A_659 = vector.broadcast %mul3A_658 : f32 to vector<16xf32>
        %mul3A_660 = arith.mulf %mul3A_659, %div3A : vector<16xf32>
        %mul3A_661 = arith.mulf %mul3A_660, %add3A_657 : vector<16xf32>
        %min3A = arith.constant 0.000000e+00 : f32
        %min3A_662 = vector.broadcast %min3A : f32 to vector<16xf32>
        %min3A_663 = arith.minimumf %add3A_633, %min3A_662 : vector<16xf32>
        %sub3A = arith.subf %min3A_663, %mul3A_661 : vector<16xf32>
        %add3A_664 = arith.addf %scan3A_551, %sub3A : vector<16xf32>
        scf.yield %add3A_664 : vector<16xf32>
      }
      %scan3A_503 = arith.constant 21 : i32
      %add3A_504 = arith.constant 2 : i32
      %add3A_505 = arith.addi %mul3A_193, %add3A_504 : i32
      %lt3A = arith.constant 32 : i32
      %lt3A_506 = arith.cmpi slt, %add3A_505, %lt3A : i32
      %convert_element_type3A = arith.extui %lt3A_506 : i1 to i32
      %cond3A = arith.constant 0 : i32
      %cond3A_507 = arith.cmpi ne, %convert_element_type3A, %cond3A : i32
      scf.if %cond3A_507 {
        %add3A_550 = arith.constant 2 : i32
        %add3A_551 = arith.addi %mul3A_193, %add3A_550 : i32
        %mul3A_552 = arith.constant 16 : i32
        %mul3A_553 = arith.muli %add3A_551, %mul3A_552 : i32
        %add3A_554 = arith.constant 0 : i32
        %add3A_555 = arith.addi %mul3A_553, %add3A_554 : i32
        %get3A_556 = arith.index_cast %add3A_555 : i32 to index
        %get3A_557 = tpu.vector_load %arg7[%get3A_556] {strides = array<i32>} : memref<528xi32, #tpu.memory_space<vmem>>, vector<16xi32>,
        %shift_right_logical3A_558 = arith.constant 1 : i32
        %shift_right_logical3A_559 = vector.broadcast %shift_right_logical3A_558 : i32 to vector<16xi32>
        %shift_right_logical3A_560 = arith.shrui %get3A_557, %shift_right_logical3A_559 : vector<16xi32>
        %swap3A_561 = arith.constant 0 : index
        %swap3A_562 = tpu.vector_load %arg9[%swap3A_561] {strides = array<i32>} : memref<16xi32, #tpu.memory_space<vmem>>, vector<16xi32>,
        tpu.vector_store %arg9[%swap3A_561], %shift_right_logical3A_560 {strides = array<i32>} : memref<16xi32, #tpu.memory_space<vmem>>, vector<16xi32>,
        %mul3A_563 = arith.constant 336 : i32
        %mul3A_564 = arith.muli %add3A_551, %mul3A_563 : i32
        %add3A_565 = arith.constant 0 : i32
        %add3A_566 = arith.addi %mul3A_564, %add3A_565 : i32
        %get3A_567 = arith.index_cast %add3A_566 : i32 to index
        %get3A_568 = tpu.vector_load %arg8[%get3A_567] {strides = array<i32>} : memref<10752xi32, #tpu.memory_space<vmem>>, vector<16xi32>,
        %shift_right_logical3A_569 = arith.constant 1 : i32
        %shift_right_logical3A_570 = vector.broadcast %shift_right_logical3A_569 : i32 to vector<16xi32>
        %shift_right_logical3A_571 = arith.shrui %get3A_568, %shift_right_logical3A_570 : vector<16xi32>
        %swap3A_572 = arith.constant 0 : index
        %swap3A_573 = tpu.vector_load %arg11[%swap3A_572] {strides = array<i32>} : memref<336xi32, #tpu.memory_space<vmem>>, vector<16xi32>,
        tpu.vector_store %arg11[%swap3A_572], %shift_right_logical3A_571 {strides = array<i32>} : memref<336xi32, #tpu.memory_space<vmem>>, vector<16xi32>,
        %mul3A_574 = arith.constant 336 : i32
        %mul3A_575 = arith.muli %add3A_551, %mul3A_574 : i32
        %add3A_576 = arith.constant 16 : i32
        %add3A_577 = arith.addi %mul3A_575, %add3A_576 : i32
        %get3A_578 = arith.index_cast %add3A_577 : i32 to index
        %get3A_579 = tpu.vector_load %arg8[%get3A_578] {strides = array<i32>} : memref<10752xi32, #tpu.memory_space<vmem>>, vector<16xi32>,
        %shift_right_logical3A_580 = arith.constant 1 : i32
        %shift_right_logical3A_581 = vector.broadcast %shift_right_logical3A_580 : i32 to vector<16xi32>
        %shift_right_logical3A_582 = arith.shrui %get3A_579, %shift_right_logical3A_581 : vector<16xi32>
        %swap3A_583 = arith.constant 16 : index
        %swap3A_584 = tpu.vector_load %arg11[%swap3A_583] {strides = array<i32>} : memref<336xi32, #tpu.memory_space<vmem>>, vector<16xi32>,
        tpu.vector_store %arg11[%swap3A_583], %shift_right_logical3A_582 {strides = array<i32>} : memref<336xi32, #tpu.memory_space<vmem>>, vector<16xi32>,
        %mul3A_585 = arith.constant 336 : i32
        %mul3A_586 = arith.muli %add3A_551, %mul3A_585 : i32
        %add3A_587 = arith.constant 32 : i32
        %add3A_588 = arith.addi %mul3A_586, %add3A_587 : i32
        %get3A_589 = arith.index_cast %add3A_588 : i32 to index
        %get3A_590 = tpu.vector_load %arg8[%get3A_589] {strides = array<i32>} : memref<10752xi32, #tpu.memory_space<vmem>>, vector<16xi32>,
        %shift_right_logical3A_591 = arith.constant 1 : i32
        %shift_right_logical3A_592 = vector.broadcast %shift_right_logical3A_591 : i32 to vector<16xi32>
        %shift_right_logical3A_593 = arith.shrui %get3A_590, %shift_right_logical3A_592 : vector<16xi32>
        %swap3A_594 = arith.constant 32 : index
        %swap3A_595 = tpu.vector_load %arg11[%swap3A_594] {strides = array<i32>} : memref<336xi32, #tpu.memory_space<vmem>>, vector<16xi32>,
        tpu.vector_store %arg11[%swap3A_594], %shift_right_logical3A_593 {strides = array<i32>} : memref<336xi32, #tpu.memory_space<vmem>>, vector<16xi32>,
        %mul3A_596 = arith.constant 336 : i32
        %mul3A_597 = arith.muli %add3A_551, %mul3A_596 : i32
        %add3A_598 = arith.constant 48 : i32
        %add3A_599 = arith.addi %mul3A_597, %add3A_598 : i32
        %get3A_600 = arith.index_cast %add3A_599 : i32 to index
        %get3A_601 = tpu.vector_load %arg8[%get3A_600] {strides = array<i32>} : memref<10752xi32, #tpu.memory_space<vmem>>, vector<16xi32>,
        %shift_right_logical3A_602 = arith.constant 1 : i32
        %shift_right_logical3A_603 = vector.broadcast %shift_right_logical3A_602 : i32 to vector<16xi32>
        %shift_right_logical3A_604 = arith.shrui %get3A_601, %shift_right_logical3A_603 : vector<16xi32>
        %swap3A_605 = arith.constant 48 : index
        %swap3A_606 = tpu.vector_load %arg11[%swap3A_605] {strides = array<i32>} : memref<336xi32, #tpu.memory_space<vmem>>, vector<16xi32>,
        tpu.vector_store %arg11[%swap3A_605], %shift_right_logical3A_604 {strides = array<i32>} : memref<336xi32, #tpu.memory_space<vmem>>, vector<16xi32>,
        %mul3A_607 = arith.constant 336 : i32
        %mul3A_608 = arith.muli %add3A_551, %mul3A_607 : i32
        %add3A_609 = arith.constant 64 : i32
        %add3A_610 = arith.addi %mul3A_608, %add3A_609 : i32
        %get3A_611 = arith.index_cast %add3A_610 : i32 to index
        %get3A_612 = tpu.vector_load %arg8[%get3A_611] {strides = array<i32>} : memref<10752xi32, #tpu.memory_space<vmem>>, vector<16xi32>,
        %shift_right_logical3A_613 = arith.constant 1 : i32
        %shift_right_logical3A_614 = vector.broadcast %shift_right_logical3A_613 : i32 to vector<16xi32>
        %shift_right_logical3A_615 = arith.shrui %get3A_612, %shift_right_logical3A_614 : vector<16xi32>
        %swap3A_616 = arith.constant 64 : index
        %swap3A_617 = tpu.vector_load %arg11[%swap3A_616] {strides = array<i32>} : memref<336xi32, #tpu.memory_space<vmem>>, vector<16xi32>,
        tpu.vector_store %arg11[%swap3A_616], %shift_right_logical3A_615 {strides = array<i32>} : memref<336xi32, #tpu.memory_space<vmem>>, vector<16xi32>,
        %mul3A_618 = arith.constant 336 : i32
        %mul3A_619 = arith.muli %add3A_551, %mul3A_618 : i32
        %add3A_620 = arith.constant 80 : i32
        %add3A_621 = arith.addi %mul3A_619, %add3A_620 : i32
        %get3A_622 = arith.index_cast %add3A_621 : i32 to index
        %get3A_623 = tpu.vector_load %arg8[%get3A_622] {strides = array<i32>} : memref<10752xi32, #tpu.memory_space<vmem>>, vector<16xi32>,
        %shift_right_logical3A_624 = arith.constant 1 : i32
        %shift_right_logical3A_625 = vector.broadcast %shift_right_logical3A_624 : i32 to vector<16xi32>
        %shift_right_logical3A_626 = arith.shrui %get3A_623, %shift_right_logical3A_625 : vector<16xi32>
        %swap3A_627 = arith.constant 80 : index
        %swap3A_628 = tpu.vector_load %arg11[%swap3A_627] {strides = array<i32>} : memref<336xi32, #tpu.memory_space<vmem>>, vector<16xi32>,
        tpu.vector_store %arg11[%swap3A_627], %shift_right_logical3A_626 {strides = array<i32>} : memref<336xi32, #tpu.memory_space<vmem>>, vector<16xi32>,
        %mul3A_629 = arith.constant 336 : i32
        %mul3A_630 = arith.muli %add3A_551, %mul3A_629 : i32
        %add3A_631 = arith.constant 96 : i32
        %add3A_632 = arith.addi %mul3A_630, %add3A_631 : i32
        %get3A_633 = arith.index_cast %add3A_632 : i32 to index
        %get3A_634 = tpu.vector_load %arg8[%get3A_633] {strides = array<i32>} : memref<10752xi32, #tpu.memory_space<vmem>>, vector<16xi32>,
        %shift_right_logical3A_635 = arith.constant 1 : i32
        %shift_right_logical3A_636 = vector.broadcast %shift_right_logical3A_635 : i32 to vector<16xi32>
        %shift_right_logical3A_637 = arith.shrui %get3A_634, %shift_right_logical3A_636 : vector<16xi32>
        %swap3A_638 = arith.constant 96 : index
        %swap3A_639 = tpu.vector_load %arg11[%swap3A_638] {strides = array<i32>} : memref<336xi32, #tpu.memory_space<vmem>>, vector<16xi32>,
        tpu.vector_store %arg11[%swap3A_638], %shift_right_logical3A_637 {strides = array<i32>} : memref<336xi32, #tpu.memory_space<vmem>>, vector<16xi32>,
        %mul3A_640 = arith.constant 336 : i32
        %mul3A_641 = arith.muli %add3A_551, %mul3A_640 : i32
        %add3A_642 = arith.constant 112 : i32
        %add3A_643 = arith.addi %mul3A_641, %add3A_642 : i32
        %get3A_644 = arith.index_cast %add3A_643 : i32 to index
        %get3A_645 = tpu.vector_load %arg8[%get3A_644] {strides = array<i32>} : memref<10752xi32, #tpu.memory_space<vmem>>, vector<16xi32>,
        %shift_right_logical3A_646 = arith.constant 1 : i32
        %shift_right_logical3A_647 = vector.broadcast %shift_right_logical3A_646 : i32 to vector<16xi32>
        %shift_right_logical3A_648 = arith.shrui %get3A_645, %shift_right_logical3A_647 : vector<16xi32>
        %swap3A_649 = arith.constant 112 : index
        %swap3A_650 = tpu.vector_load %arg11[%swap3A_649] {strides = array<i32>} : memref<336xi32, #tpu.memory_space<vmem>>, vector<16xi32>,
        tpu.vector_store %arg11[%swap3A_649], %shift_right_logical3A_648 {strides = array<i32>} : memref<336xi32, #tpu.memory_space<vmem>>, vector<16xi32>,
        %mul3A_651 = arith.constant 336 : i32
        %mul3A_652 = arith.muli %add3A_551, %mul3A_651 : i32
        %add3A_653 = arith.constant 128 : i32
        %add3A_654 = arith.addi %mul3A_652, %add3A_653 : i32
        %get3A_655 = arith.index_cast %add3A_654 : i32 to index
        %get3A_656 = tpu.vector_load %arg8[%get3A_655] {strides = array<i32>} : memref<10752xi32, #tpu.memory_space<vmem>>, vector<16xi32>,
        %shift_right_logical3A_657 = arith.constant 1 : i32
        %shift_right_logical3A_658 = vector.broadcast %shift_right_logical3A_657 : i32 to vector<16xi32>
        %shift_right_logical3A_659 = arith.shrui %get3A_656, %shift_right_logical3A_658 : vector<16xi32>
        %swap3A_660 = arith.constant 128 : index
        %swap3A_661 = tpu.vector_load %arg11[%swap3A_660] {strides = array<i32>} : memref<336xi32, #tpu.memory_space<vmem>>, vector<16xi32>,
        tpu.vector_store %arg11[%swap3A_660], %shift_right_logical3A_659 {strides = array<i32>} : memref<336xi32, #tpu.memory_space<vmem>>, vector<16xi32>,
        %mul3A_662 = arith.constant 336 : i32
        %mul3A_663 = arith.muli %add3A_551, %mul3A_662 : i32
        %add3A_664 = arith.constant 144 : i32
        %add3A_665 = arith.addi %mul3A_663, %add3A_664 : i32
        %get3A_666 = arith.index_cast %add3A_665 : i32 to index
        %get3A_667 = tpu.vector_load %arg8[%get3A_666] {strides = array<i32>} : memref<10752xi32, #tpu.memory_space<vmem>>, vector<16xi32>,
        %shift_right_logical3A_668 = arith.constant 1 : i32
        %shift_right_logical3A_669 = vector.broadcast %shift_right_logical3A_668 : i32 to vector<16xi32>
        %shift_right_logical3A_670 = arith.shrui %get3A_667, %shift_right_logical3A_669 : vector<16xi32>
        %swap3A_671 = arith.constant 144 : index
        %swap3A_672 = tpu.vector_load %arg11[%swap3A_671] {strides = array<i32>} : memref<336xi32, #tpu.memory_space<vmem>>, vector<16xi32>,
        tpu.vector_store %arg11[%swap3A_671], %shift_right_logical3A_670 {strides = array<i32>} : memref<336xi32, #tpu.memory_space<vmem>>, vector<16xi32>,
        %mul3A_673 = arith.constant 336 : i32
        %mul3A_674 = arith.muli %add3A_551, %mul3A_673 : i32
        %add3A_675 = arith.constant 160 : i32
        %add3A_676 = arith.addi %mul3A_674, %add3A_675 : i32
        %get3A_677 = arith.index_cast %add3A_676 : i32 to index
        %get3A_678 = tpu.vector_load %arg8[%get3A_677] {strides = array<i32>} : memref<10752xi32, #tpu.memory_space<vmem>>, vector<16xi32>,
        %shift_right_logical3A_679 = arith.constant 1 : i32
        %shift_right_logical3A_680 = vector.broadcast %shift_right_logical3A_679 : i32 to vector<16xi32>
        %shift_right_logical3A_681 = arith.shrui %get3A_678, %shift_right_logical3A_680 : vector<16xi32>
        %swap3A_682 = arith.constant 160 : index
        %swap3A_683 = tpu.vector_load %arg11[%swap3A_682] {strides = array<i32>} : memref<336xi32, #tpu.memory_space<vmem>>, vector<16xi32>,
        tpu.vector_store %arg11[%swap3A_682], %shift_right_logical3A_681 {strides = array<i32>} : memref<336xi32, #tpu.memory_space<vmem>>, vector<16xi32>,
        %mul3A_684 = arith.constant 336 : i32
        %mul3A_685 = arith.muli %add3A_551, %mul3A_684 : i32
        %add3A_686 = arith.constant 176 : i32
        %add3A_687 = arith.addi %mul3A_685, %add3A_686 : i32
        %get3A_688 = arith.index_cast %add3A_687 : i32 to index
        %get3A_689 = tpu.vector_load %arg8[%get3A_688] {strides = array<i32>} : memref<10752xi32, #tpu.memory_space<vmem>>, vector<16xi32>,
        %shift_right_logical3A_690 = arith.constant 1 : i32
        %shift_right_logical3A_691 = vector.broadcast %shift_right_logical3A_690 : i32 to vector<16xi32>
        %shift_right_logical3A_692 = arith.shrui %get3A_689, %shift_right_logical3A_691 : vector<16xi32>
        %swap3A_693 = arith.constant 176 : index
        %swap3A_694 = tpu.vector_load %arg11[%swap3A_693] {strides = array<i32>} : memref<336xi32, #tpu.memory_space<vmem>>, vector<16xi32>,
        tpu.vector_store %arg11[%swap3A_693], %shift_right_logical3A_692 {strides = array<i32>} : memref<336xi32, #tpu.memory_space<vmem>>, vector<16xi32>,
        %mul3A_695 = arith.constant 336 : i32
        %mul3A_696 = arith.muli %add3A_551, %mul3A_695 : i32
        %add3A_697 = arith.constant 192 : i32
        %add3A_698 = arith.addi %mul3A_696, %add3A_697 : i32
        %get3A_699 = arith.index_cast %add3A_698 : i32 to index
        %get3A_700 = tpu.vector_load %arg8[%get3A_699] {strides = array<i32>} : memref<10752xi32, #tpu.memory_space<vmem>>, vector<16xi32>,
        %shift_right_logical3A_701 = arith.constant 1 : i32
        %shift_right_logical3A_702 = vector.broadcast %shift_right_logical3A_701 : i32 to vector<16xi32>
        %shift_right_logical3A_703 = arith.shrui %get3A_700, %shift_right_logical3A_702 : vector<16xi32>
        %swap3A_704 = arith.constant 192 : index
        %swap3A_705 = tpu.vector_load %arg11[%swap3A_704] {strides = array<i32>} : memref<336xi32, #tpu.memory_space<vmem>>, vector<16xi32>,
        tpu.vector_store %arg11[%swap3A_704], %shift_right_logical3A_703 {strides = array<i32>} : memref<336xi32, #tpu.memory_space<vmem>>, vector<16xi32>,
        %mul3A_706 = arith.constant 336 : i32
        %mul3A_707 = arith.muli %add3A_551, %mul3A_706 : i32
        %add3A_708 = arith.constant 208 : i32
        %add3A_709 = arith.addi %mul3A_707, %add3A_708 : i32
        %get3A_710 = arith.index_cast %add3A_709 : i32 to index
        %get3A_711 = tpu.vector_load %arg8[%get3A_710] {strides = array<i32>} : memref<10752xi32, #tpu.memory_space<vmem>>, vector<16xi32>,
        %shift_right_logical3A_712 = arith.constant 1 : i32
        %shift_right_logical3A_713 = vector.broadcast %shift_right_logical3A_712 : i32 to vector<16xi32>
        %shift_right_logical3A_714 = arith.shrui %get3A_711, %shift_right_logical3A_713 : vector<16xi32>
        %swap3A_715 = arith.constant 208 : index
        %swap3A_716 = tpu.vector_load %arg11[%swap3A_715] {strides = array<i32>} : memref<336xi32, #tpu.memory_space<vmem>>, vector<16xi32>,
        tpu.vector_store %arg11[%swap3A_715], %shift_right_logical3A_714 {strides = array<i32>} : memref<336xi32, #tpu.memory_space<vmem>>, vector<16xi32>,
        %mul3A_717 = arith.constant 336 : i32
        %mul3A_718 = arith.muli %add3A_551, %mul3A_717 : i32
        %add3A_719 = arith.constant 224 : i32
        %add3A_720 = arith.addi %mul3A_718, %add3A_719 : i32
        %get3A_721 = arith.index_cast %add3A_720 : i32 to index
        %get3A_722 = tpu.vector_load %arg8[%get3A_721] {strides = array<i32>} : memref<10752xi32, #tpu.memory_space<vmem>>, vector<16xi32>,
        %shift_right_logical3A_723 = arith.constant 1 : i32
        %shift_right_logical3A_724 = vector.broadcast %shift_right_logical3A_723 : i32 to vector<16xi32>
        %shift_right_logical3A_725 = arith.shrui %get3A_722, %shift_right_logical3A_724 : vector<16xi32>
        %swap3A_726 = arith.constant 224 : index
        %swap3A_727 = tpu.vector_load %arg11[%swap3A_726] {strides = array<i32>} : memref<336xi32, #tpu.memory_space<vmem>>, vector<16xi32>,
        tpu.vector_store %arg11[%swap3A_726], %shift_right_logical3A_725 {strides = array<i32>} : memref<336xi32, #tpu.memory_space<vmem>>, vector<16xi32>,
        %mul3A_728 = arith.constant 336 : i32
        %mul3A_729 = arith.muli %add3A_551, %mul3A_728 : i32
        %add3A_730 = arith.constant 240 : i32
        %add3A_731 = arith.addi %mul3A_729, %add3A_730 : i32
        %get3A_732 = arith.index_cast %add3A_731 : i32 to index
        %get3A_733 = tpu.vector_load %arg8[%get3A_732] {strides = array<i32>} : memref<10752xi32, #tpu.memory_space<vmem>>, vector<16xi32>,
        %shift_right_logical3A_734 = arith.constant 1 : i32
        %shift_right_logical3A_735 = vector.broadcast %shift_right_logical3A_734 : i32 to vector<16xi32>
        %shift_right_logical3A_736 = arith.shrui %get3A_733, %shift_right_logical3A_735 : vector<16xi32>
        %swap3A_737 = arith.constant 240 : index
        %swap3A_738 = tpu.vector_load %arg11[%swap3A_737] {strides = array<i32>} : memref<336xi32, #tpu.memory_space<vmem>>, vector<16xi32>,
        tpu.vector_store %arg11[%swap3A_737], %shift_right_logical3A_736 {strides = array<i32>} : memref<336xi32, #tpu.memory_space<vmem>>, vector<16xi32>,
        %mul3A_739 = arith.constant 336 : i32
        %mul3A_740 = arith.muli %add3A_551, %mul3A_739 : i32
        %add3A_741 = arith.constant 256 : i32
        %add3A_742 = arith.addi %mul3A_740, %add3A_741 : i32
        %get3A_743 = arith.index_cast %add3A_742 : i32 to index
        %get3A_744 = tpu.vector_load %arg8[%get3A_743] {strides = array<i32>} : memref<10752xi32, #tpu.memory_space<vmem>>, vector<16xi32>,
        %shift_right_logical3A_745 = arith.constant 1 : i32
        %shift_right_logical3A_746 = vector.broadcast %shift_right_logical3A_745 : i32 to vector<16xi32>
        %shift_right_logical3A_747 = arith.shrui %get3A_744, %shift_right_logical3A_746 : vector<16xi32>
        %swap3A_748 = arith.constant 256 : index
        %swap3A_749 = tpu.vector_load %arg11[%swap3A_748] {strides = array<i32>} : memref<336xi32, #tpu.memory_space<vmem>>, vector<16xi32>,
        tpu.vector_store %arg11[%swap3A_748], %shift_right_logical3A_747 {strides = array<i32>} : memref<336xi32, #tpu.memory_space<vmem>>, vector<16xi32>,
        %mul3A_750 = arith.constant 336 : i32
        %mul3A_751 = arith.muli %add3A_551, %mul3A_750 : i32
        %add3A_752 = arith.constant 272 : i32
        %add3A_753 = arith.addi %mul3A_751, %add3A_752 : i32
        %get3A_754 = arith.index_cast %add3A_753 : i32 to index
        %get3A_755 = tpu.vector_load %arg8[%get3A_754] {strides = array<i32>} : memref<10752xi32, #tpu.memory_space<vmem>>, vector<16xi32>,
        %shift_right_logical3A_756 = arith.constant 1 : i32
        %shift_right_logical3A_757 = vector.broadcast %shift_right_logical3A_756 : i32 to vector<16xi32>
        %shift_right_logical3A_758 = arith.shrui %get3A_755, %shift_right_logical3A_757 : vector<16xi32>
        %swap3A_759 = arith.constant 272 : index
        %swap3A_760 = tpu.vector_load %arg11[%swap3A_759] {strides = array<i32>} : memref<336xi32, #tpu.memory_space<vmem>>, vector<16xi32>,
        tpu.vector_store %arg11[%swap3A_759], %shift_right_logical3A_758 {strides = array<i32>} : memref<336xi32, #tpu.memory_space<vmem>>, vector<16xi32>,
        %mul3A_761 = arith.constant 336 : i32
        %mul3A_762 = arith.muli %add3A_551, %mul3A_761 : i32
        %add3A_763 = arith.constant 288 : i32
        %add3A_764 = arith.addi %mul3A_762, %add3A_763 : i32
        %get3A_765 = arith.index_cast %add3A_764 : i32 to index
        %get3A_766 = tpu.vector_load %arg8[%get3A_765] {strides = array<i32>} : memref<10752xi32, #tpu.memory_space<vmem>>, vector<16xi32>,
        %shift_right_logical3A_767 = arith.constant 1 : i32
        %shift_right_logical3A_768 = vector.broadcast %shift_right_logical3A_767 : i32 to vector<16xi32>
        %shift_right_logical3A_769 = arith.shrui %get3A_766, %shift_right_logical3A_768 : vector<16xi32>
        %swap3A_770 = arith.constant 288 : index
        %swap3A_771 = tpu.vector_load %arg11[%swap3A_770] {strides = array<i32>} : memref<336xi32, #tpu.memory_space<vmem>>, vector<16xi32>,
        tpu.vector_store %arg11[%swap3A_770], %shift_right_logical3A_769 {strides = array<i32>} : memref<336xi32, #tpu.memory_space<vmem>>, vector<16xi32>,
        %mul3A_772 = arith.constant 336 : i32
        %mul3A_773 = arith.muli %add3A_551, %mul3A_772 : i32
        %add3A_774 = arith.constant 304 : i32
        %add3A_775 = arith.addi %mul3A_773, %add3A_774 : i32
        %get3A_776 = arith.index_cast %add3A_775 : i32 to index
        %get3A_777 = tpu.vector_load %arg8[%get3A_776] {strides = array<i32>} : memref<10752xi32, #tpu.memory_space<vmem>>, vector<16xi32>,
        %shift_right_logical3A_778 = arith.constant 1 : i32
        %shift_right_logical3A_779 = vector.broadcast %shift_right_logical3A_778 : i32 to vector<16xi32>
        %shift_right_logical3A_780 = arith.shrui %get3A_777, %shift_right_logical3A_779 : vector<16xi32>
        %swap3A_781 = arith.constant 304 : index
        %swap3A_782 = tpu.vector_load %arg11[%swap3A_781] {strides = array<i32>} : memref<336xi32, #tpu.memory_space<vmem>>, vector<16xi32>,
        tpu.vector_store %arg11[%swap3A_781], %shift_right_logical3A_780 {strides = array<i32>} : memref<336xi32, #tpu.memory_space<vmem>>, vector<16xi32>,
        %mul3A_783 = arith.constant 336 : i32
        %mul3A_784 = arith.muli %add3A_551, %mul3A_783 : i32
        %add3A_785 = arith.constant 320 : i32
        %add3A_786 = arith.addi %mul3A_784, %add3A_785 : i32
        %get3A_787 = arith.index_cast %add3A_786 : i32 to index
        %get3A_788 = tpu.vector_load %arg8[%get3A_787] {strides = array<i32>} : memref<10752xi32, #tpu.memory_space<vmem>>, vector<16xi32>,
        %shift_right_logical3A_789 = arith.constant 1 : i32
        %shift_right_logical3A_790 = vector.broadcast %shift_right_logical3A_789 : i32 to vector<16xi32>
        %shift_right_logical3A_791 = arith.shrui %get3A_788, %shift_right_logical3A_790 : vector<16xi32>
        %swap3A_792 = arith.constant 320 : index
        %swap3A_793 = tpu.vector_load %arg11[%swap3A_792] {strides = array<i32>} : memref<336xi32, #tpu.memory_space<vmem>>, vector<16xi32>,
        tpu.vector_store %arg11[%swap3A_792], %shift_right_logical3A_791 {strides = array<i32>} : memref<336xi32, #tpu.memory_space<vmem>>, vector<16xi32>,
        %dma_start3A_794 = arith.constant 0 : i32
        %dma_start3A_795 = arith.constant 0 : i32
        %dma_start3A_796 = tpu.memref_slice %arg4[%dma_start3A_794, %dma_start3A_795] : memref<500000x128xf32, #tpu.memory_space<hbm>> -> memref<500000x128xf32, #tpu.memory_space<hbm>>
        tpu.enqueue_indirect_dma source(%dma_start3A_796 : memref<500000x128xf32, #tpu.memory_space<hbm>>) target(%arg13 : memref<16x128xf32, #tpu.memory_space<vmem>>) offsets(%arg9 : memref<16xi32, #tpu.memory_space<vmem>>) semaphore(%arg19 : memref<!tpu.dma_semaphore, #tpu.memory_space<semaphore_mem>>)
        %dma_start3A_797 = arith.constant 0 : i32
        %dma_start3A_798 = arith.constant 0 : i32
        %dma_start3A_799 = tpu.memref_slice %arg15[%dma_start3A_797, %dma_start3A_798] : memref<336x128xf32, #tpu.memory_space<vmem>> -> memref<112x128xf32, #tpu.memory_space<vmem>>
        %dma_start3A_800 = arith.constant 0 : i32
        %dma_start3A_801 = tpu.memref_slice %arg11[%dma_start3A_800] : memref<336xi32, #tpu.memory_space<vmem>> -> memref<112xi32, #tpu.memory_space<vmem>>
        %dma_start3A_802 = arith.constant 0 : i32
        %dma_start3A_803 = arith.constant 0 : i32
        %dma_start3A_804 = tpu.memref_slice %arg5[%dma_start3A_802, %dma_start3A_803] : memref<500000x128xf32, #tpu.memory_space<hbm>> -> memref<500000x128xf32, #tpu.memory_space<hbm>>
        tpu.enqueue_indirect_dma source(%dma_start3A_804 : memref<500000x128xf32, #tpu.memory_space<hbm>>) target(%dma_start3A_799 : memref<112x128xf32, #tpu.memory_space<vmem>>) offsets(%dma_start3A_801 : memref<112xi32, #tpu.memory_space<vmem>>) semaphore(%arg19 : memref<!tpu.dma_semaphore, #tpu.memory_space<semaphore_mem>>)
        %dma_start3A_805 = arith.constant 112 : i32
        %dma_start3A_806 = arith.constant 0 : i32
        %dma_start3A_807 = tpu.memref_slice %arg15[%dma_start3A_805, %dma_start3A_806] : memref<336x128xf32, #tpu.memory_space<vmem>> -> memref<112x128xf32, #tpu.memory_space<vmem>>
        %dma_start3A_808 = arith.constant 112 : i32
        %dma_start3A_809 = tpu.memref_slice %arg11[%dma_start3A_808] : memref<336xi32, #tpu.memory_space<vmem>> -> memref<112xi32, #tpu.memory_space<vmem>>
        %dma_start3A_810 = arith.constant 0 : i32
        %dma_start3A_811 = arith.constant 0 : i32
        %dma_start3A_812 = tpu.memref_slice %arg5[%dma_start3A_810, %dma_start3A_811] : memref<500000x128xf32, #tpu.memory_space<hbm>> -> memref<500000x128xf32, #tpu.memory_space<hbm>>
        tpu.enqueue_indirect_dma source(%dma_start3A_812 : memref<500000x128xf32, #tpu.memory_space<hbm>>) target(%dma_start3A_807 : memref<112x128xf32, #tpu.memory_space<vmem>>) offsets(%dma_start3A_809 : memref<112xi32, #tpu.memory_space<vmem>>) semaphore(%arg19 : memref<!tpu.dma_semaphore, #tpu.memory_space<semaphore_mem>>)
        %dma_start3A_813 = arith.constant 224 : i32
        %dma_start3A_814 = arith.constant 0 : i32
        %dma_start3A_815 = tpu.memref_slice %arg15[%dma_start3A_813, %dma_start3A_814] : memref<336x128xf32, #tpu.memory_space<vmem>> -> memref<112x128xf32, #tpu.memory_space<vmem>>
        %dma_start3A_816 = arith.constant 224 : i32
        %dma_start3A_817 = tpu.memref_slice %arg11[%dma_start3A_816] : memref<336xi32, #tpu.memory_space<vmem>> -> memref<112xi32, #tpu.memory_space<vmem>>
        %dma_start3A_818 = arith.constant 0 : i32
        %dma_start3A_819 = arith.constant 0 : i32
        %dma_start3A_820 = tpu.memref_slice %arg5[%dma_start3A_818, %dma_start3A_819] : memref<500000x128xf32, #tpu.memory_space<hbm>> -> memref<500000x128xf32, #tpu.memory_space<hbm>>
        tpu.enqueue_indirect_dma source(%dma_start3A_820 : memref<500000x128xf32, #tpu.memory_space<hbm>>) target(%dma_start3A_815 : memref<112x128xf32, #tpu.memory_space<vmem>>) offsets(%dma_start3A_817 : memref<112xi32, #tpu.memory_space<vmem>>) semaphore(%arg19 : memref<!tpu.dma_semaphore, #tpu.memory_space<semaphore_mem>>)
      } else {
      }
      %dma_wait3A_508 = arith.constant 0 : i32
      %dma_wait3A_509 = arith.constant 0 : i32
      %dma_wait3A_510 = tpu.memref_slice %arg4[%dma_wait3A_508, %dma_wait3A_509] : memref<500000x128xf32, #tpu.memory_space<hbm>> -> memref<500000x128xf32, #tpu.memory_space<hbm>>
      tpu.wait_indirect_dma semaphore(%arg20 : memref<!tpu.dma_semaphore, #tpu.memory_space<semaphore_mem>>) src(%dma_wait3A_510 : memref<500000x128xf32, #tpu.memory_space<hbm>>) dst(%arg14 : memref<16x128xf32, #tpu.memory_space<vmem>>)
      %dma_wait3A_511 = arith.constant 0 : i32
      %dma_wait3A_512 = arith.constant 0 : i32
      %dma_wait3A_513 = tpu.memref_slice %arg16[%dma_wait3A_511, %dma_wait3A_512] : memref<336x128xf32, #tpu.memory_space<vmem>> -> memref<112x128xf32, #tpu.memory_space<vmem>>
      %dma_wait3A_514 = arith.constant 0 : i32
      %dma_wait3A_515 = tpu.memref_slice %arg12[%dma_wait3A_514] : memref<336xi32, #tpu.memory_space<vmem>> -> memref<112xi32, #tpu.memory_space<vmem>>
      %dma_wait3A_516 = arith.constant 0 : i32
      %dma_wait3A_517 = arith.constant 0 : i32
      %dma_wait3A_518 = tpu.memref_slice %arg5[%dma_wait3A_516, %dma_wait3A_517] : memref<500000x128xf32, #tpu.memory_space<hbm>> -> memref<500000x128xf32, #tpu.memory_space<hbm>>
      tpu.wait_indirect_dma semaphore(%arg20 : memref<!tpu.dma_semaphore, #tpu.memory_space<semaphore_mem>>) src(%dma_wait3A_518 : memref<500000x128xf32, #tpu.memory_space<hbm>>) dst(%dma_wait3A_513 : memref<112x128xf32, #tpu.memory_space<vmem>>)
      %dma_wait3A_519 = arith.constant 112 : i32
      %dma_wait3A_520 = arith.constant 0 : i32
      %dma_wait3A_521 = tpu.memref_slice %arg16[%dma_wait3A_519, %dma_wait3A_520] : memref<336x128xf32, #tpu.memory_space<vmem>> -> memref<112x128xf32, #tpu.memory_space<vmem>>
      %dma_wait3A_522 = arith.constant 112 : i32
      %dma_wait3A_523 = tpu.memref_slice %arg12[%dma_wait3A_522] : memref<336xi32, #tpu.memory_space<vmem>> -> memref<112xi32, #tpu.memory_space<vmem>>
      %dma_wait3A_524 = arith.constant 0 : i32
      %dma_wait3A_525 = arith.constant 0 : i32
      %dma_wait3A_526 = tpu.memref_slice %arg5[%dma_wait3A_524, %dma_wait3A_525] : memref<500000x128xf32, #tpu.memory_space<hbm>> -> memref<500000x128xf32, #tpu.memory_space<hbm>>
      tpu.wait_indirect_dma semaphore(%arg20 : memref<!tpu.dma_semaphore, #tpu.memory_space<semaphore_mem>>) src(%dma_wait3A_526 : memref<500000x128xf32, #tpu.memory_space<hbm>>) dst(%dma_wait3A_521 : memref<112x128xf32, #tpu.memory_space<vmem>>)
      %dma_wait3A_527 = arith.constant 224 : i32
      %dma_wait3A_528 = arith.constant 0 : i32
      %dma_wait3A_529 = tpu.memref_slice %arg16[%dma_wait3A_527, %dma_wait3A_528] : memref<336x128xf32, #tpu.memory_space<vmem>> -> memref<112x128xf32, #tpu.memory_space<vmem>>
      %dma_wait3A_530 = arith.constant 224 : i32
      %dma_wait3A_531 = tpu.memref_slice %arg12[%dma_wait3A_530] : memref<336xi32, #tpu.memory_space<vmem>> -> memref<112xi32, #tpu.memory_space<vmem>>
      %dma_wait3A_532 = arith.constant 0 : i32
      %dma_wait3A_533 = arith.constant 0 : i32
      %dma_wait3A_534 = tpu.memref_slice %arg5[%dma_wait3A_532, %dma_wait3A_533] : memref<500000x128xf32, #tpu.memory_space<hbm>> -> memref<500000x128xf32, #tpu.memory_space<hbm>>
      tpu.wait_indirect_dma semaphore(%arg20 : memref<!tpu.dma_semaphore, #tpu.memory_space<semaphore_mem>>) src(%dma_wait3A_534 : memref<500000x128xf32, #tpu.memory_space<hbm>>) dst(%dma_wait3A_529 : memref<112x128xf32, #tpu.memory_space<vmem>>)
      %add3A_535 = arith.constant 1 : i32
      %add3A_536 = arith.addi %mul3A_193, %add3A_535 : i32
      %scan3A_537 = arith.constant 0 : i32
      %scan3A_538 = arith.constant 0 : i32
      %scan3A_539 = arith.constant 16 : i32
      %scan3A_540 = arith.addi %scan3A_538, %scan3A_539 : i32
      %scan3A_541 = arith.constant 1 : i32
      %scan3A_542 = scf.for %scan3A_550 = %scan3A_538 to %scan3A_540 step %scan3A_541 iter_args(%scan3A_551 = %scan3A_537) -> (i32)  : i32 {
        %mul3A_552 = arith.constant 16 : i32
        %mul3A_553 = arith.muli %add3A_536, %mul3A_552 : i32
        %add3A_554 = arith.addi %mul3A_553, %scan3A_550 : i32
        %get3A_555 = arith.index_cast %add3A_554 : i32 to index
        %get3A_556 = tpu.vector_load %arg7[%get3A_555] {strides = array<i32>} : memref<528xi32, #tpu.memory_space<vmem>>, vector<16xi32>,
        %slice3A = vector.extract_strided_slice %get3A_556 {offsets = [0], sizes = [1], strides = [1]} : vector<16xi32> to vector<1xi32>
        %squeeze3A = vector.extract %slice3A[0] : i32 from vector<1xi32>
        %and3A = arith.constant 1 : i32
        %and3A_557 = arith.andi %squeeze3A, %and3A : i32
        %mul3A_558 = arith.constant 64 : i32
        %mul3A_559 = arith.muli %and3A_557, %mul3A_558 : i32
        %mul3A_560 = arith.constant 336 : i32
        %mul3A_561 = arith.muli %add3A_536, %mul3A_560 : i32
        %mul3A_562 = arith.constant 21 : i32
        %mul3A_563 = arith.muli %scan3A_550, %mul3A_562 : i32
        %add3A_564 = arith.addi %mul3A_561, %mul3A_563 : i32
        %get3A_565 = arith.index_cast %add3A_564 : i32 to index
        %get3A_566 = tpu.vector_load %arg8[%get3A_565] {strides = array<i32>} : memref<10752xi32, #tpu.memory_space<vmem>>, vector<16xi32>,
        %add3A_567 = arith.constant 21 : i32
        %add3A_568 = arith.addi %add3A_564, %add3A_567 : i32
        %sub3A = arith.constant 16 : i32
        %sub3A_569 = arith.subi %add3A_568, %sub3A : i32
        %get3A_570 = arith.index_cast %sub3A_569 : i32 to index
        %get3A_571 = tpu.vector_load %arg8[%get3A_570] {strides = array<i32>} : memref<10752xi32, #tpu.memory_space<vmem>>, vector<16xi32>,
        %add3A_572 = arith.constant 0 : i32
        %add3A_573 = arith.addi %mul3A_559, %add3A_572 : i32
        %get3A_574 = arith.index_cast %scan3A_550 : i32 to index
        %get3A_575 = arith.index_cast %add3A_573 : i32 to index
        %get3A_576 = tpu.vector_load %arg14[%get3A_574, %get3A_575] {strides = array<i32>} : memref<16x128xf32, #tpu.memory_space<vmem>>, vector<16xf32>,
        %add3A_577 = arith.constant 16 : i32
        %add3A_578 = arith.addi %mul3A_559, %add3A_577 : i32
        %get3A_579 = arith.index_cast %scan3A_550 : i32 to index
        %get3A_580 = arith.index_cast %add3A_578 : i32 to index
        %get3A_581 = tpu.vector_load %arg14[%get3A_579, %get3A_580] {strides = array<i32>} : memref<16x128xf32, #tpu.memory_space<vmem>>, vector<16xf32>,
        %add3A_582 = arith.constant 32 : i32
        %add3A_583 = arith.addi %mul3A_559, %add3A_582 : i32
        %get3A_584 = arith.index_cast %scan3A_550 : i32 to index
        %get3A_585 = arith.index_cast %add3A_583 : i32 to index
        %get3A_586 = tpu.vector_load %arg14[%get3A_584, %get3A_585] {strides = array<i32>} : memref<16x128xf32, #tpu.memory_space<vmem>>, vector<16xf32>,
        %add3A_587 = arith.constant 48 : i32
        %add3A_588 = arith.addi %mul3A_559, %add3A_587 : i32
        %get3A_589 = arith.index_cast %scan3A_550 : i32 to index
        %get3A_590 = arith.index_cast %add3A_588 : i32 to index
        %get3A_591 = tpu.vector_load %arg14[%get3A_589, %get3A_590] {strides = array<i32>} : memref<16x128xf32, #tpu.memory_space<vmem>>, vector<16xf32>,
        %neg3A = arith.constant 0.000000e+00 : f32
        %neg3A_592 = vector.broadcast %neg3A : f32 to vector<16xf32>
        %neg3A_593 = arith.subf %neg3A_592, %get3A_576 : vector<16xf32>
        %neg3A_594 = arith.constant 0.000000e+00 : f32
        %neg3A_595 = vector.broadcast %neg3A_594 : f32 to vector<16xf32>
        %neg3A_596 = arith.subf %neg3A_595, %get3A_581 : vector<16xf32>
        %neg3A_597 = arith.constant 0.000000e+00 : f32
        %neg3A_598 = vector.broadcast %neg3A_597 : f32 to vector<16xf32>
        %neg3A_599 = arith.subf %neg3A_598, %get3A_586 : vector<16xf32>
        %neg3A_600 = arith.constant 0.000000e+00 : f32
        %neg3A_601 = vector.broadcast %neg3A_600 : f32 to vector<16xf32>
        %neg3A_602 = arith.subf %neg3A_601, %get3A_591 : vector<16xf32>
        %mul3A_603 = arith.constant 21 : i32
        %mul3A_604 = arith.muli %scan3A_550, %mul3A_603 : i32
        %add3A_605 = arith.constant 0 : i32
        %add3A_606 = arith.addi %mul3A_604, %add3A_605 : i32
        %slice3A_607 = vector.extract_strided_slice %get3A_566 {offsets = [0], sizes = [1], strides = [1]} : vector<16xi32> to vector<1xi32>
        %squeeze3A_608 = vector.extract %slice3A_607[0] : i32 from vector<1xi32>
        %and3A_609 = arith.constant 1 : i32
        %and3A_610 = arith.andi %squeeze3A_608, %and3A_609 : i32
        %mul3A_611 = arith.constant 64 : i32
        %mul3A_612 = arith.muli %and3A_610, %mul3A_611 : i32
        %get3A_613 = arith.index_cast %add3A_606 : i32 to index
        %get3A_614 = arith.index_cast %mul3A_612 : i32 to index
        %get3A_615 = tpu.vector_load %arg16[%get3A_613, %get3A_614] {strides = array<i32>} : memref<336x128xf32, #tpu.memory_space<vmem>>, vector<16xf32>,
        %mul3A_616 = arith.mulf %get3A_576, %get3A_615 : vector<16xf32>
        %add3A_617 = arith.constant 16 : i32
        %add3A_618 = arith.addi %mul3A_612, %add3A_617 : i32
        %get3A_619 = arith.index_cast %add3A_606 : i32 to index
        %get3A_620 = arith.index_cast %add3A_618 : i32 to index
        %get3A_621 = tpu.vector_load %arg16[%get3A_619, %get3A_620] {strides = array<i32>} : memref<336x128xf32, #tpu.memory_space<vmem>>, vector<16xf32>,
        %mul3A_622 = arith.mulf %get3A_581, %get3A_621 : vector<16xf32>
        %add3A_623 = arith.addf %mul3A_616, %mul3A_622 : vector<16xf32>
        %add3A_624 = arith.constant 32 : i32
        %add3A_625 = arith.addi %mul3A_612, %add3A_624 : i32
        %get3A_626 = arith.index_cast %add3A_606 : i32 to index
        %get3A_627 = arith.index_cast %add3A_625 : i32 to index
        %get3A_628 = tpu.vector_load %arg16[%get3A_626, %get3A_627] {strides = array<i32>} : memref<336x128xf32, #tpu.memory_space<vmem>>, vector<16xf32>,
        %mul3A_629 = arith.mulf %get3A_586, %get3A_628 : vector<16xf32>
        %add3A_630 = arith.addf %add3A_623, %mul3A_629 : vector<16xf32>
        %add3A_631 = arith.constant 48 : i32
        %add3A_632 = arith.addi %mul3A_612, %add3A_631 : i32
        %get3A_633 = arith.index_cast %add3A_606 : i32 to index
        %get3A_634 = arith.index_cast %add3A_632 : i32 to index
        %get3A_635 = tpu.vector_load %arg16[%get3A_633, %get3A_634] {strides = array<i32>} : memref<336x128xf32, #tpu.memory_space<vmem>>, vector<16xf32>,
        %mul3A_636 = arith.mulf %get3A_591, %get3A_635 : vector<16xf32>
        %add3A_637 = arith.addf %add3A_630, %mul3A_636 : vector<16xf32>
        %mul3A_638 = arith.constant 17 : i32
        %mul3A_639 = arith.muli %add3A_606, %mul3A_638 : i32
        %swap3A_640 = arith.index_cast %mul3A_639 : i32 to index
        %swap3A_641 = tpu.vector_load %arg17[%swap3A_640] {strides = array<i32>} : memref<5712xf32, #tpu.memory_space<vmem>>, vector<16xf32>,
        tpu.vector_store %arg17[%swap3A_640], %add3A_637 {strides = array<i32>} : memref<5712xf32, #tpu.memory_space<vmem>>, vector<16xf32>,
        %mul3A_642 = arith.constant 21 : i32
        %mul3A_643 = arith.muli %scan3A_550, %mul3A_642 : i32
        %add3A_644 = arith.constant 1 : i32
        %add3A_645 = arith.addi %mul3A_643, %add3A_644 : i32
        %slice3A_646 = vector.extract_strided_slice %get3A_566 {offsets = [1], sizes = [1], strides = [1]} : vector<16xi32> to vector<1xi32>
        %squeeze3A_647 = vector.extract %slice3A_646[0] : i32 from vector<1xi32>
        %and3A_648 = arith.constant 1 : i32
        %and3A_649 = arith.andi %squeeze3A_647, %and3A_648 : i32
        %mul3A_650 = arith.constant 64 : i32
        %mul3A_651 = arith.muli %and3A_649, %mul3A_650 : i32
        %get3A_652 = arith.index_cast %add3A_645 : i32 to index
        %get3A_653 = arith.index_cast %mul3A_651 : i32 to index
        %get3A_654 = tpu.vector_load %arg16[%get3A_652, %get3A_653] {strides = array<i32>} : memref<336x128xf32, #tpu.memory_space<vmem>>, vector<16xf32>,
        %mul3A_655 = arith.mulf %neg3A_593, %get3A_654 : vector<16xf32>
        %add3A_656 = arith.constant 16 : i32
        %add3A_657 = arith.addi %mul3A_651, %add3A_656 : i32
        %get3A_658 = arith.index_cast %add3A_645 : i32 to index
        %get3A_659 = arith.index_cast %add3A_657 : i32 to index
        %get3A_660 = tpu.vector_load %arg16[%get3A_658, %get3A_659] {strides = array<i32>} : memref<336x128xf32, #tpu.memory_space<vmem>>, vector<16xf32>,
        %mul3A_661 = arith.mulf %neg3A_596, %get3A_660 : vector<16xf32>
        %add3A_662 = arith.addf %mul3A_655, %mul3A_661 : vector<16xf32>
        %add3A_663 = arith.constant 32 : i32
        %add3A_664 = arith.addi %mul3A_651, %add3A_663 : i32
        %get3A_665 = arith.index_cast %add3A_645 : i32 to index
        %get3A_666 = arith.index_cast %add3A_664 : i32 to index
        %get3A_667 = tpu.vector_load %arg16[%get3A_665, %get3A_666] {strides = array<i32>} : memref<336x128xf32, #tpu.memory_space<vmem>>, vector<16xf32>,
        %mul3A_668 = arith.mulf %neg3A_599, %get3A_667 : vector<16xf32>
        %add3A_669 = arith.addf %add3A_662, %mul3A_668 : vector<16xf32>
        %add3A_670 = arith.constant 48 : i32
        %add3A_671 = arith.addi %mul3A_651, %add3A_670 : i32
        %get3A_672 = arith.index_cast %add3A_645 : i32 to index
        %get3A_673 = arith.index_cast %add3A_671 : i32 to index
        %get3A_674 = tpu.vector_load %arg16[%get3A_672, %get3A_673] {strides = array<i32>} : memref<336x128xf32, #tpu.memory_space<vmem>>, vector<16xf32>,
        %mul3A_675 = arith.mulf %neg3A_602, %get3A_674 : vector<16xf32>
        %add3A_676 = arith.addf %add3A_669, %mul3A_675 : vector<16xf32>
        %mul3A_677 = arith.constant 17 : i32
        %mul3A_678 = arith.muli %add3A_645, %mul3A_677 : i32
        %swap3A_679 = arith.index_cast %mul3A_678 : i32 to index
        %swap3A_680 = tpu.vector_load %arg17[%swap3A_679] {strides = array<i32>} : memref<5712xf32, #tpu.memory_space<vmem>>, vector<16xf32>,
        tpu.vector_store %arg17[%swap3A_679], %add3A_676 {strides = array<i32>} : memref<5712xf32, #tpu.memory_space<vmem>>, vector<16xf32>,
        %mul3A_681 = arith.constant 21 : i32
        %mul3A_682 = arith.muli %scan3A_550, %mul3A_681 : i32
        %add3A_683 = arith.constant 2 : i32
        %add3A_684 = arith.addi %mul3A_682, %add3A_683 : i32
        %slice3A_685 = vector.extract_strided_slice %get3A_566 {offsets = [2], sizes = [1], strides = [1]} : vector<16xi32> to vector<1xi32>
        %squeeze3A_686 = vector.extract %slice3A_685[0] : i32 from vector<1xi32>
        %and3A_687 = arith.constant 1 : i32
        %and3A_688 = arith.andi %squeeze3A_686, %and3A_687 : i32
        %mul3A_689 = arith.constant 64 : i32
        %mul3A_690 = arith.muli %and3A_688, %mul3A_689 : i32
        %get3A_691 = arith.index_cast %add3A_684 : i32 to index
        %get3A_692 = arith.index_cast %mul3A_690 : i32 to index
        %get3A_693 = tpu.vector_load %arg16[%get3A_691, %get3A_692] {strides = array<i32>} : memref<336x128xf32, #tpu.memory_space<vmem>>, vector<16xf32>,
        %mul3A_694 = arith.mulf %neg3A_593, %get3A_693 : vector<16xf32>
        %add3A_695 = arith.constant 16 : i32
        %add3A_696 = arith.addi %mul3A_690, %add3A_695 : i32
        %get3A_697 = arith.index_cast %add3A_684 : i32 to index
        %get3A_698 = arith.index_cast %add3A_696 : i32 to index
        %get3A_699 = tpu.vector_load %arg16[%get3A_697, %get3A_698] {strides = array<i32>} : memref<336x128xf32, #tpu.memory_space<vmem>>, vector<16xf32>,
        %mul3A_700 = arith.mulf %neg3A_596, %get3A_699 : vector<16xf32>
        %add3A_701 = arith.addf %mul3A_694, %mul3A_700 : vector<16xf32>
        %add3A_702 = arith.constant 32 : i32
        %add3A_703 = arith.addi %mul3A_690, %add3A_702 : i32
        %get3A_704 = arith.index_cast %add3A_684 : i32 to index
        %get3A_705 = arith.index_cast %add3A_703 : i32 to index
        %get3A_706 = tpu.vector_load %arg16[%get3A_704, %get3A_705] {strides = array<i32>} : memref<336x128xf32, #tpu.memory_space<vmem>>, vector<16xf32>,
        %mul3A_707 = arith.mulf %neg3A_599, %get3A_706 : vector<16xf32>
        %add3A_708 = arith.addf %add3A_701, %mul3A_707 : vector<16xf32>
        %add3A_709 = arith.constant 48 : i32
        %add3A_710 = arith.addi %mul3A_690, %add3A_709 : i32
        %get3A_711 = arith.index_cast %add3A_684 : i32 to index
        %get3A_712 = arith.index_cast %add3A_710 : i32 to index
        %get3A_713 = tpu.vector_load %arg16[%get3A_711, %get3A_712] {strides = array<i32>} : memref<336x128xf32, #tpu.memory_space<vmem>>, vector<16xf32>,
        %mul3A_714 = arith.mulf %neg3A_602, %get3A_713 : vector<16xf32>
        %add3A_715 = arith.addf %add3A_708, %mul3A_714 : vector<16xf32>
        %mul3A_716 = arith.constant 17 : i32
        %mul3A_717 = arith.muli %add3A_684, %mul3A_716 : i32
        %swap3A_718 = arith.index_cast %mul3A_717 : i32 to index
        %swap3A_719 = tpu.vector_load %arg17[%swap3A_718] {strides = array<i32>} : memref<5712xf32, #tpu.memory_space<vmem>>, vector<16xf32>,
        tpu.vector_store %arg17[%swap3A_718], %add3A_715 {strides = array<i32>} : memref<5712xf32, #tpu.memory_space<vmem>>, vector<16xf32>,
        %mul3A_720 = arith.constant 21 : i32
        %mul3A_721 = arith.muli %scan3A_550, %mul3A_720 : i32
        %add3A_722 = arith.constant 3 : i32
        %add3A_723 = arith.addi %mul3A_721, %add3A_722 : i32
        %slice3A_724 = vector.extract_strided_slice %get3A_566 {offsets = [3], sizes = [1], strides = [1]} : vector<16xi32> to vector<1xi32>
        %squeeze3A_725 = vector.extract %slice3A_724[0] : i32 from vector<1xi32>
        %and3A_726 = arith.constant 1 : i32
        %and3A_727 = arith.andi %squeeze3A_725, %and3A_726 : i32
        %mul3A_728 = arith.constant 64 : i32
        %mul3A_729 = arith.muli %and3A_727, %mul3A_728 : i32
        %get3A_730 = arith.index_cast %add3A_723 : i32 to index
        %get3A_731 = arith.index_cast %mul3A_729 : i32 to index
        %get3A_732 = tpu.vector_load %arg16[%get3A_730, %get3A_731] {strides = array<i32>} : memref<336x128xf32, #tpu.memory_space<vmem>>, vector<16xf32>,
        %mul3A_733 = arith.mulf %neg3A_593, %get3A_732 : vector<16xf32>
        %add3A_734 = arith.constant 16 : i32
        %add3A_735 = arith.addi %mul3A_729, %add3A_734 : i32
        %get3A_736 = arith.index_cast %add3A_723 : i32 to index
        %get3A_737 = arith.index_cast %add3A_735 : i32 to index
        %get3A_738 = tpu.vector_load %arg16[%get3A_736, %get3A_737] {strides = array<i32>} : memref<336x128xf32, #tpu.memory_space<vmem>>, vector<16xf32>,
        %mul3A_739 = arith.mulf %neg3A_596, %get3A_738 : vector<16xf32>
        %add3A_740 = arith.addf %mul3A_733, %mul3A_739 : vector<16xf32>
        %add3A_741 = arith.constant 32 : i32
        %add3A_742 = arith.addi %mul3A_729, %add3A_741 : i32
        %get3A_743 = arith.index_cast %add3A_723 : i32 to index
        %get3A_744 = arith.index_cast %add3A_742 : i32 to index
        %get3A_745 = tpu.vector_load %arg16[%get3A_743, %get3A_744] {strides = array<i32>} : memref<336x128xf32, #tpu.memory_space<vmem>>, vector<16xf32>,
        %mul3A_746 = arith.mulf %neg3A_599, %get3A_745 : vector<16xf32>
        %add3A_747 = arith.addf %add3A_740, %mul3A_746 : vector<16xf32>
        %add3A_748 = arith.constant 48 : i32
        %add3A_749 = arith.addi %mul3A_729, %add3A_748 : i32
        %get3A_750 = arith.index_cast %add3A_723 : i32 to index
        %get3A_751 = arith.index_cast %add3A_749 : i32 to index
        %get3A_752 = tpu.vector_load %arg16[%get3A_750, %get3A_751] {strides = array<i32>} : memref<336x128xf32, #tpu.memory_space<vmem>>, vector<16xf32>,
        %mul3A_753 = arith.mulf %neg3A_602, %get3A_752 : vector<16xf32>
        %add3A_754 = arith.addf %add3A_747, %mul3A_753 : vector<16xf32>
        %mul3A_755 = arith.constant 17 : i32
        %mul3A_756 = arith.muli %add3A_723, %mul3A_755 : i32
        %swap3A_757 = arith.index_cast %mul3A_756 : i32 to index
        %swap3A_758 = tpu.vector_load %arg17[%swap3A_757] {strides = array<i32>} : memref<5712xf32, #tpu.memory_space<vmem>>, vector<16xf32>,
        tpu.vector_store %arg17[%swap3A_757], %add3A_754 {strides = array<i32>} : memref<5712xf32, #tpu.memory_space<vmem>>, vector<16xf32>,
        %mul3A_759 = arith.constant 21 : i32
        %mul3A_760 = arith.muli %scan3A_550, %mul3A_759 : i32
        %add3A_761 = arith.constant 4 : i32
        %add3A_762 = arith.addi %mul3A_760, %add3A_761 : i32
        %slice3A_763 = vector.extract_strided_slice %get3A_566 {offsets = [4], sizes = [1], strides = [1]} : vector<16xi32> to vector<1xi32>
        %squeeze3A_764 = vector.extract %slice3A_763[0] : i32 from vector<1xi32>
        %and3A_765 = arith.constant 1 : i32
        %and3A_766 = arith.andi %squeeze3A_764, %and3A_765 : i32
        %mul3A_767 = arith.constant 64 : i32
        %mul3A_768 = arith.muli %and3A_766, %mul3A_767 : i32
        %get3A_769 = arith.index_cast %add3A_762 : i32 to index
        %get3A_770 = arith.index_cast %mul3A_768 : i32 to index
        %get3A_771 = tpu.vector_load %arg16[%get3A_769, %get3A_770] {strides = array<i32>} : memref<336x128xf32, #tpu.memory_space<vmem>>, vector<16xf32>,
        %mul3A_772 = arith.mulf %neg3A_593, %get3A_771 : vector<16xf32>
        %add3A_773 = arith.constant 16 : i32
        %add3A_774 = arith.addi %mul3A_768, %add3A_773 : i32
        %get3A_775 = arith.index_cast %add3A_762 : i32 to index
        %get3A_776 = arith.index_cast %add3A_774 : i32 to index
        %get3A_777 = tpu.vector_load %arg16[%get3A_775, %get3A_776] {strides = array<i32>} : memref<336x128xf32, #tpu.memory_space<vmem>>, vector<16xf32>,
        %mul3A_778 = arith.mulf %neg3A_596, %get3A_777 : vector<16xf32>
        %add3A_779 = arith.addf %mul3A_772, %mul3A_778 : vector<16xf32>
        %add3A_780 = arith.constant 32 : i32
        %add3A_781 = arith.addi %mul3A_768, %add3A_780 : i32
        %get3A_782 = arith.index_cast %add3A_762 : i32 to index
        %get3A_783 = arith.index_cast %add3A_781 : i32 to index
        %get3A_784 = tpu.vector_load %arg16[%get3A_782, %get3A_783] {strides = array<i32>} : memref<336x128xf32, #tpu.memory_space<vmem>>, vector<16xf32>,
        %mul3A_785 = arith.mulf %neg3A_599, %get3A_784 : vector<16xf32>
        %add3A_786 = arith.addf %add3A_779, %mul3A_785 : vector<16xf32>
        %add3A_787 = arith.constant 48 : i32
        %add3A_788 = arith.addi %mul3A_768, %add3A_787 : i32
        %get3A_789 = arith.index_cast %add3A_762 : i32 to index
        %get3A_790 = arith.index_cast %add3A_788 : i32 to index
        %get3A_791 = tpu.vector_load %arg16[%get3A_789, %get3A_790] {strides = array<i32>} : memref<336x128xf32, #tpu.memory_space<vmem>>, vector<16xf32>,
        %mul3A_792 = arith.mulf %neg3A_602, %get3A_791 : vector<16xf32>
        %add3A_793 = arith.addf %add3A_786, %mul3A_792 : vector<16xf32>
        %mul3A_794 = arith.constant 17 : i32
        %mul3A_795 = arith.muli %add3A_762, %mul3A_794 : i32
        %swap3A_796 = arith.index_cast %mul3A_795 : i32 to index
        %swap3A_797 = tpu.vector_load %arg17[%swap3A_796] {strides = array<i32>} : memref<5712xf32, #tpu.memory_space<vmem>>, vector<16xf32>,
        tpu.vector_store %arg17[%swap3A_796], %add3A_793 {strides = array<i32>} : memref<5712xf32, #tpu.memory_space<vmem>>, vector<16xf32>,
        %mul3A_798 = arith.constant 21 : i32
        %mul3A_799 = arith.muli %scan3A_550, %mul3A_798 : i32
        %add3A_800 = arith.constant 5 : i32
        %add3A_801 = arith.addi %mul3A_799, %add3A_800 : i32
        %slice3A_802 = vector.extract_strided_slice %get3A_566 {offsets = [5], sizes = [1], strides = [1]} : vector<16xi32> to vector<1xi32>
        %squeeze3A_803 = vector.extract %slice3A_802[0] : i32 from vector<1xi32>
        %and3A_804 = arith.constant 1 : i32
        %and3A_805 = arith.andi %squeeze3A_803, %and3A_804 : i32
        %mul3A_806 = arith.constant 64 : i32
        %mul3A_807 = arith.muli %and3A_805, %mul3A_806 : i32
        %get3A_808 = arith.index_cast %add3A_801 : i32 to index
        %get3A_809 = arith.index_cast %mul3A_807 : i32 to index
        %get3A_810 = tpu.vector_load %arg16[%get3A_808, %get3A_809] {strides = array<i32>} : memref<336x128xf32, #tpu.memory_space<vmem>>, vector<16xf32>,
        %mul3A_811 = arith.mulf %neg3A_593, %get3A_810 : vector<16xf32>
        %add3A_812 = arith.constant 16 : i32
        %add3A_813 = arith.addi %mul3A_807, %add3A_812 : i32
        %get3A_814 = arith.index_cast %add3A_801 : i32 to index
        %get3A_815 = arith.index_cast %add3A_813 : i32 to index
        %get3A_816 = tpu.vector_load %arg16[%get3A_814, %get3A_815] {strides = array<i32>} : memref<336x128xf32, #tpu.memory_space<vmem>>, vector<16xf32>,
        %mul3A_817 = arith.mulf %neg3A_596, %get3A_816 : vector<16xf32>
        %add3A_818 = arith.addf %mul3A_811, %mul3A_817 : vector<16xf32>
        %add3A_819 = arith.constant 32 : i32
        %add3A_820 = arith.addi %mul3A_807, %add3A_819 : i32
        %get3A_821 = arith.index_cast %add3A_801 : i32 to index
        %get3A_822 = arith.index_cast %add3A_820 : i32 to index
        %get3A_823 = tpu.vector_load %arg16[%get3A_821, %get3A_822] {strides = array<i32>} : memref<336x128xf32, #tpu.memory_space<vmem>>, vector<16xf32>,
        %mul3A_824 = arith.mulf %neg3A_599, %get3A_823 : vector<16xf32>
        %add3A_825 = arith.addf %add3A_818, %mul3A_824 : vector<16xf32>
        %add3A_826 = arith.constant 48 : i32
        %add3A_827 = arith.addi %mul3A_807, %add3A_826 : i32
        %get3A_828 = arith.index_cast %add3A_801 : i32 to index
        %get3A_829 = arith.index_cast %add3A_827 : i32 to index
        %get3A_830 = tpu.vector_load %arg16[%get3A_828, %get3A_829] {strides = array<i32>} : memref<336x128xf32, #tpu.memory_space<vmem>>, vector<16xf32>,
        %mul3A_831 = arith.mulf %neg3A_602, %get3A_830 : vector<16xf32>
        %add3A_832 = arith.addf %add3A_825, %mul3A_831 : vector<16xf32>
        %mul3A_833 = arith.constant 17 : i32
        %mul3A_834 = arith.muli %add3A_801, %mul3A_833 : i32
        %swap3A_835 = arith.index_cast %mul3A_834 : i32 to index
        %swap3A_836 = tpu.vector_load %arg17[%swap3A_835] {strides = array<i32>} : memref<5712xf32, #tpu.memory_space<vmem>>, vector<16xf32>,
        tpu.vector_store %arg17[%swap3A_835], %add3A_832 {strides = array<i32>} : memref<5712xf32, #tpu.memory_space<vmem>>, vector<16xf32>,
        %mul3A_837 = arith.constant 21 : i32
        %mul3A_838 = arith.muli %scan3A_550, %mul3A_837 : i32
        %add3A_839 = arith.constant 6 : i32
        %add3A_840 = arith.addi %mul3A_838, %add3A_839 : i32
        %slice3A_841 = vector.extract_strided_slice %get3A_566 {offsets = [6], sizes = [1], strides = [1]} : vector<16xi32> to vector<1xi32>
        %squeeze3A_842 = vector.extract %slice3A_841[0] : i32 from vector<1xi32>
        %and3A_843 = arith.constant 1 : i32
        %and3A_844 = arith.andi %squeeze3A_842, %and3A_843 : i32
        %mul3A_845 = arith.constant 64 : i32
        %mul3A_846 = arith.muli %and3A_844, %mul3A_845 : i32
        %get3A_847 = arith.index_cast %add3A_840 : i32 to index
        %get3A_848 = arith.index_cast %mul3A_846 : i32 to index
        %get3A_849 = tpu.vector_load %arg16[%get3A_847, %get3A_848] {strides = array<i32>} : memref<336x128xf32, #tpu.memory_space<vmem>>, vector<16xf32>,
        %mul3A_850 = arith.mulf %neg3A_593, %get3A_849 : vector<16xf32>
        %add3A_851 = arith.constant 16 : i32
        %add3A_852 = arith.addi %mul3A_846, %add3A_851 : i32
        %get3A_853 = arith.index_cast %add3A_840 : i32 to index
        %get3A_854 = arith.index_cast %add3A_852 : i32 to index
        %get3A_855 = tpu.vector_load %arg16[%get3A_853, %get3A_854] {strides = array<i32>} : memref<336x128xf32, #tpu.memory_space<vmem>>, vector<16xf32>,
        %mul3A_856 = arith.mulf %neg3A_596, %get3A_855 : vector<16xf32>
        %add3A_857 = arith.addf %mul3A_850, %mul3A_856 : vector<16xf32>
        %add3A_858 = arith.constant 32 : i32
        %add3A_859 = arith.addi %mul3A_846, %add3A_858 : i32
        %get3A_860 = arith.index_cast %add3A_840 : i32 to index
        %get3A_861 = arith.index_cast %add3A_859 : i32 to index
        %get3A_862 = tpu.vector_load %arg16[%get3A_860, %get3A_861] {strides = array<i32>} : memref<336x128xf32, #tpu.memory_space<vmem>>, vector<16xf32>,
        %mul3A_863 = arith.mulf %neg3A_599, %get3A_862 : vector<16xf32>
        %add3A_864 = arith.addf %add3A_857, %mul3A_863 : vector<16xf32>
        %add3A_865 = arith.constant 48 : i32
        %add3A_866 = arith.addi %mul3A_846, %add3A_865 : i32
        %get3A_867 = arith.index_cast %add3A_840 : i32 to index
        %get3A_868 = arith.index_cast %add3A_866 : i32 to index
        %get3A_869 = tpu.vector_load %arg16[%get3A_867, %get3A_868] {strides = array<i32>} : memref<336x128xf32, #tpu.memory_space<vmem>>, vector<16xf32>,
        %mul3A_870 = arith.mulf %neg3A_602, %get3A_869 : vector<16xf32>
        %add3A_871 = arith.addf %add3A_864, %mul3A_870 : vector<16xf32>
        %mul3A_872 = arith.constant 17 : i32
        %mul3A_873 = arith.muli %add3A_840, %mul3A_872 : i32
        %swap3A_874 = arith.index_cast %mul3A_873 : i32 to index
        %swap3A_875 = tpu.vector_load %arg17[%swap3A_874] {strides = array<i32>} : memref<5712xf32, #tpu.memory_space<vmem>>, vector<16xf32>,
        tpu.vector_store %arg17[%swap3A_874], %add3A_871 {strides = array<i32>} : memref<5712xf32, #tpu.memory_space<vmem>>, vector<16xf32>,
        %mul3A_876 = arith.constant 21 : i32
        %mul3A_877 = arith.muli %scan3A_550, %mul3A_876 : i32
        %add3A_878 = arith.constant 7 : i32
        %add3A_879 = arith.addi %mul3A_877, %add3A_878 : i32
        %slice3A_880 = vector.extract_strided_slice %get3A_566 {offsets = [7], sizes = [1], strides = [1]} : vector<16xi32> to vector<1xi32>
        %squeeze3A_881 = vector.extract %slice3A_880[0] : i32 from vector<1xi32>
        %and3A_882 = arith.constant 1 : i32
        %and3A_883 = arith.andi %squeeze3A_881, %and3A_882 : i32
        %mul3A_884 = arith.constant 64 : i32
        %mul3A_885 = arith.muli %and3A_883, %mul3A_884 : i32
        %get3A_886 = arith.index_cast %add3A_879 : i32 to index
        %get3A_887 = arith.index_cast %mul3A_885 : i32 to index
        %get3A_888 = tpu.vector_load %arg16[%get3A_886, %get3A_887] {strides = array<i32>} : memref<336x128xf32, #tpu.memory_space<vmem>>, vector<16xf32>,
        %mul3A_889 = arith.mulf %neg3A_593, %get3A_888 : vector<16xf32>
        %add3A_890 = arith.constant 16 : i32
        %add3A_891 = arith.addi %mul3A_885, %add3A_890 : i32
        %get3A_892 = arith.index_cast %add3A_879 : i32 to index
        %get3A_893 = arith.index_cast %add3A_891 : i32 to index
        %get3A_894 = tpu.vector_load %arg16[%get3A_892, %get3A_893] {strides = array<i32>} : memref<336x128xf32, #tpu.memory_space<vmem>>, vector<16xf32>,
        %mul3A_895 = arith.mulf %neg3A_596, %get3A_894 : vector<16xf32>
        %add3A_896 = arith.addf %mul3A_889, %mul3A_895 : vector<16xf32>
        %add3A_897 = arith.constant 32 : i32
        %add3A_898 = arith.addi %mul3A_885, %add3A_897 : i32
        %get3A_899 = arith.index_cast %add3A_879 : i32 to index
        %get3A_900 = arith.index_cast %add3A_898 : i32 to index
        %get3A_901 = tpu.vector_load %arg16[%get3A_899, %get3A_900] {strides = array<i32>} : memref<336x128xf32, #tpu.memory_space<vmem>>, vector<16xf32>,
        %mul3A_902 = arith.mulf %neg3A_599, %get3A_901 : vector<16xf32>
        %add3A_903 = arith.addf %add3A_896, %mul3A_902 : vector<16xf32>
        %add3A_904 = arith.constant 48 : i32
        %add3A_905 = arith.addi %mul3A_885, %add3A_904 : i32
        %get3A_906 = arith.index_cast %add3A_879 : i32 to index
        %get3A_907 = arith.index_cast %add3A_905 : i32 to index
        %get3A_908 = tpu.vector_load %arg16[%get3A_906, %get3A_907] {strides = array<i32>} : memref<336x128xf32, #tpu.memory_space<vmem>>, vector<16xf32>,
        %mul3A_909 = arith.mulf %neg3A_602, %get3A_908 : vector<16xf32>
        %add3A_910 = arith.addf %add3A_903, %mul3A_909 : vector<16xf32>
        %mul3A_911 = arith.constant 17 : i32
        %mul3A_912 = arith.muli %add3A_879, %mul3A_911 : i32
        %swap3A_913 = arith.index_cast %mul3A_912 : i32 to index
        %swap3A_914 = tpu.vector_load %arg17[%swap3A_913] {strides = array<i32>} : memref<5712xf32, #tpu.memory_space<vmem>>, vector<16xf32>,
        tpu.vector_store %arg17[%swap3A_913], %add3A_910 {strides = array<i32>} : memref<5712xf32, #tpu.memory_space<vmem>>, vector<16xf32>,
        %mul3A_915 = arith.constant 21 : i32
        %mul3A_916 = arith.muli %scan3A_550, %mul3A_915 : i32
        %add3A_917 = arith.constant 8 : i32
        %add3A_918 = arith.addi %mul3A_916, %add3A_917 : i32
        %slice3A_919 = vector.extract_strided_slice %get3A_566 {offsets = [8], sizes = [1], strides = [1]} : vector<16xi32> to vector<1xi32>
        %squeeze3A_920 = vector.extract %slice3A_919[0] : i32 from vector<1xi32>
        %and3A_921 = arith.constant 1 : i32
        %and3A_922 = arith.andi %squeeze3A_920, %and3A_921 : i32
        %mul3A_923 = arith.constant 64 : i32
        %mul3A_924 = arith.muli %and3A_922, %mul3A_923 : i32
        %get3A_925 = arith.index_cast %add3A_918 : i32 to index
        %get3A_926 = arith.index_cast %mul3A_924 : i32 to index
        %get3A_927 = tpu.vector_load %arg16[%get3A_925, %get3A_926] {strides = array<i32>} : memref<336x128xf32, #tpu.memory_space<vmem>>, vector<16xf32>,
        %mul3A_928 = arith.mulf %neg3A_593, %get3A_927 : vector<16xf32>
        %add3A_929 = arith.constant 16 : i32
        %add3A_930 = arith.addi %mul3A_924, %add3A_929 : i32
        %get3A_931 = arith.index_cast %add3A_918 : i32 to index
        %get3A_932 = arith.index_cast %add3A_930 : i32 to index
        %get3A_933 = tpu.vector_load %arg16[%get3A_931, %get3A_932] {strides = array<i32>} : memref<336x128xf32, #tpu.memory_space<vmem>>, vector<16xf32>,
        %mul3A_934 = arith.mulf %neg3A_596, %get3A_933 : vector<16xf32>
        %add3A_935 = arith.addf %mul3A_928, %mul3A_934 : vector<16xf32>
        %add3A_936 = arith.constant 32 : i32
        %add3A_937 = arith.addi %mul3A_924, %add3A_936 : i32
        %get3A_938 = arith.index_cast %add3A_918 : i32 to index
        %get3A_939 = arith.index_cast %add3A_937 : i32 to index
        %get3A_940 = tpu.vector_load %arg16[%get3A_938, %get3A_939] {strides = array<i32>} : memref<336x128xf32, #tpu.memory_space<vmem>>, vector<16xf32>,
        %mul3A_941 = arith.mulf %neg3A_599, %get3A_940 : vector<16xf32>
        %add3A_942 = arith.addf %add3A_935, %mul3A_941 : vector<16xf32>
        %add3A_943 = arith.constant 48 : i32
        %add3A_944 = arith.addi %mul3A_924, %add3A_943 : i32
        %get3A_945 = arith.index_cast %add3A_918 : i32 to index
        %get3A_946 = arith.index_cast %add3A_944 : i32 to index
        %get3A_947 = tpu.vector_load %arg16[%get3A_945, %get3A_946] {strides = array<i32>} : memref<336x128xf32, #tpu.memory_space<vmem>>, vector<16xf32>,
        %mul3A_948 = arith.mulf %neg3A_602, %get3A_947 : vector<16xf32>
        %add3A_949 = arith.addf %add3A_942, %mul3A_948 : vector<16xf32>
        %mul3A_950 = arith.constant 17 : i32
        %mul3A_951 = arith.muli %add3A_918, %mul3A_950 : i32
        %swap3A_952 = arith.index_cast %mul3A_951 : i32 to index
        %swap3A_953 = tpu.vector_load %arg17[%swap3A_952] {strides = array<i32>} : memref<5712xf32, #tpu.memory_space<vmem>>, vector<16xf32>,
        tpu.vector_store %arg17[%swap3A_952], %add3A_949 {strides = array<i32>} : memref<5712xf32, #tpu.memory_space<vmem>>, vector<16xf32>,
        %mul3A_954 = arith.constant 21 : i32
        %mul3A_955 = arith.muli %scan3A_550, %mul3A_954 : i32
        %add3A_956 = arith.constant 9 : i32
        %add3A_957 = arith.addi %mul3A_955, %add3A_956 : i32
        %slice3A_958 = vector.extract_strided_slice %get3A_566 {offsets = [9], sizes = [1], strides = [1]} : vector<16xi32> to vector<1xi32>
        %squeeze3A_959 = vector.extract %slice3A_958[0] : i32 from vector<1xi32>
        %and3A_960 = arith.constant 1 : i32
        %and3A_961 = arith.andi %squeeze3A_959, %and3A_960 : i32
        %mul3A_962 = arith.constant 64 : i32
        %mul3A_963 = arith.muli %and3A_961, %mul3A_962 : i32
        %get3A_964 = arith.index_cast %add3A_957 : i32 to index
        %get3A_965 = arith.index_cast %mul3A_963 : i32 to index
        %get3A_966 = tpu.vector_load %arg16[%get3A_964, %get3A_965] {strides = array<i32>} : memref<336x128xf32, #tpu.memory_space<vmem>>, vector<16xf32>,
        %mul3A_967 = arith.mulf %neg3A_593, %get3A_966 : vector<16xf32>
        %add3A_968 = arith.constant 16 : i32
        %add3A_969 = arith.addi %mul3A_963, %add3A_968 : i32
        %get3A_970 = arith.index_cast %add3A_957 : i32 to index
        %get3A_971 = arith.index_cast %add3A_969 : i32 to index
        %get3A_972 = tpu.vector_load %arg16[%get3A_970, %get3A_971] {strides = array<i32>} : memref<336x128xf32, #tpu.memory_space<vmem>>, vector<16xf32>,
        %mul3A_973 = arith.mulf %neg3A_596, %get3A_972 : vector<16xf32>
        %add3A_974 = arith.addf %mul3A_967, %mul3A_973 : vector<16xf32>
        %add3A_975 = arith.constant 32 : i32
        %add3A_976 = arith.addi %mul3A_963, %add3A_975 : i32
        %get3A_977 = arith.index_cast %add3A_957 : i32 to index
        %get3A_978 = arith.index_cast %add3A_976 : i32 to index
        %get3A_979 = tpu.vector_load %arg16[%get3A_977, %get3A_978] {strides = array<i32>} : memref<336x128xf32, #tpu.memory_space<vmem>>, vector<16xf32>,
        %mul3A_980 = arith.mulf %neg3A_599, %get3A_979 : vector<16xf32>
        %add3A_981 = arith.addf %add3A_974, %mul3A_980 : vector<16xf32>
        %add3A_982 = arith.constant 48 : i32
        %add3A_983 = arith.addi %mul3A_963, %add3A_982 : i32
        %get3A_984 = arith.index_cast %add3A_957 : i32 to index
        %get3A_985 = arith.index_cast %add3A_983 : i32 to index
        %get3A_986 = tpu.vector_load %arg16[%get3A_984, %get3A_985] {strides = array<i32>} : memref<336x128xf32, #tpu.memory_space<vmem>>, vector<16xf32>,
        %mul3A_987 = arith.mulf %neg3A_602, %get3A_986 : vector<16xf32>
        %add3A_988 = arith.addf %add3A_981, %mul3A_987 : vector<16xf32>
        %mul3A_989 = arith.constant 17 : i32
        %mul3A_990 = arith.muli %add3A_957, %mul3A_989 : i32
        %swap3A_991 = arith.index_cast %mul3A_990 : i32 to index
        %swap3A_992 = tpu.vector_load %arg17[%swap3A_991] {strides = array<i32>} : memref<5712xf32, #tpu.memory_space<vmem>>, vector<16xf32>,
        tpu.vector_store %arg17[%swap3A_991], %add3A_988 {strides = array<i32>} : memref<5712xf32, #tpu.memory_space<vmem>>, vector<16xf32>,
        %mul3A_993 = arith.constant 21 : i32
        %mul3A_994 = arith.muli %scan3A_550, %mul3A_993 : i32
        %add3A_995 = arith.constant 10 : i32
        %add3A_996 = arith.addi %mul3A_994, %add3A_995 : i32
        %slice3A_997 = vector.extract_strided_slice %get3A_566 {offsets = [10], sizes = [1], strides = [1]} : vector<16xi32> to vector<1xi32>
        %squeeze3A_998 = vector.extract %slice3A_997[0] : i32 from vector<1xi32>
        %and3A_999 = arith.constant 1 : i32
        %and3A_1000 = arith.andi %squeeze3A_998, %and3A_999 : i32
        %mul3A_1001 = arith.constant 64 : i32
        %mul3A_1002 = arith.muli %and3A_1000, %mul3A_1001 : i32
        %get3A_1003 = arith.index_cast %add3A_996 : i32 to index
        %get3A_1004 = arith.index_cast %mul3A_1002 : i32 to index
        %get3A_1005 = tpu.vector_load %arg16[%get3A_1003, %get3A_1004] {strides = array<i32>} : memref<336x128xf32, #tpu.memory_space<vmem>>, vector<16xf32>,
        %mul3A_1006 = arith.mulf %neg3A_593, %get3A_1005 : vector<16xf32>
        %add3A_1007 = arith.constant 16 : i32
        %add3A_1008 = arith.addi %mul3A_1002, %add3A_1007 : i32
        %get3A_1009 = arith.index_cast %add3A_996 : i32 to index
        %get3A_1010 = arith.index_cast %add3A_1008 : i32 to index
        %get3A_1011 = tpu.vector_load %arg16[%get3A_1009, %get3A_1010] {strides = array<i32>} : memref<336x128xf32, #tpu.memory_space<vmem>>, vector<16xf32>,
        %mul3A_1012 = arith.mulf %neg3A_596, %get3A_1011 : vector<16xf32>
        %add3A_1013 = arith.addf %mul3A_1006, %mul3A_1012 : vector<16xf32>
        %add3A_1014 = arith.constant 32 : i32
        %add3A_1015 = arith.addi %mul3A_1002, %add3A_1014 : i32
        %get3A_1016 = arith.index_cast %add3A_996 : i32 to index
        %get3A_1017 = arith.index_cast %add3A_1015 : i32 to index
        %get3A_1018 = tpu.vector_load %arg16[%get3A_1016, %get3A_1017] {strides = array<i32>} : memref<336x128xf32, #tpu.memory_space<vmem>>, vector<16xf32>,
        %mul3A_1019 = arith.mulf %neg3A_599, %get3A_1018 : vector<16xf32>
        %add3A_1020 = arith.addf %add3A_1013, %mul3A_1019 : vector<16xf32>
        %add3A_1021 = arith.constant 48 : i32
        %add3A_1022 = arith.addi %mul3A_1002, %add3A_1021 : i32
        %get3A_1023 = arith.index_cast %add3A_996 : i32 to index
        %get3A_1024 = arith.index_cast %add3A_1022 : i32 to index
        %get3A_1025 = tpu.vector_load %arg16[%get3A_1023, %get3A_1024] {strides = array<i32>} : memref<336x128xf32, #tpu.memory_space<vmem>>, vector<16xf32>,
        %mul3A_1026 = arith.mulf %neg3A_602, %get3A_1025 : vector<16xf32>
        %add3A_1027 = arith.addf %add3A_1020, %mul3A_1026 : vector<16xf32>
        %mul3A_1028 = arith.constant 17 : i32
        %mul3A_1029 = arith.muli %add3A_996, %mul3A_1028 : i32
        %swap3A_1030 = arith.index_cast %mul3A_1029 : i32 to index
        %swap3A_1031 = tpu.vector_load %arg17[%swap3A_1030] {strides = array<i32>} : memref<5712xf32, #tpu.memory_space<vmem>>, vector<16xf32>,
        tpu.vector_store %arg17[%swap3A_1030], %add3A_1027 {strides = array<i32>} : memref<5712xf32, #tpu.memory_space<vmem>>, vector<16xf32>,
        %mul3A_1032 = arith.constant 21 : i32
        %mul3A_1033 = arith.muli %scan3A_550, %mul3A_1032 : i32
        %add3A_1034 = arith.constant 11 : i32
        %add3A_1035 = arith.addi %mul3A_1033, %add3A_1034 : i32
        %slice3A_1036 = vector.extract_strided_slice %get3A_566 {offsets = [11], sizes = [1], strides = [1]} : vector<16xi32> to vector<1xi32>
        %squeeze3A_1037 = vector.extract %slice3A_1036[0] : i32 from vector<1xi32>
        %and3A_1038 = arith.constant 1 : i32
        %and3A_1039 = arith.andi %squeeze3A_1037, %and3A_1038 : i32
        %mul3A_1040 = arith.constant 64 : i32
        %mul3A_1041 = arith.muli %and3A_1039, %mul3A_1040 : i32
        %get3A_1042 = arith.index_cast %add3A_1035 : i32 to index
        %get3A_1043 = arith.index_cast %mul3A_1041 : i32 to index
        %get3A_1044 = tpu.vector_load %arg16[%get3A_1042, %get3A_1043] {strides = array<i32>} : memref<336x128xf32, #tpu.memory_space<vmem>>, vector<16xf32>,
        %mul3A_1045 = arith.mulf %neg3A_593, %get3A_1044 : vector<16xf32>
        %add3A_1046 = arith.constant 16 : i32
        %add3A_1047 = arith.addi %mul3A_1041, %add3A_1046 : i32
        %get3A_1048 = arith.index_cast %add3A_1035 : i32 to index
        %get3A_1049 = arith.index_cast %add3A_1047 : i32 to index
        %get3A_1050 = tpu.vector_load %arg16[%get3A_1048, %get3A_1049] {strides = array<i32>} : memref<336x128xf32, #tpu.memory_space<vmem>>, vector<16xf32>,
        %mul3A_1051 = arith.mulf %neg3A_596, %get3A_1050 : vector<16xf32>
        %add3A_1052 = arith.addf %mul3A_1045, %mul3A_1051 : vector<16xf32>
        %add3A_1053 = arith.constant 32 : i32
        %add3A_1054 = arith.addi %mul3A_1041, %add3A_1053 : i32
        %get3A_1055 = arith.index_cast %add3A_1035 : i32 to index
        %get3A_1056 = arith.index_cast %add3A_1054 : i32 to index
        %get3A_1057 = tpu.vector_load %arg16[%get3A_1055, %get3A_1056] {strides = array<i32>} : memref<336x128xf32, #tpu.memory_space<vmem>>, vector<16xf32>,
        %mul3A_1058 = arith.mulf %neg3A_599, %get3A_1057 : vector<16xf32>
        %add3A_1059 = arith.addf %add3A_1052, %mul3A_1058 : vector<16xf32>
        %add3A_1060 = arith.constant 48 : i32
        %add3A_1061 = arith.addi %mul3A_1041, %add3A_1060 : i32
        %get3A_1062 = arith.index_cast %add3A_1035 : i32 to index
        %get3A_1063 = arith.index_cast %add3A_1061 : i32 to index
        %get3A_1064 = tpu.vector_load %arg16[%get3A_1062, %get3A_1063] {strides = array<i32>} : memref<336x128xf32, #tpu.memory_space<vmem>>, vector<16xf32>,
        %mul3A_1065 = arith.mulf %neg3A_602, %get3A_1064 : vector<16xf32>
        %add3A_1066 = arith.addf %add3A_1059, %mul3A_1065 : vector<16xf32>
        %mul3A_1067 = arith.constant 17 : i32
        %mul3A_1068 = arith.muli %add3A_1035, %mul3A_1067 : i32
        %swap3A_1069 = arith.index_cast %mul3A_1068 : i32 to index
        %swap3A_1070 = tpu.vector_load %arg17[%swap3A_1069] {strides = array<i32>} : memref<5712xf32, #tpu.memory_space<vmem>>, vector<16xf32>,
        tpu.vector_store %arg17[%swap3A_1069], %add3A_1066 {strides = array<i32>} : memref<5712xf32, #tpu.memory_space<vmem>>, vector<16xf32>,
        %mul3A_1071 = arith.constant 21 : i32
        %mul3A_1072 = arith.muli %scan3A_550, %mul3A_1071 : i32
        %add3A_1073 = arith.constant 12 : i32
        %add3A_1074 = arith.addi %mul3A_1072, %add3A_1073 : i32
        %slice3A_1075 = vector.extract_strided_slice %get3A_566 {offsets = [12], sizes = [1], strides = [1]} : vector<16xi32> to vector<1xi32>
        %squeeze3A_1076 = vector.extract %slice3A_1075[0] : i32 from vector<1xi32>
        %and3A_1077 = arith.constant 1 : i32
        %and3A_1078 = arith.andi %squeeze3A_1076, %and3A_1077 : i32
        %mul3A_1079 = arith.constant 64 : i32
        %mul3A_1080 = arith.muli %and3A_1078, %mul3A_1079 : i32
        %get3A_1081 = arith.index_cast %add3A_1074 : i32 to index
        %get3A_1082 = arith.index_cast %mul3A_1080 : i32 to index
        %get3A_1083 = tpu.vector_load %arg16[%get3A_1081, %get3A_1082] {strides = array<i32>} : memref<336x128xf32, #tpu.memory_space<vmem>>, vector<16xf32>,
        %mul3A_1084 = arith.mulf %neg3A_593, %get3A_1083 : vector<16xf32>
        %add3A_1085 = arith.constant 16 : i32
        %add3A_1086 = arith.addi %mul3A_1080, %add3A_1085 : i32
        %get3A_1087 = arith.index_cast %add3A_1074 : i32 to index
        %get3A_1088 = arith.index_cast %add3A_1086 : i32 to index
        %get3A_1089 = tpu.vector_load %arg16[%get3A_1087, %get3A_1088] {strides = array<i32>} : memref<336x128xf32, #tpu.memory_space<vmem>>, vector<16xf32>,
        %mul3A_1090 = arith.mulf %neg3A_596, %get3A_1089 : vector<16xf32>
        %add3A_1091 = arith.addf %mul3A_1084, %mul3A_1090 : vector<16xf32>
        %add3A_1092 = arith.constant 32 : i32
        %add3A_1093 = arith.addi %mul3A_1080, %add3A_1092 : i32
        %get3A_1094 = arith.index_cast %add3A_1074 : i32 to index
        %get3A_1095 = arith.index_cast %add3A_1093 : i32 to index
        %get3A_1096 = tpu.vector_load %arg16[%get3A_1094, %get3A_1095] {strides = array<i32>} : memref<336x128xf32, #tpu.memory_space<vmem>>, vector<16xf32>,
        %mul3A_1097 = arith.mulf %neg3A_599, %get3A_1096 : vector<16xf32>
        %add3A_1098 = arith.addf %add3A_1091, %mul3A_1097 : vector<16xf32>
        %add3A_1099 = arith.constant 48 : i32
        %add3A_1100 = arith.addi %mul3A_1080, %add3A_1099 : i32
        %get3A_1101 = arith.index_cast %add3A_1074 : i32 to index
        %get3A_1102 = arith.index_cast %add3A_1100 : i32 to index
        %get3A_1103 = tpu.vector_load %arg16[%get3A_1101, %get3A_1102] {strides = array<i32>} : memref<336x128xf32, #tpu.memory_space<vmem>>, vector<16xf32>,
        %mul3A_1104 = arith.mulf %neg3A_602, %get3A_1103 : vector<16xf32>
        %add3A_1105 = arith.addf %add3A_1098, %mul3A_1104 : vector<16xf32>
        %mul3A_1106 = arith.constant 17 : i32
        %mul3A_1107 = arith.muli %add3A_1074, %mul3A_1106 : i32
        %swap3A_1108 = arith.index_cast %mul3A_1107 : i32 to index
        %swap3A_1109 = tpu.vector_load %arg17[%swap3A_1108] {strides = array<i32>} : memref<5712xf32, #tpu.memory_space<vmem>>, vector<16xf32>,
        tpu.vector_store %arg17[%swap3A_1108], %add3A_1105 {strides = array<i32>} : memref<5712xf32, #tpu.memory_space<vmem>>, vector<16xf32>,
        %mul3A_1110 = arith.constant 21 : i32
        %mul3A_1111 = arith.muli %scan3A_550, %mul3A_1110 : i32
        %add3A_1112 = arith.constant 13 : i32
        %add3A_1113 = arith.addi %mul3A_1111, %add3A_1112 : i32
        %slice3A_1114 = vector.extract_strided_slice %get3A_566 {offsets = [13], sizes = [1], strides = [1]} : vector<16xi32> to vector<1xi32>
        %squeeze3A_1115 = vector.extract %slice3A_1114[0] : i32 from vector<1xi32>
        %and3A_1116 = arith.constant 1 : i32
        %and3A_1117 = arith.andi %squeeze3A_1115, %and3A_1116 : i32
        %mul3A_1118 = arith.constant 64 : i32
        %mul3A_1119 = arith.muli %and3A_1117, %mul3A_1118 : i32
        %get3A_1120 = arith.index_cast %add3A_1113 : i32 to index
        %get3A_1121 = arith.index_cast %mul3A_1119 : i32 to index
        %get3A_1122 = tpu.vector_load %arg16[%get3A_1120, %get3A_1121] {strides = array<i32>} : memref<336x128xf32, #tpu.memory_space<vmem>>, vector<16xf32>,
        %mul3A_1123 = arith.mulf %neg3A_593, %get3A_1122 : vector<16xf32>
        %add3A_1124 = arith.constant 16 : i32
        %add3A_1125 = arith.addi %mul3A_1119, %add3A_1124 : i32
        %get3A_1126 = arith.index_cast %add3A_1113 : i32 to index
        %get3A_1127 = arith.index_cast %add3A_1125 : i32 to index
        %get3A_1128 = tpu.vector_load %arg16[%get3A_1126, %get3A_1127] {strides = array<i32>} : memref<336x128xf32, #tpu.memory_space<vmem>>, vector<16xf32>,
        %mul3A_1129 = arith.mulf %neg3A_596, %get3A_1128 : vector<16xf32>
        %add3A_1130 = arith.addf %mul3A_1123, %mul3A_1129 : vector<16xf32>
        %add3A_1131 = arith.constant 32 : i32
        %add3A_1132 = arith.addi %mul3A_1119, %add3A_1131 : i32
        %get3A_1133 = arith.index_cast %add3A_1113 : i32 to index
        %get3A_1134 = arith.index_cast %add3A_1132 : i32 to index
        %get3A_1135 = tpu.vector_load %arg16[%get3A_1133, %get3A_1134] {strides = array<i32>} : memref<336x128xf32, #tpu.memory_space<vmem>>, vector<16xf32>,
        %mul3A_1136 = arith.mulf %neg3A_599, %get3A_1135 : vector<16xf32>
        %add3A_1137 = arith.addf %add3A_1130, %mul3A_1136 : vector<16xf32>
        %add3A_1138 = arith.constant 48 : i32
        %add3A_1139 = arith.addi %mul3A_1119, %add3A_1138 : i32
        %get3A_1140 = arith.index_cast %add3A_1113 : i32 to index
        %get3A_1141 = arith.index_cast %add3A_1139 : i32 to index
        %get3A_1142 = tpu.vector_load %arg16[%get3A_1140, %get3A_1141] {strides = array<i32>} : memref<336x128xf32, #tpu.memory_space<vmem>>, vector<16xf32>,
        %mul3A_1143 = arith.mulf %neg3A_602, %get3A_1142 : vector<16xf32>
        %add3A_1144 = arith.addf %add3A_1137, %mul3A_1143 : vector<16xf32>
        %mul3A_1145 = arith.constant 17 : i32
        %mul3A_1146 = arith.muli %add3A_1113, %mul3A_1145 : i32
        %swap3A_1147 = arith.index_cast %mul3A_1146 : i32 to index
        %swap3A_1148 = tpu.vector_load %arg17[%swap3A_1147] {strides = array<i32>} : memref<5712xf32, #tpu.memory_space<vmem>>, vector<16xf32>,
        tpu.vector_store %arg17[%swap3A_1147], %add3A_1144 {strides = array<i32>} : memref<5712xf32, #tpu.memory_space<vmem>>, vector<16xf32>,
        %mul3A_1149 = arith.constant 21 : i32
        %mul3A_1150 = arith.muli %scan3A_550, %mul3A_1149 : i32
        %add3A_1151 = arith.constant 14 : i32
        %add3A_1152 = arith.addi %mul3A_1150, %add3A_1151 : i32
        %slice3A_1153 = vector.extract_strided_slice %get3A_566 {offsets = [14], sizes = [1], strides = [1]} : vector<16xi32> to vector<1xi32>
        %squeeze3A_1154 = vector.extract %slice3A_1153[0] : i32 from vector<1xi32>
        %and3A_1155 = arith.constant 1 : i32
        %and3A_1156 = arith.andi %squeeze3A_1154, %and3A_1155 : i32
        %mul3A_1157 = arith.constant 64 : i32
        %mul3A_1158 = arith.muli %and3A_1156, %mul3A_1157 : i32
        %get3A_1159 = arith.index_cast %add3A_1152 : i32 to index
        %get3A_1160 = arith.index_cast %mul3A_1158 : i32 to index
        %get3A_1161 = tpu.vector_load %arg16[%get3A_1159, %get3A_1160] {strides = array<i32>} : memref<336x128xf32, #tpu.memory_space<vmem>>, vector<16xf32>,
        %mul3A_1162 = arith.mulf %neg3A_593, %get3A_1161 : vector<16xf32>
        %add3A_1163 = arith.constant 16 : i32
        %add3A_1164 = arith.addi %mul3A_1158, %add3A_1163 : i32
        %get3A_1165 = arith.index_cast %add3A_1152 : i32 to index
        %get3A_1166 = arith.index_cast %add3A_1164 : i32 to index
        %get3A_1167 = tpu.vector_load %arg16[%get3A_1165, %get3A_1166] {strides = array<i32>} : memref<336x128xf32, #tpu.memory_space<vmem>>, vector<16xf32>,
        %mul3A_1168 = arith.mulf %neg3A_596, %get3A_1167 : vector<16xf32>
        %add3A_1169 = arith.addf %mul3A_1162, %mul3A_1168 : vector<16xf32>
        %add3A_1170 = arith.constant 32 : i32
        %add3A_1171 = arith.addi %mul3A_1158, %add3A_1170 : i32
        %get3A_1172 = arith.index_cast %add3A_1152 : i32 to index
        %get3A_1173 = arith.index_cast %add3A_1171 : i32 to index
        %get3A_1174 = tpu.vector_load %arg16[%get3A_1172, %get3A_1173] {strides = array<i32>} : memref<336x128xf32, #tpu.memory_space<vmem>>, vector<16xf32>,
        %mul3A_1175 = arith.mulf %neg3A_599, %get3A_1174 : vector<16xf32>
        %add3A_1176 = arith.addf %add3A_1169, %mul3A_1175 : vector<16xf32>
        %add3A_1177 = arith.constant 48 : i32
        %add3A_1178 = arith.addi %mul3A_1158, %add3A_1177 : i32
        %get3A_1179 = arith.index_cast %add3A_1152 : i32 to index
        %get3A_1180 = arith.index_cast %add3A_1178 : i32 to index
        %get3A_1181 = tpu.vector_load %arg16[%get3A_1179, %get3A_1180] {strides = array<i32>} : memref<336x128xf32, #tpu.memory_space<vmem>>, vector<16xf32>,
        %mul3A_1182 = arith.mulf %neg3A_602, %get3A_1181 : vector<16xf32>
        %add3A_1183 = arith.addf %add3A_1176, %mul3A_1182 : vector<16xf32>
        %mul3A_1184 = arith.constant 17 : i32
        %mul3A_1185 = arith.muli %add3A_1152, %mul3A_1184 : i32
        %swap3A_1186 = arith.index_cast %mul3A_1185 : i32 to index
        %swap3A_1187 = tpu.vector_load %arg17[%swap3A_1186] {strides = array<i32>} : memref<5712xf32, #tpu.memory_space<vmem>>, vector<16xf32>,
        tpu.vector_store %arg17[%swap3A_1186], %add3A_1183 {strides = array<i32>} : memref<5712xf32, #tpu.memory_space<vmem>>, vector<16xf32>,
        %mul3A_1188 = arith.constant 21 : i32
        %mul3A_1189 = arith.muli %scan3A_550, %mul3A_1188 : i32
        %add3A_1190 = arith.constant 15 : i32
        %add3A_1191 = arith.addi %mul3A_1189, %add3A_1190 : i32
        %slice3A_1192 = vector.extract_strided_slice %get3A_566 {offsets = [15], sizes = [1], strides = [1]} : vector<16xi32> to vector<1xi32>
        %squeeze3A_1193 = vector.extract %slice3A_1192[0] : i32 from vector<1xi32>
        %and3A_1194 = arith.constant 1 : i32
        %and3A_1195 = arith.andi %squeeze3A_1193, %and3A_1194 : i32
        %mul3A_1196 = arith.constant 64 : i32
        %mul3A_1197 = arith.muli %and3A_1195, %mul3A_1196 : i32
        %get3A_1198 = arith.index_cast %add3A_1191 : i32 to index
        %get3A_1199 = arith.index_cast %mul3A_1197 : i32 to index
        %get3A_1200 = tpu.vector_load %arg16[%get3A_1198, %get3A_1199] {strides = array<i32>} : memref<336x128xf32, #tpu.memory_space<vmem>>, vector<16xf32>,
        %mul3A_1201 = arith.mulf %neg3A_593, %get3A_1200 : vector<16xf32>
        %add3A_1202 = arith.constant 16 : i32
        %add3A_1203 = arith.addi %mul3A_1197, %add3A_1202 : i32
        %get3A_1204 = arith.index_cast %add3A_1191 : i32 to index
        %get3A_1205 = arith.index_cast %add3A_1203 : i32 to index
        %get3A_1206 = tpu.vector_load %arg16[%get3A_1204, %get3A_1205] {strides = array<i32>} : memref<336x128xf32, #tpu.memory_space<vmem>>, vector<16xf32>,
        %mul3A_1207 = arith.mulf %neg3A_596, %get3A_1206 : vector<16xf32>
        %add3A_1208 = arith.addf %mul3A_1201, %mul3A_1207 : vector<16xf32>
        %add3A_1209 = arith.constant 32 : i32
        %add3A_1210 = arith.addi %mul3A_1197, %add3A_1209 : i32
        %get3A_1211 = arith.index_cast %add3A_1191 : i32 to index
        %get3A_1212 = arith.index_cast %add3A_1210 : i32 to index
        %get3A_1213 = tpu.vector_load %arg16[%get3A_1211, %get3A_1212] {strides = array<i32>} : memref<336x128xf32, #tpu.memory_space<vmem>>, vector<16xf32>,
        %mul3A_1214 = arith.mulf %neg3A_599, %get3A_1213 : vector<16xf32>
        %add3A_1215 = arith.addf %add3A_1208, %mul3A_1214 : vector<16xf32>
        %add3A_1216 = arith.constant 48 : i32
        %add3A_1217 = arith.addi %mul3A_1197, %add3A_1216 : i32
        %get3A_1218 = arith.index_cast %add3A_1191 : i32 to index
        %get3A_1219 = arith.index_cast %add3A_1217 : i32 to index
        %get3A_1220 = tpu.vector_load %arg16[%get3A_1218, %get3A_1219] {strides = array<i32>} : memref<336x128xf32, #tpu.memory_space<vmem>>, vector<16xf32>,
        %mul3A_1221 = arith.mulf %neg3A_602, %get3A_1220 : vector<16xf32>
        %add3A_1222 = arith.addf %add3A_1215, %mul3A_1221 : vector<16xf32>
        %mul3A_1223 = arith.constant 17 : i32
        %mul3A_1224 = arith.muli %add3A_1191, %mul3A_1223 : i32
        %swap3A_1225 = arith.index_cast %mul3A_1224 : i32 to index
        %swap3A_1226 = tpu.vector_load %arg17[%swap3A_1225] {strides = array<i32>} : memref<5712xf32, #tpu.memory_space<vmem>>, vector<16xf32>,
        tpu.vector_store %arg17[%swap3A_1225], %add3A_1222 {strides = array<i32>} : memref<5712xf32, #tpu.memory_space<vmem>>, vector<16xf32>,
        %mul3A_1227 = arith.constant 21 : i32
        %mul3A_1228 = arith.muli %scan3A_550, %mul3A_1227 : i32
        %add3A_1229 = arith.constant 16 : i32
        %add3A_1230 = arith.addi %mul3A_1228, %add3A_1229 : i32
        %slice3A_1231 = vector.extract_strided_slice %get3A_571 {offsets = [11], sizes = [1], strides = [1]} : vector<16xi32> to vector<1xi32>
        %squeeze3A_1232 = vector.extract %slice3A_1231[0] : i32 from vector<1xi32>
        %and3A_1233 = arith.constant 1 : i32
        %and3A_1234 = arith.andi %squeeze3A_1232, %and3A_1233 : i32
        %mul3A_1235 = arith.constant 64 : i32
        %mul3A_1236 = arith.muli %and3A_1234, %mul3A_1235 : i32
        %get3A_1237 = arith.index_cast %add3A_1230 : i32 to index
        %get3A_1238 = arith.index_cast %mul3A_1236 : i32 to index
        %get3A_1239 = tpu.vector_load %arg16[%get3A_1237, %get3A_1238] {strides = array<i32>} : memref<336x128xf32, #tpu.memory_space<vmem>>, vector<16xf32>,
        %mul3A_1240 = arith.mulf %neg3A_593, %get3A_1239 : vector<16xf32>
        %add3A_1241 = arith.constant 16 : i32
        %add3A_1242 = arith.addi %mul3A_1236, %add3A_1241 : i32
        %get3A_1243 = arith.index_cast %add3A_1230 : i32 to index
        %get3A_1244 = arith.index_cast %add3A_1242 : i32 to index
        %get3A_1245 = tpu.vector_load %arg16[%get3A_1243, %get3A_1244] {strides = array<i32>} : memref<336x128xf32, #tpu.memory_space<vmem>>, vector<16xf32>,
        %mul3A_1246 = arith.mulf %neg3A_596, %get3A_1245 : vector<16xf32>
        %add3A_1247 = arith.addf %mul3A_1240, %mul3A_1246 : vector<16xf32>
        %add3A_1248 = arith.constant 32 : i32
        %add3A_1249 = arith.addi %mul3A_1236, %add3A_1248 : i32
        %get3A_1250 = arith.index_cast %add3A_1230 : i32 to index
        %get3A_1251 = arith.index_cast %add3A_1249 : i32 to index
        %get3A_1252 = tpu.vector_load %arg16[%get3A_1250, %get3A_1251] {strides = array<i32>} : memref<336x128xf32, #tpu.memory_space<vmem>>, vector<16xf32>,
        %mul3A_1253 = arith.mulf %neg3A_599, %get3A_1252 : vector<16xf32>
        %add3A_1254 = arith.addf %add3A_1247, %mul3A_1253 : vector<16xf32>
        %add3A_1255 = arith.constant 48 : i32
        %add3A_1256 = arith.addi %mul3A_1236, %add3A_1255 : i32
        %get3A_1257 = arith.index_cast %add3A_1230 : i32 to index
        %get3A_1258 = arith.index_cast %add3A_1256 : i32 to index
        %get3A_1259 = tpu.vector_load %arg16[%get3A_1257, %get3A_1258] {strides = array<i32>} : memref<336x128xf32, #tpu.memory_space<vmem>>, vector<16xf32>,
        %mul3A_1260 = arith.mulf %neg3A_602, %get3A_1259 : vector<16xf32>
        %add3A_1261 = arith.addf %add3A_1254, %mul3A_1260 : vector<16xf32>
        %mul3A_1262 = arith.constant 17 : i32
        %mul3A_1263 = arith.muli %add3A_1230, %mul3A_1262 : i32
        %swap3A_1264 = arith.index_cast %mul3A_1263 : i32 to index
        %swap3A_1265 = tpu.vector_load %arg17[%swap3A_1264] {strides = array<i32>} : memref<5712xf32, #tpu.memory_space<vmem>>, vector<16xf32>,
        tpu.vector_store %arg17[%swap3A_1264], %add3A_1261 {strides = array<i32>} : memref<5712xf32, #tpu.memory_space<vmem>>, vector<16xf32>,
        %mul3A_1266 = arith.constant 21 : i32
        %mul3A_1267 = arith.muli %scan3A_550, %mul3A_1266 : i32
        %add3A_1268 = arith.constant 17 : i32
        %add3A_1269 = arith.addi %mul3A_1267, %add3A_1268 : i32
        %slice3A_1270 = vector.extract_strided_slice %get3A_571 {offsets = [12], sizes = [1], strides = [1]} : vector<16xi32> to vector<1xi32>
        %squeeze3A_1271 = vector.extract %slice3A_1270[0] : i32 from vector<1xi32>
        %and3A_1272 = arith.constant 1 : i32
        %and3A_1273 = arith.andi %squeeze3A_1271, %and3A_1272 : i32
        %mul3A_1274 = arith.constant 64 : i32
        %mul3A_1275 = arith.muli %and3A_1273, %mul3A_1274 : i32
        %get3A_1276 = arith.index_cast %add3A_1269 : i32 to index
        %get3A_1277 = arith.index_cast %mul3A_1275 : i32 to index
        %get3A_1278 = tpu.vector_load %arg16[%get3A_1276, %get3A_1277] {strides = array<i32>} : memref<336x128xf32, #tpu.memory_space<vmem>>, vector<16xf32>,
        %mul3A_1279 = arith.mulf %neg3A_593, %get3A_1278 : vector<16xf32>
        %add3A_1280 = arith.constant 16 : i32
        %add3A_1281 = arith.addi %mul3A_1275, %add3A_1280 : i32
        %get3A_1282 = arith.index_cast %add3A_1269 : i32 to index
        %get3A_1283 = arith.index_cast %add3A_1281 : i32 to index
        %get3A_1284 = tpu.vector_load %arg16[%get3A_1282, %get3A_1283] {strides = array<i32>} : memref<336x128xf32, #tpu.memory_space<vmem>>, vector<16xf32>,
        %mul3A_1285 = arith.mulf %neg3A_596, %get3A_1284 : vector<16xf32>
        %add3A_1286 = arith.addf %mul3A_1279, %mul3A_1285 : vector<16xf32>
        %add3A_1287 = arith.constant 32 : i32
        %add3A_1288 = arith.addi %mul3A_1275, %add3A_1287 : i32
        %get3A_1289 = arith.index_cast %add3A_1269 : i32 to index
        %get3A_1290 = arith.index_cast %add3A_1288 : i32 to index
        %get3A_1291 = tpu.vector_load %arg16[%get3A_1289, %get3A_1290] {strides = array<i32>} : memref<336x128xf32, #tpu.memory_space<vmem>>, vector<16xf32>,
        %mul3A_1292 = arith.mulf %neg3A_599, %get3A_1291 : vector<16xf32>
        %add3A_1293 = arith.addf %add3A_1286, %mul3A_1292 : vector<16xf32>
        %add3A_1294 = arith.constant 48 : i32
        %add3A_1295 = arith.addi %mul3A_1275, %add3A_1294 : i32
        %get3A_1296 = arith.index_cast %add3A_1269 : i32 to index
        %get3A_1297 = arith.index_cast %add3A_1295 : i32 to index
        %get3A_1298 = tpu.vector_load %arg16[%get3A_1296, %get3A_1297] {strides = array<i32>} : memref<336x128xf32, #tpu.memory_space<vmem>>, vector<16xf32>,
        %mul3A_1299 = arith.mulf %neg3A_602, %get3A_1298 : vector<16xf32>
        %add3A_1300 = arith.addf %add3A_1293, %mul3A_1299 : vector<16xf32>
        %mul3A_1301 = arith.constant 17 : i32
        %mul3A_1302 = arith.muli %add3A_1269, %mul3A_1301 : i32
        %swap3A_1303 = arith.index_cast %mul3A_1302 : i32 to index
        %swap3A_1304 = tpu.vector_load %arg17[%swap3A_1303] {strides = array<i32>} : memref<5712xf32, #tpu.memory_space<vmem>>, vector<16xf32>,
        tpu.vector_store %arg17[%swap3A_1303], %add3A_1300 {strides = array<i32>} : memref<5712xf32, #tpu.memory_space<vmem>>, vector<16xf32>,
        %mul3A_1305 = arith.constant 21 : i32
        %mul3A_1306 = arith.muli %scan3A_550, %mul3A_1305 : i32
        %add3A_1307 = arith.constant 18 : i32
        %add3A_1308 = arith.addi %mul3A_1306, %add3A_1307 : i32
        %slice3A_1309 = vector.extract_strided_slice %get3A_571 {offsets = [13], sizes = [1], strides = [1]} : vector<16xi32> to vector<1xi32>
        %squeeze3A_1310 = vector.extract %slice3A_1309[0] : i32 from vector<1xi32>
        %and3A_1311 = arith.constant 1 : i32
        %and3A_1312 = arith.andi %squeeze3A_1310, %and3A_1311 : i32
        %mul3A_1313 = arith.constant 64 : i32
        %mul3A_1314 = arith.muli %and3A_1312, %mul3A_1313 : i32
        %get3A_1315 = arith.index_cast %add3A_1308 : i32 to index
        %get3A_1316 = arith.index_cast %mul3A_1314 : i32 to index
        %get3A_1317 = tpu.vector_load %arg16[%get3A_1315, %get3A_1316] {strides = array<i32>} : memref<336x128xf32, #tpu.memory_space<vmem>>, vector<16xf32>,
        %mul3A_1318 = arith.mulf %neg3A_593, %get3A_1317 : vector<16xf32>
        %add3A_1319 = arith.constant 16 : i32
        %add3A_1320 = arith.addi %mul3A_1314, %add3A_1319 : i32
        %get3A_1321 = arith.index_cast %add3A_1308 : i32 to index
        %get3A_1322 = arith.index_cast %add3A_1320 : i32 to index
        %get3A_1323 = tpu.vector_load %arg16[%get3A_1321, %get3A_1322] {strides = array<i32>} : memref<336x128xf32, #tpu.memory_space<vmem>>, vector<16xf32>,
        %mul3A_1324 = arith.mulf %neg3A_596, %get3A_1323 : vector<16xf32>
        %add3A_1325 = arith.addf %mul3A_1318, %mul3A_1324 : vector<16xf32>
        %add3A_1326 = arith.constant 32 : i32
        %add3A_1327 = arith.addi %mul3A_1314, %add3A_1326 : i32
        %get3A_1328 = arith.index_cast %add3A_1308 : i32 to index
        %get3A_1329 = arith.index_cast %add3A_1327 : i32 to index
        %get3A_1330 = tpu.vector_load %arg16[%get3A_1328, %get3A_1329] {strides = array<i32>} : memref<336x128xf32, #tpu.memory_space<vmem>>, vector<16xf32>,
        %mul3A_1331 = arith.mulf %neg3A_599, %get3A_1330 : vector<16xf32>
        %add3A_1332 = arith.addf %add3A_1325, %mul3A_1331 : vector<16xf32>
        %add3A_1333 = arith.constant 48 : i32
        %add3A_1334 = arith.addi %mul3A_1314, %add3A_1333 : i32
        %get3A_1335 = arith.index_cast %add3A_1308 : i32 to index
        %get3A_1336 = arith.index_cast %add3A_1334 : i32 to index
        %get3A_1337 = tpu.vector_load %arg16[%get3A_1335, %get3A_1336] {strides = array<i32>} : memref<336x128xf32, #tpu.memory_space<vmem>>, vector<16xf32>,
        %mul3A_1338 = arith.mulf %neg3A_602, %get3A_1337 : vector<16xf32>
        %add3A_1339 = arith.addf %add3A_1332, %mul3A_1338 : vector<16xf32>
        %mul3A_1340 = arith.constant 17 : i32
        %mul3A_1341 = arith.muli %add3A_1308, %mul3A_1340 : i32
        %swap3A_1342 = arith.index_cast %mul3A_1341 : i32 to index
        %swap3A_1343 = tpu.vector_load %arg17[%swap3A_1342] {strides = array<i32>} : memref<5712xf32, #tpu.memory_space<vmem>>, vector<16xf32>,
        tpu.vector_store %arg17[%swap3A_1342], %add3A_1339 {strides = array<i32>} : memref<5712xf32, #tpu.memory_space<vmem>>, vector<16xf32>,
        %mul3A_1344 = arith.constant 21 : i32
        %mul3A_1345 = arith.muli %scan3A_550, %mul3A_1344 : i32
        %add3A_1346 = arith.constant 19 : i32
        %add3A_1347 = arith.addi %mul3A_1345, %add3A_1346 : i32
        %slice3A_1348 = vector.extract_strided_slice %get3A_571 {offsets = [14], sizes = [1], strides = [1]} : vector<16xi32> to vector<1xi32>
        %squeeze3A_1349 = vector.extract %slice3A_1348[0] : i32 from vector<1xi32>
        %and3A_1350 = arith.constant 1 : i32
        %and3A_1351 = arith.andi %squeeze3A_1349, %and3A_1350 : i32
        %mul3A_1352 = arith.constant 64 : i32
        %mul3A_1353 = arith.muli %and3A_1351, %mul3A_1352 : i32
        %get3A_1354 = arith.index_cast %add3A_1347 : i32 to index
        %get3A_1355 = arith.index_cast %mul3A_1353 : i32 to index
        %get3A_1356 = tpu.vector_load %arg16[%get3A_1354, %get3A_1355] {strides = array<i32>} : memref<336x128xf32, #tpu.memory_space<vmem>>, vector<16xf32>,
        %mul3A_1357 = arith.mulf %neg3A_593, %get3A_1356 : vector<16xf32>
        %add3A_1358 = arith.constant 16 : i32
        %add3A_1359 = arith.addi %mul3A_1353, %add3A_1358 : i32
        %get3A_1360 = arith.index_cast %add3A_1347 : i32 to index
        %get3A_1361 = arith.index_cast %add3A_1359 : i32 to index
        %get3A_1362 = tpu.vector_load %arg16[%get3A_1360, %get3A_1361] {strides = array<i32>} : memref<336x128xf32, #tpu.memory_space<vmem>>, vector<16xf32>,
        %mul3A_1363 = arith.mulf %neg3A_596, %get3A_1362 : vector<16xf32>
        %add3A_1364 = arith.addf %mul3A_1357, %mul3A_1363 : vector<16xf32>
        %add3A_1365 = arith.constant 32 : i32
        %add3A_1366 = arith.addi %mul3A_1353, %add3A_1365 : i32
        %get3A_1367 = arith.index_cast %add3A_1347 : i32 to index
        %get3A_1368 = arith.index_cast %add3A_1366 : i32 to index
        %get3A_1369 = tpu.vector_load %arg16[%get3A_1367, %get3A_1368] {strides = array<i32>} : memref<336x128xf32, #tpu.memory_space<vmem>>, vector<16xf32>,
        %mul3A_1370 = arith.mulf %neg3A_599, %get3A_1369 : vector<16xf32>
        %add3A_1371 = arith.addf %add3A_1364, %mul3A_1370 : vector<16xf32>
        %add3A_1372 = arith.constant 48 : i32
        %add3A_1373 = arith.addi %mul3A_1353, %add3A_1372 : i32
        %get3A_1374 = arith.index_cast %add3A_1347 : i32 to index
        %get3A_1375 = arith.index_cast %add3A_1373 : i32 to index
        %get3A_1376 = tpu.vector_load %arg16[%get3A_1374, %get3A_1375] {strides = array<i32>} : memref<336x128xf32, #tpu.memory_space<vmem>>, vector<16xf32>,
        %mul3A_1377 = arith.mulf %neg3A_602, %get3A_1376 : vector<16xf32>
        %add3A_1378 = arith.addf %add3A_1371, %mul3A_1377 : vector<16xf32>
        %mul3A_1379 = arith.constant 17 : i32
        %mul3A_1380 = arith.muli %add3A_1347, %mul3A_1379 : i32
        %swap3A_1381 = arith.index_cast %mul3A_1380 : i32 to index
        %swap3A_1382 = tpu.vector_load %arg17[%swap3A_1381] {strides = array<i32>} : memref<5712xf32, #tpu.memory_space<vmem>>, vector<16xf32>,
        tpu.vector_store %arg17[%swap3A_1381], %add3A_1378 {strides = array<i32>} : memref<5712xf32, #tpu.memory_space<vmem>>, vector<16xf32>,
        %mul3A_1383 = arith.constant 21 : i32
        %mul3A_1384 = arith.muli %scan3A_550, %mul3A_1383 : i32
        %add3A_1385 = arith.constant 20 : i32
        %add3A_1386 = arith.addi %mul3A_1384, %add3A_1385 : i32
        %slice3A_1387 = vector.extract_strided_slice %get3A_571 {offsets = [15], sizes = [1], strides = [1]} : vector<16xi32> to vector<1xi32>
        %squeeze3A_1388 = vector.extract %slice3A_1387[0] : i32 from vector<1xi32>
        %and3A_1389 = arith.constant 1 : i32
        %and3A_1390 = arith.andi %squeeze3A_1388, %and3A_1389 : i32
        %mul3A_1391 = arith.constant 64 : i32
        %mul3A_1392 = arith.muli %and3A_1390, %mul3A_1391 : i32
        %get3A_1393 = arith.index_cast %add3A_1386 : i32 to index
        %get3A_1394 = arith.index_cast %mul3A_1392 : i32 to index
        %get3A_1395 = tpu.vector_load %arg16[%get3A_1393, %get3A_1394] {strides = array<i32>} : memref<336x128xf32, #tpu.memory_space<vmem>>, vector<16xf32>,
        %mul3A_1396 = arith.mulf %neg3A_593, %get3A_1395 : vector<16xf32>
        %add3A_1397 = arith.constant 16 : i32
        %add3A_1398 = arith.addi %mul3A_1392, %add3A_1397 : i32
        %get3A_1399 = arith.index_cast %add3A_1386 : i32 to index
        %get3A_1400 = arith.index_cast %add3A_1398 : i32 to index
        %get3A_1401 = tpu.vector_load %arg16[%get3A_1399, %get3A_1400] {strides = array<i32>} : memref<336x128xf32, #tpu.memory_space<vmem>>, vector<16xf32>,
        %mul3A_1402 = arith.mulf %neg3A_596, %get3A_1401 : vector<16xf32>
        %add3A_1403 = arith.addf %mul3A_1396, %mul3A_1402 : vector<16xf32>
        %add3A_1404 = arith.constant 32 : i32
        %add3A_1405 = arith.addi %mul3A_1392, %add3A_1404 : i32
        %get3A_1406 = arith.index_cast %add3A_1386 : i32 to index
        %get3A_1407 = arith.index_cast %add3A_1405 : i32 to index
        %get3A_1408 = tpu.vector_load %arg16[%get3A_1406, %get3A_1407] {strides = array<i32>} : memref<336x128xf32, #tpu.memory_space<vmem>>, vector<16xf32>,
        %mul3A_1409 = arith.mulf %neg3A_599, %get3A_1408 : vector<16xf32>
        %add3A_1410 = arith.addf %add3A_1403, %mul3A_1409 : vector<16xf32>
        %add3A_1411 = arith.constant 48 : i32
        %add3A_1412 = arith.addi %mul3A_1392, %add3A_1411 : i32
        %get3A_1413 = arith.index_cast %add3A_1386 : i32 to index
        %get3A_1414 = arith.index_cast %add3A_1412 : i32 to index
        %get3A_1415 = tpu.vector_load %arg16[%get3A_1413, %get3A_1414] {strides = array<i32>} : memref<336x128xf32, #tpu.memory_space<vmem>>, vector<16xf32>,
        %mul3A_1416 = arith.mulf %neg3A_602, %get3A_1415 : vector<16xf32>
        %add3A_1417 = arith.addf %add3A_1410, %mul3A_1416 : vector<16xf32>
        %mul3A_1418 = arith.constant 17 : i32
        %mul3A_1419 = arith.muli %add3A_1386, %mul3A_1418 : i32
        %swap3A_1420 = arith.index_cast %mul3A_1419 : i32 to index
        %swap3A_1421 = tpu.vector_load %arg17[%swap3A_1420] {strides = array<i32>} : memref<5712xf32, #tpu.memory_space<vmem>>, vector<16xf32>,
        tpu.vector_store %arg17[%swap3A_1420], %add3A_1417 {strides = array<i32>} : memref<5712xf32, #tpu.memory_space<vmem>>, vector<16xf32>,
        %scan3A_1422 = arith.constant 0 : i32
        scf.yield %scan3A_1422 : i32
      }
      %scan3A_543 = arith.constant 16 : i32
      %scan3A_544 = arith.constant 0 : i32
      %scan3A_545 = arith.constant 21 : i32
      %scan3A_546 = arith.addi %scan3A_544, %scan3A_545 : i32
      %scan3A_547 = arith.constant 1 : i32
      %scan3A_548 = scf.for %scan3A_550 = %scan3A_544 to %scan3A_546 step %scan3A_547 iter_args(%scan3A_551 = %scan3A_502) -> (vector<16xf32>)  : i32 {
        %mul3A_552 = arith.constant 16 : i32
        %mul3A_553 = arith.muli %scan3A_550, %mul3A_552 : i32
        %add3A_554 = vector.broadcast %mul3A_553 : i32 to vector<16xi32>
        %add3A_555 = arith.addi %add3A_554, %iota3A : vector<16xi32>
        %mul3A_556 = arith.constant 17 : i32
        %mul3A_557 = vector.broadcast %mul3A_556 : i32 to vector<16xi32>
        %mul3A_558 = arith.muli %add3A_555, %mul3A_557 : vector<16xi32>
        %gather3A = tpu.vector_load_idx %arg17[%mul3A_558] : memref<5712xf32, #tpu.memory_space<vmem>>[vector<16xi32>], vector<16xf32>,
        %add3A_559 = arith.constant 1 : i32
        %add3A_560 = vector.broadcast %add3A_559 : i32 to vector<16xi32>
        %add3A_561 = arith.addi %mul3A_558, %add3A_560 : vector<16xi32>
        %gather3A_562 = tpu.vector_load_idx %arg17[%add3A_561] : memref<5712xf32, #tpu.memory_space<vmem>>[vector<16xi32>], vector<16xf32>,
        %add3A_563 = arith.addf %gather3A, %gather3A_562 : vector<16xf32>
        %add3A_564 = arith.constant 2 : i32
        %add3A_565 = vector.broadcast %add3A_564 : i32 to vector<16xi32>
        %add3A_566 = arith.addi %mul3A_558, %add3A_565 : vector<16xi32>
        %gather3A_567 = tpu.vector_load_idx %arg17[%add3A_566] : memref<5712xf32, #tpu.memory_space<vmem>>[vector<16xi32>], vector<16xf32>,
        %add3A_568 = arith.addf %add3A_563, %gather3A_567 : vector<16xf32>
        %add3A_569 = arith.constant 3 : i32
        %add3A_570 = vector.broadcast %add3A_569 : i32 to vector<16xi32>
        %add3A_571 = arith.addi %mul3A_558, %add3A_570 : vector<16xi32>
        %gather3A_572 = tpu.vector_load_idx %arg17[%add3A_571] : memref<5712xf32, #tpu.memory_space<vmem>>[vector<16xi32>], vector<16xf32>,
        %add3A_573 = arith.addf %add3A_568, %gather3A_572 : vector<16xf32>
        %add3A_574 = arith.constant 4 : i32
        %add3A_575 = vector.broadcast %add3A_574 : i32 to vector<16xi32>
        %add3A_576 = arith.addi %mul3A_558, %add3A_575 : vector<16xi32>
        %gather3A_577 = tpu.vector_load_idx %arg17[%add3A_576] : memref<5712xf32, #tpu.memory_space<vmem>>[vector<16xi32>], vector<16xf32>,
        %add3A_578 = arith.addf %add3A_573, %gather3A_577 : vector<16xf32>
        %add3A_579 = arith.constant 5 : i32
        %add3A_580 = vector.broadcast %add3A_579 : i32 to vector<16xi32>
        %add3A_581 = arith.addi %mul3A_558, %add3A_580 : vector<16xi32>
        %gather3A_582 = tpu.vector_load_idx %arg17[%add3A_581] : memref<5712xf32, #tpu.memory_space<vmem>>[vector<16xi32>], vector<16xf32>,
        %add3A_583 = arith.addf %add3A_578, %gather3A_582 : vector<16xf32>
        %add3A_584 = arith.constant 6 : i32
        %add3A_585 = vector.broadcast %add3A_584 : i32 to vector<16xi32>
        %add3A_586 = arith.addi %mul3A_558, %add3A_585 : vector<16xi32>
        %gather3A_587 = tpu.vector_load_idx %arg17[%add3A_586] : memref<5712xf32, #tpu.memory_space<vmem>>[vector<16xi32>], vector<16xf32>,
        %add3A_588 = arith.addf %add3A_583, %gather3A_587 : vector<16xf32>
        %add3A_589 = arith.constant 7 : i32
        %add3A_590 = vector.broadcast %add3A_589 : i32 to vector<16xi32>
        %add3A_591 = arith.addi %mul3A_558, %add3A_590 : vector<16xi32>
        %gather3A_592 = tpu.vector_load_idx %arg17[%add3A_591] : memref<5712xf32, #tpu.memory_space<vmem>>[vector<16xi32>], vector<16xf32>,
        %add3A_593 = arith.addf %add3A_588, %gather3A_592 : vector<16xf32>
        %add3A_594 = arith.constant 8 : i32
        %add3A_595 = vector.broadcast %add3A_594 : i32 to vector<16xi32>
        %add3A_596 = arith.addi %mul3A_558, %add3A_595 : vector<16xi32>
        %gather3A_597 = tpu.vector_load_idx %arg17[%add3A_596] : memref<5712xf32, #tpu.memory_space<vmem>>[vector<16xi32>], vector<16xf32>,
        %add3A_598 = arith.addf %add3A_593, %gather3A_597 : vector<16xf32>
        %add3A_599 = arith.constant 9 : i32
        %add3A_600 = vector.broadcast %add3A_599 : i32 to vector<16xi32>
        %add3A_601 = arith.addi %mul3A_558, %add3A_600 : vector<16xi32>
        %gather3A_602 = tpu.vector_load_idx %arg17[%add3A_601] : memref<5712xf32, #tpu.memory_space<vmem>>[vector<16xi32>], vector<16xf32>,
        %add3A_603 = arith.addf %add3A_598, %gather3A_602 : vector<16xf32>
        %add3A_604 = arith.constant 10 : i32
        %add3A_605 = vector.broadcast %add3A_604 : i32 to vector<16xi32>
        %add3A_606 = arith.addi %mul3A_558, %add3A_605 : vector<16xi32>
        %gather3A_607 = tpu.vector_load_idx %arg17[%add3A_606] : memref<5712xf32, #tpu.memory_space<vmem>>[vector<16xi32>], vector<16xf32>,
        %add3A_608 = arith.addf %add3A_603, %gather3A_607 : vector<16xf32>
        %add3A_609 = arith.constant 11 : i32
        %add3A_610 = vector.broadcast %add3A_609 : i32 to vector<16xi32>
        %add3A_611 = arith.addi %mul3A_558, %add3A_610 : vector<16xi32>
        %gather3A_612 = tpu.vector_load_idx %arg17[%add3A_611] : memref<5712xf32, #tpu.memory_space<vmem>>[vector<16xi32>], vector<16xf32>,
        %add3A_613 = arith.addf %add3A_608, %gather3A_612 : vector<16xf32>
        %add3A_614 = arith.constant 12 : i32
        %add3A_615 = vector.broadcast %add3A_614 : i32 to vector<16xi32>
        %add3A_616 = arith.addi %mul3A_558, %add3A_615 : vector<16xi32>
        %gather3A_617 = tpu.vector_load_idx %arg17[%add3A_616] : memref<5712xf32, #tpu.memory_space<vmem>>[vector<16xi32>], vector<16xf32>,
        %add3A_618 = arith.addf %add3A_613, %gather3A_617 : vector<16xf32>
        %add3A_619 = arith.constant 13 : i32
        %add3A_620 = vector.broadcast %add3A_619 : i32 to vector<16xi32>
        %add3A_621 = arith.addi %mul3A_558, %add3A_620 : vector<16xi32>
        %gather3A_622 = tpu.vector_load_idx %arg17[%add3A_621] : memref<5712xf32, #tpu.memory_space<vmem>>[vector<16xi32>], vector<16xf32>,
        %add3A_623 = arith.addf %add3A_618, %gather3A_622 : vector<16xf32>
        %add3A_624 = arith.constant 14 : i32
        %add3A_625 = vector.broadcast %add3A_624 : i32 to vector<16xi32>
        %add3A_626 = arith.addi %mul3A_558, %add3A_625 : vector<16xi32>
        %gather3A_627 = tpu.vector_load_idx %arg17[%add3A_626] : memref<5712xf32, #tpu.memory_space<vmem>>[vector<16xi32>], vector<16xf32>,
        %add3A_628 = arith.addf %add3A_623, %gather3A_627 : vector<16xf32>
        %add3A_629 = arith.constant 15 : i32
        %add3A_630 = vector.broadcast %add3A_629 : i32 to vector<16xi32>
        %add3A_631 = arith.addi %mul3A_558, %add3A_630 : vector<16xi32>
        %gather3A_632 = tpu.vector_load_idx %arg17[%add3A_631] : memref<5712xf32, #tpu.memory_space<vmem>>[vector<16xi32>], vector<16xf32>,
        %add3A_633 = arith.addf %add3A_628, %gather3A_632 : vector<16xf32>
        %abs3A = math.absf %add3A_633 : vector<16xf32>
        %neg3A = arith.constant 0.000000e+00 : f32
        %neg3A_634 = vector.broadcast %neg3A : f32 to vector<16xf32>
        %neg3A_635 = arith.subf %neg3A_634, %abs3A : vector<16xf32>
        %exp3A = math.exp %neg3A_635 : vector<16xf32>
        %add3A_636 = arith.constant 2.000000e+00 : f32
        %add3A_637 = vector.broadcast %add3A_636 : f32 to vector<16xf32>
        %add3A_638 = arith.addf %exp3A, %add3A_637 : vector<16xf32>
        %div3A = arith.divf %exp3A, %add3A_638 : vector<16xf32>
        %mul3A_639 = arith.mulf %div3A, %div3A : vector<16xf32>
        %mul3A_640 = arith.constant 0.111111112 : f32
        %mul3A_641 = vector.broadcast %mul3A_640 : f32 to vector<16xf32>
        %mul3A_642 = arith.mulf %mul3A_639, %mul3A_641 : vector<16xf32>
        %add3A_643 = arith.constant 0.142857149 : f32
        %add3A_644 = vector.broadcast %add3A_643 : f32 to vector<16xf32>
        %add3A_645 = arith.addf %add3A_644, %mul3A_642 : vector<16xf32>
        %mul3A_646 = arith.mulf %mul3A_639, %add3A_645 : vector<16xf32>
        %add3A_647 = arith.constant 2.000000e-01 : f32
        %add3A_648 = vector.broadcast %add3A_647 : f32 to vector<16xf32>
        %add3A_649 = arith.addf %add3A_648, %mul3A_646 : vector<16xf32>
        %mul3A_650 = arith.mulf %mul3A_639, %add3A_649 : vector<16xf32>
        %add3A_651 = arith.constant 0.333333343 : f32
        %add3A_652 = vector.broadcast %add3A_651 : f32 to vector<16xf32>
        %add3A_653 = arith.addf %add3A_652, %mul3A_650 : vector<16xf32>
        %mul3A_654 = arith.mulf %mul3A_639, %add3A_653 : vector<16xf32>
        %add3A_655 = arith.constant 1.000000e+00 : f32
        %add3A_656 = vector.broadcast %add3A_655 : f32 to vector<16xf32>
        %add3A_657 = arith.addf %add3A_656, %mul3A_654 : vector<16xf32>
        %mul3A_658 = arith.constant 2.000000e+00 : f32
        %mul3A_659 = vector.broadcast %mul3A_658 : f32 to vector<16xf32>
        %mul3A_660 = arith.mulf %mul3A_659, %div3A : vector<16xf32>
        %mul3A_661 = arith.mulf %mul3A_660, %add3A_657 : vector<16xf32>
        %min3A = arith.constant 0.000000e+00 : f32
        %min3A_662 = vector.broadcast %min3A : f32 to vector<16xf32>
        %min3A_663 = arith.minimumf %add3A_633, %min3A_662 : vector<16xf32>
        %sub3A = arith.subf %min3A_663, %mul3A_661 : vector<16xf32>
        %add3A_664 = arith.addf %scan3A_551, %sub3A : vector<16xf32>
        scf.yield %add3A_664 : vector<16xf32>
      }
      %scan3A_549 = arith.constant 21 : i32
      scf.yield %scan3A_548 : vector<16xf32>
    }
    %scan3A_187 = arith.constant 16 : i32
    %swap3A_188 = arith.constant 0 : index
    %swap3A_189 = tpu.vector_load %arg18[%swap3A_188] {strides = array<i32>} : memref<16xf32, #tpu.memory_space<vmem>>, vector<16xf32>,
    tpu.vector_store %arg18[%swap3A_188], %scan3A_186 {strides = array<i32>} : memref<16xf32, #tpu.memory_space<vmem>>, vector<16xf32>,
    "tpu.region"() ({
      %run_scoped3A = tpu.sem_alloc : memref<!tpu.dma_semaphore, #tpu.memory_space<semaphore_mem>>
      %dma_start3A_190 = arith.constant 0 : i32
      %dma_start3A_191 = tpu.memref_slice %arg6[%add3A, %dma_start3A_190] : memref<32x16xf32, #tpu.memory_space<hbm>> -> memref<1x16xf32, #tpu.memory_space<hbm>>
      %dma_start3A_192 = tpu.memref_squeeze %dma_start3A_191 : memref<1x16xf32, #tpu.memory_space<hbm>> -> memref<16xf32, #tpu.memory_space<hbm>>
      %dma_start3A_193 = arith.constant 0 : i32
      %dma_start3A_194 = tpu.memref_slice %arg6[%add3A, %dma_start3A_193] : memref<32x16xf32, #tpu.memory_space<hbm>> -> memref<1x16xf32, #tpu.memory_space<hbm>>
      %dma_start3A_195 = tpu.memref_squeeze %dma_start3A_194 : memref<1x16xf32, #tpu.memory_space<hbm>> -> memref<16xf32, #tpu.memory_space<hbm>>
      tpu.enqueue_dma source(%arg18 : memref<16xf32, #tpu.memory_space<vmem>>) target(%dma_start3A_195 : memref<16xf32, #tpu.memory_space<hbm>>) target_semaphore(%run_scoped3A : memref<!tpu.dma_semaphore, #tpu.memory_space<semaphore_mem>>)
      %dma_wait3A = arith.constant 0 : i32
      %dma_wait3A_196 = tpu.memref_slice %arg6[%add3A, %dma_wait3A] : memref<32x16xf32, #tpu.memory_space<hbm>> -> memref<1x16xf32, #tpu.memory_space<hbm>>
      %dma_wait3A_197 = tpu.memref_squeeze %dma_wait3A_196 : memref<1x16xf32, #tpu.memory_space<hbm>> -> memref<16xf32, #tpu.memory_space<hbm>>
      %dma_wait3A_198 = arith.constant 0 : i32
      %dma_wait3A_199 = tpu.memref_slice %arg6[%add3A, %dma_wait3A_198] : memref<32x16xf32, #tpu.memory_space<hbm>> -> memref<1x16xf32, #tpu.memory_space<hbm>>
      %dma_wait3A_200 = tpu.memref_squeeze %dma_wait3A_199 : memref<1x16xf32, #tpu.memory_space<hbm>> -> memref<16xf32, #tpu.memory_space<hbm>>
      tpu.wait_dma2 semaphore(%run_scoped3A : memref<!tpu.dma_semaphore, #tpu.memory_space<semaphore_mem>>) src(%arg18 : memref<16xf32, #tpu.memory_space<vmem>>) dst(%dma_wait3A_200 : memref<16xf32, #tpu.memory_space<hbm>>)
      tpu.yield
    }) : () -> ()
    return
  }
}

</mosaic_0001>

<sc_bundles>
// kernel: kernel.3.cloned.1.call-start
scs
__scs_entry_jumppad:
0x0: {  	(pc) =	sbr.rel $0x88, $3  }
0x1: {  	(tag) =	ssettag $0x0;
	lr =	simm.s32 $0x1  }
0x2: {  	[smem:$0x3F9C] =	sst lr;
	_ =	strace $0xD0000000  }
0x3: {  	_ = 	snop  }
0x4: {  	_ = 	snop  }
0x5: {  	_ = 	snop  }
0x6: {  	_ = 	snop  }
0x7: {  	_ = 	snop  }
__scs_overlays_trampoline_lowered:
0x8: {  	[smem:$0x3FAB] =	sst s0  }
0x9: {  	[smem:$0x3FAC] =	sst s1  }
0xa: {  	[smem:$0x3FAD] =	sst s2  }
0xb: {  	[smem:$0x3FAE] =	sst s3  }
0xc: {  	[smem:$0x3FAF] =	sst s4  }
0xd: {  	[smem:$0x3FB0] =	sst s5  }
0xe: {  	[smem:$0x3FB1] =	sst s6  }
0xf: {  	[smem:$0x3FB2] =	sst s7  }
0x10: {  	[smem:$0x3FB3] =	sst s8  }
0x11: {  	[smem:$0x3FB4] =	sst s9;
	s0 =	simm.s32 @!p0 $0x0  }
0x12: {  	s1 =	sld [smem:$0x3F9A];
	s0 =	simm.s32 @p0 $0x1  }
0x13: {  	[smem:$0x3FB5] =	sst s0;
	s0 =	simm.s32 @!p1 $0x0  }
0x14: {  	s2 =	sld [smem:$0x3F99];
	s0 =	simm.s32 @p1 $0x1  }
0x15: {  	[smem:$0x3FB6] =	sst s0;
	s0 =	simm.s32 @!p2 $0x0  }
0x16: {  	s3 =	sld [smem:$0x3FDB];
	s0 =	simm.s32 @p2 $0x1  }
0x17: {  	s4 =	simm.s32 $0x1BF5;
	[smem:$0x3FB8] =	sst s0  }
0x18: {  	s0 =	sld [smem:$0x3F9B];
	_ =	swait.ge [sflag:s4], $0x0  }
0x19: {  	s7 =	sld [smem:$0x3F9C]  }
0x1a: {  	s8 =	sadd.s32 $0xFFFFE003, lr  }
0x1b: {  	s9 =	sadd.s32 $0xFFFFFEF7, lr;
	s5 =	simm.s32 $0xFFFFFFFF;
	p2 =	slt.u32 s8, $0xFFFFF086  }
0x1c: {  	p1 =	slt.u32 s9, $0xF7A;
	s5 =	simm.s32 @!p2 $0x0  }
0x1d: {  	s5 =	simm.s32 @p1 $0x1;
	p0 =	seq.s32 s7, s2  }
0x1e: {  	s7 =	smul.u32 @!p0 $0xF7A, s2;
	p2 =	seq.s32 @!p0 s5, $0x0  }
0x1f: {  	s9 =	smul.u32 $0xF7A, s1;
	s8 =	simm.s32 @!p0 $0x1BF5;
	p2 =	por !p2, p0  }
0x20: {  	[sflag:s8] =	ssyncset.s32 @!p0 $0xFFFFF086;
	s6 =	sadd.s32 @!p0 s3, s7;
	s7 =	simm.s32 @!p0 $0x108  }
0x21: {  	s3 =	sadd.s32 s3, s9;
	s6 =	sadd.s32 @!p0 $0x88, s6;
	s7 =	simm.s32 @p2 $0x1082  }
0x22: {  	[simem:s7], [sflag:s8] =	dma.local @!p0 [hbm:s6], $0xF7A  }
0x23: {  	s9 =	sor.u32 $0xD0000000, s2;
	s6 =	simm.s32 $0x108;
	_ =	swait.ge @!p0 [sflag:s8], $0x0  }
0x24: {  	s3 =	sadd.s32 $0x88, s3;
	s6 =	simm.s32 @!p1 $0x1082;
	[sflag:s4] =	ssyncset.s32 $0xFFFFF086  }
0x25: {  	[simem:s6], [sflag:s4] =	dma.local [hbm:s3], $0xF7A  }
0x26: {  	[smem:$0x3F9C] =	sst s1;
	(tag) =	ssettag s2;
	_ =	strace s9  }
0x27: {  	s1 =	sld [smem:$0x3FAC]  }
0x28: {  	s2 =	sld [smem:$0x3FAD]  }
0x29: {  	s4 =	sld [smem:$0x3FAF]  }
0x2a: {  	p0 =	seq.s32 s5, $0x0;
	s5 =	sld [smem:$0x3FB0]  }
0x2b: {  	s6 =	sld [smem:$0x3FB1]  }
0x2c: {  	s7 =	sld [smem:$0x3FB2]  }
0x2d: {  	s3 =	simm.s32 $0x108;
	s8 =	sld [smem:$0x3FB3]  }
0x2e: {  	s3 =	simm.s32 @!p0 $0x1082;
	s9 =	sld [smem:$0x3FB4]  }
0x2f: {  	lr =	sadd.s32 s0, s3;
	s0 =	sld [smem:$0x3FAB]  }
0x30: {  	s3 =	sld [smem:$0x3FAE]  }
0x31: {  	[smem:$0x3FB7] =	sst s10  }
0x32: {  	s10 =	sld [smem:$0x3FB5];
	_ =	sdelay $0x3  }
0x33: {  	p0 =	seq.s32 s10, $0x1;
	s10 =	sld [smem:$0x3FB7];
	_ =	sdelay $0x3  }
0x34: {  	[smem:$0x3FB7] =	sst s10  }
0x35: {  	s10 =	sld [smem:$0x3FB6];
	_ =	sdelay $0x3  }
0x36: {  	p1 =	seq.s32 s10, $0x1;
	s10 =	sld [smem:$0x3FB7];
	_ =	sdelay $0x3  }
0x37: {  	[smem:$0x3FB7] =	sst s10  }
0x38: {  	s10 =	sld [smem:$0x3FB8]  }
0x39: {  	_ = 	snop;
	(pc) =	sbr.ind lr, $3  }
0x3a: {  	_ = 	snop  }
0x3b: {  	_ = 	snop  }
0x3c: {  	p2 =	seq.s32 s10, $0x1;
	s10 =	sld [smem:$0x3FB7]  }
0x3d: {  	_ =	shalt  }
0x3e: {  	_ =	shalt  }
0x3f: {  	_ =	shalt  }
0x40: {  	_ =	shalt  }
0x41: {  	_ =	shalt  }
0x42: {  	_ =	shalt  }
0x43: {  	_ =	shalt  }
0x44: {  	_ =	shalt  }
0x45: {  	_ =	shalt  }
0x46: {  	_ =	shalt  }
0x47: {  	_ =	shalt  }
0x48: {  	_ =	shalt  }
0x49: {  	_ =	shalt  }
0x4a: {  	_ =	shalt  }
0x4b: {  	_ =	shalt  }
0x4c: {  	_ =	shalt  }
0x4d: {  	_ =	shalt  }
0x4e: {  	_ =	shalt  }
0x4f: {  	_ =	shalt  }
0x50: {  	_ =	shalt  }
0x51: {  	_ =	shalt  }
0x52: {  	_ =	shalt  }
0x53: {  	_ =	shalt  }
0x54: {  	_ =	shalt  }
0x55: {  	_ =	shalt  }
0x56: {  	_ =	shalt  }
0x57: {  	_ =	shalt  }
0x58: {  	_ =	shalt  }
0x59: {  	_ =	shalt  }
0x5a: {  	_ =	shalt  }
0x5b: {  	_ =	shalt  }
0x5c: {  	_ =	shalt  }
0x5d: {  	_ =	shalt  }
0x5e: {  	_ =	shalt  }
0x5f: {  	_ =	shalt  }
0x60: {  	_ =	shalt  }
0x61: {  	_ =	shalt  }
0x62: {  	_ =	shalt  }
0x63: {  	_ =	shalt  }
0x64: {  	_ =	shalt  }
0x65: {  	_ =	shalt  }
0x66: {  	_ =	shalt  }
0x67: {  	_ =	shalt  }
0x68: {  	_ =	shalt  }
0x69: {  	_ =	shalt  }
0x6a: {  	_ =	shalt  }
0x6b: {  	_ =	shalt  }
0x6c: {  	_ =	shalt  }
0x6d: {  	_ =	shalt  }
0x6e: {  	_ =	shalt  }
0x6f: {  	_ =	shalt  }
0x70: {  	_ =	shalt  }
0x71: {  	_ =	shalt  }
0x72: {  	_ =	shalt  }
0x73: {  	_ =	shalt  }
0x74: {  	_ =	shalt  }
0x75: {  	_ =	shalt  }
0x76: {  	_ =	shalt  }
0x77: {  	_ =	shalt  }
0x78: {  	_ =	shalt  }
0x79: {  	_ =	shalt  }
0x7a: {  	_ =	shalt  }
0x7b: {  	_ =	shalt  }
0x7c: {  	_ =	shalt  }
0x7d: {  	_ =	shalt  }
0x7e: {  	_ =	shalt  }
0x7f: {  	_ =	shalt  }
0x80: {  	_ =	shalt  }
0x81: {  	_ =	shalt  }
0x82: {  	_ =	shalt  }
0x83: {  	_ =	shalt  }
0x84: {  	_ =	shalt  }
0x85: {  	_ =	shalt  }
0x86: {  	_ =	shalt  }
0x87: {  	_ =	shalt  }
.Lfunc_end0:
.L_simem_size_0:
called_computation_lowered:
.L_overlay_start_0:
0x88: {  	s2 =	sld [smem:$0x3FD9]  }
0x89: {  	s3 =	sld [smem:$0x3FFE];
	_ =	sdelay $0x1  }
0x8a: {  	s1 =	srdreg.scid  }
0x8b: {  	s0 =	sand.u32 $0x1, s1  }
0x8c: {  	s17 =	sshll.u32 s0, $0xA;
	s2 =	sadd.s32 s3, s2  }
0x8d: {  	s2 =	sadd.s32 s2, s17  }
0x8e: {  	[smem:$0x3FC3] =	sst s2  }
0x8f: {  	_ = 	snop  }
0x90: {  	s2 =	sld [smem:$0x3FC9];
	(tm) =	ssettm $0x1  }
0x91: {  	s18 =	sld [smem:$0x3FFB];
	_ =	sdelay $0x3  }
0x92: {  	_ =	strace s18  }
0x93: {  	s3 =	sld [smem:$0x3FFC];
	_ =	sdelay $0x3  }
0x94: {  	_ =	strace s3  }
0x95: {  	s3 =	sld [smem:$0x3FFD];
	_ =	sdelay $0x3  }
0x96: {  	_ =	strace s3  }
0x97: {  	_ =	strace $0x8FFFFFFF  }
0x98: {  	s19 =	sld [smem:$0x3FDB];
	_ =	sdelay $0x1  }
0x99: {  	s4 =	simm.s32 $_scs_section_size  }
0x9a: {  	s5 =	simm.s32 $_size__tile_overlayer_lowered;
	s6 =	simm.s32 $_tile_overlayer_lowered  }
0x9b: {  	s22 =	simm.s32 $0x1BFF;
	s21 =	sshll.u32 s6, $0x1;
	s3 =	sadd.s32 s4, s19  }
0x9c: {  	s7 =	simm.s32 $0x0;
	s20 =	sshll.u32 s5, $0x1;
	s5 =	sadd.s32 s21, s3  }
0x9d: {  	[timem:s7], [sflag:s22] =	dma.local [hbm:s5], s20  }
0x9e: {  	_ =	swait.ge [sflag:s22], s20  }
0x9f: {  	s4 =	ssub.s32 $0x0, s20;
	[sflag:s22] =	ssyncset.done $0x0  }
0xa0: {  	[sflag:s22] =	ssyncadd.s32 s4;
	_ =	sdelay $0x1  }
0xa1: {  	s23 =	simm.s32 $0x1B8B  }
0xa2: {  	_ =	swait.ge [sflag:s23], $0x1  }
0xa3: {  	[sflag:s23] =	ssyncset.done $0x0  }
0xa4: {  	s25 =	simm.s32 $0x1B8E;
	s24 =	sld [smem:$0x3FFE];
	[sflag:s23] =	ssyncadd.s32 $0xFFFFFFFF  }
0xa5: {  	s26 =	simm.s32 $execute0_lowered;
	[smem:$0x3FD2] =	sst s25  }
0xa6: {  	s5 =	sshll.u32 s26, $0x1;
	_ =	strace $0x80000046;
	[dreg:$0x1] =	wrdreg $0xFFFFFFFF  }
0xa7: {  	s28 =	simm.s32 $_size_execute0_lowered;
	s3 =	sadd.s32 s3, s5;
	[dreg:$0x0] =	wrdreg $0x0  }
0xa8: {  	s5 =	sshll.u32 s28, $0x1;
	[dreg:$0x2] =	wrdreg s3  }
0xa9: {  	[dreg:$0x3] =	wrdreg s5  }
0xaa: {  	[dreg:$0x4] =	wrdreg $0xC0  }
0xab: {  	_ =	task [dreg:s7], $0x5FFFF  }
0xac: {  	[dreg:$0x1] =	wrdreg $0xFFFFFFFF  }
0xad: {  	[dreg:$0x0] =	wrdreg $0x60  }
0xae: {  	[dreg:$0x2] =	wrdreg s2  }
0xaf: {  	[dreg:$0x3] =	wrdreg s24  }
0xb0: {  	[dreg:$0x4] =	wrdreg $0x9  }
0xb1: {  	_ =	task.clear_ibuf [dreg:s7], $0x5FFFF;
	_ =	strace $0x90000046  }
0xb2: {  	s29 =	simm.s32 $0x9;
	_ =	strace $0x80000048  }
0xb3: {  	_ =	swait.ge [sflag:s29], $0x1  }
0xb4: {  	[sflag:s29] =	ssyncadd.s32 $0xFFFFFFFF  }
0xb5: {  	_ =	strace $0x90000048  }
0xb6: {  	_ =	sfence  }
0xb7: {  	s30 =	sld [smem:$0x0];
	_ =	sdelay $0x2  }
0xb8: {  	s31 =	sshll.u32 s1, $0xD;
	s1 =	sshrl.u32 s1, $0x2  }
0xb9: {  	s3 =	sand.u32 $0x4000, s31;
	s1 =	sadd.s32 s1, s30  }
0xba: {  	s0 =	sor.u32 s3, s0;
	s1 =	sshll.u32 s1, $0x11  }
0xbb: {  	s0 =	sor.u32 s1, s0  }
0xbc: {  	s0 =	sadd.s32 $0x8F2B, s0  }
0xbd: {  	[sflag:s0] =	ssyncadd.remote.s32 $0x1  }
0xbe: {  	_ =	sfence.sel $0xFFFF  }
0xbf: {  	[dreg:$0x0] =	wrdreg $0xFFFFFFFF;
	(pc) =	sbr.abs _section_cstart, $3  }
0xc0: {  	[dreg:$0x1] =	wrdreg $0xFFFFFFFF  }
0xc1: {  	_ =	task.clear_ibuf [dreg:s7], $0x2FFFF;
	_ =	strace $0x9FFFFFFF  }
0xc2: {  	(tm) =	ssettm $0x7FFFFFFF  }
0xc3: {  	_ =	shalt  }
tec
execute0_lowered:
.L_overlay_start_1:
0x0: {  	(tag) =	ssettag $0x1  }
0x1: {  	s0 =	srdreg.scid  }
0x2: {  	s2 =	stileid.u32;
	s1 =	rddreg [dreg:$0x0]  }
0x3: {  	s3 =	rddreg [dreg:$0x1];
	s6 =	simm.s32 $0x0;
	s0 =	sand.u32 $0x1, s0  }
0x4: {  	s2 =	sshll.u32 s2, $0x1;
	[smem:$0x7FF] =	sst s6;
	s5 =	sadd.s32 $0xF42800, s3  }
0x5: {  	v0 =	vlaneseq.u32;
	s25 =	sadd.s32 $0x16E3A00, s3;
	s2 =	sor.u32 s0, s2;
	_ =	strace $0x80000047  }
0x6: {  	v0 =	vmul.u32 $0x11, v0;
	[dreg:$0x3] =	wrdreg s5;
	s0 =	ssub.s32 $0x2, s0;
	s4 =	smul.u32 $0x540, s2  }
0x7: {  	s26 =	sshll.u32 s2, $0x4;
	s28 =	sshrl.u32 s0, $0x1;
	s2 =	sshll.u32 s2, $0x6  }
0x8: {  	[dreg:$0x4] =	wrdreg s25;
	v1 =	vadd.s32 $0x1, v0;
	v2 =	vadd.s32 $0x2, v0;
	v3 =	vadd.s32 $0x3, v0;
	s0 =	ssub.s32 s0, s28;
	s1 =	sadd.s32 s1, s2  }
0x9: {  	v4 =	vadd.s32 $0x4, v0;
	v5 =	vadd.s32 $0x5, v0;
	v6 =	vadd.s32 $0x6, v0;
	s4 =	sadd.s32 s4, s3;
	[dreg:$0x5] =	wrdreg s1;
	s0 =	smax.u32 s0, $0x1  }
0xa: {  	v7 =	vadd.s32 $0x7, v0;
	v8 =	vadd.s32 $0x8, v0;
	v9 =	vadd.s32 $0x9, v0;
	s3 =	sadd.s32 s26, s3;
	s29 =	sadd.s32 $0x400, s4;
	[dreg:$0x8] =	wrdreg s0  }
0xb: {  	s31 =	simm.s32 $0x19080;
	v10 =	vadd.s32 $0xA, v0;
	v11 =	vadd.s32 $0xB, v0;
	v12 =	vadd.s32 $0xC, v0;
	s30 =	sadd.s32 $0xAC00, s3;
	[dreg:$0x6] =	wrdreg s29  }
0xc: {  	v13 =	vadd.s32 $0xD, v0;
	v14 =	vadd.s32 $0xE, v0;
	v15 =	vadd.s32 $0xF, v0;
	s2 =	simm.s32 $0x0;
	s1 =	simm.s32 $0x3;
	[dreg:$0x7] =	wrdreg s30  }
.LBB2_1:
0xd: {  	[dreg:$0x9] =	wrdreg s2  }
0xe: {  	s0 =	rddreg [dreg:$0x5]  }
0xf: {  	[tilespmem:s6], [sflag:$0x3] =	stream.linear.gather [hbm4b:s0+s6], $0x200, $0x38;
	[tilespmem:$0x1A780] =	vst v63  }
0x10: {  	_ =	swait.ge [sflag:s1], $0x200  }
0x11: {  	[sflag:s1] =	ssyncset.done $0x0  }
0x12: {  	s17 =	simm.s32 $0x280;
	s16 =	rddreg [dreg:$0x6];
	[sflag:s1] =	ssyncadd.s32 $0xFFFFFE00  }
0x13: {  	[tilespmem:s17], [sflag:$0x3] =	stream.linear.gather [hbm4b:s16+s6], $0x2A00, $0x38;
	[tilespmem:$0x1A780] =	vst v63  }
0x14: {  	_ =	swait.ge [sflag:s1], $0x2A00  }
0x15: {  	[sflag:s1] =	ssyncset.done $0x0  }
0x16: {  	[sflag:s1] =	ssyncadd.s32 $0xFFFFD600  }
0x17: {  	v16 =	vld [tilespmem:$0x0]  }
0x18: {  	v17 =	vld [tilespmem:$0x280]  }
0x19: {  	v18 =	vld [tilespmem:$0x290]  }
0x1a: {  	v19 =	vld [tilespmem:$0x2A0]  }
0x1b: {  	v20 =	vld [tilespmem:$0x2B0]  }
0x1c: {  	v21 =	vld [tilespmem:$0x2C0];
	v16 =	vshrl.u32 v16, $0x1  }
0x1d: {  	[tilespmem:$0x2C80] =	vst v16;
	v16 =	vshrl.u32 v17, $0x1;
	v17 =	vld [tilespmem:$0x2D0]  }
0x1e: {  	[tilespmem:$0x2D80] =	vst v16;
	v16 =	vshrl.u32 v18, $0x1;
	v18 =	vld [tilespmem:$0x2E0]  }
0x1f: {  	[tilespmem:$0x2D90] =	vst v16;
	v16 =	vshrl.u32 v19, $0x1;
	v19 =	vld [tilespmem:$0x2F0]  }
0x20: {  	v58 =	vld [tilespmem:$0x300];
	[tilespmem:$0x2DA0] =	vst v16;
	v16 =	vshrl.u32 v20, $0x1  }
0x21: {  	v59 =	vld [tilespmem:$0x310];
	[tilespmem:$0x2DB0] =	vst v16;
	v16 =	vshrl.u32 v21, $0x1  }
0x22: {  	[tilespmem:$0x2DC0] =	vst v16;
	v16 =	vshrl.u32 v17, $0x1;
	v17 =	vld [tilespmem:$0x320]  }
0x23: {  	[tilespmem:$0x2DD0] =	vst v16;
	v16 =	vshrl.u32 v18, $0x1;
	v18 =	vld [tilespmem:$0x330]  }
0x24: {  	[tilespmem:$0x2DE0] =	vst v16;
	v16 =	vshrl.u32 v19, $0x1;
	v19 =	vld [tilespmem:$0x340]  }
0x25: {  	v60 =	vld [tilespmem:$0x350];
	[tilespmem:$0x2DF0] =	vst v16;
	v16 =	vshrl.u32 v58, $0x1  }
0x26: {  	v61 =	vld [tilespmem:$0x360];
	[tilespmem:$0x2E00] =	vst v16;
	v16 =	vshrl.u32 v59, $0x1  }
0x27: {  	[tilespmem:$0x2E10] =	vst v16;
	v16 =	vshrl.u32 v17, $0x1;
	v17 =	vld [tilespmem:$0x370]  }
0x28: {  	[tilespmem:$0x2E20] =	vst v16;
	v16 =	vshrl.u32 v18, $0x1;
	v18 =	vld [tilespmem:$0x380]  }
0x29: {  	[tilespmem:$0x2E30] =	vst v16;
	v16 =	vshrl.u32 v19, $0x1;
	v19 =	vld [tilespmem:$0x390]  }
0x2a: {  	v62 =	vld [tilespmem:$0x3A0];
	[tilespmem:$0x2E40] =	vst v16;
	v16 =	vshrl.u32 v60, $0x1  }
0x2b: {  	v63 =	vld [tilespmem:$0x3B0];
	[tilespmem:$0x2E50] =	vst v16;
	v16 =	vshrl.u32 v61, $0x1  }
0x2c: {  	[tilespmem:$0x2E60] =	vst v16;
	v16 =	vshrl.u32 v17, $0x1;
	v17 =	vld [tilespmem:$0x3C0]  }
0x2d: {  	[tilespmem:$0x2E70] =	vst v16;
	v16 =	vshrl.u32 v18, $0x1  }
0x2e: {  	[tilespmem:$0x2E80] =	vst v16;
	v16 =	vshrl.u32 v19, $0x1  }
0x2f: {  	[tilespmem:$0x2E90] =	vst v16;
	v16 =	vshrl.u32 v62, $0x1  }
0x30: {  	s19 =	simm.s32 $0x2C80;
	s20 =	simm.s32 $0x3080;
	s3 =	simm.s32 $0x10;
	[tilespmem:$0x2EA0] =	vst v16;
	v16 =	vshrl.u32 v63, $0x1  }
0x31: {  	s22 =	simm.s32 $0x70;
	s23 =	simm.s32 $0x2D80;
	s24 =	simm.s32 $0x4080;
	[tilespmem:$0x2EB0] =	vst v16;
	v16 =	vshrl.u32 v17, $0x1  }
0x32: {  	s25 =	simm.s32 $0x2DF0;
	s26 =	simm.s32 $0x7880;
	s18 =	rddreg [dreg:$0x3];
	[tilespmem:$0x2EC0] =	vst v16  }
0x33: {  	[tilespmem:s20], [sflag:$0x1] =	stream.indirect.gather [hbm4b:s18+s3], $0x80, s19, s3, $0xb8;
	[tilespmem:$0x1A780] =	vst v63  }
0x34: {  	s28 =	simm.s32 $0x2E60;
	s29 =	simm.s32 $0xB080;
	s21 =	rddreg [dreg:$0x4]  }
0x35: {  	[tilespmem:s24], [sflag:$0x1] =	stream.indirect.gather [hbm4b:s21+s22], $0x80, s23, s22, $0xb8;
	[tilespmem:$0x1A780] =	vst v63  }
0x36: {  	s15 =	simm.s32 $0x285;
	s5 =	simm.s32 $0x3D5;
	s30 =	simm.s32 $0x10  }
0x37: {  	[tilespmem:s26], [sflag:$0x1] =	stream.indirect.gather [hbm4b:s21+s22], $0x80, s25, s22, $0xb8;
	[tilespmem:$0x1A780] =	vst v63  }
0x38: {  	s8 =	simm.s32 $0x0;
	s16 =	simm.s32 $0x0;
	[dreg:$0xa] =	wrdreg s30  }
0x39: {  	v16 =	vimm.f32 $0.0e+00;
	[tilespmem:s29], [sflag:$0x1] =	stream.indirect.gather [hbm4b:s21+s22], $0x80, s28, s22, $0xb8;
	[tilespmem:$0x1A780] =	vst v63  }
.LBB2_2:
0x3a: {  	s0 =	sshllo.u32 s8, $0x1  }
0x3b: {  	s1 =	sshll.u32 s0, $0x4  }
0x3c: {  	s1 =	sand.u32 $0x3FFFFFF0, s1  }
0x3d: {  	v17 =	vld [tilespmem:s1+$0x0];
	_ =	sdelay $0x4  }
0x3e: {  	s0 =	smul.u32 $0x150, s0;
	v17 =	vshrl.u32 v17, $0x1  }
0x3f: {  	[tilespmem:$0x2D00] =	vst v17  }
0x40: {  	v17 =	vld [tilespmem:s0+$0x280];
	_ =	sdelay $0x4  }
0x41: {  	v17 =	vshrl.u32 v17, $0x1  }
0x42: {  	[tilespmem:$0x2F00] =	vst v17  }
0x43: {  	v17 =	vld [tilespmem:s0+$0x290];
	_ =	sdelay $0x4  }
0x44: {  	v17 =	vshrl.u32 v17, $0x1  }
0x45: {  	[tilespmem:$0x2F10] =	vst v17  }
0x46: {  	v17 =	vld [tilespmem:s0+$0x2A0];
	_ =	sdelay $0x4  }
0x47: {  	v17 =	vshrl.u32 v17, $0x1  }
0x48: {  	[tilespmem:$0x2F20] =	vst v17  }
0x49: {  	v17 =	vld [tilespmem:s0+$0x2B0];
	_ =	sdelay $0x4  }
0x4a: {  	v17 =	vshrl.u32 v17, $0x1  }
0x4b: {  	[tilespmem:$0x2F30] =	vst v17  }
0x4c: {  	v17 =	vld [tilespmem:s0+$0x2C0];
	_ =	sdelay $0x4  }
0x4d: {  	v17 =	vshrl.u32 v17, $0x1  }
0x4e: {  	[tilespmem:$0x2F40] =	vst v17  }
0x4f: {  	v17 =	vld [tilespmem:s0+$0x2D0];
	_ =	sdelay $0x4  }
0x50: {  	v17 =	vshrl.u32 v17, $0x1  }
0x51: {  	[tilespmem:$0x2F50] =	vst v17  }
0x52: {  	v17 =	vld [tilespmem:s0+$0x2E0];
	_ =	sdelay $0x4  }
0x53: {  	v17 =	vshrl.u32 v17, $0x1  }
0x54: {  	[tilespmem:$0x2F60] =	vst v17  }
0x55: {  	v17 =	vld [tilespmem:s0+$0x2F0];
	_ =	sdelay $0x4  }
0x56: {  	v17 =	vshrl.u32 v17, $0x1  }
0x57: {  	s14 =	sand.u32 $0x3FF0, s0;
	[tilespmem:$0x2F70] =	vst v17  }
0x58: {  	v17 =	vld [tilespmem:s14+$0x300];
	_ =	sdelay $0x4  }
0x59: {  	v17 =	vshrl.u32 v17, $0x1  }
0x5a: {  	[tilespmem:$0x2F80] =	vst v17  }
0x5b: {  	v17 =	vld [tilespmem:s0+$0x310];
	_ =	sdelay $0x4  }
0x5c: {  	v17 =	vshrl.u32 v17, $0x1  }
0x5d: {  	[tilespmem:$0x2F90] =	vst v17  }
0x5e: {  	v17 =	vld [tilespmem:s0+$0x320];
	_ =	sdelay $0x4  }
0x5f: {  	v17 =	vshrl.u32 v17, $0x1  }
0x60: {  	[tilespmem:$0x2FA0] =	vst v17  }
0x61: {  	v17 =	vld [tilespmem:s0+$0x330];
	_ =	sdelay $0x4  }
0x62: {  	v17 =	vshrl.u32 v17, $0x1  }
0x63: {  	[tilespmem:$0x2FB0] =	vst v17  }
0x64: {  	v17 =	vld [tilespmem:s0+$0x340];
	_ =	sdelay $0x4  }
0x65: {  	v17 =	vshrl.u32 v17, $0x1  }
0x66: {  	[tilespmem:$0x2FC0] =	vst v17  }
0x67: {  	v17 =	vld [tilespmem:s0+$0x350];
	_ =	sdelay $0x4  }
0x68: {  	v17 =	vshrl.u32 v17, $0x1  }
0x69: {  	[tilespmem:$0x2FD0] =	vst v17  }
0x6a: {  	v17 =	vld [tilespmem:s0+$0x360];
	_ =	sdelay $0x4  }
0x6b: {  	v17 =	vshrl.u32 v17, $0x1  }
0x6c: {  	[tilespmem:$0x2FE0] =	vst v17  }
0x6d: {  	v17 =	vld [tilespmem:s0+$0x370];
	_ =	sdelay $0x4  }
0x6e: {  	v17 =	vshrl.u32 v17, $0x1  }
0x6f: {  	[tilespmem:$0x2FF0] =	vst v17  }
0x70: {  	v17 =	vld [tilespmem:s14+$0x380];
	_ =	sdelay $0x4  }
0x71: {  	v17 =	vshrl.u32 v17, $0x1  }
0x72: {  	[tilespmem:$0x3000] =	vst v17  }
0x73: {  	v17 =	vld [tilespmem:s0+$0x390];
	_ =	sdelay $0x4  }
0x74: {  	v17 =	vshrl.u32 v17, $0x1  }
0x75: {  	[tilespmem:$0x3010] =	vst v17  }
0x76: {  	v17 =	vld [tilespmem:s0+$0x3A0];
	_ =	sdelay $0x4  }
0x77: {  	v17 =	vshrl.u32 v17, $0x1  }
0x78: {  	[tilespmem:$0x3020] =	vst v17  }
0x79: {  	v17 =	vld [tilespmem:s0+$0x3B0];
	_ =	sdelay $0x4  }
0x7a: {  	v17 =	vshrl.u32 v17, $0x1  }
0x7b: {  	[tilespmem:$0x3030] =	vst v17  }
0x7c: {  	v17 =	vld [tilespmem:s0+$0x3C0];
	_ =	sdelay $0x4  }
0x7d: {  	s17 =	rddreg [dreg:$0x3];
	s18 =	simm.s32 $0x10;
	v17 =	vshrl.u32 v17, $0x1  }
0x7e: {  	s2 =	simm.s32 $0x2D00;
	s3 =	simm.s32 $0x3880;
	s19 =	rddreg [dreg:$0x4];
	[tilespmem:$0x3040] =	vst v17  }
0x7f: {  	[tilespmem:s3], [sflag:$0x2] =	stream.indirect.gather [hbm4b:s17+s18], $0x80, s2, s18, $0xb8;
	[tilespmem:$0x1A780] =	vst v63  }
0x80: {  	s20 =	simm.s32 $0x70;
	s21 =	simm.s32 $0x2F00;
	s22 =	simm.s32 $0xE880  }
0x81: {  	[tilespmem:s22], [sflag:$0x2] =	stream.indirect.gather [hbm4b:s19+s20], $0x80, s21, s20, $0xb8;
	[tilespmem:$0x1A780] =	vst v63  }
0x82: {  	s23 =	simm.s32 $0x2F70;
	s24 =	simm.s32 $0x12080  }
0x83: {  	[tilespmem:s24], [sflag:$0x2] =	stream.indirect.gather [hbm4b:s19+s20], $0x80, s23, s20, $0xb8;
	[tilespmem:$0x1A780] =	vst v63  }
0x84: {  	s25 =	simm.s32 $0x2FE0;
	s26 =	simm.s32 $0x15880;
	s28 =	simm.s32 $0x1  }
0x85: {  	[tilespmem:s26], [sflag:$0x2] =	stream.indirect.gather [hbm4b:s19+s20], $0x80, s25, s20, $0xb8;
	[tilespmem:$0x1A780] =	vst v63  }
0x86: {  	_ =	swait.ge [sflag:s28], $0x800  }
0x87: {  	[sflag:s28] =	ssyncset.done $0x0  }
0x88: {  	[sflag:s28] =	ssyncadd.s32 $0xFFFFF800  }
0x89: {  	_ =	swait.ge [sflag:s28], $0x3800  }
0x8a: {  	[sflag:s28] =	ssyncset.done $0x0  }
0x8b: {  	[sflag:s28] =	ssyncadd.s32 $0xFFFFC800  }
0x8c: {  	_ =	swait.ge [sflag:s28], $0x3800  }
0x8d: {  	[sflag:s28] =	ssyncset.done $0x0  }
0x8e: {  	[sflag:s28] =	ssyncadd.s32 $0xFFFFC800  }
0x8f: {  	_ =	swait.ge [sflag:s28], $0x3800  }
0x90: {  	[sflag:s28] =	ssyncset.done $0x0  }
0x91: {  	[sflag:s28] =	ssyncadd.s32 $0xFFFFC800  }
0x92: {  	v17 =	vld [tilespmem:s16+$0x0];
	_ =	sdelay $0x1  }
0x93: {  	v22 =	vld [tilespmem:s15+$0xFFFFFFFB];
	_ =	sdelay $0x2  }
0x94: {  	(v2sf) =	vpush v17, $0x0;
	_ =	sdelay $0x1  }
0x95: {  	(v2sf) =	vpush v22, $0x0;
	_ =	sdelay $0x5  }
0x96: {  	(v2sf) =	vpush v22, $0x2  }
0x97: {  	(v2sf) =	vpush v22, $0x3  }
0x98: {  	(v2sf) =	vpush v22, $0x4  }
0x99: {  	(v2sf) =	vpush v22, $0x5  }
0x9a: {  	(v2sf) =	vpush v22, $0x6  }
0x9b: {  	(v2sf) =	vpush v22, $0x7  }
0x9c: {  	(v2sf) =	vpush v22, $0x8  }
0x9d: {  	(v2sf) =	vpush v22, $0x9;
	s29 =	spop (v2sf)  }
0x9e: {  	(v2sf) =	vpush v22, $0xA;
	s0 =	sand.u32 $0x1, s29  }
0x9f: {  	s30 =	spop (v2sf);
	(v2sf) =	vpush v22, $0x1;
	s0 =	sshll.u32 s0, $0x6  }
0xa0: {  	s1 =	sand.u32 $0x1, s30;
	s0 =	sadd.s32 $0x3080, s0  }
0xa1: {  	s1 =	sshll.u32 s1, $0x6;
	v18 =	vld [tilespmem:s0+$0x0]  }
0xa2: {  	s1 =	sadd.s32 $0x0, s1;
	v20 =	vld [tilespmem:s0+$0x10]  }
0xa3: {  	v17 =	vld [tilespmem:s1+$0x4090]  }
0xa4: {  	v19 =	vld [tilespmem:s1+$0x4080]  }
0xa5: {  	s11 =	spop (v2sf);
	v23 =	vld [tilespmem:s0+$0x20]  }
0xa6: {  	s12 =	spop (v2sf);
	v21 =	vld [tilespmem:s1+$0x40A0]  }
0xa7: {  	s10 =	spop (v2sf);
	v25 =	vld [tilespmem:s0+$0x30]  }
0xa8: {  	v24 =	vld [tilespmem:s1+$0x40B0];
	s7 =	spop (v2sf)  }
0xa9: {  	s4 =	spop (v2sf);
	v19 =	vmul.f32 v19, v18;
	v17 =	vmul.f32 v17, v20  }
0xaa: {  	s2 =	spop (v2sf)  }
0xab: {  	s6 =	spop (v2sf);
	v17 =	vadd.f32 v17, v19;
	v19 =	vmul.f32 v21, v23  }
0xac: {  	s14 =	spop (v2sf)  }
0xad: {  	v17 =	vadd.f32 v19, v17;
	v19 =	vmul.f32 v24, v25;
	s17 =	spop (v2sf)  }
0xae: {  	s9 =	spop (v2sf)  }
0xaf: {  	v17 =	vadd.f32 v19, v17;
	s13 =	sand.u32 $0x1, s9  }
0xb0: {  	s9 =	simm.s32 $0x1912A;
	s13 =	sshll.u32 s13, $0x6  }
0xb1: {  	v21 =	vld [tilespmem:s15+$0x0];
	[tilespmem:s9+$0xFFFFFF56] =	vst v17;
	s13 =	sadd.s32 $0x0, s13  }
0xb2: {  	v19 =	vld [tilespmem:s13+$0x4110]  }
0xb3: {  	v37 =	vld [tilespmem:s13+$0x4100];
	_ =	sdelay $0x1  }
0xb4: {  	v26 =	vld [tilespmem:s13+$0x4120]  }
0xb5: {  	v18 =	vsub.f32 $0.0e+00, v18;
	v17 =	vsub.f32 $0.0e+00, v20  }
0xb6: {  	v27 =	vld [tilespmem:s13+$0x4130]  }
0xb7: {  	v28 =	vmul.f32 v19, v17;
	v19 =	vsub.f32 $0.0e+00, v23;
	v23 =	vmul.f32 v37, v18;
	_ =	sdelay $0x1  }
0xb8: {  	v20 =	vsub.f32 $0.0e+00, v25;
	v23 =	vadd.f32 v28, v23;
	v38 =	vmul.f32 v26, v19;
	_ =	sdelay $0x1  }
0xb9: {  	v39 =	vmul.f32 v27, v20;
	v23 =	vadd.f32 v38, v23;
	_ =	sdelay $0x1  }
0xba: {  	s11 =	sand.u32 $0x1, s11;
	v23 =	vadd.f32 v39, v23  }
0xbb: {  	s11 =	sshll.u32 s11, $0x6  }
0xbc: {  	s11 =	sadd.s32 $0x0, s11;
	[tilespmem:s9+$0xFFFFFF67] =	vst v23  }
0xbd: {  	v23 =	vld [tilespmem:s11+$0x4180]  }
0xbe: {  	v40 =	vld [tilespmem:s11+$0x4190];
	_ =	sdelay $0x1  }
0xbf: {  	v41 =	vld [tilespmem:s11+$0x41A0];
	_ =	sdelay $0x1  }
0xc0: {  	v42 =	vld [tilespmem:s11+$0x41B0]  }
0xc1: {  	v23 =	vmul.f32 v23, v18;
	v24 =	vmul.f32 v40, v17;
	_ =	sdelay $0x1  }
0xc2: {  	v25 =	vmul.f32 v41, v19;
	v23 =	vadd.f32 v24, v23;
	_ =	sdelay $0x1  }
0xc3: {  	v43 =	vmul.f32 v42, v20;
	v23 =	vadd.f32 v25, v23;
	_ =	sdelay $0x1  }
0xc4: {  	s18 =	sand.u32 $0x1, s12;
	v23 =	vadd.f32 v43, v23  }
0xc5: {  	s11 =	sshll.u32 s18, $0x6  }
0xc6: {  	s11 =	sadd.s32 $0x0, s11;
	[tilespmem:s9+$0xFFFFFF78] =	vst v23  }
0xc7: {  	v23 =	vld [tilespmem:s11+$0x4200]  }
0xc8: {  	v44 =	vld [tilespmem:s11+$0x4210];
	_ =	sdelay $0x1  }
0xc9: {  	v45 =	vld [tilespmem:s11+$0x4220];
	_ =	sdelay $0x1  }
0xca: {  	v46 =	vld [tilespmem:s11+$0x4230]  }
0xcb: {  	v23 =	vmul.f32 v23, v18;
	v24 =	vmul.f32 v44, v17;
	_ =	sdelay $0x1  }
0xcc: {  	v25 =	vmul.f32 v45, v19;
	v23 =	vadd.f32 v24, v23;
	_ =	sdelay $0x1  }
0xcd: {  	v47 =	vmul.f32 v46, v20;
	v23 =	vadd.f32 v25, v23;
	_ =	sdelay $0x1  }
0xce: {  	s10 =	sand.u32 $0x1, s10;
	v23 =	vadd.f32 v47, v23  }
0xcf: {  	s10 =	sshll.u32 s10, $0x6  }
0xd0: {  	s10 =	sadd.s32 $0x0, s10;
	[tilespmem:s9+$0xFFFFFF89] =	vst v23  }
0xd1: {  	v23 =	vld [tilespmem:s10+$0x4280]  }
0xd2: {  	v48 =	vld [tilespmem:s10+$0x4290];
	_ =	sdelay $0x1  }
0xd3: {  	v49 =	vld [tilespmem:s10+$0x42A0];
	_ =	sdelay $0x1  }
0xd4: {  	v50 =	vld [tilespmem:s10+$0x42B0]  }
0xd5: {  	v23 =	vmul.f32 v23, v18;
	v24 =	vmul.f32 v48, v17;
	_ =	sdelay $0x1  }
0xd6: {  	v51 =	vmul.f32 v49, v19;
	v23 =	vadd.f32 v24, v23;
	_ =	sdelay $0x1  }
0xd7: {  	v52 =	vmul.f32 v50, v20;
	v23 =	vadd.f32 v51, v23;
	_ =	sdelay $0x1  }
0xd8: {  	s7 =	sand.u32 $0x1, s7;
	v23 =	vadd.f32 v52, v23  }
0xd9: {  	s7 =	sshll.u32 s7, $0x6  }
0xda: {  	s7 =	sadd.s32 $0x0, s7;
	[tilespmem:s9+$0xFFFFFF9A] =	vst v23  }
0xdb: {  	v23 =	vld [tilespmem:s7+$0x4300]  }
0xdc: {  	v53 =	vld [tilespmem:s7+$0x4310];
	_ =	sdelay $0x1  }
0xdd: {  	v54 =	vld [tilespmem:s7+$0x4320];
	_ =	sdelay $0x1  }
0xde: {  	v55 =	vld [tilespmem:s7+$0x4330]  }
0xdf: {  	v23 =	vmul.f32 v23, v18;
	v24 =	vmul.f32 v53, v17;
	_ =	sdelay $0x1  }
0xe0: {  	v25 =	vmul.f32 v54, v19;
	v23 =	vadd.f32 v24, v23;
	_ =	sdelay $0x1  }
0xe1: {  	v56 =	vmul.f32 v55, v20;
	v23 =	vadd.f32 v25, v23;
	_ =	sdelay $0x1  }
0xe2: {  	s4 =	sand.u32 $0x1, s4;
	v23 =	vadd.f32 v56, v23  }
0xe3: {  	s4 =	sshll.u32 s4, $0x6  }
0xe4: {  	s4 =	sadd.s32 $0x0, s4;
	[tilespmem:s9+$0xFFFFFFAB] =	vst v23  }
0xe5: {  	v23 =	vld [tilespmem:s4+$0x4380]  }
0xe6: {  	v57 =	vld [tilespmem:s4+$0x4390];
	_ =	sdelay $0x1  }
0xe7: {  	v58 =	vld [tilespmem:s4+$0x43A0];
	_ =	sdelay $0x1  }
0xe8: {  	v59 =	vld [tilespmem:s4+$0x43B0]  }
0xe9: {  	v23 =	vmul.f32 v23, v18;
	v24 =	vmul.f32 v57, v17;
	_ =	sdelay $0x1  }
0xea: {  	v25 =	vmul.f32 v58, v19;
	v23 =	vadd.f32 v24, v23;
	_ =	sdelay $0x1  }
0xeb: {  	v60 =	vmul.f32 v59, v20;
	v23 =	vadd.f32 v25, v23;
	_ =	sdelay $0x1  }
0xec: {  	s3 =	sand.u32 $0x1, s2;
	v23 =	vadd.f32 v60, v23  }
0xed: {  	s3 =	sshll.u32 s3, $0x6  }
0xee: {  	s3 =	sadd.s32 $0x0, s3;
	[tilespmem:s9+$0xFFFFFFBC] =	vst v23  }
0xef: {  	v23 =	vld [tilespmem:s3+$0x4400]  }
0xf0: {  	v61 =	vld [tilespmem:s3+$0x4410];
	_ =	sdelay $0x1  }
0xf1: {  	v62 =	vld [tilespmem:s3+$0x4420];
	_ =	sdelay $0x1  }
0xf2: {  	v63 =	vld [tilespmem:s3+$0x4430]  }
0xf3: {  	v23 =	vmul.f32 v23, v18;
	v24 =	vmul.f32 v61, v17;
	_ =	sdelay $0x1  }
0xf4: {  	v25 =	vmul.f32 v62, v19;
	v23 =	vadd.f32 v24, v23;
	_ =	sdelay $0x1  }
0xf5: {  	v28 =	vmul.f32 v63, v20;
	v23 =	vadd.f32 v25, v23;
	_ =	sdelay $0x1  }
0xf6: {  	s2 =	sand.u32 $0x1, s6;
	v23 =	vadd.f32 v28, v23  }
0xf7: {  	s2 =	sshll.u32 s2, $0x6  }
0xf8: {  	s2 =	sadd.s32 $0x0, s2;
	[tilespmem:s9+$0xFFFFFFCD] =	vst v23  }
0xf9: {  	v23 =	vld [tilespmem:s2+$0x4480]  }
0xfa: {  	v29 =	vld [tilespmem:s2+$0x4490];
	_ =	sdelay $0x1  }
0xfb: {  	v30 =	vld [tilespmem:s2+$0x44A0];
	_ =	sdelay $0x1  }
0xfc: {  	v31 =	vld [tilespmem:s2+$0x44B0]  }
0xfd: {  	v23 =	vmul.f32 v23, v18;
	v24 =	vmul.f32 v29, v17;
	_ =	sdelay $0x1  }
0xfe: {  	v32 =	vmul.f32 v30, v19;
	v23 =	vadd.f32 v24, v23;
	_ =	sdelay $0x1  }
0xff: {  	v33 =	vmul.f32 v31, v20;
	v23 =	vadd.f32 v32, v23;
	_ =	sdelay $0x1  }
0x100: {  	s1 =	sand.u32 $0x1, s14;
	v23 =	vadd.f32 v33, v23  }
0x101: {  	s1 =	sshll.u32 s1, $0x6  }
0x102: {  	s1 =	sadd.s32 $0x0, s1;
	[tilespmem:s9+$0xFFFFFFDE] =	vst v23  }
0x103: {  	v23 =	vld [tilespmem:s1+$0x4500]  }
0x104: {  	v34 =	vld [tilespmem:s1+$0x4510];
	_ =	sdelay $0x1  }
0x105: {  	v35 =	vld [tilespmem:s1+$0x4520];
	_ =	sdelay $0x1  }
0x106: {  	v36 =	vld [tilespmem:s1+$0x4530]  }
0x107: {  	v23 =	vmul.f32 v23, v18;
	v24 =	vmul.f32 v34, v17;
	_ =	sdelay $0x1  }
0x108: {  	v25 =	vmul.f32 v35, v19;
	v23 =	vadd.f32 v24, v23;
	_ =	sdelay $0x1  }
0x109: {  	v37 =	vmul.f32 v36, v20;
	v23 =	vadd.f32 v25, v23  }
0x10a: {  	(v2sf) =	vpush v22, $0xB  }
0x10b: {  	s0 =	sand.u32 $0x1, s17;
	v23 =	vadd.f32 v37, v23  }
0x10c: {  	s0 =	sshll.u32 s0, $0x6  }
0x10d: {  	s0 =	sadd.s32 $0x0, s0;
	[tilespmem:s9+$0xFFFFFFEF] =	vst v23  }
0x10e: {  	v23 =	vld [tilespmem:s0+$0x4580]  }
0x10f: {  	v38 =	vld [tilespmem:s0+$0x4590];
	_ =	sdelay $0x1  }
0x110: {  	v39 =	vld [tilespmem:s0+$0x45A0];
	_ =	sdelay $0x1  }
0x111: {  	v40 =	vld [tilespmem:s0+$0x45B0]  }
0x112: {  	v23 =	vmul.f32 v23, v18;
	v24 =	vmul.f32 v38, v17;
	_ =	sdelay $0x1  }
0x113: {  	v25 =	vmul.f32 v39, v19;
	v23 =	vadd.f32 v24, v23;
	_ =	sdelay $0x1  }
0x114: {  	v41 =	vmul.f32 v40, v20;
	v23 =	vadd.f32 v25, v23  }
0x115: {  	(v2sf) =	vpush v22, $0xC;
	s19 =	spop (v2sf)  }
0x116: {  	s0 =	sand.u32 $0x1, s19;
	v23 =	vadd.f32 v41, v23  }
0x117: {  	s0 =	sshll.u32 s0, $0x6  }
0x118: {  	s0 =	sadd.s32 $0x0, s0;
	[tilespmem:s9+$0x0] =	vst v23  }
0x119: {  	v23 =	vld [tilespmem:s0+$0x4610]  }
0x11a: {  	v42 =	vld [tilespmem:s0+$0x4600];
	_ =	sdelay $0x1  }
0x11b: {  	v43 =	vld [tilespmem:s0+$0x4620];
	_ =	sdelay $0x1  }
0x11c: {  	v44 =	vld [tilespmem:s0+$0x4630]  }
0x11d: {  	v23 =	vmul.f32 v23, v17;
	v24 =	vmul.f32 v42, v18;
	_ =	sdelay $0x1  }
0x11e: {  	v25 =	vmul.f32 v43, v19;
	v23 =	vadd.f32 v23, v24;
	_ =	sdelay $0x1  }
0x11f: {  	v45 =	vmul.f32 v44, v20;
	v23 =	vadd.f32 v25, v23  }
0x120: {  	(v2sf) =	vpush v22, $0xD;
	s20 =	spop (v2sf)  }
0x121: {  	s0 =	sand.u32 $0x1, s20;
	v23 =	vadd.f32 v45, v23  }
0x122: {  	s0 =	sshll.u32 s0, $0x6  }
0x123: {  	s0 =	sadd.s32 $0x0, s0;
	[tilespmem:s9+$0x11] =	vst v23  }
0x124: {  	v23 =	vld [tilespmem:s0+$0x4680]  }
0x125: {  	v46 =	vld [tilespmem:s0+$0x4690];
	_ =	sdelay $0x1  }
0x126: {  	v47 =	vld [tilespmem:s0+$0x46A0];
	_ =	sdelay $0x1  }
0x127: {  	v48 =	vld [tilespmem:s0+$0x46B0]  }
0x128: {  	v23 =	vmul.f32 v23, v18;
	v24 =	vmul.f32 v46, v17;
	_ =	sdelay $0x1  }
0x129: {  	v25 =	vmul.f32 v47, v19;
	v23 =	vadd.f32 v24, v23;
	_ =	sdelay $0x1  }
0x12a: {  	v49 =	vmul.f32 v48, v20;
	v23 =	vadd.f32 v25, v23  }
0x12b: {  	(v2sf) =	vpush v22, $0xE;
	s21 =	spop (v2sf)  }
0x12c: {  	s0 =	sand.u32 $0x1, s21;
	v23 =	vadd.f32 v49, v23  }
0x12d: {  	s0 =	sshll.u32 s0, $0x6  }
0x12e: {  	s0 =	sadd.s32 $0x0, s0;
	[tilespmem:s9+$0x22] =	vst v23  }
0x12f: {  	v23 =	vld [tilespmem:s0+$0x4700]  }
0x130: {  	v50 =	vld [tilespmem:s0+$0x4710];
	_ =	sdelay $0x1  }
0x131: {  	v51 =	vld [tilespmem:s0+$0x4720];
	_ =	sdelay $0x1  }
0x132: {  	v52 =	vld [tilespmem:s0+$0x4730]  }
0x133: {  	v23 =	vmul.f32 v23, v18;
	v24 =	vmul.f32 v50, v17;
	_ =	sdelay $0x1  }
0x134: {  	v53 =	vmul.f32 v51, v19;
	v23 =	vadd.f32 v24, v23;
	_ =	sdelay $0x1  }
0x135: {  	v54 =	vmul.f32 v52, v20;
	v23 =	vadd.f32 v53, v23  }
0x136: {  	(v2sf) =	vpush v22, $0xF;
	s22 =	spop (v2sf)  }
0x137: {  	s0 =	sand.u32 $0x1, s22;
	v22 =	vadd.f32 v54, v23  }
0x138: {  	s0 =	sshll.u32 s0, $0x6  }
0x139: {  	s0 =	sadd.s32 $0x0, s0;
	[tilespmem:s9+$0x33] =	vst v22  }
0x13a: {  	v22 =	vld [tilespmem:s0+$0x4780]  }
0x13b: {  	v23 =	vld [tilespmem:s0+$0x4790];
	_ =	sdelay $0x1  }
0x13c: {  	v55 =	vld [tilespmem:s0+$0x47A0];
	_ =	sdelay $0x1  }
0x13d: {  	v56 =	vld [tilespmem:s0+$0x47B0]  }
0x13e: {  	v22 =	vmul.f32 v22, v18;
	v23 =	vmul.f32 v23, v17;
	_ =	sdelay $0x1  }
0x13f: {  	v24 =	vmul.f32 v55, v19;
	v22 =	vadd.f32 v23, v22;
	_ =	sdelay $0x1  }
0x140: {  	v23 =	vmul.f32 v56, v20;
	v22 =	vadd.f32 v24, v22  }
0x141: {  	(v2sf) =	vpush v21, $0xB;
	s23 =	spop (v2sf)  }
0x142: {  	s0 =	sand.u32 $0x1, s23;
	v22 =	vadd.f32 v23, v22  }
0x143: {  	s0 =	sshll.u32 s0, $0x6  }
0x144: {  	s0 =	sadd.s32 $0x0, s0;
	[tilespmem:s9+$0x44] =	vst v22  }
0x145: {  	v22 =	vld [tilespmem:s0+$0x4800]  }
0x146: {  	v23 =	vld [tilespmem:s0+$0x4810];
	_ =	sdelay $0x1  }
0x147: {  	v57 =	vld [tilespmem:s0+$0x4820];
	_ =	sdelay $0x1  }
0x148: {  	v58 =	vld [tilespmem:s0+$0x4830]  }
0x149: {  	v22 =	vmul.f32 v22, v18;
	v23 =	vmul.f32 v23, v17;
	_ =	sdelay $0x1  }
0x14a: {  	v24 =	vmul.f32 v57, v19;
	v22 =	vadd.f32 v23, v22;
	_ =	sdelay $0x1  }
0x14b: {  	v23 =	vmul.f32 v58, v20;
	v22 =	vadd.f32 v24, v22  }
0x14c: {  	(v2sf) =	vpush v21, $0xC;
	s24 =	spop (v2sf)  }
0x14d: {  	s0 =	sand.u32 $0x1, s24;
	v22 =	vadd.f32 v23, v22  }
0x14e: {  	s0 =	sshll.u32 s0, $0x6  }
0x14f: {  	s0 =	sadd.s32 $0x0, s0;
	[tilespmem:s9+$0x55] =	vst v22  }
0x150: {  	v22 =	vld [tilespmem:s0+$0x4890]  }
0x151: {  	v23 =	vld [tilespmem:s0+$0x4880];
	_ =	sdelay $0x1  }
0x152: {  	v59 =	vld [tilespmem:s0+$0x48A0];
	_ =	sdelay $0x1  }
0x153: {  	v60 =	vld [tilespmem:s0+$0x48B0]  }
0x154: {  	v22 =	vmul.f32 v22, v17;
	v23 =	vmul.f32 v23, v18;
	_ =	sdelay $0x1  }
0x155: {  	v24 =	vmul.f32 v59, v19;
	v22 =	vadd.f32 v22, v23;
	_ =	sdelay $0x1  }
0x156: {  	v23 =	vmul.f32 v60, v20;
	v22 =	vadd.f32 v24, v22  }
0x157: {  	(v2sf) =	vpush v21, $0xD;
	s25 =	spop (v2sf)  }
0x158: {  	s0 =	sand.u32 $0x1, s25;
	v22 =	vadd.f32 v23, v22  }
0x159: {  	s0 =	sshll.u32 s0, $0x6  }
0x15a: {  	s0 =	sadd.s32 $0x0, s0;
	[tilespmem:s9+$0x66] =	vst v22  }
0x15b: {  	v22 =	vld [tilespmem:s0+$0x4900]  }
0x15c: {  	v23 =	vld [tilespmem:s0+$0x4910];
	_ =	sdelay $0x1  }
0x15d: {  	v61 =	vld [tilespmem:s0+$0x4920];
	_ =	sdelay $0x1  }
0x15e: {  	v62 =	vld [tilespmem:s0+$0x4930]  }
0x15f: {  	v22 =	vmul.f32 v22, v18;
	v23 =	vmul.f32 v23, v17  }
0x160: {  	(v2sf) =	vpush v21, $0xE  }
0x161: {  	(v2sf) =	vpush v21, $0xF;
	v21 =	vmul.f32 v61, v19;
	v22 =	vadd.f32 v23, v22;
	_ =	sdelay $0x1  }
0x162: {  	v23 =	vmul.f32 v62, v20;
	v21 =	vadd.f32 v21, v22  }
0x163: {  	s26 =	spop (v2sf)  }
0x164: {  	s0 =	sand.u32 $0x1, s26;
	v21 =	vadd.f32 v23, v21  }
0x165: {  	s0 =	sshll.u32 s0, $0x6  }
0x166: {  	s0 =	sadd.s32 $0x0, s0;
	[tilespmem:s9+$0x77] =	vst v21  }
0x167: {  	v21 =	vld [tilespmem:s0+$0x4980]  }
0x168: {  	v22 =	vld [tilespmem:s0+$0x4990];
	_ =	sdelay $0x1  }
0x169: {  	v23 =	vld [tilespmem:s0+$0x49A0];
	_ =	sdelay $0x1  }
0x16a: {  	v63 =	vld [tilespmem:s0+$0x49B0]  }
0x16b: {  	s28 =	sshll.u32 s8, $0x1;
	v21 =	vmul.f32 v21, v18;
	v22 =	vmul.f32 v22, v17  }
0x16c: {  	[dreg:$0xb] =	wrdreg s28  }
0x16d: {  	s12 =	simm.s32 $0x2A00;
	s14 =	simm.s32 $0x1928F;
	s29 =	spop (v2sf);
	v23 =	vmul.f32 v23, v19;
	v22 =	vadd.f32 v22, v21  }
0x16e: {  	s17 =	simm.s32 $0x0;
	s11 =	simm.s32 $0x3080;
	s30 =	spop (v2sf)  }
0x16f: {  	s7 =	smov.u32 s16;
	s1 =	sand.u32 $0x1, s30;
	s0 =	sand.u32 $0x1, s29;
	v21 =	vmul.f32 v63, v20;
	v22 =	vadd.f32 v23, v22  }
0x170: {  	s18 =	sshll.u32 s1, $0x6;
	s19 =	sshll.u32 s0, $0x6;
	s0 =	smov.u32 s15  }
.LBB2_3:
0x171: {  	v21 =	vadd.f32 v21, v22;
	s0 =	sadd.s32 $0x15, s0;
	s11 =	sadd.s32 $0x80, s11;
	s7 =	sadd.s32 $0x1, s7  }
0x172: {  	p0 =	sne.s32 s12, $0x27600;
	s1 =	smov.u32 s12;
	s12 =	sadd.s32 $0x2A00, s12  }
0x173: {  	s2 =	sadd.s32 s17, s19;
	[tilespmem:s9+$0x88] =	vst v21  }
0x174: {  	v21 =	vld [tilespmem:s2+$0x4A00]  }
0x175: {  	v22 =	vld [tilespmem:s2+$0x4A10]  }
0x176: {  	v23 =	vld [tilespmem:s2+$0x4A20]  }
0x177: {  	v24 =	vld [tilespmem:s2+$0x4A30];
	_ =	sdelay $0x1  }
0x178: {  	v21 =	vmul.f32 v21, v18  }
0x179: {  	v22 =	vmul.f32 v22, v17  }
0x17a: {  	v23 =	vmul.f32 v23, v19  }
0x17b: {  	v21 =	vadd.f32 v22, v21;
	v22 =	vmul.f32 v24, v20;
	_ =	sdelay $0x1  }
0x17c: {  	v21 =	vadd.f32 v23, v21;
	_ =	sdelay $0x1  }
0x17d: {  	v21 =	vadd.f32 v22, v21;
	_ =	sdelay $0x1  }
0x17e: {  	s2 =	sadd.s32 s17, s18;
	[tilespmem:s9+$0x99] =	vst v21  }
0x17f: {  	v21 =	vld [tilespmem:s2+$0x4A80]  }
0x180: {  	v22 =	vld [tilespmem:s2+$0x4A90]  }
0x181: {  	v23 =	vld [tilespmem:s2+$0x4AA0]  }
0x182: {  	v24 =	vld [tilespmem:s2+$0x4AB0];
	_ =	sdelay $0x1  }
0x183: {  	v18 =	vmul.f32 v21, v18  }
0x184: {  	v17 =	vmul.f32 v22, v17  }
0x185: {  	v19 =	vmul.f32 v23, v19  }
0x186: {  	v17 =	vadd.f32 v17, v18;
	v18 =	vmul.f32 v24, v20;
	_ =	sdelay $0x1  }
0x187: {  	v17 =	vadd.f32 v19, v17;
	_ =	sdelay $0x1  }
0x188: {  	v17 =	vadd.f32 v18, v17;
	_ =	sdelay $0x1  }
0x189: {  	[tilespmem:s9+$0xAA] =	vst v17;
	s9 =	smov.u32 s14  }
0x18a: {  	v17 =	vld [tilespmem:s7+$0x0]  }
0x18b: {  	v18 =	vld [tilespmem:s0+$0xFFFFFFFB];
	_ =	sdelay $0x3  }
0x18c: {  	(v2sf) =	vpush v17, $0x0  }
0x18d: {  	(v2sf) =	vpush v18, $0x0  }
0x18e: {  	(v2sf) =	vpush v18, $0x2;
	_ =	sdelay $0x1  }
0x18f: {  	(v2sf) =	vpush v18, $0x3  }
0x190: {  	(v2sf) =	vpush v18, $0x4  }
0x191: {  	(v2sf) =	vpush v18, $0x5  }
0x192: {  	(v2sf) =	vpush v18, $0x6  }
0x193: {  	(v2sf) =	vpush v18, $0x7  }
0x194: {  	(v2sf) =	vpush v18, $0x8  }
0x195: {  	(v2sf) =	vpush v18, $0x9  }
0x196: {  	(v2sf) =	vpush v18, $0xA  }
0x197: {  	(v2sf) =	vpush v18, $0x1  }
0x198: {  	(v2sf) =	vpush v18, $0xB  }
0x199: {  	(v2sf) =	vpush v18, $0xC  }
0x19a: {  	s2 =	spop (v2sf)  }
0x19b: {  	s17 =	sshra.s32 s1, $0x2;
	s2 =	sand.u32 $0x1, s2;
	s1 =	spop (v2sf);
	(v2sf) =	vpush v18, $0xD  }
0x19c: {  	s2 =	sshll.u32 s2, $0x6;
	s1 =	sand.u32 $0x1, s1;
	s3 =	spop (v2sf);
	(v2sf) =	vpush v18, $0xE  }
0x19d: {  	s13 =	sadd.s32 s2, s11;
	s1 =	sshll.u32 s1, $0x6;
	s2 =	sand.u32 $0x1, s3;
	(v2sf) =	vpush v18, $0xF  }
0x19e: {  	v18 =	vld [tilespmem:s13+$0x0];
	s3 =	sadd.s32 s17, s1;
	s18 =	sshll.u32 s2, $0x6;
	s1 =	spop (v2sf)  }
0x19f: {  	v17 =	vld [tilespmem:s3+$0x4090];
	s1 =	sand.u32 $0x1, s1;
	s2 =	spop (v2sf)  }
0x1a0: {  	v19 =	vld [tilespmem:s3+$0x4080];
	s1 =	sshll.u32 s1, $0x6;
	s2 =	sand.u32 $0x1, s2;
	s4 =	spop (v2sf)  }
0x1a1: {  	v20 =	vld [tilespmem:s13+$0x10];
	s30 =	sshll.u32 s2, $0x6;
	s2 =	sand.u32 $0x1, s4;
	s4 =	spop (v2sf)  }
0x1a2: {  	v21 =	vld [tilespmem:s3+$0x40A0];
	s10 =	sshll.u32 s2, $0x6;
	s2 =	sand.u32 $0x1, s4;
	s19 =	spop (v2sf)  }
0x1a3: {  	v22 =	vld [tilespmem:s13+$0x20];
	s4 =	sshll.u32 s2, $0x6;
	s2 =	sand.u32 $0x1, s19;
	s19 =	spop (v2sf)  }
0x1a4: {  	v23 =	vld [tilespmem:s3+$0x40B0];
	s2 =	sshll.u32 s2, $0x6;
	s3 =	sand.u32 $0x1, s19;
	s19 =	spop (v2sf)  }
0x1a5: {  	v24 =	vld [tilespmem:s13+$0x30];
	s13 =	sshll.u32 s3, $0x6;
	s3 =	sand.u32 $0x1, s19;
	s19 =	spop (v2sf)  }
0x1a6: {  	v19 =	vmul.f32 v19, v18;
	v17 =	vmul.f32 v17, v20;
	s3 =	sshll.u32 s3, $0x6;
	s19 =	sand.u32 $0x1, s19;
	s20 =	spop (v2sf)  }
0x1a7: {  	s21 =	sand.u32 $0x1, s20;
	s20 =	sshll.u32 s19, $0x6;
	s19 =	spop (v2sf)  }
0x1a8: {  	v17 =	vadd.f32 v17, v19;
	v19 =	vmul.f32 v21, v22;
	s21 =	sshll.u32 s21, $0x6;
	s19 =	sand.u32 $0x1, s19;
	s22 =	spop (v2sf)  }
0x1a9: {  	s21 =	sadd.s32 s17, s21;
	s29 =	sshll.u32 s19, $0x6;
	s19 =	sand.u32 $0x1, s22  }
0x1aa: {  	v17 =	vadd.f32 v19, v17;
	v19 =	vmul.f32 v23, v24;
	s28 =	sshll.u32 s19, $0x6;
	s19 =	spop (v2sf)  }
0x1ab: {  	s19 =	sand.u32 $0x1, s19;
	s22 =	spop (v2sf)  }
0x1ac: {  	v17 =	vadd.f32 v19, v17;
	s26 =	sshll.u32 s19, $0x6;
	s19 =	sand.u32 $0x1, s22;
	s22 =	spop (v2sf)  }
0x1ad: {  	v21 =	vld [tilespmem:s0+$0x0];
	s24 =	sshll.u32 s19, $0x6;
	s19 =	sand.u32 $0x1, s22  }
0x1ae: {  	[tilespmem:s14+$0xFFFFFF56] =	vst v17;
	s22 =	sshll.u32 s19, $0x6  }
0x1af: {  	v19 =	vld [tilespmem:s21+$0x4110]  }
0x1b0: {  	v23 =	vld [tilespmem:s21+$0x4100]  }
0x1b1: {  	v25 =	vld [tilespmem:s21+$0x4120]  }
0x1b2: {  	v17 =	vsub.f32 $0.0e+00, v20;
	v26 =	vld [tilespmem:s21+$0x4130];
	(v2sf) =	vpush v21, $0xB  }
0x1b3: {  	v18 =	vsub.f32 $0.0e+00, v18;
	(v2sf) =	vpush v21, $0xC  }
0x1b4: {  	v27 =	vmul.f32 v19, v17;
	(v2sf) =	vpush v21, $0xD  }
0x1b5: {  	v19 =	vsub.f32 $0.0e+00, v22;
	v22 =	vmul.f32 v23, v18;
	(v2sf) =	vpush v21, $0xE  }
0x1b6: {  	(v2sf) =	vpush v21, $0xF  }
0x1b7: {  	v20 =	vsub.f32 $0.0e+00, v24;
	v21 =	vadd.f32 v27, v22;
	v22 =	vmul.f32 v25, v19;
	_ =	sdelay $0x1  }
0x1b8: {  	v21 =	vadd.f32 v22, v21;
	v22 =	vmul.f32 v26, v20;
	_ =	sdelay $0x1  }
0x1b9: {  	v21 =	vadd.f32 v22, v21;
	_ =	sdelay $0x1  }
0x1ba: {  	s18 =	sadd.s32 s17, s18;
	[tilespmem:s14+$0xFFFFFF67] =	vst v21  }
0x1bb: {  	v21 =	vld [tilespmem:s18+$0x4180]  }
0x1bc: {  	v22 =	vld [tilespmem:s18+$0x4190]  }
0x1bd: {  	v23 =	vld [tilespmem:s18+$0x41A0]  }
0x1be: {  	v24 =	vld [tilespmem:s18+$0x41B0];
	s18 =	spop (v2sf)  }
0x1bf: {  	s18 =	sand.u32 $0x1, s18;
	s19 =	spop (v2sf)  }
0x1c0: {  	v21 =	vmul.f32 v21, v18;
	s25 =	sshll.u32 s18, $0x6;
	s18 =	sand.u32 $0x1, s19;
	s19 =	spop (v2sf)  }
0x1c1: {  	v22 =	vmul.f32 v22, v17;
	s23 =	sshll.u32 s18, $0x6;
	s18 =	sand.u32 $0x1, s19;
	s19 =	spop (v2sf)  }
0x1c2: {  	v23 =	vmul.f32 v23, v19;
	s21 =	sshll.u32 s18, $0x6;
	s18 =	sand.u32 $0x1, s19;
	s6 =	spop (v2sf)  }
0x1c3: {  	v21 =	vadd.f32 v22, v21;
	v22 =	vmul.f32 v24, v20;
	s19 =	sshll.u32 s18, $0x6;
	s6 =	sand.u32 $0x1, s6  }
0x1c4: {  	s18 =	sshll.u32 s6, $0x6  }
0x1c5: {  	v21 =	vadd.f32 v23, v21;
	_ =	sdelay $0x1  }
0x1c6: {  	v21 =	vadd.f32 v22, v21;
	_ =	sdelay $0x1  }
0x1c7: {  	s1 =	sadd.s32 s17, s1;
	[tilespmem:s14+$0xFFFFFF78] =	vst v21  }
0x1c8: {  	v21 =	vld [tilespmem:s1+$0x4200]  }
0x1c9: {  	v22 =	vld [tilespmem:s1+$0x4210]  }
0x1ca: {  	v23 =	vld [tilespmem:s1+$0x4220]  }
0x1cb: {  	v24 =	vld [tilespmem:s1+$0x4230];
	_ =	sdelay $0x1  }
0x1cc: {  	v21 =	vmul.f32 v21, v18  }
0x1cd: {  	v22 =	vmul.f32 v22, v17  }
0x1ce: {  	v23 =	vmul.f32 v23, v19  }
0x1cf: {  	v21 =	vadd.f32 v22, v21;
	v22 =	vmul.f32 v24, v20;
	_ =	sdelay $0x1  }
0x1d0: {  	v21 =	vadd.f32 v23, v21;
	_ =	sdelay $0x1  }
0x1d1: {  	v21 =	vadd.f32 v22, v21;
	_ =	sdelay $0x1  }
0x1d2: {  	s1 =	sadd.s32 s17, s30;
	[tilespmem:s14+$0xFFFFFF89] =	vst v21  }
0x1d3: {  	v21 =	vld [tilespmem:s1+$0x4280]  }
0x1d4: {  	v22 =	vld [tilespmem:s1+$0x4290];
	_ =	sdelay $0x1  }
0x1d5: {  	v23 =	vld [tilespmem:s1+$0x42A0];
	_ =	sdelay $0x1  }
0x1d6: {  	v21 =	vmul.f32 v21, v18;
	v24 =	vld [tilespmem:s1+$0x42B0]  }
0x1d7: {  	v22 =	vmul.f32 v22, v17;
	_ =	sdelay $0x1  }
0x1d8: {  	v21 =	vadd.f32 v22, v21;
	v22 =	vmul.f32 v23, v19;
	_ =	sdelay $0x1  }
0x1d9: {  	v21 =	vadd.f32 v22, v21;
	v22 =	vmul.f32 v24, v20;
	_ =	sdelay $0x1  }
0x1da: {  	v21 =	vadd.f32 v22, v21;
	_ =	sdelay $0x1  }
0x1db: {  	s1 =	sadd.s32 s17, s10;
	[tilespmem:s14+$0xFFFFFF9A] =	vst v21  }
0x1dc: {  	v21 =	vld [tilespmem:s1+$0x4300]  }
0x1dd: {  	v22 =	vld [tilespmem:s1+$0x4310]  }
0x1de: {  	v23 =	vld [tilespmem:s1+$0x4320]  }
0x1df: {  	v24 =	vld [tilespmem:s1+$0x4330];
	_ =	sdelay $0x1  }
0x1e0: {  	v21 =	vmul.f32 v21, v18  }
0x1e1: {  	v22 =	vmul.f32 v22, v17  }
0x1e2: {  	v23 =	vmul.f32 v23, v19  }
0x1e3: {  	v21 =	vadd.f32 v22, v21;
	v22 =	vmul.f32 v24, v20;
	_ =	sdelay $0x1  }
0x1e4: {  	v21 =	vadd.f32 v23, v21;
	_ =	sdelay $0x1  }
0x1e5: {  	v21 =	vadd.f32 v22, v21;
	_ =	sdelay $0x1  }
0x1e6: {  	s1 =	sadd.s32 s17, s4;
	[tilespmem:s14+$0xFFFFFFAB] =	vst v21  }
0x1e7: {  	v21 =	vld [tilespmem:s1+$0x4380]  }
0x1e8: {  	v22 =	vld [tilespmem:s1+$0x4390]  }
0x1e9: {  	v23 =	vld [tilespmem:s1+$0x43A0]  }
0x1ea: {  	v24 =	vld [tilespmem:s1+$0x43B0];
	_ =	sdelay $0x1  }
0x1eb: {  	v21 =	vmul.f32 v21, v18  }
0x1ec: {  	v22 =	vmul.f32 v22, v17  }
0x1ed: {  	v23 =	vmul.f32 v23, v19  }
0x1ee: {  	v21 =	vadd.f32 v22, v21;
	v22 =	vmul.f32 v24, v20;
	_ =	sdelay $0x1  }
0x1ef: {  	v21 =	vadd.f32 v23, v21;
	_ =	sdelay $0x1  }
0x1f0: {  	v21 =	vadd.f32 v22, v21;
	_ =	sdelay $0x1  }
0x1f1: {  	s1 =	sadd.s32 s17, s2;
	[tilespmem:s14+$0xFFFFFFBC] =	vst v21  }
0x1f2: {  	v21 =	vld [tilespmem:s1+$0x4400]  }
0x1f3: {  	v22 =	vld [tilespmem:s1+$0x4410]  }
0x1f4: {  	v23 =	vld [tilespmem:s1+$0x4420]  }
0x1f5: {  	v24 =	vld [tilespmem:s1+$0x4430];
	_ =	sdelay $0x1  }
0x1f6: {  	v21 =	vmul.f32 v21, v18  }
0x1f7: {  	v22 =	vmul.f32 v22, v17  }
0x1f8: {  	v23 =	vmul.f32 v23, v19  }
0x1f9: {  	v21 =	vadd.f32 v22, v21;
	v22 =	vmul.f32 v24, v20;
	_ =	sdelay $0x1  }
0x1fa: {  	v21 =	vadd.f32 v23, v21;
	_ =	sdelay $0x1  }
0x1fb: {  	v21 =	vadd.f32 v22, v21;
	_ =	sdelay $0x1  }
0x1fc: {  	s1 =	sadd.s32 s17, s13;
	[tilespmem:s14+$0xFFFFFFCD] =	vst v21  }
0x1fd: {  	v21 =	vld [tilespmem:s1+$0x4480]  }
0x1fe: {  	v22 =	vld [tilespmem:s1+$0x4490]  }
0x1ff: {  	v23 =	vld [tilespmem:s1+$0x44B0]  }
0x200: {  	v24 =	vld [tilespmem:s1+$0x44A0];
	_ =	sdelay $0x1  }
0x201: {  	v21 =	vmul.f32 v21, v18  }
0x202: {  	v22 =	vmul.f32 v22, v17  }
0x203: {  	v23 =	vmul.f32 v23, v20  }
0x204: {  	v21 =	vadd.f32 v22, v21;
	v22 =	vmul.f32 v24, v19;
	_ =	sdelay $0x1  }
0x205: {  	v21 =	vadd.f32 v22, v21;
	_ =	sdelay $0x1  }
0x206: {  	v21 =	vadd.f32 v23, v21;
	_ =	sdelay $0x1  }
0x207: {  	s1 =	sadd.s32 s17, s3;
	[tilespmem:s14+$0xFFFFFFDE] =	vst v21  }
0x208: {  	v21 =	vld [tilespmem:s1+$0x4500]  }
0x209: {  	v22 =	vld [tilespmem:s1+$0x4510]  }
0x20a: {  	v23 =	vld [tilespmem:s1+$0x4520]  }
0x20b: {  	v24 =	vld [tilespmem:s1+$0x4530];
	_ =	sdelay $0x1  }
0x20c: {  	v21 =	vmul.f32 v21, v18  }
0x20d: {  	v22 =	vmul.f32 v22, v17  }
0x20e: {  	v23 =	vmul.f32 v23, v19  }
0x20f: {  	v21 =	vadd.f32 v22, v21;
	v22 =	vmul.f32 v24, v20;
	_ =	sdelay $0x1  }
0x210: {  	v21 =	vadd.f32 v23, v21;
	_ =	sdelay $0x1  }
0x211: {  	v21 =	vadd.f32 v22, v21;
	_ =	sdelay $0x1  }
0x212: {  	s1 =	sadd.s32 s17, s20;
	[tilespmem:s14+$0xFFFFFFEF] =	vst v21  }
0x213: {  	v21 =	vld [tilespmem:s1+$0x4580]  }
0x214: {  	v22 =	vld [tilespmem:s1+$0x4590]  }
0x215: {  	v23 =	vld [tilespmem:s1+$0x45A0]  }
0x216: {  	v24 =	vld [tilespmem:s1+$0x45B0];
	_ =	sdelay $0x1  }
0x217: {  	v21 =	vmul.f32 v21, v18  }
0x218: {  	v22 =	vmul.f32 v22, v17  }
0x219: {  	v23 =	vmul.f32 v23, v19  }
0x21a: {  	v21 =	vadd.f32 v22, v21;
	v22 =	vmul.f32 v24, v20;
	_ =	sdelay $0x1  }
0x21b: {  	v21 =	vadd.f32 v23, v21;
	_ =	sdelay $0x1  }
0x21c: {  	v21 =	vadd.f32 v22, v21;
	_ =	sdelay $0x1  }
0x21d: {  	s1 =	sadd.s32 s17, s29;
	[tilespmem:s14+$0x0] =	vst v21  }
0x21e: {  	v21 =	vld [tilespmem:s1+$0x4610]  }
0x21f: {  	v22 =	vld [tilespmem:s1+$0x4600]  }
0x220: {  	v23 =	vld [tilespmem:s1+$0x4620]  }
0x221: {  	v24 =	vld [tilespmem:s1+$0x4630];
	_ =	sdelay $0x1  }
0x222: {  	v21 =	vmul.f32 v21, v17  }
0x223: {  	v22 =	vmul.f32 v22, v18  }
0x224: {  	v23 =	vmul.f32 v23, v19  }
0x225: {  	v21 =	vadd.f32 v21, v22;
	v22 =	vmul.f32 v24, v20;
	_ =	sdelay $0x1  }
0x226: {  	v21 =	vadd.f32 v23, v21;
	_ =	sdelay $0x1  }
0x227: {  	v21 =	vadd.f32 v22, v21;
	_ =	sdelay $0x1  }
0x228: {  	s1 =	sadd.s32 s17, s28;
	[tilespmem:s14+$0x11] =	vst v21  }
0x229: {  	v21 =	vld [tilespmem:s1+$0x4680]  }
0x22a: {  	v22 =	vld [tilespmem:s1+$0x46A0]  }
0x22b: {  	v23 =	vld [tilespmem:s1+$0x4690]  }
0x22c: {  	v24 =	vld [tilespmem:s1+$0x46B0];
	_ =	sdelay $0x1  }
0x22d: {  	v21 =	vmul.f32 v21, v18  }
0x22e: {  	v22 =	vmul.f32 v22, v19  }
0x22f: {  	v23 =	vmul.f32 v23, v17  }
0x230: {  	v24 =	vmul.f32 v24, v20  }
0x231: {  	v21 =	vadd.f32 v23, v21;
	_ =	sdelay $0x1  }
0x232: {  	v21 =	vadd.f32 v22, v21;
	_ =	sdelay $0x1  }
0x233: {  	v21 =	vadd.f32 v24, v21;
	_ =	sdelay $0x1  }
0x234: {  	s1 =	sadd.s32 s17, s26;
	[tilespmem:s14+$0x22] =	vst v21  }
0x235: {  	v21 =	vld [tilespmem:s1+$0x4700]  }
0x236: {  	v22 =	vld [tilespmem:s1+$0x4710]  }
0x237: {  	v23 =	vld [tilespmem:s1+$0x4720]  }
0x238: {  	v24 =	vld [tilespmem:s1+$0x4730];
	_ =	sdelay $0x1  }
0x239: {  	v21 =	vmul.f32 v21, v18  }
0x23a: {  	v22 =	vmul.f32 v22, v17  }
0x23b: {  	v23 =	vmul.f32 v23, v19  }
0x23c: {  	v21 =	vadd.f32 v22, v21;
	v22 =	vmul.f32 v24, v20;
	_ =	sdelay $0x1  }
0x23d: {  	v21 =	vadd.f32 v23, v21;
	_ =	sdelay $0x1  }
0x23e: {  	v21 =	vadd.f32 v22, v21;
	_ =	sdelay $0x1  }
0x23f: {  	s1 =	sadd.s32 s17, s24;
	[tilespmem:s14+$0x33] =	vst v21  }
0x240: {  	v21 =	vld [tilespmem:s1+$0x4780]  }
0x241: {  	v22 =	vld [tilespmem:s1+$0x4790]  }
0x242: {  	v23 =	vld [tilespmem:s1+$0x47A0]  }
0x243: {  	v24 =	vld [tilespmem:s1+$0x47B0];
	_ =	sdelay $0x1  }
0x244: {  	v21 =	vmul.f32 v21, v18  }
0x245: {  	v22 =	vmul.f32 v22, v17  }
0x246: {  	v23 =	vmul.f32 v23, v19  }
0x247: {  	v21 =	vadd.f32 v22, v21;
	v22 =	vmul.f32 v24, v20;
	_ =	sdelay $0x1  }
0x248: {  	v21 =	vadd.f32 v23, v21;
	_ =	sdelay $0x1  }
0x249: {  	v21 =	vadd.f32 v22, v21;
	_ =	sdelay $0x1  }
0x24a: {  	s1 =	sadd.s32 s17, s22;
	[tilespmem:s14+$0x44] =	vst v21  }
0x24b: {  	v21 =	vld [tilespmem:s1+$0x4800]  }
0x24c: {  	v22 =	vld [tilespmem:s1+$0x4810]  }
0x24d: {  	v23 =	vld [tilespmem:s1+$0x4820]  }
0x24e: {  	v24 =	vld [tilespmem:s1+$0x4830];
	_ =	sdelay $0x1  }
0x24f: {  	v21 =	vmul.f32 v21, v18  }
0x250: {  	v22 =	vmul.f32 v22, v17  }
0x251: {  	v23 =	vmul.f32 v23, v19  }
0x252: {  	v21 =	vadd.f32 v22, v21;
	v22 =	vmul.f32 v24, v20;
	_ =	sdelay $0x1  }
0x253: {  	v21 =	vadd.f32 v23, v21;
	_ =	sdelay $0x1  }
0x254: {  	v21 =	vadd.f32 v22, v21;
	_ =	sdelay $0x1  }
0x255: {  	s1 =	sadd.s32 s17, s25;
	[tilespmem:s14+$0x55] =	vst v21  }
0x256: {  	v21 =	vld [tilespmem:s1+$0x4890]  }
0x257: {  	v22 =	vld [tilespmem:s1+$0x4880]  }
0x258: {  	v23 =	vld [tilespmem:s1+$0x48A0]  }
0x259: {  	v24 =	vld [tilespmem:s1+$0x48B0];
	_ =	sdelay $0x1  }
0x25a: {  	v21 =	vmul.f32 v21, v17  }
0x25b: {  	v22 =	vmul.f32 v22, v18  }
0x25c: {  	v23 =	vmul.f32 v23, v19  }
0x25d: {  	v21 =	vadd.f32 v21, v22;
	v22 =	vmul.f32 v24, v20;
	_ =	sdelay $0x1  }
0x25e: {  	v21 =	vadd.f32 v23, v21;
	_ =	sdelay $0x1  }
0x25f: {  	v21 =	vadd.f32 v22, v21;
	_ =	sdelay $0x1  }
0x260: {  	s1 =	sadd.s32 s17, s23;
	[tilespmem:s14+$0x66] =	vst v21  }
0x261: {  	v21 =	vld [tilespmem:s1+$0x4900]  }
0x262: {  	v22 =	vld [tilespmem:s1+$0x4910]  }
0x263: {  	v23 =	vld [tilespmem:s1+$0x4920]  }
0x264: {  	v24 =	vld [tilespmem:s1+$0x4930];
	_ =	sdelay $0x1  }
0x265: {  	v21 =	vmul.f32 v21, v18  }
0x266: {  	v22 =	vmul.f32 v22, v17  }
0x267: {  	v23 =	vmul.f32 v23, v19  }
0x268: {  	v21 =	vadd.f32 v22, v21;
	v22 =	vmul.f32 v24, v20;
	_ =	sdelay $0x1  }
0x269: {  	v21 =	vadd.f32 v23, v21;
	_ =	sdelay $0x1  }
0x26a: {  	v21 =	vadd.f32 v22, v21;
	_ =	sdelay $0x1  }
0x26b: {  	s1 =	sadd.s32 s17, s21;
	[tilespmem:s14+$0x77] =	vst v21  }
0x26c: {  	v21 =	vld [tilespmem:s1+$0x4980]  }
0x26d: {  	v22 =	vld [tilespmem:s1+$0x4990]  }
0x26e: {  	v23 =	vld [tilespmem:s1+$0x49A0]  }
0x26f: {  	v24 =	vld [tilespmem:s1+$0x49B0];
	_ =	sdelay $0x1  }
0x270: {  	v21 =	vmul.f32 v21, v18  }
0x271: {  	v22 =	vmul.f32 v22, v17  }
.Ltmp0:
0x272: {  	v23 =	vmul.f32 v23, v19;
	(pc) =	sbr.rel @p0 .LBB2_3-.Ltmp0, $3  }
0x273: {  	v22 =	vadd.f32 v22, v21;
	v21 =	vmul.f32 v24, v20;
	_ =	sdelay $0x1  }
0x274: {  	v22 =	vadd.f32 v23, v22  }
0x275: {  	s14 =	sadd.s32 $0x165, s14  }
0x276: {  	v21 =	vadd.f32 v21, v22;
	_ =	sdelay $0x1  }
0x277: {  	s0 =	sadd.s32 s17, s19;
	[tilespmem:s9+$0x88] =	vst v21  }
0x278: {  	v21 =	vld [tilespmem:s0+$0x4A00]  }
0x279: {  	v22 =	vld [tilespmem:s0+$0x4A10];
	_ =	sdelay $0x1  }
0x27a: {  	v23 =	vld [tilespmem:s0+$0x4A20];
	_ =	sdelay $0x1  }
0x27b: {  	v24 =	vld [tilespmem:s0+$0x4A30]  }
0x27c: {  	v21 =	vmul.f32 v21, v18;
	v22 =	vmul.f32 v22, v17;
	_ =	sdelay $0x1  }
0x27d: {  	v23 =	vmul.f32 v23, v19;
	v21 =	vadd.f32 v22, v21;
	_ =	sdelay $0x1  }
0x27e: {  	v22 =	vmul.f32 v24, v20;
	v21 =	vadd.f32 v23, v21;
	_ =	sdelay $0x1  }
0x27f: {  	v21 =	vadd.f32 v22, v21;
	_ =	sdelay $0x1  }
0x280: {  	s23 =	sadd.s32 s17, s18;
	[tilespmem:s9+$0x99] =	vst v21  }
0x281: {  	v21 =	vld [tilespmem:s23+$0x4A80]  }
0x282: {  	v22 =	vld [tilespmem:s23+$0x4A90];
	_ =	sdelay $0x1  }
0x283: {  	v23 =	vld [tilespmem:s23+$0x4AA0]  }
0x284: {  	s24 =	simm.s32 $0x0  }
0x285: {  	v25 =	vmov s24;
	v24 =	vld [tilespmem:s23+$0x4AB0]  }
0x286: {  	v18 =	vmul.f32 v21, v18;
	v17 =	vmul.f32 v22, v17;
	v21 =	vmul.u32 $0x11, v25;
	_ =	sdelay $0x1  }
0x287: {  	v19 =	vmul.f32 v23, v19;
	v17 =	vadd.f32 v17, v18;
	v18 =	vbroadcast v21, $0x0;
	_ =	sdelay $0x1  }
0x288: {  	v20 =	vmul.f32 v24, v20;
	v17 =	vadd.f32 v19, v17;
	v19 =	vadd.s32 v0, v18  }
0x289: {  	v21 =	vadd.s32 v1, v18  }
0x28a: {  	v17 =	vadd.f32 v20, v17  }
0x28b: {  	v20 =	vadd.s32 v2, v18  }
0x28c: {  	[tilespmem:s9+$0xAA] =	vst v17  }
0x28d: {  	v17 =	vld.idx.msk [tilespmem:v19+s31+$0x0], $0xffff;
	v19 =	vadd.s32 v3, v18  }
0x28e: {  	v21 =	vld.idx.msk [tilespmem:v21+s31+$0x0], $0xffff  }
0x28f: {  	v22 =	vadd.s32 v4, v18  }
0x290: {  	v20 =	vld.idx.msk [tilespmem:v20+s31+$0x0], $0xffff  }
0x291: {  	v23 =	vadd.s32 v5, v18  }
0x292: {  	v19 =	vld.idx.msk [tilespmem:v19+s31+$0x0], $0xffff  }
0x293: {  	v17 =	vadd.f32 v21, v17;
	v21 =	vadd.s32 v6, v18  }
0x294: {  	v22 =	vld.idx.msk [tilespmem:v22+s31+$0x0], $0xffff  }
0x295: {  	s25 =	simm.s32 $0x10;
	v17 =	vadd.f32 v20, v17;
	v20 =	vadd.s32 v7, v18  }
0x296: {  	v24 =	vmov s25;
	v23 =	vld.idx.msk [tilespmem:v23+s31+$0x0], $0xffff  }
0x297: {  	v24 =	vmul.u32 $0x11, v24;
	v25 =	vadd.s32 v8, v18;
	v17 =	vadd.f32 v19, v17  }
0x298: {  	v19 =	vld.idx.msk [tilespmem:v21+s31+$0x0], $0xffff  }
0x299: {  	v21 =	vbroadcast v24, $0x0;
	v17 =	vadd.f32 v22, v17;
	v22 =	vadd.s32 v9, v18  }
0x29a: {  	v24 =	vadd.s32 v10, v18;
	v20 =	vld.idx.msk [tilespmem:v20+s31+$0x0], $0xffff  }
0x29b: {  	v26 =	vadd.s32 v0, v21;
	v17 =	vadd.f32 v23, v17  }
0x29c: {  	v25 =	vld.idx.msk [tilespmem:v25+s31+$0x0], $0xffff;
	v23 =	vadd.s32 v1, v21  }
0x29d: {  	v27 =	vadd.s32 v11, v18;
	v17 =	vadd.f32 v19, v17  }
0x29e: {  	v19 =	vadd.s32 v2, v21;
	v22 =	vld.idx.msk [tilespmem:v22+s31+$0x0], $0xffff  }
0x29f: {  	v24 =	vld.idx.msk [tilespmem:v24+s31+$0x0], $0xffff;
	v17 =	vadd.f32 v20, v17;
	v20 =	vadd.s32 v12, v18  }
0x2a0: {  	v28 =	vadd.s32 v3, v21;
	v26 =	vld.idx.msk [tilespmem:v26+s31+$0x0], $0xffff  }
0x2a1: {  	v23 =	vld.idx.msk [tilespmem:v23+s31+$0x0], $0xffff;
	v17 =	vadd.f32 v25, v17;
	v25 =	vadd.s32 v13, v18  }
0x2a2: {  	v27 =	vld.idx.msk [tilespmem:v27+s31+$0x0], $0xffff;
	v29 =	vadd.s32 v4, v21  }
0x2a3: {  	v19 =	vld.idx.msk [tilespmem:v19+s31+$0x0], $0xffff;
	v17 =	vadd.f32 v22, v17;
	v22 =	vadd.s32 v14, v18  }
0x2a4: {  	v30 =	vadd.s32 v5, v21;
	v20 =	vld.idx.msk [tilespmem:v20+s31+$0x0], $0xffff  }
0x2a5: {  	v28 =	vld.idx.msk [tilespmem:v28+s31+$0x0], $0xffff;
	v18 =	vadd.s32 v15, v18;
	v17 =	vadd.f32 v24, v17  }
0x2a6: {  	v23 =	vadd.f32 v23, v26;
	v24 =	vadd.s32 v6, v21;
	v25 =	vld.idx.msk [tilespmem:v25+s31+$0x0], $0xffff  }
0x2a7: {  	v26 =	vld.idx.msk [tilespmem:v29+s31+$0x0], $0xffff;
	v17 =	vadd.f32 v27, v17  }
0x2a8: {  	s26 =	simm.s32 $0x20;
	v19 =	vadd.f32 v19, v23;
	v23 =	vadd.s32 v7, v21;
	v22 =	vld.idx.msk [tilespmem:v22+s31+$0x0], $0xffff  }
0x2a9: {  	v29 =	vld.idx.msk [tilespmem:v30+s31+$0x0], $0xffff;
	v27 =	vmov s26;
	v17 =	vadd.f32 v20, v17  }
0x2aa: {  	v18 =	vld.idx.msk [tilespmem:v18+s31+$0x0], $0xffff;
	v20 =	vmul.u32 $0x11, v27;
	v27 =	vadd.s32 v8, v21;
	v19 =	vadd.f32 v28, v19  }
0x2ab: {  	v24 =	vld.idx.msk [tilespmem:v24+s31+$0x0], $0xffff;
	v17 =	vadd.f32 v25, v17  }
0x2ac: {  	v20 =	vbroadcast v20, $0x0;
	v19 =	vadd.f32 v26, v19;
	v25 =	vadd.s32 v9, v21  }
0x2ad: {  	v26 =	vadd.s32 v10, v21;
	v28 =	vld.idx.msk [tilespmem:v23+s31+$0x0], $0xffff;
	v17 =	vadd.f32 v22, v17  }
0x2ae: {  	v22 =	vadd.s32 v0, v20;
	v19 =	vadd.f32 v29, v19  }
0x2af: {  	v29 =	vadd.s32 v1, v20;
	v27 =	vld.idx.msk [tilespmem:v27+s31+$0x0], $0xffff;
	v23 =	vadd.f32 v18, v17  }
0x2b0: {  	v17 =	vadd.s32 v11, v21;
	v18 =	vadd.f32 v24, v19  }
0x2b1: {  	v19 =	vadd.s32 v2, v20;
	v24 =	vld.idx.msk [tilespmem:v25+s31+$0x0], $0xffff;
	v25 =	vand.u32 $0x7FFFFFFF, v23  }
0x2b2: {  	v26 =	vld.idx.msk [tilespmem:v26+s31+$0x0], $0xffff;
	v18 =	vadd.f32 v28, v18;
	v28 =	vadd.s32 v12, v21;
	v25 =	vsub.f32 $0.0e+00, v25  }
0x2b3: {  	v30 =	vadd.s32 v3, v20;
	v22 =	vld.idx.msk [tilespmem:v22+s31+$0x0], $0xffff  }
0x2b4: {  	v29 =	vld.idx.msk [tilespmem:v29+s31+$0x0], $0xffff;
	v18 =	vadd.f32 v27, v18;
	v27 =	vadd.s32 v13, v21;
	v25 =	vmul.f32 $1.442695020e+00, v25  }
0x2b5: {  	v31 =	vadd.s32 v4, v20;
	v17 =	vld.idx.msk [tilespmem:v17+s31+$0x0], $0xffff  }
0x2b6: {  	v19 =	vld.idx.msk [tilespmem:v19+s31+$0x0], $0xffff;
	v18 =	vadd.f32 v24, v18;
	v24 =	vadd.s32 v14, v21;
	(erf) = vpow2.f32 v25  }
0x2b7: {  	v25 =	vadd.s32 v5, v20;
	v28 =	vld.idx.msk [tilespmem:v28+s31+$0x0], $0xffff  }
0x2b8: {  	v30 =	vld.idx.msk [tilespmem:v30+s31+$0x0], $0xffff;
	v21 =	vadd.s32 v15, v21;
	v18 =	vadd.f32 v26, v18  }
0x2b9: {  	s28 =	simm.s32 $0x30;
	v22 =	vadd.f32 v29, v22;
	v26 =	vadd.s32 v6, v20;
	v27 =	vld.idx.msk [tilespmem:v27+s31+$0x0], $0xffff  }
0x2ba: {  	v31 =	vld.idx.msk [tilespmem:v31+s31+$0x0], $0xffff;
	v29 =	vmov s28;
	v17 =	vadd.f32 v17, v18  }
0x2bb: {  	v18 =	vmul.u32 $0x11, v29;
	v19 =	vadd.f32 v19, v22;
	v22 =	vadd.s32 v7, v20;
	v24 =	vld.idx.msk [tilespmem:v24+s31+$0x0], $0xffff  }
0x2bc: {  	v25 =	vld.idx.msk [tilespmem:v25+s31+$0x0], $0xffff;
	v17 =	vadd.f32 v28, v17  }
0x2bd: {  	v21 =	vld.idx.msk [tilespmem:v21+s31+$0x0], $0xffff;
	v28 =	vbroadcast v18, $0x0;
	v18 =	vadd.s32 v8, v20;
	v19 =	vadd.f32 v30, v19  }
0x2be: {  	v29 =	vadd.s32 v9, v20;
	v26 =	vld.idx.msk [tilespmem:v26+s31+$0x0], $0xffff;
	v17 =	vadd.f32 v27, v17  }
0x2bf: {  	v19 =	vadd.f32 v31, v19;
	v27 =	vadd.s32 v0, v28;
	v30 =	vpop (erf)  }
0x2c0: {  	v31 =	vadd.s32 v1, v28;
	v22 =	vld.idx.msk [tilespmem:v22+s31+$0x0], $0xffff;
	v17 =	vadd.f32 v24, v17;
	v24 =	vadd.f32 $2.000000000e+00, v30  }
0x2c1: {  	v32 =	vadd.s32 v10, v20;
	v19 =	vadd.f32 v25, v19  }
0x2c2: {  	v18 =	vld.idx.msk [tilespmem:v18+s31+$0x0], $0xffff;
	v25 =	vadd.s32 v2, v28;
	v17 =	vadd.f32 v21, v17;
	(erf) = vrcp.f32 v24  }
0x2c3: {  	v21 =	vadd.s32 v11, v20;
	v19 =	vadd.f32 v26, v19;
	v24 =	vld.idx.msk [tilespmem:v29+s31+$0x0], $0xffff  }
0x2c4: {  	v26 =	vld.idx.msk [tilespmem:v27+s31+$0x0], $0xffff;
	v27 =	vadd.s32 v3, v28;
	v29 =	vand.u32 $0x7FFFFFFF, v17  }
0x2c5: {  	v31 =	vld.idx.msk [tilespmem:v31+s31+$0x0], $0xffff;
	v19 =	vadd.f32 v22, v19;
	v22 =	vadd.s32 v12, v20;
	v29 =	vsub.f32 $0.0e+00, v29  }
0x2c6: {  	v32 =	vld.idx.msk [tilespmem:v32+s31+$0x0], $0xffff;
	v33 =	vadd.s32 v4, v28  }
0x2c7: {  	v25 =	vld.idx.msk [tilespmem:v25+s31+$0x0], $0xffff;
	v18 =	vadd.f32 v18, v19;
	v19 =	vadd.s32 v13, v20;
	v29 =	vmul.f32 $1.442695020e+00, v29  }
0x2c8: {  	v34 =	vadd.s32 v5, v28;
	v21 =	vld.idx.msk [tilespmem:v21+s31+$0x0], $0xffff  }
0x2c9: {  	v27 =	vld.idx.msk [tilespmem:v27+s31+$0x0], $0xffff;
	v18 =	vadd.f32 v24, v18;
	v24 =	vadd.s32 v14, v20;
	(erf) = vpow2.f32 v29  }
0x2ca: {  	v29 =	vadd.s32 v15, v20;
	v20 =	vadd.f32 v31, v26;
	v22 =	vld.idx.msk [tilespmem:v22+s31+$0x0], $0xffff  }
0x2cb: {  	s29 =	simm.s32 $0x40;
	v26 =	vld.idx.msk [tilespmem:v33+s31+$0x0], $0xffff;
	v31 =	vadd.s32 v6, v28;
	v18 =	vadd.f32 v32, v18;
	v50 =	vpop (erf)  }
0x2cc: {  	v51 =	vmov s29;
	v20 =	vadd.f32 v25, v20;
	v19 =	vld.idx.msk [tilespmem:v19+s31+$0x0], $0xffff;
	v30 =	vmul.f32 v50, v30  }
0x2cd: {  	v53 =	vadd.s32 v7, v28;
	v52 =	vld.idx.msk [tilespmem:v34+s31+$0x0], $0xffff;
	v25 =	vmul.u32 $0x11, v51;
	v18 =	vadd.f32 v21, v18  }
0x2ce: {  	v21 =	vld.idx.msk [tilespmem:v24+s31+$0x0], $0xffff;
	v24 =	vadd.f32 v27, v20;
	v27 =	vmul.f32 v30, v30  }
0x2cf: {  	v20 =	vbroadcast v25, $0x0;
	v25 =	vadd.s32 v8, v28;
	v29 =	vld.idx.msk [tilespmem:v29+s31+$0x0], $0xffff;
	v18 =	vadd.f32 v22, v18  }
0x2d0: {  	v37 =	vadd.s32 v11, v28;
	v22 =	vld.idx.msk [tilespmem:v31+s31+$0x0], $0xffff;
	v24 =	vadd.f32 v26, v24;
	v26 =	vmul.f32 $1.111111120e-01, v27  }
0x2d1: {  	v54 =	vadd.s32 v9, v28;
	v18 =	vadd.f32 v19, v18  }
0x2d2: {  	v33 =	vld.idx.msk [tilespmem:v53+s31+$0x0], $0xffff;
	v35 =	vadd.s32 v1, v20;
	v24 =	vadd.f32 v52, v24;
	v55 =	vpop (erf);
	v26 =	vadd.f32 $1.428571490e-01, v26  }
0x2d3: {  	v19 =	vadd.s32 v0, v20;
	v18 =	vadd.f32 v21, v18;
	v21 =	vadd.f32 $2.000000000e+00, v55  }
0x2d4: {  	v31 =	vadd.s32 v10, v28;
	v36 =	vadd.s32 v2, v20;
	v25 =	vld.idx.msk [tilespmem:v25+s31+$0x0], $0xffff;
	v26 =	vmul.f32 v26, v27  }
0x2d5: {  	v37 =	vld.idx.msk [tilespmem:v37+s31+$0x0], $0xffff;
	v22 =	vadd.f32 v22, v24;
	v18 =	vadd.f32 v29, v18;
	(erf) = vrcp.f32 v21  }
0x2d6: {  	v59 =	vadd.s32 v6, v20;
	v21 =	vld.idx.msk [tilespmem:v54+s31+$0x0], $0xffff;
	v26 =	vadd.f32 $2.000000030e-01, v26  }
0x2d7: {  	v24 =	vadd.s32 v3, v20;
	v57 =	vld.idx.msk [tilespmem:v35+s31+$0x0], $0xffff;
	v22 =	vadd.f32 v33, v22;
	v56 =	vand.u32 $0x7FFFFFFF, v18  }
0x2d8: {  	s30 =	simm.s32 $0x50;
	v29 =	vadd.s32 v12, v28;
	v19 =	vld.idx.msk [tilespmem:v19+s31+$0x0], $0xffff;
	v33 =	vsub.f32 $0.0e+00, v56;
	v26 =	vmul.f32 v26, v27  }
0x2d9: {  	v38 =	vmov s30;
	v58 =	vadd.s32 v4, v20;
	v31 =	vld.idx.msk [tilespmem:v31+s31+$0x0], $0xffff;
	v22 =	vadd.f32 v25, v22  }
0x2da: {  	v36 =	vld.idx.msk [tilespmem:v36+s31+$0x0], $0xffff;
	v25 =	vadd.s32 v13, v28;
	v33 =	vmul.f32 $1.442695020e+00, v33;
	v26 =	vadd.f32 $3.333333430e-01, v26  }
0x2db: {  	v38 =	vmul.u32 $0x11, v38;
	v40 =	vadd.s32 v14, v28;
	v39 =	vadd.s32 v5, v20;
	v32 =	vld.idx.msk [tilespmem:v59+s31+$0x0], $0xffff  }
0x2dc: {  	v24 =	vld.idx.msk [tilespmem:v24+s31+$0x0], $0xffff;
	v21 =	vadd.f32 v21, v22;
	(erf) = vpow2.f32 v33;
	v26 =	vmul.f32 v26, v27  }
0x2dd: {  	v42 =	vadd.s32 v15, v28;
	v30 =	vadd.f32 v30, v30;
	v41 =	vld.idx.msk [tilespmem:v29+s31+$0x0], $0xffff;
	v19 =	vadd.f32 v57, v19  }
0x2de: {  	v23 =	vmin.f32 v23, $0.0e+00;
	v21 =	vadd.f32 v31, v21;
	v27 =	vld.idx.msk [tilespmem:v58+s31+$0x0], $0xffff;
	v29 =	vpop (erf);
	v60 =	vadd.f32 $1.000000000e+00, v26  }
0x2df: {  	v31 =	vadd.s32 v7, v20;
	v25 =	vld.idx.msk [tilespmem:v25+s31+$0x0], $0xffff;
	v61 =	vadd.f32 v36, v19;
	v19 =	vmul.f32 v29, v55  }
0x2e0: {  	v28 =	vld.idx.msk [tilespmem:v39+s31+$0x0], $0xffff;
	v22 =	vbroadcast v38, $0x0;
	v62 =	vadd.f32 v37, v21;
	v63 =	vmul.f32 v60, v30  }
0x2e1: {  	v29 =	vadd.s32 v8, v20;
	v26 =	vld.idx.msk [tilespmem:v40+s31+$0x0], $0xffff;
	v34 =	vadd.f32 v24, v61;
	v21 =	vmul.f32 v19, v19  }
0x2e2: {  	s0 =	simm.s32 $0x60;
	v24 =	vld.idx.msk [tilespmem:v42+s31+$0x0], $0xffff;
	v33 =	vadd.f32 v41, v62;
	v30 =	vadd.s32 v10, v20;
	v23 =	vsub.f32 v23, v63  }
.LBB2_5:
0x2e3: {  	p0 =	sne.s32 s0, $0x140;
	v27 =	vadd.f32 v27, v34;
	v34 =	vadd.s32 v9, v20;
	v35 =	vmul.f32 $1.111111120e-01, v21;
	v36 =	vmovc v18  }
0x2e4: {  	v37 =	vadd.s32 v0, v22;
	v31 =	vld.idx.msk [tilespmem:v31+s31+$0x0], $0xffff;
	v18 =	vadd.f32 v25, v33;
	v16 =	vadd.f32 v23, v16  }
0x2e5: {  	v23 =	vadd.s32 v1, v22;
	v25 =	vadd.f32 v28, v27;
	v33 =	vpop (erf);
	v27 =	vadd.f32 $1.428571490e-01, v35  }
0x2e6: {  	v28 =	vld.idx.msk [tilespmem:v29+s31+$0x0], $0xffff;
	v18 =	vadd.f32 v26, v18;
	v26 =	vadd.f32 $2.000000000e+00, v33  }
0x2e7: {  	v35 =	vadd.s32 v11, v20;
	v29 =	vadd.s32 v2, v22;
	v30 =	vld.idx.msk [tilespmem:v30+s31+$0x0], $0xffff;
	v27 =	vmul.f32 v27, v21  }
0x2e8: {  	v25 =	vadd.f32 v32, v25;
	v32 =	vld.idx.msk [tilespmem:v34+s31+$0x0], $0xffff;
	v18 =	vadd.f32 v24, v18;
	(erf) = vrcp.f32 v26  }
0x2e9: {  	v26 =	vadd.s32 v3, v22;
	v24 =	vld.idx.msk [tilespmem:v37+s31+$0x0], $0xffff;
	v27 =	vadd.f32 $2.000000030e-01, v27  }
0x2ea: {  	v25 =	vadd.f32 v31, v25;
	v31 =	vadd.s32 v12, v20;
	v23 =	vld.idx.msk [tilespmem:v23+s31+$0x0], $0xffff;
	v34 =	vand.u32 $0x7FFFFFFF, v18  }
0x2eb: {  	v37 =	vadd.s32 v4, v22;
	v34 =	vsub.f32 $0.0e+00, v34;
	v27 =	vmul.f32 v27, v21  }
0x2ec: {  	v38 =	vmov s0;
	v25 =	vadd.f32 v28, v25;
	v28 =	vadd.s32 v13, v20;
	v29 =	vld.idx.msk [tilespmem:v29+s31+$0x0], $0xffff  }
0x2ed: {  	v39 =	vadd.s32 v5, v22;
	v35 =	vld.idx.msk [tilespmem:v35+s31+$0x0], $0xffff;
	v34 =	vmul.f32 $1.442695020e+00, v34;
	v27 =	vadd.f32 $3.333333430e-01, v27  }
0x2ee: {  	v38 =	vmul.u32 $0x11, v38;
	v25 =	vadd.f32 v32, v25;
	v40 =	vld.idx.msk [tilespmem:v26+s31+$0x0], $0xffff;
	v26 =	vadd.s32 v14, v20  }
0x2ef: {  	v32 =	vadd.s32 v15, v20;
	v20 =	vmovc v22;
	v41 =	vld.idx.msk [tilespmem:v31+s31+$0x0], $0xffff;
	(erf) = vpow2.f32 v34;
	v21 =	vmul.f32 v27, v21  }
0x2f0: {  	v23 =	vadd.f32 v23, v24;
	v24 =	vadd.f32 v30, v25;
	v27 =	vld.idx.msk [tilespmem:v37+s31+$0x0], $0xffff;
	v37 =	vadd.s32 v6, v20  }
.Ltmp1:
0x2f1: {  	v22 =	vbroadcast v38, $0x0;
	v34 =	vadd.f32 v19, v19;
	v25 =	vld.idx.msk [tilespmem:v28+s31+$0x0], $0xffff;
	v30 =	vpop (erf);
	v21 =	vadd.f32 $1.000000000e+00, v21;
	(pc) =	sbr.rel @p0 .LBB2_5-.Ltmp1, $4  }
0x2f2: {  	v31 =	vadd.s32 v7, v20;
	v23 =	vadd.f32 v29, v23;
	v28 =	vld.idx.msk [tilespmem:v39+s31+$0x0], $0xffff;
	v19 =	vmul.f32 v30, v33  }
0x2f3: {  	v29 =	vadd.s32 v8, v20;
	v33 =	vadd.f32 v35, v24;
	v26 =	vld.idx.msk [tilespmem:v26+s31+$0x0], $0xffff;
	v35 =	vmul.f32 v21, v34  }
0x2f4: {  	v34 =	vadd.f32 v40, v23;
	v23 =	vmin.f32 v17, $0.0e+00;
	v17 =	vmovc v36;
	v24 =	vld.idx.msk [tilespmem:v32+s31+$0x0], $0xffff;
	v21 =	vmul.f32 v19, v19  }
0x2f5: {  	s0 =	sadd.s32 $0x10, s0;
	v30 =	vadd.s32 v10, v20;
	v33 =	vadd.f32 v41, v33;
	v32 =	vld.idx.msk [tilespmem:v37+s31+$0x0], $0xffff;
	v23 =	vsub.f32 v23, v35  }
0x2f6: {  	v35 =	vadd.s32 v0, v22  }
0x2f7: {  	v36 =	vadd.s32 v1, v22;
	_ =	sdelay $0x1  }
0x2f8: {  	v37 =	vadd.s32 v2, v22  }
0x2f9: {  	v27 =	vadd.f32 v27, v34;
	v42 =	vadd.s32 v9, v20;
	v31 =	vld.idx.msk [tilespmem:v31+s31+$0x0], $0xffff  }
0x2fa: {  	v38 =	vadd.s32 v3, v22;
	v35 =	vld.idx.msk [tilespmem:v35+s31+$0x0], $0xffff  }
0x2fb: {  	v27 =	vadd.f32 v28, v27;
	v43 =	vld.idx.msk [tilespmem:v36+s31+$0x0], $0xffff  }
0x2fc: {  	v29 =	vld.idx.msk [tilespmem:v29+s31+$0x0], $0xffff;
	v44 =	vadd.s32 v4, v22  }
0x2fd: {  	v45 =	vadd.s32 v11, v20;
	v27 =	vadd.f32 v32, v27;
	v37 =	vld.idx.msk [tilespmem:v37+s31+$0x0], $0xffff  }
0x2fe: {  	v47 =	vadd.s32 v5, v22;
	v25 =	vadd.f32 v25, v33;
	v46 =	vld.idx.msk [tilespmem:v42+s31+$0x0], $0xffff  }
0x2ff: {  	v48 =	vadd.s32 v12, v20;
	v38 =	vld.idx.msk [tilespmem:v38+s31+$0x0], $0xffff;
	v27 =	vadd.f32 v31, v27  }
0x300: {  	v49 =	vld.idx.msk [tilespmem:v30+s31+$0x0], $0xffff;
	v50 =	vadd.s32 v6, v22;
	v25 =	vadd.f32 v26, v25;
	v28 =	vadd.f32 v43, v35  }
0x301: {  	v51 =	vadd.s32 v13, v20;
	v52 =	vld.idx.msk [tilespmem:v44+s31+$0x0], $0xffff;
	v27 =	vadd.f32 v29, v27  }
0x302: {  	v54 =	vadd.s32 v7, v22;
	v24 =	vadd.f32 v24, v25;
	v53 =	vld.idx.msk [tilespmem:v45+s31+$0x0], $0xffff;
	v28 =	vadd.f32 v37, v28  }
0x303: {  	v55 =	vadd.s32 v14, v20;
	v34 =	vld.idx.msk [tilespmem:v47+s31+$0x0], $0xffff;
	v27 =	vadd.f32 v46, v27  }
0x304: {  	v57 =	vadd.s32 v8, v22;
	v31 =	vld.idx.msk [tilespmem:v48+s31+$0x0], $0xffff;
	v56 =	vand.u32 $0x7FFFFFFF, v24;
	v28 =	vadd.f32 v38, v28  }
0x305: {  	v58 =	vadd.s32 v15, v20;
	v59 =	vld.idx.msk [tilespmem:v50+s31+$0x0], $0xffff;
	v36 =	vsub.f32 $0.0e+00, v56;
	v26 =	vadd.f32 v49, v27;
	v38 =	vpop (erf)  }
0x306: {  	v61 =	vadd.s32 v9, v22;
	v29 =	vld.idx.msk [tilespmem:v51+s31+$0x0], $0xffff;
	v60 =	vadd.f32 $2.000000000e+00, v38;
	v28 =	vadd.f32 v52, v28  }
0x307: {  	v62 =	vld.idx.msk [tilespmem:v54+s31+$0x0], $0xffff;
	v36 =	vmul.f32 $1.442695020e+00, v36;
	v25 =	vadd.f32 v53, v26  }
0x308: {  	v39 =	vadd.s32 v10, v22;
	v63 =	vld.idx.msk [tilespmem:v55+s31+$0x0], $0xffff;
	(erf) = vrcp.f32 v60;
	v28 =	vadd.f32 v34, v28  }
0x309: {  	v40 =	vld.idx.msk [tilespmem:v57+s31+$0x0], $0xffff;
	v25 =	vadd.f32 v31, v25;
	(erf) = vpow2.f32 v36  }
0x30a: {  	v41 =	vadd.s32 v11, v22;
	v20 =	vld.idx.msk [tilespmem:v58+s31+$0x0], $0xffff;
	v27 =	vadd.f32 v59, v28  }
0x30b: {  	v42 =	vld.idx.msk [tilespmem:v61+s31+$0x0], $0xffff;
	v25 =	vadd.f32 v29, v25  }
0x30c: {  	v43 =	vadd.s32 v12, v22;
	v26 =	vadd.f32 v62, v27  }
0x30d: {  	v44 =	vld.idx.msk [tilespmem:v39+s31+$0x0], $0xffff;
	v25 =	vadd.f32 v63, v25  }
0x30e: {  	v45 =	vadd.s32 v13, v22;
	v26 =	vadd.f32 v40, v26  }
0x30f: {  	v46 =	vld.idx.msk [tilespmem:v41+s31+$0x0], $0xffff;
	v20 =	vadd.f32 v20, v25  }
0x310: {  	v47 =	vadd.s32 v14, v22;
	v26 =	vadd.f32 v42, v26  }
0x311: {  	v27 =	vld.idx.msk [tilespmem:v43+s31+$0x0], $0xffff;
	v49 =	vand.u32 $0x7FFFFFFF, v20;
	v48 =	vpop (erf)  }
0x312: {  	v51 =	vadd.s32 v15, v22;
	v32 =	vsub.f32 $0.0e+00, v49;
	v50 =	vpop (erf);
	v26 =	vadd.f32 v44, v26  }
0x313: {  	v30 =	vld.idx.msk [tilespmem:v45+s31+$0x0], $0xffff;
	v52 =	vadd.f32 $2.000000000e+00, v50  }
0x314: {  	v32 =	vmul.f32 $1.442695020e+00, v32;
	v25 =	vadd.f32 v46, v26  }
0x315: {  	v53 =	vld.idx.msk [tilespmem:v47+s31+$0x0], $0xffff;
	(erf) = vrcp.f32 v52  }
0x316: {  	(erf) = vpow2.f32 v32;
	v25 =	vadd.f32 v27, v25  }
0x317: {  	v22 =	vld.idx.msk [tilespmem:v51+s31+$0x0], $0xffff  }
0x318: {  	v25 =	vadd.f32 v30, v25;
	_ =	sdelay $0x1  }
0x319: {  	v25 =	vadd.f32 v53, v25;
	_ =	sdelay $0x1  }
0x31a: {  	v22 =	vadd.f32 v22, v25;
	_ =	sdelay $0x1  }
0x31b: {  	v54 =	vpop (erf);
	v55 =	vand.u32 $0x7FFFFFFF, v22  }
0x31c: {  	v56 =	vpop (erf);
	v26 =	vsub.f32 $0.0e+00, v55  }
0x31d: {  	v57 =	vadd.f32 $2.000000000e+00, v56  }
0x31e: {  	v26 =	vmul.f32 $1.442695020e+00, v26  }
0x31f: {  	(erf) = vrcp.f32 v57  }
0x320: {  	(erf) = vpow2.f32 v26;
	_ =	sdelay $0x7  }
0x321: {  	v58 =	vpop (erf)  }
0x322: {  	v59 =	vpop (erf)  }
0x323: {  	v61 =	vmul.f32 $1.111111120e-01, v21;
	v60 =	vadd.f32 $2.000000000e+00, v59;
	_ =	sdelay $0x1  }
0x324: {  	v62 =	vadd.f32 $1.428571490e-01, v61;
	(erf) = vrcp.f32 v60;
	_ =	sdelay $0x1  }
0x325: {  	v29 =	vmul.f32 v62, v21  }
0x326: {  	v63 =	vmul.f32 v48, v38  }
0x327: {  	v29 =	vadd.f32 $2.000000030e-01, v29  }
0x328: {  	v31 =	vmul.f32 v63, v63;
	v25 =	vmul.f32 v54, v50  }
0x329: {  	v40 =	vmul.f32 v29, v21  }
0x32a: {  	v39 =	vmul.f32 $1.111111120e-01, v31;
	v33 =	vmul.f32 v25, v25  }
0x32b: {  	v26 =	vmul.f32 v58, v56  }
0x32c: {  	v27 =	vadd.f32 $3.333333430e-01, v40;
	v41 =	vadd.f32 $1.428571490e-01, v39;
	v42 =	vmul.f32 $1.111111120e-01, v33;
	v43 =	vpop (erf)  }
0x32d: {  	v44 =	vmul.f32 v26, v26;
	v28 =	vmul.f32 v43, v59  }
0x32e: {  	v19 =	vadd.f32 v19, v19;
	v47 =	vmul.f32 v27, v21;
	v29 =	vmul.f32 v41, v31  }
0x32f: {  	v32 =	vadd.f32 $1.428571490e-01, v42;
	v45 =	vmul.f32 $1.111111120e-01, v44;
	v46 =	vmul.f32 v28, v28  }
0x330: {  	v17 =	vmin.f32 v17, $0.0e+00;
	v21 =	vadd.f32 $1.000000000e+00, v47;
	v48 =	vadd.f32 $2.000000030e-01, v29  }
0x331: {  	v49 =	vmul.f32 v32, v33;
	v50 =	vadd.f32 $1.428571490e-01, v45;
	v51 =	vmul.f32 $1.111111120e-01, v46  }
0x332: {  	v16 =	vadd.f32 v23, v16;
	v19 =	vmul.f32 v21, v19;
	v27 =	vmul.f32 v48, v31  }
0x333: {  	v29 =	vadd.f32 $2.000000030e-01, v49;
	v32 =	vmul.f32 v50, v44;
	v34 =	vadd.f32 $1.428571490e-01, v51  }
0x334: {  	v17 =	vsub.f32 v17, v19;
	v52 =	vadd.f32 $3.333333430e-01, v27  }
0x335: {  	v53 =	vmul.f32 v29, v33;
	v54 =	vadd.f32 $2.000000030e-01, v32;
	v55 =	vmul.f32 v34, v46  }
0x336: {  	v16 =	vadd.f32 v17, v16;
	v23 =	vmul.f32 v52, v31  }
0x337: {  	v27 =	vadd.f32 $3.333333430e-01, v53;
	v19 =	vmul.f32 v54, v44;
	v56 =	vadd.f32 $2.000000030e-01, v55  }
0x338: {  	v57 =	vadd.f32 v63, v63;
	v23 =	vadd.f32 $1.000000000e+00, v23  }
0x339: {  	v27 =	vmul.f32 v27, v33;
	v17 =	vadd.f32 $3.333333430e-01, v19;
	v19 =	vmul.f32 v56, v46  }
0x33a: {  	v18 =	vmin.f32 v18, $0.0e+00;
	v25 =	vadd.f32 v25, v25;
	v58 =	vmul.f32 v23, v57  }
0x33b: {  	v59 =	vadd.f32 $1.000000000e+00, v27;
	v17 =	vmul.f32 v17, v44;
	v19 =	vadd.f32 $3.333333430e-01, v19  }
0x33c: {  	v18 =	vsub.f32 v18, v58;
	v62 =	vadd.f32 v26, v26  }
0x33d: {  	v60 =	vmul.f32 v59, v25;
	v17 =	vadd.f32 $1.000000000e+00, v17;
	v19 =	vmul.f32 v19, v46  }
0x33e: {  	v61 =	vmin.f32 v24, $0.0e+00;
	v16 =	vadd.f32 v18, v16;
	v63 =	vadd.f32 v28, v28  }
0x33f: {  	v18 =	vsub.f32 v61, v60;
	v17 =	vmul.f32 v17, v62;
	v19 =	vadd.f32 $1.000000000e+00, v19  }
0x340: {  	p0 =	seq.s32 s8, $0xF;
	v20 =	vmin.f32 v20, $0.0e+00  }
.Ltmp2:
0x341: {  	v16 =	vadd.f32 v18, v16;
	v17 =	vsub.f32 v20, v17;
	v18 =	vmul.f32 v19, v63;
	(pc) =	sbr.rel @p0 .LBB2_8-.Ltmp2, $3  }
0x342: {  	v19 =	vmin.f32 v22, $0.0e+00  }
0x343: {  	v16 =	vadd.f32 v17, v16;
	v17 =	vsub.f32 v19, v18;
	_ =	sdelay $0x1  }
0x344: {  	v16 =	vadd.f32 v17, v16  }
0x345: {  	s0 =	rddreg [dreg:$0xb]  }
0x346: {  	s0 =	sadd.s32 $0x2, s0  }
0x347: {  	s1 =	sshll.u32 s0, $0x4  }
0x348: {  	s1 =	sand.u32 $0x3FFFFFF0, s1  }
0x349: {  	v17 =	vld [tilespmem:s1+$0x0];
	_ =	sdelay $0x4  }
0x34a: {  	s0 =	smul.u32 $0x150, s0;
	v17 =	vshrl.u32 v17, $0x1  }
0x34b: {  	[tilespmem:$0x2C80] =	vst v17  }
0x34c: {  	v17 =	vld [tilespmem:s0+$0x280];
	_ =	sdelay $0x4  }
0x34d: {  	v17 =	vshrl.u32 v17, $0x1  }
0x34e: {  	[tilespmem:$0x2D80] =	vst v17  }
0x34f: {  	v17 =	vld [tilespmem:s0+$0x290];
	_ =	sdelay $0x4  }
0x350: {  	v17 =	vshrl.u32 v17, $0x1  }
0x351: {  	[tilespmem:$0x2D90] =	vst v17  }
0x352: {  	v17 =	vld [tilespmem:s0+$0x2A0];
	_ =	sdelay $0x4  }
0x353: {  	v17 =	vshrl.u32 v17, $0x1  }
0x354: {  	[tilespmem:$0x2DA0] =	vst v17  }
0x355: {  	v17 =	vld [tilespmem:s0+$0x2B0];
	_ =	sdelay $0x4  }
0x356: {  	v17 =	vshrl.u32 v17, $0x1  }
0x357: {  	[tilespmem:$0x2DB0] =	vst v17  }
0x358: {  	v17 =	vld [tilespmem:s0+$0x2C0];
	_ =	sdelay $0x4  }
0x359: {  	v17 =	vshrl.u32 v17, $0x1  }
0x35a: {  	[tilespmem:$0x2DC0] =	vst v17  }
0x35b: {  	v17 =	vld [tilespmem:s0+$0x2D0];
	_ =	sdelay $0x4  }
0x35c: {  	v17 =	vshrl.u32 v17, $0x1  }
0x35d: {  	[tilespmem:$0x2DD0] =	vst v17  }
0x35e: {  	v17 =	vld [tilespmem:s0+$0x2E0];
	_ =	sdelay $0x4  }
0x35f: {  	v17 =	vshrl.u32 v17, $0x1  }
0x360: {  	[tilespmem:$0x2DE0] =	vst v17  }
0x361: {  	v17 =	vld [tilespmem:s0+$0x2F0];
	_ =	sdelay $0x4  }
0x362: {  	v17 =	vshrl.u32 v17, $0x1  }
0x363: {  	s19 =	sand.u32 $0x7FE0, s0;
	[tilespmem:$0x2DF0] =	vst v17  }
0x364: {  	v17 =	vld [tilespmem:s19+$0x300];
	_ =	sdelay $0x4  }
0x365: {  	v17 =	vshrl.u32 v17, $0x1  }
0x366: {  	[tilespmem:$0x2E00] =	vst v17  }
0x367: {  	v17 =	vld [tilespmem:s0+$0x310];
	_ =	sdelay $0x4  }
0x368: {  	v17 =	vshrl.u32 v17, $0x1  }
0x369: {  	[tilespmem:$0x2E10] =	vst v17  }
0x36a: {  	v17 =	vld [tilespmem:s0+$0x320];
	_ =	sdelay $0x4  }
0x36b: {  	v17 =	vshrl.u32 v17, $0x1  }
0x36c: {  	[tilespmem:$0x2E20] =	vst v17  }
0x36d: {  	v17 =	vld [tilespmem:s0+$0x330];
	_ =	sdelay $0x4  }
0x36e: {  	v17 =	vshrl.u32 v17, $0x1  }
0x36f: {  	[tilespmem:$0x2E30] =	vst v17  }
0x370: {  	v17 =	vld [tilespmem:s0+$0x340];
	_ =	sdelay $0x4  }
0x371: {  	v17 =	vshrl.u32 v17, $0x1  }
0x372: {  	[tilespmem:$0x2E40] =	vst v17  }
0x373: {  	v17 =	vld [tilespmem:s0+$0x350];
	_ =	sdelay $0x4  }
0x374: {  	v17 =	vshrl.u32 v17, $0x1  }
0x375: {  	[tilespmem:$0x2E50] =	vst v17  }
0x376: {  	v17 =	vld [tilespmem:s0+$0x360];
	_ =	sdelay $0x4  }
0x377: {  	v17 =	vshrl.u32 v17, $0x1  }
0x378: {  	[tilespmem:$0x2E60] =	vst v17  }
0x379: {  	v17 =	vld [tilespmem:s0+$0x370];
	_ =	sdelay $0x4  }
0x37a: {  	v17 =	vshrl.u32 v17, $0x1  }
0x37b: {  	[tilespmem:$0x2E70] =	vst v17  }
0x37c: {  	v17 =	vld [tilespmem:s19+$0x380];
	_ =	sdelay $0x4  }
0x37d: {  	v17 =	vshrl.u32 v17, $0x1  }
0x37e: {  	[tilespmem:$0x2E80] =	vst v17  }
0x37f: {  	v17 =	vld [tilespmem:s0+$0x390];
	_ =	sdelay $0x4  }
0x380: {  	v17 =	vshrl.u32 v17, $0x1  }
0x381: {  	[tilespmem:$0x2E90] =	vst v17  }
0x382: {  	v17 =	vld [tilespmem:s0+$0x3A0];
	_ =	sdelay $0x4  }
0x383: {  	v17 =	vshrl.u32 v17, $0x1  }
0x384: {  	[tilespmem:$0x2EA0] =	vst v17  }
0x385: {  	v17 =	vld [tilespmem:s0+$0x3B0];
	_ =	sdelay $0x4  }
0x386: {  	v17 =	vshrl.u32 v17, $0x1  }
0x387: {  	[tilespmem:$0x2EB0] =	vst v17  }
0x388: {  	v17 =	vld [tilespmem:s0+$0x3C0];
	_ =	sdelay $0x4  }
0x389: {  	s20 =	rddreg [dreg:$0x3];
	s21 =	simm.s32 $0x2C80;
	v17 =	vshrl.u32 v17, $0x1  }
0x38a: {  	s2 =	simm.s32 $0x3080;
	s3 =	simm.s32 $0x10;
	s22 =	rddreg [dreg:$0x4];
	[tilespmem:$0x2EC0] =	vst v17  }
0x38b: {  	[tilespmem:s2], [sflag:$0x1] =	stream.indirect.gather [hbm4b:s20+s3], $0x80, s21, s3, $0xb8;
	[tilespmem:$0x1A780] =	vst v63  }
0x38c: {  	s23 =	simm.s32 $0x70;
	s24 =	simm.s32 $0x2D80;
	s25 =	simm.s32 $0x4080  }
0x38d: {  	[tilespmem:s25], [sflag:$0x1] =	stream.indirect.gather [hbm4b:s22+s23], $0x80, s24, s23, $0xb8;
	[tilespmem:$0x1A780] =	vst v63  }
0x38e: {  	s26 =	simm.s32 $0x2DF0;
	s28 =	simm.s32 $0x7880  }
0x38f: {  	[tilespmem:s28], [sflag:$0x1] =	stream.indirect.gather [hbm4b:s22+s23], $0x80, s26, s23, $0xb8;
	[tilespmem:$0x1A780] =	vst v63  }
0x390: {  	s29 =	simm.s32 $0x2E60;
	s30 =	simm.s32 $0xB080  }
0x391: {  	[tilespmem:s30], [sflag:$0x1] =	stream.indirect.gather [hbm4b:s22+s23], $0x80, s29, s23, $0xb8;
	[tilespmem:$0x1A780] =	vst v63  }
.LBB2_8:
0x392: {  	s0 =	simm.s32 $0x2  }
0x393: {  	_ =	swait.ge [sflag:s0], $0x800  }
0x394: {  	[sflag:s0] =	ssyncset.done $0x0  }
0x395: {  	[sflag:s0] =	ssyncadd.s32 $0xFFFFF800  }
0x396: {  	_ =	swait.ge [sflag:s0], $0x3800  }
0x397: {  	[sflag:s0] =	ssyncset.done $0x0  }
0x398: {  	[sflag:s0] =	ssyncadd.s32 $0xFFFFC800  }
0x399: {  	_ =	swait.ge [sflag:s0], $0x3800  }
0x39a: {  	[sflag:s0] =	ssyncset.done $0x0  }
0x39b: {  	[sflag:s0] =	ssyncadd.s32 $0xFFFFC800  }
0x39c: {  	_ =	swait.ge [sflag:s0], $0x3800  }
0x39d: {  	[sflag:s0] =	ssyncset.done $0x0  }
0x39e: {  	s13 =	rddreg [dreg:$0xa];
	[sflag:s0] =	ssyncadd.s32 $0xFFFFC800  }
0x39f: {  	v17 =	vld [tilespmem:s13+$0x0];
	_ =	sdelay $0x1  }
0x3a0: {  	v22 =	vld [tilespmem:s5+$0xFFFFFFFB];
	_ =	sdelay $0x2  }
0x3a1: {  	(v2sf) =	vpush v17, $0x0;
	_ =	sdelay $0x1  }
0x3a2: {  	(v2sf) =	vpush v22, $0x0;
	_ =	sdelay $0x5  }
0x3a3: {  	(v2sf) =	vpush v22, $0x2  }
0x3a4: {  	(v2sf) =	vpush v22, $0x3  }
0x3a5: {  	(v2sf) =	vpush v22, $0x4  }
0x3a6: {  	(v2sf) =	vpush v22, $0x5  }
0x3a7: {  	(v2sf) =	vpush v22, $0x6  }
0x3a8: {  	(v2sf) =	vpush v22, $0x7  }
0x3a9: {  	(v2sf) =	vpush v22, $0x8  }
0x3aa: {  	(v2sf) =	vpush v22, $0x9;
	s28 =	spop (v2sf)  }
0x3ab: {  	(v2sf) =	vpush v22, $0xA;
	s0 =	sand.u32 $0x1, s28  }
0x3ac: {  	s1 =	spop (v2sf);
	(v2sf) =	vpush v22, $0x1;
	s0 =	sshll.u32 s0, $0x6  }
0x3ad: {  	s1 =	sand.u32 $0x1, s1;
	s0 =	sadd.s32 $0x3880, s0  }
0x3ae: {  	s1 =	sshll.u32 s1, $0x6;
	v18 =	vld [tilespmem:s0+$0x0]  }
0x3af: {  	s1 =	sadd.s32 $0x0, s1;
	v20 =	vld [tilespmem:s0+$0x10]  }
0x3b0: {  	v17 =	vld [tilespmem:s1+$0xE890]  }
0x3b1: {  	v19 =	vld [tilespmem:s1+$0xE880]  }
0x3b2: {  	s6 =	spop (v2sf);
	v23 =	vld [tilespmem:s0+$0x20]  }
0x3b3: {  	s11 =	spop (v2sf);
	v21 =	vld [tilespmem:s1+$0xE8A0]  }
0x3b4: {  	s10 =	spop (v2sf);
	v25 =	vld [tilespmem:s0+$0x30]  }
0x3b5: {  	v24 =	vld [tilespmem:s1+$0xE8B0];
	s9 =	spop (v2sf)  }
0x3b6: {  	s7 =	spop (v2sf);
	v19 =	vmul.f32 v19, v18;
	v17 =	vmul.f32 v17, v20  }
0x3b7: {  	s4 =	spop (v2sf)  }
0x3b8: {  	s3 =	spop (v2sf);
	v17 =	vadd.f32 v17, v19;
	v19 =	vmul.f32 v21, v23  }
0x3b9: {  	s29 =	spop (v2sf)  }
0x3ba: {  	v17 =	vadd.f32 v19, v17;
	v19 =	vmul.f32 v24, v25;
	s30 =	spop (v2sf)  }
0x3bb: {  	s2 =	spop (v2sf)  }
0x3bc: {  	v17 =	vadd.f32 v19, v17;
	s12 =	sand.u32 $0x1, s2  }
0x3bd: {  	s2 =	simm.s32 $0x1912A;
	s12 =	sshll.u32 s12, $0x6  }
0x3be: {  	v21 =	vld [tilespmem:s5+$0x0];
	[tilespmem:s2+$0xFFFFFF56] =	vst v17;
	s12 =	sadd.s32 $0x0, s12  }
0x3bf: {  	v19 =	vld [tilespmem:s12+$0xE910]  }
0x3c0: {  	v37 =	vld [tilespmem:s12+$0xE900];
	_ =	sdelay $0x1  }
0x3c1: {  	v26 =	vld [tilespmem:s12+$0xE920]  }
0x3c2: {  	v18 =	vsub.f32 $0.0e+00, v18;
	v17 =	vsub.f32 $0.0e+00, v20  }
0x3c3: {  	v27 =	vld [tilespmem:s12+$0xE930]  }
0x3c4: {  	v28 =	vmul.f32 v19, v17;
	v19 =	vsub.f32 $0.0e+00, v23;
	v23 =	vmul.f32 v37, v18;
	_ =	sdelay $0x1  }
0x3c5: {  	v20 =	vsub.f32 $0.0e+00, v25;
	v23 =	vadd.f32 v28, v23;
	v38 =	vmul.f32 v26, v19;
	_ =	sdelay $0x1  }
0x3c6: {  	v39 =	vmul.f32 v27, v20;
	v23 =	vadd.f32 v38, v23;
	_ =	sdelay $0x1  }
0x3c7: {  	s6 =	sand.u32 $0x1, s6;
	v23 =	vadd.f32 v39, v23  }
0x3c8: {  	s6 =	sshll.u32 s6, $0x6  }
0x3c9: {  	s6 =	sadd.s32 $0x0, s6;
	[tilespmem:s2+$0xFFFFFF67] =	vst v23  }
0x3ca: {  	v23 =	vld [tilespmem:s6+$0xE980]  }
0x3cb: {  	v40 =	vld [tilespmem:s6+$0xE990];
	_ =	sdelay $0x1  }
0x3cc: {  	v41 =	vld [tilespmem:s6+$0xE9A0];
	_ =	sdelay $0x1  }
0x3cd: {  	v42 =	vld [tilespmem:s6+$0xE9B0]  }
0x3ce: {  	v23 =	vmul.f32 v23, v18;
	v24 =	vmul.f32 v40, v17;
	_ =	sdelay $0x1  }
0x3cf: {  	v25 =	vmul.f32 v41, v19;
	v23 =	vadd.f32 v24, v23;
	_ =	sdelay $0x1  }
0x3d0: {  	v43 =	vmul.f32 v42, v20;
	v23 =	vadd.f32 v25, v23;
	_ =	sdelay $0x1  }
0x3d1: {  	s14 =	sand.u32 $0x1, s11;
	v23 =	vadd.f32 v43, v23  }
0x3d2: {  	s6 =	sshll.u32 s14, $0x6  }
0x3d3: {  	s6 =	sadd.s32 $0x0, s6;
	[tilespmem:s2+$0xFFFFFF78] =	vst v23  }
0x3d4: {  	v23 =	vld [tilespmem:s6+$0xEA00]  }
0x3d5: {  	v44 =	vld [tilespmem:s6+$0xEA10];
	_ =	sdelay $0x1  }
0x3d6: {  	v45 =	vld [tilespmem:s6+$0xEA20];
	_ =	sdelay $0x1  }
0x3d7: {  	v46 =	vld [tilespmem:s6+$0xEA30]  }
0x3d8: {  	v23 =	vmul.f32 v23, v18;
	v24 =	vmul.f32 v44, v17;
	_ =	sdelay $0x1  }
0x3d9: {  	v25 =	vmul.f32 v45, v19;
	v23 =	vadd.f32 v24, v23;
	_ =	sdelay $0x1  }
0x3da: {  	v47 =	vmul.f32 v46, v20;
	v23 =	vadd.f32 v25, v23;
	_ =	sdelay $0x1  }
0x3db: {  	s17 =	sand.u32 $0x1, s10;
	v23 =	vadd.f32 v47, v23  }
0x3dc: {  	s6 =	sshll.u32 s17, $0x6  }
0x3dd: {  	s6 =	sadd.s32 $0x0, s6;
	[tilespmem:s2+$0xFFFFFF89] =	vst v23  }
0x3de: {  	v23 =	vld [tilespmem:s6+$0xEA80]  }
0x3df: {  	v48 =	vld [tilespmem:s6+$0xEA90];
	_ =	sdelay $0x1  }
0x3e0: {  	v49 =	vld [tilespmem:s6+$0xEAA0];
	_ =	sdelay $0x1  }
0x3e1: {  	v50 =	vld [tilespmem:s6+$0xEAB0]  }
0x3e2: {  	v23 =	vmul.f32 v23, v18;
	v24 =	vmul.f32 v48, v17;
	_ =	sdelay $0x1  }
0x3e3: {  	v51 =	vmul.f32 v49, v19;
	v23 =	vadd.f32 v24, v23;
	_ =	sdelay $0x1  }
0x3e4: {  	v52 =	vmul.f32 v50, v20;
	v23 =	vadd.f32 v51, v23;
	_ =	sdelay $0x1  }
0x3e5: {  	s18 =	sand.u32 $0x1, s9;
	v23 =	vadd.f32 v52, v23  }
0x3e6: {  	s6 =	sshll.u32 s18, $0x6  }
0x3e7: {  	s6 =	sadd.s32 $0x0, s6;
	[tilespmem:s2+$0xFFFFFF9A] =	vst v23  }
0x3e8: {  	v23 =	vld [tilespmem:s6+$0xEB00]  }
0x3e9: {  	v53 =	vld [tilespmem:s6+$0xEB10];
	_ =	sdelay $0x1  }
0x3ea: {  	v54 =	vld [tilespmem:s6+$0xEB20];
	_ =	sdelay $0x1  }
0x3eb: {  	v55 =	vld [tilespmem:s6+$0xEB30]  }
0x3ec: {  	v23 =	vmul.f32 v23, v18;
	v24 =	vmul.f32 v53, v17;
	_ =	sdelay $0x1  }
0x3ed: {  	v25 =	vmul.f32 v54, v19;
	v23 =	vadd.f32 v24, v23;
	_ =	sdelay $0x1  }
0x3ee: {  	v56 =	vmul.f32 v55, v20;
	v23 =	vadd.f32 v25, v23;
	_ =	sdelay $0x1  }
0x3ef: {  	s19 =	sand.u32 $0x1, s7;
	v23 =	vadd.f32 v56, v23  }
0x3f0: {  	s6 =	sshll.u32 s19, $0x6  }
0x3f1: {  	s6 =	sadd.s32 $0x0, s6;
	[tilespmem:s2+$0xFFFFFFAB] =	vst v23  }
0x3f2: {  	v23 =	vld [tilespmem:s6+$0xEB80]  }
0x3f3: {  	v57 =	vld [tilespmem:s6+$0xEB90];
	_ =	sdelay $0x1  }
0x3f4: {  	v58 =	vld [tilespmem:s6+$0xEBA0];
	_ =	sdelay $0x1  }
0x3f5: {  	v59 =	vld [tilespmem:s6+$0xEBB0]  }
0x3f6: {  	v23 =	vmul.f32 v23, v18;
	v24 =	vmul.f32 v57, v17;
	_ =	sdelay $0x1  }
0x3f7: {  	v25 =	vmul.f32 v58, v19;
	v23 =	vadd.f32 v24, v23;
	_ =	sdelay $0x1  }
0x3f8: {  	v60 =	vmul.f32 v59, v20;
	v23 =	vadd.f32 v25, v23;
	_ =	sdelay $0x1  }
0x3f9: {  	s4 =	sand.u32 $0x1, s4;
	v23 =	vadd.f32 v60, v23  }
0x3fa: {  	s4 =	sshll.u32 s4, $0x6  }
0x3fb: {  	s4 =	sadd.s32 $0x0, s4;
	[tilespmem:s2+$0xFFFFFFBC] =	vst v23  }
0x3fc: {  	v23 =	vld [tilespmem:s4+$0xEC00]  }
0x3fd: {  	v61 =	vld [tilespmem:s4+$0xEC10];
	_ =	sdelay $0x1  }
0x3fe: {  	v62 =	vld [tilespmem:s4+$0xEC20];
	_ =	sdelay $0x1  }
0x3ff: {  	v63 =	vld [tilespmem:s4+$0xEC30]  }
0x400: {  	v23 =	vmul.f32 v23, v18;
	v24 =	vmul.f32 v61, v17;
	_ =	sdelay $0x1  }
0x401: {  	v25 =	vmul.f32 v62, v19;
	v23 =	vadd.f32 v24, v23;
	_ =	sdelay $0x1  }
0x402: {  	v28 =	vmul.f32 v63, v20;
	v23 =	vadd.f32 v25, v23;
	_ =	sdelay $0x1  }
0x403: {  	s3 =	sand.u32 $0x1, s3;
	v23 =	vadd.f32 v28, v23  }
0x404: {  	s3 =	sshll.u32 s3, $0x6  }
0x405: {  	s3 =	sadd.s32 $0x0, s3;
	[tilespmem:s2+$0xFFFFFFCD] =	vst v23  }
0x406: {  	v23 =	vld [tilespmem:s3+$0xEC80]  }
0x407: {  	v29 =	vld [tilespmem:s3+$0xEC90];
	_ =	sdelay $0x1  }
0x408: {  	v30 =	vld [tilespmem:s3+$0xECA0];
	_ =	sdelay $0x1  }
0x409: {  	v31 =	vld [tilespmem:s3+$0xECB0]  }
0x40a: {  	v23 =	vmul.f32 v23, v18;
	v24 =	vmul.f32 v29, v17;
	_ =	sdelay $0x1  }
0x40b: {  	v32 =	vmul.f32 v30, v19;
	v23 =	vadd.f32 v24, v23;
	_ =	sdelay $0x1  }
0x40c: {  	v33 =	vmul.f32 v31, v20;
	v23 =	vadd.f32 v32, v23;
	_ =	sdelay $0x1  }
0x40d: {  	s1 =	sand.u32 $0x1, s29;
	v23 =	vadd.f32 v33, v23  }
0x40e: {  	s1 =	sshll.u32 s1, $0x6  }
0x40f: {  	s1 =	sadd.s32 $0x0, s1;
	[tilespmem:s2+$0xFFFFFFDE] =	vst v23  }
0x410: {  	v23 =	vld [tilespmem:s1+$0xED00]  }
0x411: {  	v34 =	vld [tilespmem:s1+$0xED10];
	_ =	sdelay $0x1  }
0x412: {  	v35 =	vld [tilespmem:s1+$0xED20];
	_ =	sdelay $0x1  }
0x413: {  	v36 =	vld [tilespmem:s1+$0xED30]  }
0x414: {  	v23 =	vmul.f32 v23, v18;
	v24 =	vmul.f32 v34, v17;
	_ =	sdelay $0x1  }
0x415: {  	v25 =	vmul.f32 v35, v19;
	v23 =	vadd.f32 v24, v23;
	_ =	sdelay $0x1  }
0x416: {  	v37 =	vmul.f32 v36, v20;
	v23 =	vadd.f32 v25, v23  }
0x417: {  	(v2sf) =	vpush v22, $0xB  }
0x418: {  	s0 =	sand.u32 $0x1, s30;
	v23 =	vadd.f32 v37, v23  }
0x419: {  	s0 =	sshll.u32 s0, $0x6  }
0x41a: {  	s0 =	sadd.s32 $0x0, s0;
	[tilespmem:s2+$0xFFFFFFEF] =	vst v23  }
0x41b: {  	v23 =	vld [tilespmem:s0+$0xED80]  }
0x41c: {  	v38 =	vld [tilespmem:s0+$0xED90];
	_ =	sdelay $0x1  }
0x41d: {  	v39 =	vld [tilespmem:s0+$0xEDA0];
	_ =	sdelay $0x1  }
0x41e: {  	v40 =	vld [tilespmem:s0+$0xEDB0]  }
0x41f: {  	v23 =	vmul.f32 v23, v18;
	v24 =	vmul.f32 v38, v17;
	_ =	sdelay $0x1  }
0x420: {  	v25 =	vmul.f32 v39, v19;
	v23 =	vadd.f32 v24, v23;
	_ =	sdelay $0x1  }
0x421: {  	v41 =	vmul.f32 v40, v20;
	v23 =	vadd.f32 v25, v23  }
0x422: {  	(v2sf) =	vpush v22, $0xC;
	s20 =	spop (v2sf)  }
0x423: {  	s0 =	sand.u32 $0x1, s20;
	v23 =	vadd.f32 v41, v23  }
0x424: {  	s0 =	sshll.u32 s0, $0x6  }
0x425: {  	s0 =	sadd.s32 $0x0, s0;
	[tilespmem:s2+$0x0] =	vst v23  }
0x426: {  	v23 =	vld [tilespmem:s0+$0xEE10]  }
0x427: {  	v42 =	vld [tilespmem:s0+$0xEE00];
	_ =	sdelay $0x1  }
0x428: {  	v43 =	vld [tilespmem:s0+$0xEE20];
	_ =	sdelay $0x1  }
0x429: {  	v44 =	vld [tilespmem:s0+$0xEE30]  }
0x42a: {  	v23 =	vmul.f32 v23, v17;
	v24 =	vmul.f32 v42, v18;
	_ =	sdelay $0x1  }
0x42b: {  	v25 =	vmul.f32 v43, v19;
	v23 =	vadd.f32 v23, v24;
	_ =	sdelay $0x1  }
0x42c: {  	v45 =	vmul.f32 v44, v20;
	v23 =	vadd.f32 v25, v23  }
0x42d: {  	(v2sf) =	vpush v22, $0xD;
	s21 =	spop (v2sf)  }
0x42e: {  	s0 =	sand.u32 $0x1, s21;
	v23 =	vadd.f32 v45, v23  }
0x42f: {  	s0 =	sshll.u32 s0, $0x6  }
0x430: {  	s0 =	sadd.s32 $0x0, s0;
	[tilespmem:s2+$0x11] =	vst v23  }
0x431: {  	v23 =	vld [tilespmem:s0+$0xEE80]  }
0x432: {  	v46 =	vld [tilespmem:s0+$0xEE90];
	_ =	sdelay $0x1  }
0x433: {  	v47 =	vld [tilespmem:s0+$0xEEA0];
	_ =	sdelay $0x1  }
0x434: {  	v48 =	vld [tilespmem:s0+$0xEEB0]  }
0x435: {  	v23 =	vmul.f32 v23, v18;
	v24 =	vmul.f32 v46, v17;
	_ =	sdelay $0x1  }
0x436: {  	v25 =	vmul.f32 v47, v19;
	v23 =	vadd.f32 v24, v23;
	_ =	sdelay $0x1  }
0x437: {  	v49 =	vmul.f32 v48, v20;
	v23 =	vadd.f32 v25, v23  }
0x438: {  	(v2sf) =	vpush v22, $0xE;
	s22 =	spop (v2sf)  }
0x439: {  	s0 =	sand.u32 $0x1, s22;
	v23 =	vadd.f32 v49, v23  }
0x43a: {  	s0 =	sshll.u32 s0, $0x6  }
0x43b: {  	s0 =	sadd.s32 $0x0, s0;
	[tilespmem:s2+$0x22] =	vst v23  }
0x43c: {  	v23 =	vld [tilespmem:s0+$0xEF00]  }
0x43d: {  	v50 =	vld [tilespmem:s0+$0xEF10];
	_ =	sdelay $0x1  }
0x43e: {  	v51 =	vld [tilespmem:s0+$0xEF20];
	_ =	sdelay $0x1  }
0x43f: {  	v52 =	vld [tilespmem:s0+$0xEF30]  }
0x440: {  	v23 =	vmul.f32 v23, v18;
	v24 =	vmul.f32 v50, v17;
	_ =	sdelay $0x1  }
0x441: {  	v53 =	vmul.f32 v51, v19;
	v23 =	vadd.f32 v24, v23;
	_ =	sdelay $0x1  }
0x442: {  	v54 =	vmul.f32 v52, v20;
	v23 =	vadd.f32 v53, v23  }
0x443: {  	(v2sf) =	vpush v22, $0xF;
	s23 =	spop (v2sf)  }
0x444: {  	s0 =	sand.u32 $0x1, s23;
	v22 =	vadd.f32 v54, v23  }
0x445: {  	s0 =	sshll.u32 s0, $0x6  }
0x446: {  	s0 =	sadd.s32 $0x0, s0;
	[tilespmem:s2+$0x33] =	vst v22  }
0x447: {  	v22 =	vld [tilespmem:s0+$0xEF80]  }
0x448: {  	v23 =	vld [tilespmem:s0+$0xEF90];
	_ =	sdelay $0x1  }
0x449: {  	v55 =	vld [tilespmem:s0+$0xEFA0];
	_ =	sdelay $0x1  }
0x44a: {  	v56 =	vld [tilespmem:s0+$0xEFB0]  }
0x44b: {  	v22 =	vmul.f32 v22, v18;
	v23 =	vmul.f32 v23, v17;
	_ =	sdelay $0x1  }
0x44c: {  	v24 =	vmul.f32 v55, v19;
	v22 =	vadd.f32 v23, v22;
	_ =	sdelay $0x1  }
0x44d: {  	v23 =	vmul.f32 v56, v20;
	v22 =	vadd.f32 v24, v22  }
0x44e: {  	(v2sf) =	vpush v21, $0xB;
	s24 =	spop (v2sf)  }
0x44f: {  	s0 =	sand.u32 $0x1, s24;
	v22 =	vadd.f32 v23, v22  }
0x450: {  	s0 =	sshll.u32 s0, $0x6  }
0x451: {  	s0 =	sadd.s32 $0x0, s0;
	[tilespmem:s2+$0x44] =	vst v22  }
0x452: {  	v22 =	vld [tilespmem:s0+$0xF000]  }
0x453: {  	v23 =	vld [tilespmem:s0+$0xF010];
	_ =	sdelay $0x1  }
0x454: {  	v57 =	vld [tilespmem:s0+$0xF020];
	_ =	sdelay $0x1  }
0x455: {  	v58 =	vld [tilespmem:s0+$0xF030]  }
0x456: {  	v22 =	vmul.f32 v22, v18;
	v23 =	vmul.f32 v23, v17;
	_ =	sdelay $0x1  }
0x457: {  	v24 =	vmul.f32 v57, v19;
	v22 =	vadd.f32 v23, v22;
	_ =	sdelay $0x1  }
0x458: {  	v23 =	vmul.f32 v58, v20;
	v22 =	vadd.f32 v24, v22  }
0x459: {  	(v2sf) =	vpush v21, $0xC;
	s25 =	spop (v2sf)  }
0x45a: {  	s0 =	sand.u32 $0x1, s25;
	v22 =	vadd.f32 v23, v22  }
0x45b: {  	s0 =	sshll.u32 s0, $0x6  }
0x45c: {  	s0 =	sadd.s32 $0x0, s0;
	[tilespmem:s2+$0x55] =	vst v22  }
0x45d: {  	v22 =	vld [tilespmem:s0+$0xF090]  }
0x45e: {  	v23 =	vld [tilespmem:s0+$0xF080];
	_ =	sdelay $0x1  }
0x45f: {  	v59 =	vld [tilespmem:s0+$0xF0A0];
	_ =	sdelay $0x1  }
0x460: {  	v60 =	vld [tilespmem:s0+$0xF0B0]  }
0x461: {  	v22 =	vmul.f32 v22, v17;
	v23 =	vmul.f32 v23, v18;
	_ =	sdelay $0x1  }
0x462: {  	v24 =	vmul.f32 v59, v19;
	v22 =	vadd.f32 v22, v23;
	_ =	sdelay $0x1  }
0x463: {  	v23 =	vmul.f32 v60, v20;
	v22 =	vadd.f32 v24, v22  }
0x464: {  	(v2sf) =	vpush v21, $0xD;
	s26 =	spop (v2sf)  }
0x465: {  	s0 =	sand.u32 $0x1, s26;
	v22 =	vadd.f32 v23, v22  }
0x466: {  	s0 =	sshll.u32 s0, $0x6  }
0x467: {  	s0 =	sadd.s32 $0x0, s0;
	[tilespmem:s2+$0x66] =	vst v22  }
0x468: {  	v22 =	vld [tilespmem:s0+$0xF100]  }
0x469: {  	v23 =	vld [tilespmem:s0+$0xF110];
	_ =	sdelay $0x1  }
0x46a: {  	v61 =	vld [tilespmem:s0+$0xF120];
	_ =	sdelay $0x1  }
0x46b: {  	v62 =	vld [tilespmem:s0+$0xF130]  }
0x46c: {  	v22 =	vmul.f32 v22, v18;
	v23 =	vmul.f32 v23, v17  }
0x46d: {  	(v2sf) =	vpush v21, $0xE  }
0x46e: {  	(v2sf) =	vpush v21, $0xF;
	v21 =	vmul.f32 v61, v19;
	v22 =	vadd.f32 v23, v22;
	_ =	sdelay $0x1  }
0x46f: {  	v23 =	vmul.f32 v62, v20;
	v21 =	vadd.f32 v21, v22  }
0x470: {  	s28 =	spop (v2sf)  }
0x471: {  	s0 =	sand.u32 $0x1, s28;
	v21 =	vadd.f32 v23, v21  }
0x472: {  	s0 =	sshll.u32 s0, $0x6  }
0x473: {  	s0 =	sadd.s32 $0x0, s0;
	[tilespmem:s2+$0x77] =	vst v21  }
0x474: {  	v21 =	vld [tilespmem:s0+$0xF180]  }
0x475: {  	v22 =	vld [tilespmem:s0+$0xF190];
	_ =	sdelay $0x1  }
0x476: {  	v23 =	vld [tilespmem:s0+$0xF1A0];
	_ =	sdelay $0x1  }
0x477: {  	v63 =	vld [tilespmem:s0+$0xF1B0]  }
0x478: {  	v21 =	vmul.f32 v21, v18;
	v22 =	vmul.f32 v22, v17;
	_ =	sdelay $0x1  }
0x479: {  	s11 =	simm.s32 $0x2A00;
	s10 =	simm.s32 $0x3880;
	s29 =	spop (v2sf);
	v23 =	vmul.f32 v23, v19;
	v22 =	vadd.f32 v22, v21  }
0x47a: {  	s7 =	smov.u32 s13;
	s12 =	simm.s32 $0x1928F;
	s30 =	spop (v2sf)  }
0x47b: {  	s14 =	simm.s32 $0x0;
	s1 =	sand.u32 $0x1, s30;
	s0 =	sand.u32 $0x1, s29;
	v21 =	vmul.f32 v63, v20;
	v22 =	vadd.f32 v23, v22  }
0x47c: {  	s17 =	sshll.u32 s1, $0x6;
	s18 =	sshll.u32 s0, $0x6;
	s0 =	smov.u32 s5  }
.LBB2_9:
0x47d: {  	v21 =	vadd.f32 v21, v22;
	s0 =	sadd.s32 $0x15, s0;
	s10 =	sadd.s32 $0x80, s10;
	s7 =	sadd.s32 $0x1, s7  }
0x47e: {  	p0 =	sne.s32 s11, $0x27600;
	s1 =	smov.u32 s11;
	s11 =	sadd.s32 $0x2A00, s11  }
0x47f: {  	s3 =	sadd.s32 s14, s18;
	[tilespmem:s2+$0x88] =	vst v21  }
0x480: {  	v21 =	vld [tilespmem:s3+$0xF200]  }
0x481: {  	v22 =	vld [tilespmem:s3+$0xF210]  }
0x482: {  	v23 =	vld [tilespmem:s3+$0xF220]  }
0x483: {  	v24 =	vld [tilespmem:s3+$0xF230];
	_ =	sdelay $0x1  }
0x484: {  	v21 =	vmul.f32 v21, v18  }
0x485: {  	v22 =	vmul.f32 v22, v17  }
0x486: {  	v23 =	vmul.f32 v23, v19  }
0x487: {  	v21 =	vadd.f32 v22, v21;
	v22 =	vmul.f32 v24, v20;
	_ =	sdelay $0x1  }
0x488: {  	v21 =	vadd.f32 v23, v21;
	_ =	sdelay $0x1  }
0x489: {  	v21 =	vadd.f32 v22, v21;
	_ =	sdelay $0x1  }
0x48a: {  	s3 =	sadd.s32 s14, s17;
	[tilespmem:s2+$0x99] =	vst v21  }
0x48b: {  	v21 =	vld [tilespmem:s3+$0xF280]  }
0x48c: {  	v22 =	vld [tilespmem:s3+$0xF290]  }
0x48d: {  	v23 =	vld [tilespmem:s3+$0xF2A0]  }
0x48e: {  	v24 =	vld [tilespmem:s3+$0xF2B0];
	_ =	sdelay $0x1  }
0x48f: {  	v18 =	vmul.f32 v21, v18  }
0x490: {  	v17 =	vmul.f32 v22, v17  }
0x491: {  	v19 =	vmul.f32 v23, v19  }
0x492: {  	v17 =	vadd.f32 v17, v18;
	v18 =	vmul.f32 v24, v20;
	_ =	sdelay $0x1  }
0x493: {  	v17 =	vadd.f32 v19, v17;
	_ =	sdelay $0x1  }
0x494: {  	v17 =	vadd.f32 v18, v17;
	_ =	sdelay $0x1  }
0x495: {  	[tilespmem:s2+$0xAA] =	vst v17;
	s2 =	smov.u32 s12  }
0x496: {  	v17 =	vld [tilespmem:s7+$0x0]  }
0x497: {  	v18 =	vld [tilespmem:s0+$0xFFFFFFFB];
	_ =	sdelay $0x3  }
0x498: {  	(v2sf) =	vpush v17, $0x0  }
0x499: {  	(v2sf) =	vpush v18, $0x0  }
0x49a: {  	(v2sf) =	vpush v18, $0x2;
	_ =	sdelay $0x1  }
0x49b: {  	(v2sf) =	vpush v18, $0x3  }
0x49c: {  	(v2sf) =	vpush v18, $0x4  }
0x49d: {  	(v2sf) =	vpush v18, $0x5  }
0x49e: {  	(v2sf) =	vpush v18, $0x6  }
0x49f: {  	(v2sf) =	vpush v18, $0x7  }
0x4a0: {  	(v2sf) =	vpush v18, $0x8  }
0x4a1: {  	(v2sf) =	vpush v18, $0x9  }
0x4a2: {  	(v2sf) =	vpush v18, $0xA  }
0x4a3: {  	(v2sf) =	vpush v18, $0x1  }
0x4a4: {  	(v2sf) =	vpush v18, $0xB  }
0x4a5: {  	(v2sf) =	vpush v18, $0xC  }
0x4a6: {  	s3 =	spop (v2sf)  }
0x4a7: {  	s14 =	sshra.s32 s1, $0x2;
	s3 =	sand.u32 $0x1, s3;
	s1 =	spop (v2sf);
	(v2sf) =	vpush v18, $0xD  }
0x4a8: {  	s3 =	sshll.u32 s3, $0x6;
	s1 =	sand.u32 $0x1, s1;
	s4 =	spop (v2sf);
	(v2sf) =	vpush v18, $0xE  }
0x4a9: {  	s3 =	sadd.s32 s3, s10;
	s1 =	sshll.u32 s1, $0x6;
	s4 =	sand.u32 $0x1, s4;
	(v2sf) =	vpush v18, $0xF  }
0x4aa: {  	v18 =	vld [tilespmem:s3+$0x0];
	s6 =	sadd.s32 s14, s1;
	s17 =	sshll.u32 s4, $0x6;
	s1 =	spop (v2sf)  }
0x4ab: {  	v17 =	vld [tilespmem:s6+$0xE890];
	s1 =	sand.u32 $0x1, s1;
	s4 =	spop (v2sf)  }
0x4ac: {  	v19 =	vld [tilespmem:s6+$0xE880];
	s1 =	sshll.u32 s1, $0x6;
	s4 =	sand.u32 $0x1, s4;
	s9 =	spop (v2sf)  }
0x4ad: {  	v20 =	vld [tilespmem:s3+$0x10];
	s30 =	sshll.u32 s4, $0x6;
	s4 =	sand.u32 $0x1, s9;
	s13 =	spop (v2sf)  }
0x4ae: {  	v21 =	vld [tilespmem:s6+$0xE8A0];
	s9 =	sshll.u32 s4, $0x6;
	s4 =	sand.u32 $0x1, s13;
	s13 =	spop (v2sf)  }
0x4af: {  	v22 =	vld [tilespmem:s3+$0x20];
	s4 =	sshll.u32 s4, $0x6;
	s13 =	sand.u32 $0x1, s13;
	s18 =	spop (v2sf)  }
0x4b0: {  	v23 =	vld [tilespmem:s6+$0xE8B0];
	s29 =	sshll.u32 s13, $0x6;
	s6 =	sand.u32 $0x1, s18;
	s18 =	spop (v2sf)  }
0x4b1: {  	v24 =	vld [tilespmem:s3+$0x30];
	s13 =	sshll.u32 s6, $0x6;
	s3 =	sand.u32 $0x1, s18;
	s6 =	spop (v2sf)  }
0x4b2: {  	v19 =	vmul.f32 v19, v18;
	v17 =	vmul.f32 v17, v20;
	s3 =	sshll.u32 s3, $0x6;
	s6 =	sand.u32 $0x1, s6;
	s18 =	spop (v2sf)  }
0x4b3: {  	s18 =	sand.u32 $0x1, s18;
	s20 =	sshll.u32 s6, $0x6;
	s6 =	spop (v2sf)  }
0x4b4: {  	v17 =	vadd.f32 v17, v19;
	v19 =	vmul.f32 v21, v22;
	s18 =	sshll.u32 s18, $0x6;
	s6 =	sand.u32 $0x1, s6;
	s19 =	spop (v2sf)  }
0x4b5: {  	s18 =	sadd.s32 s14, s18;
	s28 =	sshll.u32 s6, $0x6;
	s6 =	sand.u32 $0x1, s19  }
0x4b6: {  	v17 =	vadd.f32 v19, v17;
	v19 =	vmul.f32 v23, v24;
	s26 =	sshll.u32 s6, $0x6;
	s6 =	spop (v2sf)  }
0x4b7: {  	s6 =	sand.u32 $0x1, s6;
	s19 =	spop (v2sf)  }
0x4b8: {  	v17 =	vadd.f32 v19, v17;
	s25 =	sshll.u32 s6, $0x6;
	s6 =	sand.u32 $0x1, s19;
	s19 =	spop (v2sf)  }
0x4b9: {  	v21 =	vld [tilespmem:s0+$0x0];
	s23 =	sshll.u32 s6, $0x6;
	s6 =	sand.u32 $0x1, s19  }
0x4ba: {  	[tilespmem:s12+$0xFFFFFF56] =	vst v17;
	s21 =	sshll.u32 s6, $0x6  }
0x4bb: {  	v19 =	vld [tilespmem:s18+$0xE910]  }
0x4bc: {  	v23 =	vld [tilespmem:s18+$0xE900]  }
0x4bd: {  	v25 =	vld [tilespmem:s18+$0xE920]  }
0x4be: {  	v17 =	vsub.f32 $0.0e+00, v20;
	v26 =	vld [tilespmem:s18+$0xE930];
	(v2sf) =	vpush v21, $0xB  }
0x4bf: {  	v18 =	vsub.f32 $0.0e+00, v18;
	(v2sf) =	vpush v21, $0xC  }
0x4c0: {  	v27 =	vmul.f32 v19, v17;
	(v2sf) =	vpush v21, $0xD  }
0x4c1: {  	v19 =	vsub.f32 $0.0e+00, v22;
	v22 =	vmul.f32 v23, v18;
	(v2sf) =	vpush v21, $0xE  }
0x4c2: {  	(v2sf) =	vpush v21, $0xF  }
0x4c3: {  	v20 =	vsub.f32 $0.0e+00, v24;
	v21 =	vadd.f32 v27, v22;
	v22 =	vmul.f32 v25, v19;
	_ =	sdelay $0x1  }
0x4c4: {  	v21 =	vadd.f32 v22, v21;
	v22 =	vmul.f32 v26, v20;
	_ =	sdelay $0x1  }
0x4c5: {  	v21 =	vadd.f32 v22, v21;
	_ =	sdelay $0x1  }
0x4c6: {  	s6 =	sadd.s32 s14, s17;
	[tilespmem:s12+$0xFFFFFF67] =	vst v21  }
0x4c7: {  	v21 =	vld [tilespmem:s6+$0xE980]  }
0x4c8: {  	v22 =	vld [tilespmem:s6+$0xE990]  }
0x4c9: {  	v23 =	vld [tilespmem:s6+$0xE9A0]  }
0x4ca: {  	v24 =	vld [tilespmem:s6+$0xE9B0];
	s6 =	spop (v2sf)  }
0x4cb: {  	s6 =	sand.u32 $0x1, s6;
	s17 =	spop (v2sf)  }
0x4cc: {  	v21 =	vmul.f32 v21, v18;
	s24 =	sshll.u32 s6, $0x6;
	s6 =	sand.u32 $0x1, s17;
	s17 =	spop (v2sf)  }
0x4cd: {  	v22 =	vmul.f32 v22, v17;
	s22 =	sshll.u32 s6, $0x6;
	s6 =	sand.u32 $0x1, s17;
	s17 =	spop (v2sf)  }
0x4ce: {  	v23 =	vmul.f32 v23, v19;
	s19 =	sshll.u32 s6, $0x6;
	s6 =	sand.u32 $0x1, s17;
	s17 =	spop (v2sf)  }
0x4cf: {  	v21 =	vadd.f32 v22, v21;
	v22 =	vmul.f32 v24, v20;
	s18 =	sshll.u32 s6, $0x6;
	s6 =	sand.u32 $0x1, s17  }
0x4d0: {  	s17 =	sshll.u32 s6, $0x6  }
0x4d1: {  	v21 =	vadd.f32 v23, v21;
	_ =	sdelay $0x1  }
0x4d2: {  	v21 =	vadd.f32 v22, v21;
	_ =	sdelay $0x1  }
0x4d3: {  	s1 =	sadd.s32 s14, s1;
	[tilespmem:s12+$0xFFFFFF78] =	vst v21  }
0x4d4: {  	v21 =	vld [tilespmem:s1+$0xEA00]  }
0x4d5: {  	v22 =	vld [tilespmem:s1+$0xEA10]  }
0x4d6: {  	v23 =	vld [tilespmem:s1+$0xEA20]  }
0x4d7: {  	v24 =	vld [tilespmem:s1+$0xEA30];
	_ =	sdelay $0x1  }
0x4d8: {  	v21 =	vmul.f32 v21, v18  }
0x4d9: {  	v22 =	vmul.f32 v22, v17  }
0x4da: {  	v23 =	vmul.f32 v23, v19  }
0x4db: {  	v21 =	vadd.f32 v22, v21;
	v22 =	vmul.f32 v24, v20;
	_ =	sdelay $0x1  }
0x4dc: {  	v21 =	vadd.f32 v23, v21;
	_ =	sdelay $0x1  }
0x4dd: {  	v21 =	vadd.f32 v22, v21;
	_ =	sdelay $0x1  }
0x4de: {  	s1 =	sadd.s32 s14, s30;
	[tilespmem:s12+$0xFFFFFF89] =	vst v21  }
0x4df: {  	v21 =	vld [tilespmem:s1+$0xEA80]  }
0x4e0: {  	v22 =	vld [tilespmem:s1+$0xEA90];
	_ =	sdelay $0x1  }
0x4e1: {  	v23 =	vld [tilespmem:s1+$0xEAA0];
	_ =	sdelay $0x1  }
0x4e2: {  	v21 =	vmul.f32 v21, v18;
	v24 =	vld [tilespmem:s1+$0xEAB0]  }
0x4e3: {  	v22 =	vmul.f32 v22, v17;
	_ =	sdelay $0x1  }
0x4e4: {  	v21 =	vadd.f32 v22, v21;
	v22 =	vmul.f32 v23, v19;
	_ =	sdelay $0x1  }
0x4e5: {  	v21 =	vadd.f32 v22, v21;
	v22 =	vmul.f32 v24, v20;
	_ =	sdelay $0x1  }
0x4e6: {  	v21 =	vadd.f32 v22, v21;
	_ =	sdelay $0x1  }
0x4e7: {  	s1 =	sadd.s32 s14, s9;
	[tilespmem:s12+$0xFFFFFF9A] =	vst v21  }
0x4e8: {  	v21 =	vld [tilespmem:s1+$0xEB00]  }
0x4e9: {  	v22 =	vld [tilespmem:s1+$0xEB10]  }
0x4ea: {  	v23 =	vld [tilespmem:s1+$0xEB20]  }
0x4eb: {  	v24 =	vld [tilespmem:s1+$0xEB30];
	_ =	sdelay $0x1  }
0x4ec: {  	v21 =	vmul.f32 v21, v18  }
0x4ed: {  	v22 =	vmul.f32 v22, v17  }
0x4ee: {  	v23 =	vmul.f32 v23, v19  }
0x4ef: {  	v21 =	vadd.f32 v22, v21;
	v22 =	vmul.f32 v24, v20;
	_ =	sdelay $0x1  }
0x4f0: {  	v21 =	vadd.f32 v23, v21;
	_ =	sdelay $0x1  }
0x4f1: {  	v21 =	vadd.f32 v22, v21;
	_ =	sdelay $0x1  }
0x4f2: {  	s1 =	sadd.s32 s14, s4;
	[tilespmem:s12+$0xFFFFFFAB] =	vst v21  }
0x4f3: {  	v21 =	vld [tilespmem:s1+$0xEB80]  }
0x4f4: {  	v22 =	vld [tilespmem:s1+$0xEB90]  }
0x4f5: {  	v23 =	vld [tilespmem:s1+$0xEBA0]  }
0x4f6: {  	v24 =	vld [tilespmem:s1+$0xEBB0];
	_ =	sdelay $0x1  }
0x4f7: {  	v21 =	vmul.f32 v21, v18  }
0x4f8: {  	v22 =	vmul.f32 v22, v17  }
0x4f9: {  	v23 =	vmul.f32 v23, v19  }
0x4fa: {  	v21 =	vadd.f32 v22, v21;
	v22 =	vmul.f32 v24, v20;
	_ =	sdelay $0x1  }
0x4fb: {  	v21 =	vadd.f32 v23, v21;
	_ =	sdelay $0x1  }
0x4fc: {  	v21 =	vadd.f32 v22, v21;
	_ =	sdelay $0x1  }
0x4fd: {  	s1 =	sadd.s32 s14, s29;
	[tilespmem:s12+$0xFFFFFFBC] =	vst v21  }
0x4fe: {  	v21 =	vld [tilespmem:s1+$0xEC00]  }
0x4ff: {  	v22 =	vld [tilespmem:s1+$0xEC10]  }
0x500: {  	v23 =	vld [tilespmem:s1+$0xEC20]  }
0x501: {  	v24 =	vld [tilespmem:s1+$0xEC30];
	_ =	sdelay $0x1  }
0x502: {  	v21 =	vmul.f32 v21, v18  }
0x503: {  	v22 =	vmul.f32 v22, v17  }
0x504: {  	v23 =	vmul.f32 v23, v19  }
0x505: {  	v21 =	vadd.f32 v22, v21;
	v22 =	vmul.f32 v24, v20;
	_ =	sdelay $0x1  }
0x506: {  	v21 =	vadd.f32 v23, v21;
	_ =	sdelay $0x1  }
0x507: {  	v21 =	vadd.f32 v22, v21;
	_ =	sdelay $0x1  }
0x508: {  	s1 =	sadd.s32 s14, s13;
	[tilespmem:s12+$0xFFFFFFCD] =	vst v21  }
0x509: {  	v21 =	vld [tilespmem:s1+$0xEC80]  }
0x50a: {  	v22 =	vld [tilespmem:s1+$0xEC90]  }
0x50b: {  	v23 =	vld [tilespmem:s1+$0xECB0]  }
0x50c: {  	v24 =	vld [tilespmem:s1+$0xECA0];
	_ =	sdelay $0x1  }
0x50d: {  	v21 =	vmul.f32 v21, v18  }
0x50e: {  	v22 =	vmul.f32 v22, v17  }
0x50f: {  	v23 =	vmul.f32 v23, v20  }
0x510: {  	v21 =	vadd.f32 v22, v21;
	v22 =	vmul.f32 v24, v19;
	_ =	sdelay $0x1  }
0x511: {  	v21 =	vadd.f32 v22, v21;
	_ =	sdelay $0x1  }
0x512: {  	v21 =	vadd.f32 v23, v21;
	_ =	sdelay $0x1  }
0x513: {  	s1 =	sadd.s32 s14, s3;
	[tilespmem:s12+$0xFFFFFFDE] =	vst v21  }
0x514: {  	v21 =	vld [tilespmem:s1+$0xED00]  }
0x515: {  	v22 =	vld [tilespmem:s1+$0xED10]  }
0x516: {  	v23 =	vld [tilespmem:s1+$0xED20]  }
0x517: {  	v24 =	vld [tilespmem:s1+$0xED30];
	_ =	sdelay $0x1  }
0x518: {  	v21 =	vmul.f32 v21, v18  }
0x519: {  	v22 =	vmul.f32 v22, v17  }
0x51a: {  	v23 =	vmul.f32 v23, v19  }
0x51b: {  	v21 =	vadd.f32 v22, v21;
	v22 =	vmul.f32 v24, v20;
	_ =	sdelay $0x1  }
0x51c: {  	v21 =	vadd.f32 v23, v21;
	_ =	sdelay $0x1  }
0x51d: {  	v21 =	vadd.f32 v22, v21;
	_ =	sdelay $0x1  }
0x51e: {  	s1 =	sadd.s32 s14, s20;
	[tilespmem:s12+$0xFFFFFFEF] =	vst v21  }
0x51f: {  	v21 =	vld [tilespmem:s1+$0xED80]  }
0x520: {  	v22 =	vld [tilespmem:s1+$0xED90]  }
0x521: {  	v23 =	vld [tilespmem:s1+$0xEDA0]  }
0x522: {  	v24 =	vld [tilespmem:s1+$0xEDB0];
	_ =	sdelay $0x1  }
0x523: {  	v21 =	vmul.f32 v21, v18  }
0x524: {  	v22 =	vmul.f32 v22, v17  }
0x525: {  	v23 =	vmul.f32 v23, v19  }
0x526: {  	v21 =	vadd.f32 v22, v21;
	v22 =	vmul.f32 v24, v20;
	_ =	sdelay $0x1  }
0x527: {  	v21 =	vadd.f32 v23, v21;
	_ =	sdelay $0x1  }
0x528: {  	v21 =	vadd.f32 v22, v21;
	_ =	sdelay $0x1  }
0x529: {  	s1 =	sadd.s32 s14, s28;
	[tilespmem:s12+$0x0] =	vst v21  }
0x52a: {  	v21 =	vld [tilespmem:s1+$0xEE10]  }
0x52b: {  	v22 =	vld [tilespmem:s1+$0xEE00]  }
0x52c: {  	v23 =	vld [tilespmem:s1+$0xEE20]  }
0x52d: {  	v24 =	vld [tilespmem:s1+$0xEE30];
	_ =	sdelay $0x1  }
0x52e: {  	v21 =	vmul.f32 v21, v17  }
0x52f: {  	v22 =	vmul.f32 v22, v18  }
0x530: {  	v23 =	vmul.f32 v23, v19  }
0x531: {  	v21 =	vadd.f32 v21, v22;
	v22 =	vmul.f32 v24, v20;
	_ =	sdelay $0x1  }
0x532: {  	v21 =	vadd.f32 v23, v21;
	_ =	sdelay $0x1  }
0x533: {  	v21 =	vadd.f32 v22, v21;
	_ =	sdelay $0x1  }
0x534: {  	s1 =	sadd.s32 s14, s26;
	[tilespmem:s12+$0x11] =	vst v21  }
0x535: {  	v21 =	vld [tilespmem:s1+$0xEE80]  }
0x536: {  	v22 =	vld [tilespmem:s1+$0xEEA0]  }
0x537: {  	v23 =	vld [tilespmem:s1+$0xEE90]  }
0x538: {  	v24 =	vld [tilespmem:s1+$0xEEB0];
	_ =	sdelay $0x1  }
0x539: {  	v21 =	vmul.f32 v21, v18  }
0x53a: {  	v22 =	vmul.f32 v22, v19  }
0x53b: {  	v23 =	vmul.f32 v23, v17  }
0x53c: {  	v24 =	vmul.f32 v24, v20  }
0x53d: {  	v21 =	vadd.f32 v23, v21;
	_ =	sdelay $0x1  }
0x53e: {  	v21 =	vadd.f32 v22, v21;
	_ =	sdelay $0x1  }
0x53f: {  	v21 =	vadd.f32 v24, v21;
	_ =	sdelay $0x1  }
0x540: {  	s1 =	sadd.s32 s14, s25;
	[tilespmem:s12+$0x22] =	vst v21  }
0x541: {  	v21 =	vld [tilespmem:s1+$0xEF00]  }
0x542: {  	v22 =	vld [tilespmem:s1+$0xEF10]  }
0x543: {  	v23 =	vld [tilespmem:s1+$0xEF20]  }
0x544: {  	v24 =	vld [tilespmem:s1+$0xEF30];
	_ =	sdelay $0x1  }
0x545: {  	v21 =	vmul.f32 v21, v18  }
0x546: {  	v22 =	vmul.f32 v22, v17  }
0x547: {  	v23 =	vmul.f32 v23, v19  }
0x548: {  	v21 =	vadd.f32 v22, v21;
	v22 =	vmul.f32 v24, v20;
	_ =	sdelay $0x1  }
0x549: {  	v21 =	vadd.f32 v23, v21;
	_ =	sdelay $0x1  }
0x54a: {  	v21 =	vadd.f32 v22, v21;
	_ =	sdelay $0x1  }
0x54b: {  	s1 =	sadd.s32 s14, s23;
	[tilespmem:s12+$0x33] =	vst v21  }
0x54c: {  	v21 =	vld [tilespmem:s1+$0xEF80]  }
0x54d: {  	v22 =	vld [tilespmem:s1+$0xEF90]  }
0x54e: {  	v23 =	vld [tilespmem:s1+$0xEFA0]  }
0x54f: {  	v24 =	vld [tilespmem:s1+$0xEFB0];
	_ =	sdelay $0x1  }
0x550: {  	v21 =	vmul.f32 v21, v18  }
0x551: {  	v22 =	vmul.f32 v22, v17  }
0x552: {  	v23 =	vmul.f32 v23, v19  }
0x553: {  	v21 =	vadd.f32 v22, v21;
	v22 =	vmul.f32 v24, v20;
	_ =	sdelay $0x1  }
0x554: {  	v21 =	vadd.f32 v23, v21;
	_ =	sdelay $0x1  }
0x555: {  	v21 =	vadd.f32 v22, v21;
	_ =	sdelay $0x1  }
0x556: {  	s1 =	sadd.s32 s14, s21;
	[tilespmem:s12+$0x44] =	vst v21  }
0x557: {  	v21 =	vld [tilespmem:s1+$0xF000]  }
0x558: {  	v22 =	vld [tilespmem:s1+$0xF010]  }
0x559: {  	v23 =	vld [tilespmem:s1+$0xF020]  }
0x55a: {  	v24 =	vld [tilespmem:s1+$0xF030];
	_ =	sdelay $0x1  }
0x55b: {  	v21 =	vmul.f32 v21, v18  }
0x55c: {  	v22 =	vmul.f32 v22, v17  }
0x55d: {  	v23 =	vmul.f32 v23, v19  }
0x55e: {  	v21 =	vadd.f32 v22, v21;
	v22 =	vmul.f32 v24, v20;
	_ =	sdelay $0x1  }
0x55f: {  	v21 =	vadd.f32 v23, v21;
	_ =	sdelay $0x1  }
0x560: {  	v21 =	vadd.f32 v22, v21;
	_ =	sdelay $0x1  }
0x561: {  	s1 =	sadd.s32 s14, s24;
	[tilespmem:s12+$0x55] =	vst v21  }
0x562: {  	v21 =	vld [tilespmem:s1+$0xF090]  }
0x563: {  	v22 =	vld [tilespmem:s1+$0xF080]  }
0x564: {  	v23 =	vld [tilespmem:s1+$0xF0A0]  }
0x565: {  	v24 =	vld [tilespmem:s1+$0xF0B0];
	_ =	sdelay $0x1  }
0x566: {  	v21 =	vmul.f32 v21, v17  }
0x567: {  	v22 =	vmul.f32 v22, v18  }
0x568: {  	v23 =	vmul.f32 v23, v19  }
0x569: {  	v21 =	vadd.f32 v21, v22;
	v22 =	vmul.f32 v24, v20;
	_ =	sdelay $0x1  }
0x56a: {  	v21 =	vadd.f32 v23, v21;
	_ =	sdelay $0x1  }
0x56b: {  	v21 =	vadd.f32 v22, v21;
	_ =	sdelay $0x1  }
0x56c: {  	s1 =	sadd.s32 s14, s22;
	[tilespmem:s12+$0x66] =	vst v21  }
0x56d: {  	v21 =	vld [tilespmem:s1+$0xF100]  }
0x56e: {  	v22 =	vld [tilespmem:s1+$0xF110]  }
0x56f: {  	v23 =	vld [tilespmem:s1+$0xF120]  }
0x570: {  	v24 =	vld [tilespmem:s1+$0xF130];
	_ =	sdelay $0x1  }
0x571: {  	v21 =	vmul.f32 v21, v18  }
0x572: {  	v22 =	vmul.f32 v22, v17  }
0x573: {  	v23 =	vmul.f32 v23, v19  }
0x574: {  	v21 =	vadd.f32 v22, v21;
	v22 =	vmul.f32 v24, v20;
	_ =	sdelay $0x1  }
0x575: {  	v21 =	vadd.f32 v23, v21;
	_ =	sdelay $0x1  }
0x576: {  	v21 =	vadd.f32 v22, v21;
	_ =	sdelay $0x1  }
0x577: {  	s1 =	sadd.s32 s14, s19;
	[tilespmem:s12+$0x77] =	vst v21  }
0x578: {  	v21 =	vld [tilespmem:s1+$0xF180]  }
0x579: {  	v22 =	vld [tilespmem:s1+$0xF190]  }
0x57a: {  	v23 =	vld [tilespmem:s1+$0xF1A0]  }
0x57b: {  	v24 =	vld [tilespmem:s1+$0xF1B0];
	_ =	sdelay $0x1  }
0x57c: {  	v21 =	vmul.f32 v21, v18  }
0x57d: {  	v22 =	vmul.f32 v22, v17  }
.Ltmp3:
0x57e: {  	v23 =	vmul.f32 v23, v19;
	(pc) =	sbr.rel @p0 .LBB2_9-.Ltmp3, $3  }
0x57f: {  	v22 =	vadd.f32 v22, v21;
	v21 =	vmul.f32 v24, v20;
	_ =	sdelay $0x1  }
0x580: {  	v22 =	vadd.f32 v23, v22  }
0x581: {  	s12 =	sadd.s32 $0x165, s12  }
0x582: {  	v21 =	vadd.f32 v21, v22;
	_ =	sdelay $0x1  }
0x583: {  	s0 =	sadd.s32 s14, s18;
	[tilespmem:s2+$0x88] =	vst v21  }
0x584: {  	v21 =	vld [tilespmem:s0+$0xF200]  }
0x585: {  	v22 =	vld [tilespmem:s0+$0xF210];
	_ =	sdelay $0x1  }
0x586: {  	v23 =	vld [tilespmem:s0+$0xF220];
	_ =	sdelay $0x1  }
0x587: {  	v24 =	vld [tilespmem:s0+$0xF230]  }
0x588: {  	v21 =	vmul.f32 v21, v18;
	v22 =	vmul.f32 v22, v17;
	_ =	sdelay $0x1  }
0x589: {  	v23 =	vmul.f32 v23, v19;
	v21 =	vadd.f32 v22, v21;
	_ =	sdelay $0x1  }
0x58a: {  	v22 =	vmul.f32 v24, v20;
	v21 =	vadd.f32 v23, v21;
	_ =	sdelay $0x1  }
0x58b: {  	v21 =	vadd.f32 v22, v21;
	_ =	sdelay $0x1  }
0x58c: {  	s23 =	sadd.s32 s14, s17;
	[tilespmem:s2+$0x99] =	vst v21  }
0x58d: {  	v21 =	vld [tilespmem:s23+$0xF280]  }
0x58e: {  	v22 =	vld [tilespmem:s23+$0xF290];
	_ =	sdelay $0x1  }
0x58f: {  	v23 =	vld [tilespmem:s23+$0xF2A0]  }
0x590: {  	s24 =	simm.s32 $0x0  }
0x591: {  	v25 =	vmov s24;
	v24 =	vld [tilespmem:s23+$0xF2B0]  }
0x592: {  	v18 =	vmul.f32 v21, v18;
	v17 =	vmul.f32 v22, v17;
	v21 =	vmul.u32 $0x11, v25;
	_ =	sdelay $0x1  }
0x593: {  	v19 =	vmul.f32 v23, v19;
	v17 =	vadd.f32 v17, v18;
	v18 =	vbroadcast v21, $0x0;
	_ =	sdelay $0x1  }
0x594: {  	v20 =	vmul.f32 v24, v20;
	v17 =	vadd.f32 v19, v17;
	v19 =	vadd.s32 v0, v18  }
0x595: {  	v21 =	vadd.s32 v1, v18  }
0x596: {  	v17 =	vadd.f32 v20, v17  }
0x597: {  	v20 =	vadd.s32 v2, v18  }
0x598: {  	[tilespmem:s2+$0xAA] =	vst v17  }
0x599: {  	v17 =	vld.idx.msk [tilespmem:v19+s31+$0x0], $0xffff;
	v19 =	vadd.s32 v3, v18  }
0x59a: {  	v21 =	vld.idx.msk [tilespmem:v21+s31+$0x0], $0xffff  }
0x59b: {  	v22 =	vadd.s32 v4, v18  }
0x59c: {  	v20 =	vld.idx.msk [tilespmem:v20+s31+$0x0], $0xffff  }
0x59d: {  	v23 =	vadd.s32 v5, v18  }
0x59e: {  	v19 =	vld.idx.msk [tilespmem:v19+s31+$0x0], $0xffff  }
0x59f: {  	v17 =	vadd.f32 v21, v17;
	v21 =	vadd.s32 v6, v18  }
0x5a0: {  	v22 =	vld.idx.msk [tilespmem:v22+s31+$0x0], $0xffff  }
0x5a1: {  	s25 =	simm.s32 $0x10;
	v17 =	vadd.f32 v20, v17;
	v20 =	vadd.s32 v7, v18  }
0x5a2: {  	v24 =	vmov s25;
	v23 =	vld.idx.msk [tilespmem:v23+s31+$0x0], $0xffff  }
0x5a3: {  	v24 =	vmul.u32 $0x11, v24;
	v25 =	vadd.s32 v8, v18;
	v17 =	vadd.f32 v19, v17  }
0x5a4: {  	v19 =	vld.idx.msk [tilespmem:v21+s31+$0x0], $0xffff  }
0x5a5: {  	v21 =	vbroadcast v24, $0x0;
	v17 =	vadd.f32 v22, v17;
	v22 =	vadd.s32 v9, v18  }
0x5a6: {  	v24 =	vadd.s32 v10, v18;
	v20 =	vld.idx.msk [tilespmem:v20+s31+$0x0], $0xffff  }
0x5a7: {  	v26 =	vadd.s32 v0, v21;
	v17 =	vadd.f32 v23, v17  }
0x5a8: {  	v25 =	vld.idx.msk [tilespmem:v25+s31+$0x0], $0xffff;
	v23 =	vadd.s32 v1, v21  }
0x5a9: {  	v27 =	vadd.s32 v11, v18;
	v17 =	vadd.f32 v19, v17  }
0x5aa: {  	v19 =	vadd.s32 v2, v21;
	v22 =	vld.idx.msk [tilespmem:v22+s31+$0x0], $0xffff  }
0x5ab: {  	v24 =	vld.idx.msk [tilespmem:v24+s31+$0x0], $0xffff;
	v17 =	vadd.f32 v20, v17;
	v20 =	vadd.s32 v12, v18  }
0x5ac: {  	v28 =	vadd.s32 v3, v21;
	v26 =	vld.idx.msk [tilespmem:v26+s31+$0x0], $0xffff  }
0x5ad: {  	v23 =	vld.idx.msk [tilespmem:v23+s31+$0x0], $0xffff;
	v17 =	vadd.f32 v25, v17;
	v25 =	vadd.s32 v13, v18  }
0x5ae: {  	v27 =	vld.idx.msk [tilespmem:v27+s31+$0x0], $0xffff;
	v29 =	vadd.s32 v4, v21  }
0x5af: {  	v19 =	vld.idx.msk [tilespmem:v19+s31+$0x0], $0xffff;
	v17 =	vadd.f32 v22, v17;
	v22 =	vadd.s32 v14, v18  }
0x5b0: {  	v30 =	vadd.s32 v5, v21;
	v20 =	vld.idx.msk [tilespmem:v20+s31+$0x0], $0xffff  }
0x5b1: {  	v28 =	vld.idx.msk [tilespmem:v28+s31+$0x0], $0xffff;
	v18 =	vadd.s32 v15, v18;
	v17 =	vadd.f32 v24, v17  }
0x5b2: {  	v23 =	vadd.f32 v23, v26;
	v24 =	vadd.s32 v6, v21;
	v25 =	vld.idx.msk [tilespmem:v25+s31+$0x0], $0xffff  }
0x5b3: {  	v26 =	vld.idx.msk [tilespmem:v29+s31+$0x0], $0xffff;
	v17 =	vadd.f32 v27, v17  }
0x5b4: {  	s26 =	simm.s32 $0x20;
	v19 =	vadd.f32 v19, v23;
	v23 =	vadd.s32 v7, v21;
	v22 =	vld.idx.msk [tilespmem:v22+s31+$0x0], $0xffff  }
0x5b5: {  	v29 =	vld.idx.msk [tilespmem:v30+s31+$0x0], $0xffff;
	v27 =	vmov s26;
	v17 =	vadd.f32 v20, v17  }
0x5b6: {  	v18 =	vld.idx.msk [tilespmem:v18+s31+$0x0], $0xffff;
	v20 =	vmul.u32 $0x11, v27;
	v27 =	vadd.s32 v8, v21;
	v19 =	vadd.f32 v28, v19  }
0x5b7: {  	v24 =	vld.idx.msk [tilespmem:v24+s31+$0x0], $0xffff;
	v17 =	vadd.f32 v25, v17  }
0x5b8: {  	v20 =	vbroadcast v20, $0x0;
	v19 =	vadd.f32 v26, v19;
	v25 =	vadd.s32 v9, v21  }
0x5b9: {  	v26 =	vadd.s32 v10, v21;
	v28 =	vld.idx.msk [tilespmem:v23+s31+$0x0], $0xffff;
	v17 =	vadd.f32 v22, v17  }
0x5ba: {  	v22 =	vadd.s32 v0, v20;
	v19 =	vadd.f32 v29, v19  }
0x5bb: {  	v29 =	vadd.s32 v1, v20;
	v27 =	vld.idx.msk [tilespmem:v27+s31+$0x0], $0xffff;
	v23 =	vadd.f32 v18, v17  }
0x5bc: {  	v17 =	vadd.s32 v11, v21;
	v18 =	vadd.f32 v24, v19  }
0x5bd: {  	v19 =	vadd.s32 v2, v20;
	v24 =	vld.idx.msk [tilespmem:v25+s31+$0x0], $0xffff;
	v25 =	vand.u32 $0x7FFFFFFF, v23  }
0x5be: {  	v26 =	vld.idx.msk [tilespmem:v26+s31+$0x0], $0xffff;
	v18 =	vadd.f32 v28, v18;
	v28 =	vadd.s32 v12, v21;
	v25 =	vsub.f32 $0.0e+00, v25  }
0x5bf: {  	v30 =	vadd.s32 v3, v20;
	v22 =	vld.idx.msk [tilespmem:v22+s31+$0x0], $0xffff  }
0x5c0: {  	v29 =	vld.idx.msk [tilespmem:v29+s31+$0x0], $0xffff;
	v18 =	vadd.f32 v27, v18;
	v27 =	vadd.s32 v13, v21;
	v25 =	vmul.f32 $1.442695020e+00, v25  }
0x5c1: {  	v31 =	vadd.s32 v4, v20;
	v17 =	vld.idx.msk [tilespmem:v17+s31+$0x0], $0xffff  }
0x5c2: {  	v19 =	vld.idx.msk [tilespmem:v19+s31+$0x0], $0xffff;
	v18 =	vadd.f32 v24, v18;
	v24 =	vadd.s32 v14, v21;
	(erf) = vpow2.f32 v25  }
0x5c3: {  	v25 =	vadd.s32 v5, v20;
	v28 =	vld.idx.msk [tilespmem:v28+s31+$0x0], $0xffff  }
0x5c4: {  	v30 =	vld.idx.msk [tilespmem:v30+s31+$0x0], $0xffff;
	v21 =	vadd.s32 v15, v21;
	v18 =	vadd.f32 v26, v18  }
0x5c5: {  	s28 =	simm.s32 $0x30;
	v22 =	vadd.f32 v29, v22;
	v26 =	vadd.s32 v6, v20;
	v27 =	vld.idx.msk [tilespmem:v27+s31+$0x0], $0xffff  }
0x5c6: {  	v31 =	vld.idx.msk [tilespmem:v31+s31+$0x0], $0xffff;
	v29 =	vmov s28;
	v17 =	vadd.f32 v17, v18  }
0x5c7: {  	v18 =	vmul.u32 $0x11, v29;
	v19 =	vadd.f32 v19, v22;
	v22 =	vadd.s32 v7, v20;
	v24 =	vld.idx.msk [tilespmem:v24+s31+$0x0], $0xffff  }
0x5c8: {  	v25 =	vld.idx.msk [tilespmem:v25+s31+$0x0], $0xffff;
	v17 =	vadd.f32 v28, v17  }
0x5c9: {  	v21 =	vld.idx.msk [tilespmem:v21+s31+$0x0], $0xffff;
	v28 =	vbroadcast v18, $0x0;
	v18 =	vadd.s32 v8, v20;
	v19 =	vadd.f32 v30, v19  }
0x5ca: {  	v29 =	vadd.s32 v9, v20;
	v26 =	vld.idx.msk [tilespmem:v26+s31+$0x0], $0xffff;
	v17 =	vadd.f32 v27, v17  }
0x5cb: {  	v19 =	vadd.f32 v31, v19;
	v27 =	vadd.s32 v0, v28;
	v30 =	vpop (erf)  }
0x5cc: {  	v31 =	vadd.s32 v1, v28;
	v22 =	vld.idx.msk [tilespmem:v22+s31+$0x0], $0xffff;
	v17 =	vadd.f32 v24, v17;
	v24 =	vadd.f32 $2.000000000e+00, v30  }
0x5cd: {  	v32 =	vadd.s32 v10, v20;
	v19 =	vadd.f32 v25, v19  }
0x5ce: {  	v18 =	vld.idx.msk [tilespmem:v18+s31+$0x0], $0xffff;
	v25 =	vadd.s32 v2, v28;
	v17 =	vadd.f32 v21, v17;
	(erf) = vrcp.f32 v24  }
0x5cf: {  	v21 =	vadd.s32 v11, v20;
	v19 =	vadd.f32 v26, v19;
	v24 =	vld.idx.msk [tilespmem:v29+s31+$0x0], $0xffff  }
0x5d0: {  	v26 =	vld.idx.msk [tilespmem:v27+s31+$0x0], $0xffff;
	v27 =	vadd.s32 v3, v28;
	v29 =	vand.u32 $0x7FFFFFFF, v17  }
0x5d1: {  	v31 =	vld.idx.msk [tilespmem:v31+s31+$0x0], $0xffff;
	v19 =	vadd.f32 v22, v19;
	v22 =	vadd.s32 v12, v20;
	v29 =	vsub.f32 $0.0e+00, v29  }
0x5d2: {  	v32 =	vld.idx.msk [tilespmem:v32+s31+$0x0], $0xffff;
	v33 =	vadd.s32 v4, v28  }
0x5d3: {  	v25 =	vld.idx.msk [tilespmem:v25+s31+$0x0], $0xffff;
	v18 =	vadd.f32 v18, v19;
	v19 =	vadd.s32 v13, v20;
	v29 =	vmul.f32 $1.442695020e+00, v29  }
0x5d4: {  	v34 =	vadd.s32 v5, v28;
	v21 =	vld.idx.msk [tilespmem:v21+s31+$0x0], $0xffff  }
0x5d5: {  	v27 =	vld.idx.msk [tilespmem:v27+s31+$0x0], $0xffff;
	v18 =	vadd.f32 v24, v18;
	v24 =	vadd.s32 v14, v20;
	(erf) = vpow2.f32 v29  }
0x5d6: {  	v29 =	vadd.s32 v15, v20;
	v20 =	vadd.f32 v31, v26;
	v22 =	vld.idx.msk [tilespmem:v22+s31+$0x0], $0xffff  }
0x5d7: {  	s29 =	simm.s32 $0x40;
	v26 =	vld.idx.msk [tilespmem:v33+s31+$0x0], $0xffff;
	v31 =	vadd.s32 v6, v28;
	v18 =	vadd.f32 v32, v18;
	v50 =	vpop (erf)  }
0x5d8: {  	v51 =	vmov s29;
	v20 =	vadd.f32 v25, v20;
	v19 =	vld.idx.msk [tilespmem:v19+s31+$0x0], $0xffff;
	v30 =	vmul.f32 v50, v30  }
0x5d9: {  	v53 =	vadd.s32 v7, v28;
	v52 =	vld.idx.msk [tilespmem:v34+s31+$0x0], $0xffff;
	v25 =	vmul.u32 $0x11, v51;
	v18 =	vadd.f32 v21, v18  }
0x5da: {  	v21 =	vld.idx.msk [tilespmem:v24+s31+$0x0], $0xffff;
	v24 =	vadd.f32 v27, v20;
	v27 =	vmul.f32 v30, v30  }
0x5db: {  	v20 =	vbroadcast v25, $0x0;
	v25 =	vadd.s32 v8, v28;
	v29 =	vld.idx.msk [tilespmem:v29+s31+$0x0], $0xffff;
	v18 =	vadd.f32 v22, v18  }
0x5dc: {  	v37 =	vadd.s32 v11, v28;
	v22 =	vld.idx.msk [tilespmem:v31+s31+$0x0], $0xffff;
	v24 =	vadd.f32 v26, v24;
	v26 =	vmul.f32 $1.111111120e-01, v27  }
0x5dd: {  	v54 =	vadd.s32 v9, v28;
	v18 =	vadd.f32 v19, v18  }
0x5de: {  	v33 =	vld.idx.msk [tilespmem:v53+s31+$0x0], $0xffff;
	v35 =	vadd.s32 v1, v20;
	v24 =	vadd.f32 v52, v24;
	v55 =	vpop (erf);
	v26 =	vadd.f32 $1.428571490e-01, v26  }
0x5df: {  	v19 =	vadd.s32 v0, v20;
	v18 =	vadd.f32 v21, v18;
	v21 =	vadd.f32 $2.000000000e+00, v55  }
0x5e0: {  	v31 =	vadd.s32 v10, v28;
	v36 =	vadd.s32 v2, v20;
	v25 =	vld.idx.msk [tilespmem:v25+s31+$0x0], $0xffff;
	v26 =	vmul.f32 v26, v27  }
0x5e1: {  	v37 =	vld.idx.msk [tilespmem:v37+s31+$0x0], $0xffff;
	v22 =	vadd.f32 v22, v24;
	v18 =	vadd.f32 v29, v18;
	(erf) = vrcp.f32 v21  }
0x5e2: {  	v59 =	vadd.s32 v6, v20;
	v21 =	vld.idx.msk [tilespmem:v54+s31+$0x0], $0xffff;
	v26 =	vadd.f32 $2.000000030e-01, v26  }
0x5e3: {  	v24 =	vadd.s32 v3, v20;
	v57 =	vld.idx.msk [tilespmem:v35+s31+$0x0], $0xffff;
	v22 =	vadd.f32 v33, v22;
	v56 =	vand.u32 $0x7FFFFFFF, v18  }
0x5e4: {  	s30 =	simm.s32 $0x50;
	v29 =	vadd.s32 v12, v28;
	v19 =	vld.idx.msk [tilespmem:v19+s31+$0x0], $0xffff;
	v33 =	vsub.f32 $0.0e+00, v56;
	v26 =	vmul.f32 v26, v27  }
0x5e5: {  	v38 =	vmov s30;
	v58 =	vadd.s32 v4, v20;
	v31 =	vld.idx.msk [tilespmem:v31+s31+$0x0], $0xffff;
	v22 =	vadd.f32 v25, v22  }
0x5e6: {  	v36 =	vld.idx.msk [tilespmem:v36+s31+$0x0], $0xffff;
	v25 =	vadd.s32 v13, v28;
	v33 =	vmul.f32 $1.442695020e+00, v33;
	v26 =	vadd.f32 $3.333333430e-01, v26  }
0x5e7: {  	v38 =	vmul.u32 $0x11, v38;
	v40 =	vadd.s32 v14, v28;
	v39 =	vadd.s32 v5, v20;
	v32 =	vld.idx.msk [tilespmem:v59+s31+$0x0], $0xffff  }
0x5e8: {  	v24 =	vld.idx.msk [tilespmem:v24+s31+$0x0], $0xffff;
	v21 =	vadd.f32 v21, v22;
	(erf) = vpow2.f32 v33;
	v26 =	vmul.f32 v26, v27  }
0x5e9: {  	v42 =	vadd.s32 v15, v28;
	v30 =	vadd.f32 v30, v30;
	v41 =	vld.idx.msk [tilespmem:v29+s31+$0x0], $0xffff;
	v19 =	vadd.f32 v57, v19  }
0x5ea: {  	v23 =	vmin.f32 v23, $0.0e+00;
	v21 =	vadd.f32 v31, v21;
	v27 =	vld.idx.msk [tilespmem:v58+s31+$0x0], $0xffff;
	v29 =	vpop (erf);
	v60 =	vadd.f32 $1.000000000e+00, v26  }
0x5eb: {  	v31 =	vadd.s32 v7, v20;
	v25 =	vld.idx.msk [tilespmem:v25+s31+$0x0], $0xffff;
	v61 =	vadd.f32 v36, v19;
	v19 =	vmul.f32 v29, v55  }
0x5ec: {  	v28 =	vld.idx.msk [tilespmem:v39+s31+$0x0], $0xffff;
	v22 =	vbroadcast v38, $0x0;
	v62 =	vadd.f32 v37, v21;
	v63 =	vmul.f32 v60, v30  }
0x5ed: {  	v29 =	vadd.s32 v8, v20;
	v26 =	vld.idx.msk [tilespmem:v40+s31+$0x0], $0xffff;
	v34 =	vadd.f32 v24, v61;
	v21 =	vmul.f32 v19, v19  }
0x5ee: {  	s0 =	simm.s32 $0x60;
	v24 =	vld.idx.msk [tilespmem:v42+s31+$0x0], $0xffff;
	v33 =	vadd.f32 v41, v62;
	v30 =	vadd.s32 v10, v20;
	v23 =	vsub.f32 v23, v63  }
.LBB2_11:
0x5ef: {  	p0 =	sne.s32 s0, $0x140;
	v27 =	vadd.f32 v27, v34;
	v34 =	vadd.s32 v9, v20;
	v35 =	vmul.f32 $1.111111120e-01, v21;
	v36 =	vmovc v18  }
0x5f0: {  	v37 =	vadd.s32 v0, v22;
	v31 =	vld.idx.msk [tilespmem:v31+s31+$0x0], $0xffff;
	v18 =	vadd.f32 v25, v33;
	v16 =	vadd.f32 v23, v16  }
0x5f1: {  	v23 =	vadd.s32 v1, v22;
	v25 =	vadd.f32 v28, v27;
	v33 =	vpop (erf);
	v27 =	vadd.f32 $1.428571490e-01, v35  }
0x5f2: {  	v28 =	vld.idx.msk [tilespmem:v29+s31+$0x0], $0xffff;
	v18 =	vadd.f32 v26, v18;
	v26 =	vadd.f32 $2.000000000e+00, v33  }
0x5f3: {  	v35 =	vadd.s32 v11, v20;
	v29 =	vadd.s32 v2, v22;
	v30 =	vld.idx.msk [tilespmem:v30+s31+$0x0], $0xffff;
	v27 =	vmul.f32 v27, v21  }
0x5f4: {  	v25 =	vadd.f32 v32, v25;
	v32 =	vld.idx.msk [tilespmem:v34+s31+$0x0], $0xffff;
	v18 =	vadd.f32 v24, v18;
	(erf) = vrcp.f32 v26  }
0x5f5: {  	v26 =	vadd.s32 v3, v22;
	v24 =	vld.idx.msk [tilespmem:v37+s31+$0x0], $0xffff;
	v27 =	vadd.f32 $2.000000030e-01, v27  }
0x5f6: {  	v25 =	vadd.f32 v31, v25;
	v31 =	vadd.s32 v12, v20;
	v23 =	vld.idx.msk [tilespmem:v23+s31+$0x0], $0xffff;
	v34 =	vand.u32 $0x7FFFFFFF, v18  }
0x5f7: {  	v37 =	vadd.s32 v4, v22;
	v34 =	vsub.f32 $0.0e+00, v34;
	v27 =	vmul.f32 v27, v21  }
0x5f8: {  	v38 =	vmov s0;
	v25 =	vadd.f32 v28, v25;
	v28 =	vadd.s32 v13, v20;
	v29 =	vld.idx.msk [tilespmem:v29+s31+$0x0], $0xffff  }
0x5f9: {  	v39 =	vadd.s32 v5, v22;
	v35 =	vld.idx.msk [tilespmem:v35+s31+$0x0], $0xffff;
	v34 =	vmul.f32 $1.442695020e+00, v34;
	v27 =	vadd.f32 $3.333333430e-01, v27  }
0x5fa: {  	v38 =	vmul.u32 $0x11, v38;
	v25 =	vadd.f32 v32, v25;
	v40 =	vld.idx.msk [tilespmem:v26+s31+$0x0], $0xffff;
	v26 =	vadd.s32 v14, v20  }
0x5fb: {  	v32 =	vadd.s32 v15, v20;
	v20 =	vmovc v22;
	v41 =	vld.idx.msk [tilespmem:v31+s31+$0x0], $0xffff;
	(erf) = vpow2.f32 v34;
	v21 =	vmul.f32 v27, v21  }
0x5fc: {  	v23 =	vadd.f32 v23, v24;
	v24 =	vadd.f32 v30, v25;
	v27 =	vld.idx.msk [tilespmem:v37+s31+$0x0], $0xffff;
	v37 =	vadd.s32 v6, v20  }
.Ltmp4:
0x5fd: {  	v22 =	vbroadcast v38, $0x0;
	v34 =	vadd.f32 v19, v19;
	v25 =	vld.idx.msk [tilespmem:v28+s31+$0x0], $0xffff;
	v30 =	vpop (erf);
	v21 =	vadd.f32 $1.000000000e+00, v21;
	(pc) =	sbr.rel @p0 .LBB2_11-.Ltmp4, $4  }
0x5fe: {  	v31 =	vadd.s32 v7, v20;
	v23 =	vadd.f32 v29, v23;
	v28 =	vld.idx.msk [tilespmem:v39+s31+$0x0], $0xffff;
	v19 =	vmul.f32 v30, v33  }
0x5ff: {  	v29 =	vadd.s32 v8, v20;
	v33 =	vadd.f32 v35, v24;
	v26 =	vld.idx.msk [tilespmem:v26+s31+$0x0], $0xffff;
	v35 =	vmul.f32 v21, v34  }
0x600: {  	v34 =	vadd.f32 v40, v23;
	v23 =	vmin.f32 v17, $0.0e+00;
	v17 =	vmovc v36;
	v24 =	vld.idx.msk [tilespmem:v32+s31+$0x0], $0xffff;
	v21 =	vmul.f32 v19, v19  }
0x601: {  	s0 =	sadd.s32 $0x10, s0;
	v30 =	vadd.s32 v10, v20;
	v33 =	vadd.f32 v41, v33;
	v32 =	vld.idx.msk [tilespmem:v37+s31+$0x0], $0xffff;
	v23 =	vsub.f32 v23, v35  }
0x602: {  	v35 =	vadd.s32 v0, v22  }
0x603: {  	v36 =	vadd.s32 v1, v22;
	_ =	sdelay $0x1  }
0x604: {  	v37 =	vadd.s32 v2, v22  }
0x605: {  	v27 =	vadd.f32 v27, v34;
	v42 =	vadd.s32 v9, v20;
	v31 =	vld.idx.msk [tilespmem:v31+s31+$0x0], $0xffff  }
0x606: {  	v38 =	vadd.s32 v3, v22;
	v35 =	vld.idx.msk [tilespmem:v35+s31+$0x0], $0xffff  }
0x607: {  	v27 =	vadd.f32 v28, v27;
	v43 =	vld.idx.msk [tilespmem:v36+s31+$0x0], $0xffff  }
0x608: {  	v29 =	vld.idx.msk [tilespmem:v29+s31+$0x0], $0xffff;
	v44 =	vadd.s32 v4, v22  }
0x609: {  	v45 =	vadd.s32 v11, v20;
	v27 =	vadd.f32 v32, v27;
	v37 =	vld.idx.msk [tilespmem:v37+s31+$0x0], $0xffff  }
0x60a: {  	v47 =	vadd.s32 v5, v22;
	v25 =	vadd.f32 v25, v33;
	v46 =	vld.idx.msk [tilespmem:v42+s31+$0x0], $0xffff  }
0x60b: {  	v48 =	vadd.s32 v12, v20;
	v38 =	vld.idx.msk [tilespmem:v38+s31+$0x0], $0xffff;
	v27 =	vadd.f32 v31, v27  }
0x60c: {  	v49 =	vld.idx.msk [tilespmem:v30+s31+$0x0], $0xffff;
	v50 =	vadd.s32 v6, v22;
	v25 =	vadd.f32 v26, v25;
	v28 =	vadd.f32 v43, v35  }
0x60d: {  	v51 =	vadd.s32 v13, v20;
	v52 =	vld.idx.msk [tilespmem:v44+s31+$0x0], $0xffff;
	v27 =	vadd.f32 v29, v27  }
0x60e: {  	v54 =	vadd.s32 v7, v22;
	v24 =	vadd.f32 v24, v25;
	v53 =	vld.idx.msk [tilespmem:v45+s31+$0x0], $0xffff;
	v28 =	vadd.f32 v37, v28  }
0x60f: {  	v55 =	vadd.s32 v14, v20;
	v34 =	vld.idx.msk [tilespmem:v47+s31+$0x0], $0xffff;
	v27 =	vadd.f32 v46, v27  }
0x610: {  	v57 =	vadd.s32 v8, v22;
	v31 =	vld.idx.msk [tilespmem:v48+s31+$0x0], $0xffff;
	v56 =	vand.u32 $0x7FFFFFFF, v24;
	v28 =	vadd.f32 v38, v28  }
0x611: {  	v58 =	vadd.s32 v15, v20;
	v59 =	vld.idx.msk [tilespmem:v50+s31+$0x0], $0xffff;
	v36 =	vsub.f32 $0.0e+00, v56;
	v26 =	vadd.f32 v49, v27;
	v38 =	vpop (erf)  }
0x612: {  	v61 =	vadd.s32 v9, v22;
	v29 =	vld.idx.msk [tilespmem:v51+s31+$0x0], $0xffff;
	v60 =	vadd.f32 $2.000000000e+00, v38;
	v28 =	vadd.f32 v52, v28  }
0x613: {  	v62 =	vld.idx.msk [tilespmem:v54+s31+$0x0], $0xffff;
	v36 =	vmul.f32 $1.442695020e+00, v36;
	v25 =	vadd.f32 v53, v26  }
0x614: {  	v39 =	vadd.s32 v10, v22;
	v63 =	vld.idx.msk [tilespmem:v55+s31+$0x0], $0xffff;
	(erf) = vrcp.f32 v60;
	v28 =	vadd.f32 v34, v28  }
0x615: {  	v40 =	vld.idx.msk [tilespmem:v57+s31+$0x0], $0xffff;
	v25 =	vadd.f32 v31, v25;
	(erf) = vpow2.f32 v36  }
0x616: {  	v41 =	vadd.s32 v11, v22;
	v20 =	vld.idx.msk [tilespmem:v58+s31+$0x0], $0xffff;
	v27 =	vadd.f32 v59, v28  }
0x617: {  	v42 =	vld.idx.msk [tilespmem:v61+s31+$0x0], $0xffff;
	v25 =	vadd.f32 v29, v25  }
0x618: {  	v43 =	vadd.s32 v12, v22;
	v26 =	vadd.f32 v62, v27  }
0x619: {  	v44 =	vld.idx.msk [tilespmem:v39+s31+$0x0], $0xffff;
	v25 =	vadd.f32 v63, v25  }
0x61a: {  	v45 =	vadd.s32 v13, v22;
	v26 =	vadd.f32 v40, v26  }
0x61b: {  	v46 =	vld.idx.msk [tilespmem:v41+s31+$0x0], $0xffff;
	v20 =	vadd.f32 v20, v25  }
0x61c: {  	v47 =	vadd.s32 v14, v22;
	v26 =	vadd.f32 v42, v26  }
0x61d: {  	v27 =	vld.idx.msk [tilespmem:v43+s31+$0x0], $0xffff;
	v49 =	vand.u32 $0x7FFFFFFF, v20;
	v48 =	vpop (erf)  }
0x61e: {  	v51 =	vadd.s32 v15, v22;
	v32 =	vsub.f32 $0.0e+00, v49;
	v50 =	vpop (erf);
	v26 =	vadd.f32 v44, v26  }
0x61f: {  	v30 =	vld.idx.msk [tilespmem:v45+s31+$0x0], $0xffff;
	v52 =	vadd.f32 $2.000000000e+00, v50  }
0x620: {  	v32 =	vmul.f32 $1.442695020e+00, v32;
	v25 =	vadd.f32 v46, v26  }
0x621: {  	v53 =	vld.idx.msk [tilespmem:v47+s31+$0x0], $0xffff;
	(erf) = vrcp.f32 v52  }
0x622: {  	(erf) = vpow2.f32 v32;
	v25 =	vadd.f32 v27, v25  }
0x623: {  	v22 =	vld.idx.msk [tilespmem:v51+s31+$0x0], $0xffff  }
0x624: {  	v25 =	vadd.f32 v30, v25;
	_ =	sdelay $0x1  }
0x625: {  	v25 =	vadd.f32 v53, v25;
	_ =	sdelay $0x1  }
0x626: {  	v22 =	vadd.f32 v22, v25;
	_ =	sdelay $0x1  }
0x627: {  	v54 =	vpop (erf);
	v55 =	vand.u32 $0x7FFFFFFF, v22  }
0x628: {  	v56 =	vpop (erf);
	v26 =	vsub.f32 $0.0e+00, v55  }
0x629: {  	v57 =	vadd.f32 $2.000000000e+00, v56  }
0x62a: {  	v26 =	vmul.f32 $1.442695020e+00, v26  }
0x62b: {  	(erf) = vrcp.f32 v57  }
0x62c: {  	(erf) = vpow2.f32 v26;
	_ =	sdelay $0x7  }
0x62d: {  	v58 =	vpop (erf)  }
0x62e: {  	v59 =	vpop (erf)  }
0x62f: {  	v61 =	vmul.f32 $1.111111120e-01, v21;
	v60 =	vadd.f32 $2.000000000e+00, v59;
	_ =	sdelay $0x1  }
0x630: {  	v62 =	vadd.f32 $1.428571490e-01, v61;
	(erf) = vrcp.f32 v60;
	_ =	sdelay $0x1  }
0x631: {  	v29 =	vmul.f32 v62, v21  }
0x632: {  	v63 =	vmul.f32 v48, v38  }
0x633: {  	v29 =	vadd.f32 $2.000000030e-01, v29  }
0x634: {  	v31 =	vmul.f32 v63, v63;
	v25 =	vmul.f32 v54, v50  }
0x635: {  	v40 =	vmul.f32 v29, v21  }
0x636: {  	v39 =	vmul.f32 $1.111111120e-01, v31;
	v33 =	vmul.f32 v25, v25  }
0x637: {  	v26 =	vmul.f32 v58, v56  }
0x638: {  	v27 =	vadd.f32 $3.333333430e-01, v40;
	v41 =	vadd.f32 $1.428571490e-01, v39;
	v42 =	vmul.f32 $1.111111120e-01, v33;
	v43 =	vpop (erf)  }
0x639: {  	v44 =	vmul.f32 v26, v26;
	v28 =	vmul.f32 v43, v59  }
0x63a: {  	v19 =	vadd.f32 v19, v19;
	v47 =	vmul.f32 v27, v21;
	v29 =	vmul.f32 v41, v31  }
0x63b: {  	v32 =	vadd.f32 $1.428571490e-01, v42;
	v45 =	vmul.f32 $1.111111120e-01, v44;
	v46 =	vmul.f32 v28, v28  }
0x63c: {  	v17 =	vmin.f32 v17, $0.0e+00;
	v21 =	vadd.f32 $1.000000000e+00, v47;
	v48 =	vadd.f32 $2.000000030e-01, v29  }
0x63d: {  	v49 =	vmul.f32 v32, v33;
	v50 =	vadd.f32 $1.428571490e-01, v45;
	v51 =	vmul.f32 $1.111111120e-01, v46  }
0x63e: {  	v16 =	vadd.f32 v23, v16;
	v19 =	vmul.f32 v21, v19;
	v27 =	vmul.f32 v48, v31  }
0x63f: {  	v29 =	vadd.f32 $2.000000030e-01, v49;
	v32 =	vmul.f32 v50, v44;
	v34 =	vadd.f32 $1.428571490e-01, v51  }
0x640: {  	v17 =	vsub.f32 v17, v19;
	v52 =	vadd.f32 $3.333333430e-01, v27  }
0x641: {  	v53 =	vmul.f32 v29, v33;
	v54 =	vadd.f32 $2.000000030e-01, v32;
	v55 =	vmul.f32 v34, v46  }
0x642: {  	v16 =	vadd.f32 v17, v16;
	v23 =	vmul.f32 v52, v31  }
0x643: {  	v27 =	vadd.f32 $3.333333430e-01, v53;
	v19 =	vmul.f32 v54, v44;
	v56 =	vadd.f32 $2.000000030e-01, v55  }
0x644: {  	v57 =	vadd.f32 v63, v63;
	v23 =	vadd.f32 $1.000000000e+00, v23  }
0x645: {  	v27 =	vmul.f32 v27, v33;
	v17 =	vadd.f32 $3.333333430e-01, v19;
	v19 =	vmul.f32 v56, v46  }
0x646: {  	v18 =	vmin.f32 v18, $0.0e+00;
	v25 =	vadd.f32 v25, v25;
	v58 =	vmul.f32 v23, v57  }
0x647: {  	v59 =	vadd.f32 $1.000000000e+00, v27;
	v17 =	vmul.f32 v17, v44;
	v19 =	vadd.f32 $3.333333430e-01, v19  }
0x648: {  	v18 =	vsub.f32 v18, v58;
	v62 =	vadd.f32 v26, v26  }
0x649: {  	v60 =	vmul.f32 v59, v25;
	v17 =	vadd.f32 $1.000000000e+00, v17;
	v19 =	vmul.f32 v19, v46  }
0x64a: {  	v61 =	vmin.f32 v24, $0.0e+00;
	v16 =	vadd.f32 v18, v16;
	v63 =	vadd.f32 v28, v28  }
0x64b: {  	s8 =	sadd.s32 $0x1, s8;
	v18 =	vsub.f32 v61, v60;
	v17 =	vmul.f32 v17, v62;
	v19 =	vadd.f32 $1.000000000e+00, v19  }
0x64c: {  	p0 =	sne.s32 s8, $0x10;
	v20 =	vmin.f32 v20, $0.0e+00  }
.Ltmp5:
0x64d: {  	v16 =	vadd.f32 v18, v16;
	v17 =	vsub.f32 v20, v17;
	v18 =	vmul.f32 v19, v63;
	(pc) =	sbr.rel @p0 .LBB2_2-.Ltmp5, $4  }
0x64e: {  	v19 =	vmin.f32 v22, $0.0e+00  }
0x64f: {  	s0 =	rddreg [dreg:$0xa];
	v16 =	vadd.f32 v17, v16;
	v17 =	vsub.f32 v19, v18  }
0x650: {  	s15 =	sadd.s32 $0x2A0, s15;
	s0 =	sadd.s32 $0x20, s0  }
0x651: {  	s16 =	sadd.s32 $0x20, s16;
	s5 =	sadd.s32 $0x2A0, s5;
	[dreg:$0xa] =	wrdreg s0;
	v16 =	vadd.f32 v17, v16  }
0x652: {  	_ = 	snop  }
0x653: {  	s6 =	simm.s32 $0x0;
	s0 =	rddreg [dreg:$0x7];
	s1 =	simm.s32 $0x1A700;
	[tilespmem:$0x1A700] =	vst v16  }
0x654: {  	[hbm4b:s0+s6] =	stream.linear.scatter [tilespmem:s1], [sflag:$0x3], $0x80, $0x38;
	[tilespmem:$0x1A780] =	vst v63  }
0x655: {  	s1 =	simm.s32 $0x3  }
0x656: {  	_ =	swait.ge [sflag:s1], $0x80  }
0x657: {  	s2 =	rddreg [dreg:$0x9]  }
0x658: {  	s30 =	rddreg [dreg:$0x8];
	s2 =	sadd.s32 $0x1, s2  }
0x659: {  	p0 =	sne.s32 s2, s30  }
.Ltmp6:
0x65a: {  	_ = 	snop;
	(pc) =	sbr.rel @p0 .LBB2_1-.Ltmp6, $3  }
0x65b: {  	_ =	sdelay $0x1  }
0x65c: {  	[sflag:s1] =	ssyncset.done $0x0  }
0x65d: {  	[sflag:s1] =	ssyncadd.s32 $0xFFFFFF80  }
0x65e: {  	_ =	sfence.sel $0x180000  }
0x65f: {  	[bflag:$0x0] =	sbarrier.arrive $0xFFFF  }
0x660: {  	_ =	strace $0x90000047  }
0x661: {  	s0 =	stileid.u32;
	[bflag:$0x2] =	sbarrier.arrive $0xFFFF  }
0x662: {  	p0 =	sne.s32 s0, $0x0;
	s0 =	rddreg [dreg:$0x2]  }
0x663: {  	s0 =	sadd.s32 @!p0 $0x100000, s0  }
0x664: {  	[sflag:s0] =	ssyncadd.tile.s32 @!p0 $0x1;
	_ =	shalt  }
.Lfunc_end2:
_tile_overlayer_lowered:
.L_overlay_start_2:
0x665: {  	(tag) =	ssettag $0x2  }
0x666: {  	s0 =	rddreg [dreg:$0x0];
	s2 =	stileid.u32  }
0x667: {  	s1 =	rddreg [dreg:$0x1];
	p0 =	sne.s32 s2, $0x0  }
0x668: {  	s3 =	rddreg [dreg:$0x2];
	[bflag:$0x3] =	sbarrier.arrive $0xFFFF;
	s2 =	simm.s32 @!p0 $0x1C03  }
0x669: {  	[timem:s3], [sflag:s2] =	dma.local @!p0 [hbm:s0], s1  }
0x66a: {  	s0 =	simm.s32 @!p0 $0x3  }
0x66b: {  	_ =	swait.ge @!p0 [sflag:s0], s1  }
0x66c: {  	s1 =	ssub.s32 @!p0 $0x0, s1;
	[sflag:s0] =	ssyncset.done @!p0 $0x0  }
0x66d: {  	[sflag:s0] =	ssyncadd.s32 @!p0 s1  }
0x66e: {  	[bflag:$0x3] =	sbarrier.arrive $0xFFFF  }
0x66f: {  	_ =	shalt  }

</sc_bundles>
